<compile_context>
chip_gen: v7x
topology: tpu7x:2x2x1
jax: 0.10.2.dev20260603
libtpu: 0.0.44.dev20260713+nightly
codegen_flags: <defaults>
</compile_context>

<pallas_src>
import functools

import jax
import jax.numpy as jnp
from jax import lax
from jax.experimental import pallas as pl
from jax.experimental.pallas import tpu as pltpu
from jax.experimental.pallas import tpu_sc as plsc

N = 16384
D = 512
L = 16
NC = 2
NS = 16
NW = NC * NS
ROWS_PER_W = N // NW
CHUNK = 8
N_CHUNKS = ROWS_PER_W // CHUNK
NBUF = 4
N_MAIN = (N_CHUNKS // NBUF) * NBUF
EPI = N_CHUNKS - N_MAIN


def _sie_body(feat_hbm, cam_ids_hbm, view_ids_hbm, cam_w_hbm, view_w_hbm,
              out_hbm, cam_idx_v, view_idx_v,
              f0, c0, v0, o0, f1, c1, v1, o1, f2, c2, v2, o2,
              f3, c3, v3, o3,
              gs0, gs1, gs2, gs3, ss0, ss1, ss2, ss3):
    wid = lax.axis_index("s") * NC + lax.axis_index("c")
    base = wid * ROWS_PER_W

    feat_bufs = (f0, f1, f2, f3)
    cam_bufs = (c0, c1, c2, c3)
    view_bufs = (v0, v1, v2, v3)
    out_bufs = (o0, o1, o2, o3)
    gsems = (gs0, gs1, gs2, gs3)
    ssems = (ss0, ss1, ss2, ss3)

    pltpu.sync_copy(cam_ids_hbm.at[pl.ds(base, ROWS_PER_W)], cam_idx_v)
    pltpu.sync_copy(view_ids_hbm.at[pl.ds(base, ROWS_PER_W)], view_idx_v)

    def gissue(c, b):
        off = c * CHUNK
        pltpu.async_copy(feat_hbm.at[pl.ds(base + off, CHUNK)],
                         feat_bufs[b], gsems[b])
        pltpu.async_copy(cam_w_hbm.at[cam_idx_v.at[pl.ds(off, CHUNK)]],
                         cam_bufs[b], gsems[b])
        pltpu.async_copy(view_w_hbm.at[view_idx_v.at[pl.ds(off, CHUNK)]],
                         view_bufs[b], gsems[b])

    def gwait(b):
        for dst in (feat_bufs[b], cam_bufs[b], view_bufs[b]):
            pltpu.make_async_copy(feat_hbm.at[pl.ds(0, CHUNK)], dst,
                                  gsems[b]).wait()

    def swait(b):
        pltpu.make_async_copy(out_bufs[b], out_hbm.at[pl.ds(0, CHUNK)],
                              ssems[b]).wait()

    def compute_and_store(c, b):
        fb, cb, vb, ob = feat_bufs[b], cam_bufs[b], view_bufs[b], out_bufs[b]

        def row_body(r, rcarry):
            for d in range(D // L):
                sl = pl.ds(d * L, L)
                ob[r, sl] = fb[r, sl] + cb[r, sl] + vb[r, sl]
            return rcarry

        lax.fori_loop(0, CHUNK, row_body, 0)
        pltpu.async_copy(ob, out_hbm.at[pl.ds(base + c * CHUNK, CHUNK)],
                         ssems[b])

    for b in range(NBUF):
        gissue(b, b)

    def triple_body(j, carry):
        for b in range(NBUF):
            c = j * NBUF + b
            gwait(b)

            @pl.when(c >= NBUF)
            def _():
                swait(b)

            compute_and_store(c, b)

            @pl.when(c + NBUF < N_CHUNKS)
            def _():
                gissue(c + NBUF, b)
        return carry

    lax.fori_loop(0, N_MAIN // NBUF, triple_body, 0)

    for e in range(EPI):
        c = N_MAIN + e
        b = c % NBUF
        gwait(b)
        swait(b)
        compute_and_store(c, b)

    for b in range(NBUF):
        swait(b)


@jax.jit
def kernel(feat, cam_ids, view_ids, cam_weight, view_weight):
    mesh = plsc.VectorSubcoreMesh(core_axis_name="c", subcore_axis_name="s")
    buf = pltpu.VMEM((CHUNK, D), jnp.float32)
    sie = functools.partial(
        pl.kernel,
        mesh=mesh,
        out_type=jax.ShapeDtypeStruct((N, D), jnp.float32),
        scratch_types=[
            pltpu.VMEM((ROWS_PER_W,), jnp.int32),
            pltpu.VMEM((ROWS_PER_W,), jnp.int32),
            buf, buf, buf, buf,
            buf, buf, buf, buf,
            buf, buf, buf, buf,
            buf, buf, buf, buf,
            pltpu.SemaphoreType.DMA,
            pltpu.SemaphoreType.DMA,
            pltpu.SemaphoreType.DMA,
            pltpu.SemaphoreType.DMA,
            pltpu.SemaphoreType.DMA,
            pltpu.SemaphoreType.DMA,
            pltpu.SemaphoreType.DMA,
            pltpu.SemaphoreType.DMA,
        ],
    )(_sie_body)
    return sie(feat, cam_ids.astype(jnp.int32), view_ids.astype(jnp.int32),
               cam_weight, view_weight)

# --- scband reference (transcript-rebuilt; emitter-appended) ---
"""Pipeline reference for scband-sielayer-14671608283632 (READ-ONLY COPY).

The authoritative reference and input builder live on the scoring server;
editing this copy changes nothing except your own understanding.
"""

import jax, jax.numpy as jnp
import numpy as np

NUM_CAMS = 100000
NUM_VIEWS = 1000
EMBED_DIM = 512
N = 16384


def setup_inputs(seed: int = 0) -> dict:
    key = jax.random.key(seed)
    k_feat, k_cam_ids, k_view_ids, k_cam_w, k_view_w = jax.random.split(key, 5)
    feat = jax.random.normal(k_feat, (N, EMBED_DIM), dtype=jnp.float32)
    cam_ids = jax.random.randint(k_cam_ids, (N,), 0, NUM_CAMS, dtype=jnp.int64 if jax.config.jax_enable_x64 else jnp.int32)
    view_ids = jax.random.randint(k_view_ids, (N,), 0, NUM_VIEWS, dtype=jnp.int64 if jax.config.jax_enable_x64 else jnp.int32)
    cam_weight = jax.random.normal(k_cam_w, (NUM_CAMS, EMBED_DIM), dtype=jnp.float32) * 0.01
    view_weight = jax.random.normal(k_view_w, (NUM_VIEWS, EMBED_DIM), dtype=jnp.float32) * 0.01
    return {
        "feat": feat,
        "cam_ids": cam_ids,
        "view_ids": view_ids,
        "cam_weight": cam_weight,
        "view_weight": view_weight,
    }


def reference(feat, cam_ids, view_ids, cam_weight, view_weight):
    cam_emb = jnp.take(cam_weight, cam_ids, axis=0)
    view_emb = jnp.take(view_weight, view_ids, axis=0)
    return feat + cam_emb + view_emb

if __name__ == "__main__":
    import jax
    _d = setup_inputs()
    print(jax.jit(kernel)(*tuple(_d.values())))

</pallas_src>

<mosaic_0001>
#map = affine_map<(d0, d1) -> (0, 0)>
#map1 = affine_map<(d0, d1) -> (0)>
module attributes {stable_mosaic.version = 14 : i64} {
  func.func @_sie_body(%arg0: i32, %arg1: i32, %arg2: memref<16384x512xf32, #tpu.memory_space<hbm>>, %arg3: memref<16384xi32, #tpu.memory_space<hbm>>, %arg4: memref<16384xi32, #tpu.memory_space<hbm>>, %arg5: memref<100000x512xf32, #tpu.memory_space<hbm>>, %arg6: memref<1000x512xf32, #tpu.memory_space<hbm>>, %arg7: memref<16384x512xf32, #tpu.memory_space<hbm>>, %arg8: memref<512xi32, #tpu.memory_space<vmem>>, %arg9: memref<512xi32, #tpu.memory_space<vmem>>, %arg10: memref<8x512xf32, #tpu.memory_space<vmem>>, %arg11: memref<8x512xf32, #tpu.memory_space<vmem>>, %arg12: memref<8x512xf32, #tpu.memory_space<vmem>>, %arg13: memref<8x512xf32, #tpu.memory_space<vmem>>, %arg14: memref<8x512xf32, #tpu.memory_space<vmem>>, %arg15: memref<8x512xf32, #tpu.memory_space<vmem>>, %arg16: memref<8x512xf32, #tpu.memory_space<vmem>>, %arg17: memref<8x512xf32, #tpu.memory_space<vmem>>, %arg18: memref<8x512xf32, #tpu.memory_space<vmem>>, %arg19: memref<8x512xf32, #tpu.memory_space<vmem>>, %arg20: memref<8x512xf32, #tpu.memory_space<vmem>>, %arg21: memref<8x512xf32, #tpu.memory_space<vmem>>, %arg22: memref<8x512xf32, #tpu.memory_space<vmem>>, %arg23: memref<8x512xf32, #tpu.memory_space<vmem>>, %arg24: memref<8x512xf32, #tpu.memory_space<vmem>>, %arg25: memref<8x512xf32, #tpu.memory_space<vmem>>, %arg26: memref<!tpu.dma_semaphore, #tpu.memory_space<semaphore_mem>>, %arg27: memref<!tpu.dma_semaphore, #tpu.memory_space<semaphore_mem>>, %arg28: memref<!tpu.dma_semaphore, #tpu.memory_space<semaphore_mem>>, %arg29: memref<!tpu.dma_semaphore, #tpu.memory_space<semaphore_mem>>, %arg30: memref<!tpu.dma_semaphore, #tpu.memory_space<semaphore_mem>>, %arg31: memref<!tpu.dma_semaphore, #tpu.memory_space<semaphore_mem>>, %arg32: memref<!tpu.dma_semaphore, #tpu.memory_space<semaphore_mem>>, %arg33: memref<!tpu.dma_semaphore, #tpu.memory_space<semaphore_mem>>) attributes {dimension_semantics = [#tpu.dimension_semantics<core_parallel>, #tpu.dimension_semantics<subcore_parallel>], iteration_bounds = array<i64: 2, 16>, scalar_prefetch = 0 : i64, scratch_operands = 26 : i64, tpu.core_type = #tpu.core_type<sc_vector_subcore>, window_params = [{transform_indices = #map}, {transform_indices = #map1}, {transform_indices = #map1}, {transform_indices = #map}, {transform_indices = #map}, {transform_indices = #map}]} {
    %mul3A = arith.constant 2 : i32
    %mul3A_0 = arith.muli %arg1, %mul3A : i32
    %add3A = arith.addi %mul3A_0, %arg0 : i32
    %mul3A_1 = arith.constant 512 : i32
    %mul3A_2 = arith.muli %add3A, %mul3A_1 : i32
    "tpu.region"() ({
      %run_scoped3A = tpu.sem_alloc : memref<!tpu.dma_semaphore, #tpu.memory_space<semaphore_mem>>
      %dma_start3A_94 = tpu.memref_slice %arg3[%mul3A_2] : memref<16384xi32, #tpu.memory_space<hbm>> -> memref<512xi32, #tpu.memory_space<hbm>>
      %dma_start3A_95 = tpu.memref_slice %arg3[%mul3A_2] : memref<16384xi32, #tpu.memory_space<hbm>> -> memref<512xi32, #tpu.memory_space<hbm>>
      tpu.enqueue_dma source(%dma_start3A_95 : memref<512xi32, #tpu.memory_space<hbm>>) target(%arg8 : memref<512xi32, #tpu.memory_space<vmem>>) target_semaphore(%run_scoped3A : memref<!tpu.dma_semaphore, #tpu.memory_space<semaphore_mem>>)
      %dma_wait3A_96 = tpu.memref_slice %arg3[%mul3A_2] : memref<16384xi32, #tpu.memory_space<hbm>> -> memref<512xi32, #tpu.memory_space<hbm>>
      %dma_wait3A_97 = tpu.memref_slice %arg3[%mul3A_2] : memref<16384xi32, #tpu.memory_space<hbm>> -> memref<512xi32, #tpu.memory_space<hbm>>
      tpu.wait_dma2 semaphore(%run_scoped3A : memref<!tpu.dma_semaphore, #tpu.memory_space<semaphore_mem>>) src(%dma_wait3A_97 : memref<512xi32, #tpu.memory_space<hbm>>) dst(%arg8 : memref<512xi32, #tpu.memory_space<vmem>>)
      tpu.yield
    }) : () -> ()
    "tpu.region"() ({
      %run_scoped3A = tpu.sem_alloc : memref<!tpu.dma_semaphore, #tpu.memory_space<semaphore_mem>>
      %dma_start3A_94 = tpu.memref_slice %arg4[%mul3A_2] : memref<16384xi32, #tpu.memory_space<hbm>> -> memref<512xi32, #tpu.memory_space<hbm>>
      %dma_start3A_95 = tpu.memref_slice %arg4[%mul3A_2] : memref<16384xi32, #tpu.memory_space<hbm>> -> memref<512xi32, #tpu.memory_space<hbm>>
      tpu.enqueue_dma source(%dma_start3A_95 : memref<512xi32, #tpu.memory_space<hbm>>) target(%arg9 : memref<512xi32, #tpu.memory_space<vmem>>) target_semaphore(%run_scoped3A : memref<!tpu.dma_semaphore, #tpu.memory_space<semaphore_mem>>)
      %dma_wait3A_96 = tpu.memref_slice %arg4[%mul3A_2] : memref<16384xi32, #tpu.memory_space<hbm>> -> memref<512xi32, #tpu.memory_space<hbm>>
      %dma_wait3A_97 = tpu.memref_slice %arg4[%mul3A_2] : memref<16384xi32, #tpu.memory_space<hbm>> -> memref<512xi32, #tpu.memory_space<hbm>>
      tpu.wait_dma2 semaphore(%run_scoped3A : memref<!tpu.dma_semaphore, #tpu.memory_space<semaphore_mem>>) src(%dma_wait3A_97 : memref<512xi32, #tpu.memory_space<hbm>>) dst(%arg9 : memref<512xi32, #tpu.memory_space<vmem>>)
      tpu.yield
    }) : () -> ()
    %add3A_3 = arith.constant 0 : i32
    %add3A_4 = arith.addi %mul3A_2, %add3A_3 : i32
    %dma_start3A = arith.constant 0 : i32
    %dma_start3A_5 = tpu.memref_slice %arg2[%add3A_4, %dma_start3A] : memref<16384x512xf32, #tpu.memory_space<hbm>> -> memref<8x512xf32, #tpu.memory_space<hbm>>
    %dma_start3A_6 = arith.constant 0 : i32
    %dma_start3A_7 = tpu.memref_slice %arg2[%add3A_4, %dma_start3A_6] : memref<16384x512xf32, #tpu.memory_space<hbm>> -> memref<8x512xf32, #tpu.memory_space<hbm>>
    tpu.enqueue_dma source(%dma_start3A_7 : memref<8x512xf32, #tpu.memory_space<hbm>>) target(%arg10 : memref<8x512xf32, #tpu.memory_space<vmem>>) target_semaphore(%arg26 : memref<!tpu.dma_semaphore, #tpu.memory_space<semaphore_mem>>)
    %dma_start3A_8 = arith.constant 0 : i32
    %dma_start3A_9 = tpu.memref_slice %arg8[%dma_start3A_8] : memref<512xi32, #tpu.memory_space<vmem>> -> memref<8xi32, #tpu.memory_space<vmem>>
    %dma_start3A_10 = arith.constant 0 : i32
    %dma_start3A_11 = arith.constant 0 : i32
    %dma_start3A_12 = tpu.memref_slice %arg5[%dma_start3A_10, %dma_start3A_11] : memref<100000x512xf32, #tpu.memory_space<hbm>> -> memref<100000x512xf32, #tpu.memory_space<hbm>>
    tpu.enqueue_indirect_dma source(%dma_start3A_12 : memref<100000x512xf32, #tpu.memory_space<hbm>>) target(%arg11 : memref<8x512xf32, #tpu.memory_space<vmem>>) offsets(%dma_start3A_9 : memref<8xi32, #tpu.memory_space<vmem>>) semaphore(%arg26 : memref<!tpu.dma_semaphore, #tpu.memory_space<semaphore_mem>>)
    %dma_start3A_13 = arith.constant 0 : i32
    %dma_start3A_14 = tpu.memref_slice %arg9[%dma_start3A_13] : memref<512xi32, #tpu.memory_space<vmem>> -> memref<8xi32, #tpu.memory_space<vmem>>
    %dma_start3A_15 = arith.constant 0 : i32
    %dma_start3A_16 = arith.constant 0 : i32
    %dma_start3A_17 = tpu.memref_slice %arg6[%dma_start3A_15, %dma_start3A_16] : memref<1000x512xf32, #tpu.memory_space<hbm>> -> memref<1000x512xf32, #tpu.memory_space<hbm>>
    tpu.enqueue_indirect_dma source(%dma_start3A_17 : memref<1000x512xf32, #tpu.memory_space<hbm>>) target(%arg12 : memref<8x512xf32, #tpu.memory_space<vmem>>) offsets(%dma_start3A_14 : memref<8xi32, #tpu.memory_space<vmem>>) semaphore(%arg26 : memref<!tpu.dma_semaphore, #tpu.memory_space<semaphore_mem>>)
    %add3A_18 = arith.constant 8 : i32
    %add3A_19 = arith.addi %mul3A_2, %add3A_18 : i32
    %dma_start3A_20 = arith.constant 0 : i32
    %dma_start3A_21 = tpu.memref_slice %arg2[%add3A_19, %dma_start3A_20] : memref<16384x512xf32, #tpu.memory_space<hbm>> -> memref<8x512xf32, #tpu.memory_space<hbm>>
    %dma_start3A_22 = arith.constant 0 : i32
    %dma_start3A_23 = tpu.memref_slice %arg2[%add3A_19, %dma_start3A_22] : memref<16384x512xf32, #tpu.memory_space<hbm>> -> memref<8x512xf32, #tpu.memory_space<hbm>>
    tpu.enqueue_dma source(%dma_start3A_23 : memref<8x512xf32, #tpu.memory_space<hbm>>) target(%arg14 : memref<8x512xf32, #tpu.memory_space<vmem>>) target_semaphore(%arg27 : memref<!tpu.dma_semaphore, #tpu.memory_space<semaphore_mem>>)
    %dma_start3A_24 = arith.constant 8 : i32
    %dma_start3A_25 = tpu.memref_slice %arg8[%dma_start3A_24] : memref<512xi32, #tpu.memory_space<vmem>> -> memref<8xi32, #tpu.memory_space<vmem>>
    %dma_start3A_26 = arith.constant 0 : i32
    %dma_start3A_27 = arith.constant 0 : i32
    %dma_start3A_28 = tpu.memref_slice %arg5[%dma_start3A_26, %dma_start3A_27] : memref<100000x512xf32, #tpu.memory_space<hbm>> -> memref<100000x512xf32, #tpu.memory_space<hbm>>
    tpu.enqueue_indirect_dma source(%dma_start3A_28 : memref<100000x512xf32, #tpu.memory_space<hbm>>) target(%arg15 : memref<8x512xf32, #tpu.memory_space<vmem>>) offsets(%dma_start3A_25 : memref<8xi32, #tpu.memory_space<vmem>>) semaphore(%arg27 : memref<!tpu.dma_semaphore, #tpu.memory_space<semaphore_mem>>)
    %dma_start3A_29 = arith.constant 8 : i32
    %dma_start3A_30 = tpu.memref_slice %arg9[%dma_start3A_29] : memref<512xi32, #tpu.memory_space<vmem>> -> memref<8xi32, #tpu.memory_space<vmem>>
    %dma_start3A_31 = arith.constant 0 : i32
    %dma_start3A_32 = arith.constant 0 : i32
    %dma_start3A_33 = tpu.memref_slice %arg6[%dma_start3A_31, %dma_start3A_32] : memref<1000x512xf32, #tpu.memory_space<hbm>> -> memref<1000x512xf32, #tpu.memory_space<hbm>>
    tpu.enqueue_indirect_dma source(%dma_start3A_33 : memref<1000x512xf32, #tpu.memory_space<hbm>>) target(%arg16 : memref<8x512xf32, #tpu.memory_space<vmem>>) offsets(%dma_start3A_30 : memref<8xi32, #tpu.memory_space<vmem>>) semaphore(%arg27 : memref<!tpu.dma_semaphore, #tpu.memory_space<semaphore_mem>>)
    %add3A_34 = arith.constant 16 : i32
    %add3A_35 = arith.addi %mul3A_2, %add3A_34 : i32
    %dma_start3A_36 = arith.constant 0 : i32
    %dma_start3A_37 = tpu.memref_slice %arg2[%add3A_35, %dma_start3A_36] : memref<16384x512xf32, #tpu.memory_space<hbm>> -> memref<8x512xf32, #tpu.memory_space<hbm>>
    %dma_start3A_38 = arith.constant 0 : i32
    %dma_start3A_39 = tpu.memref_slice %arg2[%add3A_35, %dma_start3A_38] : memref<16384x512xf32, #tpu.memory_space<hbm>> -> memref<8x512xf32, #tpu.memory_space<hbm>>
    tpu.enqueue_dma source(%dma_start3A_39 : memref<8x512xf32, #tpu.memory_space<hbm>>) target(%arg18 : memref<8x512xf32, #tpu.memory_space<vmem>>) target_semaphore(%arg28 : memref<!tpu.dma_semaphore, #tpu.memory_space<semaphore_mem>>)
    %dma_start3A_40 = arith.constant 16 : i32
    %dma_start3A_41 = tpu.memref_slice %arg8[%dma_start3A_40] : memref<512xi32, #tpu.memory_space<vmem>> -> memref<8xi32, #tpu.memory_space<vmem>>
    %dma_start3A_42 = arith.constant 0 : i32
    %dma_start3A_43 = arith.constant 0 : i32
    %dma_start3A_44 = tpu.memref_slice %arg5[%dma_start3A_42, %dma_start3A_43] : memref<100000x512xf32, #tpu.memory_space<hbm>> -> memref<100000x512xf32, #tpu.memory_space<hbm>>
    tpu.enqueue_indirect_dma source(%dma_start3A_44 : memref<100000x512xf32, #tpu.memory_space<hbm>>) target(%arg19 : memref<8x512xf32, #tpu.memory_space<vmem>>) offsets(%dma_start3A_41 : memref<8xi32, #tpu.memory_space<vmem>>) semaphore(%arg28 : memref<!tpu.dma_semaphore, #tpu.memory_space<semaphore_mem>>)
    %dma_start3A_45 = arith.constant 16 : i32
    %dma_start3A_46 = tpu.memref_slice %arg9[%dma_start3A_45] : memref<512xi32, #tpu.memory_space<vmem>> -> memref<8xi32, #tpu.memory_space<vmem>>
    %dma_start3A_47 = arith.constant 0 : i32
    %dma_start3A_48 = arith.constant 0 : i32
    %dma_start3A_49 = tpu.memref_slice %arg6[%dma_start3A_47, %dma_start3A_48] : memref<1000x512xf32, #tpu.memory_space<hbm>> -> memref<1000x512xf32, #tpu.memory_space<hbm>>
    tpu.enqueue_indirect_dma source(%dma_start3A_49 : memref<1000x512xf32, #tpu.memory_space<hbm>>) target(%arg20 : memref<8x512xf32, #tpu.memory_space<vmem>>) offsets(%dma_start3A_46 : memref<8xi32, #tpu.memory_space<vmem>>) semaphore(%arg28 : memref<!tpu.dma_semaphore, #tpu.memory_space<semaphore_mem>>)
    %add3A_50 = arith.constant 24 : i32
    %add3A_51 = arith.addi %mul3A_2, %add3A_50 : i32
    %dma_start3A_52 = arith.constant 0 : i32
    %dma_start3A_53 = tpu.memref_slice %arg2[%add3A_51, %dma_start3A_52] : memref<16384x512xf32, #tpu.memory_space<hbm>> -> memref<8x512xf32, #tpu.memory_space<hbm>>
    %dma_start3A_54 = arith.constant 0 : i32
    %dma_start3A_55 = tpu.memref_slice %arg2[%add3A_51, %dma_start3A_54] : memref<16384x512xf32, #tpu.memory_space<hbm>> -> memref<8x512xf32, #tpu.memory_space<hbm>>
    tpu.enqueue_dma source(%dma_start3A_55 : memref<8x512xf32, #tpu.memory_space<hbm>>) target(%arg22 : memref<8x512xf32, #tpu.memory_space<vmem>>) target_semaphore(%arg29 : memref<!tpu.dma_semaphore, #tpu.memory_space<semaphore_mem>>)
    %dma_start3A_56 = arith.constant 24 : i32
    %dma_start3A_57 = tpu.memref_slice %arg8[%dma_start3A_56] : memref<512xi32, #tpu.memory_space<vmem>> -> memref<8xi32, #tpu.memory_space<vmem>>
    %dma_start3A_58 = arith.constant 0 : i32
    %dma_start3A_59 = arith.constant 0 : i32
    %dma_start3A_60 = tpu.memref_slice %arg5[%dma_start3A_58, %dma_start3A_59] : memref<100000x512xf32, #tpu.memory_space<hbm>> -> memref<100000x512xf32, #tpu.memory_space<hbm>>
    tpu.enqueue_indirect_dma source(%dma_start3A_60 : memref<100000x512xf32, #tpu.memory_space<hbm>>) target(%arg23 : memref<8x512xf32, #tpu.memory_space<vmem>>) offsets(%dma_start3A_57 : memref<8xi32, #tpu.memory_space<vmem>>) semaphore(%arg29 : memref<!tpu.dma_semaphore, #tpu.memory_space<semaphore_mem>>)
    %dma_start3A_61 = arith.constant 24 : i32
    %dma_start3A_62 = tpu.memref_slice %arg9[%dma_start3A_61] : memref<512xi32, #tpu.memory_space<vmem>> -> memref<8xi32, #tpu.memory_space<vmem>>
    %dma_start3A_63 = arith.constant 0 : i32
    %dma_start3A_64 = arith.constant 0 : i32
    %dma_start3A_65 = tpu.memref_slice %arg6[%dma_start3A_63, %dma_start3A_64] : memref<1000x512xf32, #tpu.memory_space<hbm>> -> memref<1000x512xf32, #tpu.memory_space<hbm>>
    tpu.enqueue_indirect_dma source(%dma_start3A_65 : memref<1000x512xf32, #tpu.memory_space<hbm>>) target(%arg24 : memref<8x512xf32, #tpu.memory_space<vmem>>) offsets(%dma_start3A_62 : memref<8xi32, #tpu.memory_space<vmem>>) semaphore(%arg29 : memref<!tpu.dma_semaphore, #tpu.memory_space<semaphore_mem>>)
    %scan3A = arith.constant 0 : i32
    %scan3A_66 = arith.constant 0 : i32
    %scan3A_67 = arith.constant 16 : i32
    %scan3A_68 = arith.addi %scan3A_66, %scan3A_67 : i32
    %scan3A_69 = arith.constant 1 : i32
    scf.for %scan3A_94 = %scan3A_66 to %scan3A_68 step %scan3A_69  : i32 {
      %mul3A_95 = arith.constant 4 : i32
      %mul3A_96 = arith.muli %scan3A_94, %mul3A_95 : i32
      %add3A_97 = arith.constant 0 : i32
      %add3A_98 = arith.addi %mul3A_96, %add3A_97 : i32
      %dma_wait3A_99 = arith.constant 0 : i32
      %dma_wait3A_100 = arith.constant 0 : i32
      %dma_wait3A_101 = tpu.memref_slice %arg2[%dma_wait3A_99, %dma_wait3A_100] : memref<16384x512xf32, #tpu.memory_space<hbm>> -> memref<8x512xf32, #tpu.memory_space<hbm>>
      %dma_wait3A_102 = arith.constant 0 : i32
      %dma_wait3A_103 = arith.constant 0 : i32
      %dma_wait3A_104 = tpu.memref_slice %arg2[%dma_wait3A_102, %dma_wait3A_103] : memref<16384x512xf32, #tpu.memory_space<hbm>> -> memref<8x512xf32, #tpu.memory_space<hbm>>
      tpu.wait_dma2 semaphore(%arg26 : memref<!tpu.dma_semaphore, #tpu.memory_space<semaphore_mem>>) src(%dma_wait3A_104 : memref<8x512xf32, #tpu.memory_space<hbm>>) dst(%arg10 : memref<8x512xf32, #tpu.memory_space<vmem>>)
      %dma_wait3A_105 = arith.constant 0 : i32
      %dma_wait3A_106 = arith.constant 0 : i32
      %dma_wait3A_107 = tpu.memref_slice %arg2[%dma_wait3A_105, %dma_wait3A_106] : memref<16384x512xf32, #tpu.memory_space<hbm>> -> memref<8x512xf32, #tpu.memory_space<hbm>>
      %dma_wait3A_108 = arith.constant 0 : i32
      %dma_wait3A_109 = arith.constant 0 : i32
      %dma_wait3A_110 = tpu.memref_slice %arg2[%dma_wait3A_108, %dma_wait3A_109] : memref<16384x512xf32, #tpu.memory_space<hbm>> -> memref<8x512xf32, #tpu.memory_space<hbm>>
      tpu.wait_dma2 semaphore(%arg26 : memref<!tpu.dma_semaphore, #tpu.memory_space<semaphore_mem>>) src(%dma_wait3A_110 : memref<8x512xf32, #tpu.memory_space<hbm>>) dst(%arg11 : memref<8x512xf32, #tpu.memory_space<vmem>>)
      %dma_wait3A_111 = arith.constant 0 : i32
      %dma_wait3A_112 = arith.constant 0 : i32
      %dma_wait3A_113 = tpu.memref_slice %arg2[%dma_wait3A_111, %dma_wait3A_112] : memref<16384x512xf32, #tpu.memory_space<hbm>> -> memref<8x512xf32, #tpu.memory_space<hbm>>
      %dma_wait3A_114 = arith.constant 0 : i32
      %dma_wait3A_115 = arith.constant 0 : i32
      %dma_wait3A_116 = tpu.memref_slice %arg2[%dma_wait3A_114, %dma_wait3A_115] : memref<16384x512xf32, #tpu.memory_space<hbm>> -> memref<8x512xf32, #tpu.memory_space<hbm>>
      tpu.wait_dma2 semaphore(%arg26 : memref<!tpu.dma_semaphore, #tpu.memory_space<semaphore_mem>>) src(%dma_wait3A_116 : memref<8x512xf32, #tpu.memory_space<hbm>>) dst(%arg12 : memref<8x512xf32, #tpu.memory_space<vmem>>)
      %ge3A = arith.constant 4 : i32
      %ge3A_117 = arith.cmpi sge, %add3A_98, %ge3A : i32
      %convert_element_type3A = arith.extui %ge3A_117 : i1 to i32
      %cond3A = arith.constant 0 : i32
      %cond3A_118 = arith.cmpi ne, %convert_element_type3A, %cond3A : i32
      scf.if %cond3A_118 {
        %dma_wait3A_279 = arith.constant 0 : i32
        %dma_wait3A_280 = arith.constant 0 : i32
        %dma_wait3A_281 = tpu.memref_slice %arg7[%dma_wait3A_279, %dma_wait3A_280] : memref<16384x512xf32, #tpu.memory_space<hbm>> -> memref<8x512xf32, #tpu.memory_space<hbm>>
        %dma_wait3A_282 = arith.constant 0 : i32
        %dma_wait3A_283 = arith.constant 0 : i32
        %dma_wait3A_284 = tpu.memref_slice %arg7[%dma_wait3A_282, %dma_wait3A_283] : memref<16384x512xf32, #tpu.memory_space<hbm>> -> memref<8x512xf32, #tpu.memory_space<hbm>>
        tpu.wait_dma2 semaphore(%arg30 : memref<!tpu.dma_semaphore, #tpu.memory_space<semaphore_mem>>) src(%arg13 : memref<8x512xf32, #tpu.memory_space<vmem>>) dst(%dma_wait3A_284 : memref<8x512xf32, #tpu.memory_space<hbm>>)
      } else {
      }
      %scan3A_119 = arith.constant 0 : i32
      %scan3A_120 = arith.constant 0 : i32
      %scan3A_121 = arith.constant 8 : i32
      %scan3A_122 = arith.addi %scan3A_120, %scan3A_121 : i32
      %scan3A_123 = arith.constant 1 : i32
      scf.for %scan3A_279 = %scan3A_120 to %scan3A_122 step %scan3A_123  : i32 {
        %get3A = arith.index_cast %scan3A_279 : i32 to index
        %get3A_280 = arith.constant 0 : index
        %get3A_281 = tpu.vector_load %arg10[%get3A, %get3A_280] {strides = array<i32>} : memref<8x512xf32, #tpu.memory_space<vmem>>, vector<1x16xf32>,
        %get3A_282 = vector.shape_cast %get3A_281 : vector<1x16xf32> to vector<16xf32>
        %get3A_283 = arith.index_cast %scan3A_279 : i32 to index
        %get3A_284 = arith.constant 0 : index
        %get3A_285 = tpu.vector_load %arg11[%get3A_283, %get3A_284] {strides = array<i32>} : memref<8x512xf32, #tpu.memory_space<vmem>>, vector<1x16xf32>,
        %get3A_286 = vector.shape_cast %get3A_285 : vector<1x16xf32> to vector<16xf32>
        %add3A_287 = arith.addf %get3A_282, %get3A_286 : vector<16xf32>
        %get3A_288 = arith.index_cast %scan3A_279 : i32 to index
        %get3A_289 = arith.constant 0 : index
        %get3A_290 = tpu.vector_load %arg12[%get3A_288, %get3A_289] {strides = array<i32>} : memref<8x512xf32, #tpu.memory_space<vmem>>, vector<1x16xf32>,
        %get3A_291 = vector.shape_cast %get3A_290 : vector<1x16xf32> to vector<16xf32>
        %add3A_292 = arith.addf %add3A_287, %get3A_291 : vector<16xf32>
        %swap3A = arith.index_cast %scan3A_279 : i32 to index
        %swap3A_293 = arith.constant 0 : index
        %swap3A_294 = tpu.vector_load %arg13[%swap3A, %swap3A_293] {strides = array<i32>} : memref<8x512xf32, #tpu.memory_space<vmem>>, vector<1x16xf32>,
        %swap3A_295 = vector.shape_cast %swap3A_294 : vector<1x16xf32> to vector<16xf32>
        %swap3A_296 = vector.shape_cast %add3A_292 : vector<16xf32> to vector<1x16xf32>
        tpu.vector_store %arg13[%swap3A, %swap3A_293], %swap3A_296 {strides = array<i32>} : memref<8x512xf32, #tpu.memory_space<vmem>>, vector<1x16xf32>,
        %get3A_297 = arith.index_cast %scan3A_279 : i32 to index
        %get3A_298 = arith.constant 16 : index
        %get3A_299 = tpu.vector_load %arg10[%get3A_297, %get3A_298] {strides = array<i32>} : memref<8x512xf32, #tpu.memory_space<vmem>>, vector<1x16xf32>,
        %get3A_300 = vector.shape_cast %get3A_299 : vector<1x16xf32> to vector<16xf32>
        %get3A_301 = arith.index_cast %scan3A_279 : i32 to index
        %get3A_302 = arith.constant 16 : index
        %get3A_303 = tpu.vector_load %arg11[%get3A_301, %get3A_302] {strides = array<i32>} : memref<8x512xf32, #tpu.memory_space<vmem>>, vector<1x16xf32>,
        %get3A_304 = vector.shape_cast %get3A_303 : vector<1x16xf32> to vector<16xf32>
        %add3A_305 = arith.addf %get3A_300, %get3A_304 : vector<16xf32>
        %get3A_306 = arith.index_cast %scan3A_279 : i32 to index
        %get3A_307 = arith.constant 16 : index
        %get3A_308 = tpu.vector_load %arg12[%get3A_306, %get3A_307] {strides = array<i32>} : memref<8x512xf32, #tpu.memory_space<vmem>>, vector<1x16xf32>,
        %get3A_309 = vector.shape_cast %get3A_308 : vector<1x16xf32> to vector<16xf32>
        %add3A_310 = arith.addf %add3A_305, %get3A_309 : vector<16xf32>
        %swap3A_311 = arith.index_cast %scan3A_279 : i32 to index
        %swap3A_312 = arith.constant 16 : index
        %swap3A_313 = tpu.vector_load %arg13[%swap3A_311, %swap3A_312] {strides = array<i32>} : memref<8x512xf32, #tpu.memory_space<vmem>>, vector<1x16xf32>,
        %swap3A_314 = vector.shape_cast %swap3A_313 : vector<1x16xf32> to vector<16xf32>
        %swap3A_315 = vector.shape_cast %add3A_310 : vector<16xf32> to vector<1x16xf32>
        tpu.vector_store %arg13[%swap3A_311, %swap3A_312], %swap3A_315 {strides = array<i32>} : memref<8x512xf32, #tpu.memory_space<vmem>>, vector<1x16xf32>,
        %get3A_316 = arith.index_cast %scan3A_279 : i32 to index
        %get3A_317 = arith.constant 32 : index
        %get3A_318 = tpu.vector_load %arg10[%get3A_316, %get3A_317] {strides = array<i32>} : memref<8x512xf32, #tpu.memory_space<vmem>>, vector<1x16xf32>,
        %get3A_319 = vector.shape_cast %get3A_318 : vector<1x16xf32> to vector<16xf32>
        %get3A_320 = arith.index_cast %scan3A_279 : i32 to index
        %get3A_321 = arith.constant 32 : index
        %get3A_322 = tpu.vector_load %arg11[%get3A_320, %get3A_321] {strides = array<i32>} : memref<8x512xf32, #tpu.memory_space<vmem>>, vector<1x16xf32>,
        %get3A_323 = vector.shape_cast %get3A_322 : vector<1x16xf32> to vector<16xf32>
        %add3A_324 = arith.addf %get3A_319, %get3A_323 : vector<16xf32>
        %get3A_325 = arith.index_cast %scan3A_279 : i32 to index
        %get3A_326 = arith.constant 32 : index
        %get3A_327 = tpu.vector_load %arg12[%get3A_325, %get3A_326] {strides = array<i32>} : memref<8x512xf32, #tpu.memory_space<vmem>>, vector<1x16xf32>,
        %get3A_328 = vector.shape_cast %get3A_327 : vector<1x16xf32> to vector<16xf32>
        %add3A_329 = arith.addf %add3A_324, %get3A_328 : vector<16xf32>
        %swap3A_330 = arith.index_cast %scan3A_279 : i32 to index
        %swap3A_331 = arith.constant 32 : index
        %swap3A_332 = tpu.vector_load %arg13[%swap3A_330, %swap3A_331] {strides = array<i32>} : memref<8x512xf32, #tpu.memory_space<vmem>>, vector<1x16xf32>,
        %swap3A_333 = vector.shape_cast %swap3A_332 : vector<1x16xf32> to vector<16xf32>
        %swap3A_334 = vector.shape_cast %add3A_329 : vector<16xf32> to vector<1x16xf32>
        tpu.vector_store %arg13[%swap3A_330, %swap3A_331], %swap3A_334 {strides = array<i32>} : memref<8x512xf32, #tpu.memory_space<vmem>>, vector<1x16xf32>,
        %get3A_335 = arith.index_cast %scan3A_279 : i32 to index
        %get3A_336 = arith.constant 48 : index
        %get3A_337 = tpu.vector_load %arg10[%get3A_335, %get3A_336] {strides = array<i32>} : memref<8x512xf32, #tpu.memory_space<vmem>>, vector<1x16xf32>,
        %get3A_338 = vector.shape_cast %get3A_337 : vector<1x16xf32> to vector<16xf32>
        %get3A_339 = arith.index_cast %scan3A_279 : i32 to index
        %get3A_340 = arith.constant 48 : index
        %get3A_341 = tpu.vector_load %arg11[%get3A_339, %get3A_340] {strides = array<i32>} : memref<8x512xf32, #tpu.memory_space<vmem>>, vector<1x16xf32>,
        %get3A_342 = vector.shape_cast %get3A_341 : vector<1x16xf32> to vector<16xf32>
        %add3A_343 = arith.addf %get3A_338, %get3A_342 : vector<16xf32>
        %get3A_344 = arith.index_cast %scan3A_279 : i32 to index
        %get3A_345 = arith.constant 48 : index
        %get3A_346 = tpu.vector_load %arg12[%get3A_344, %get3A_345] {strides = array<i32>} : memref<8x512xf32, #tpu.memory_space<vmem>>, vector<1x16xf32>,
        %get3A_347 = vector.shape_cast %get3A_346 : vector<1x16xf32> to vector<16xf32>
        %add3A_348 = arith.addf %add3A_343, %get3A_347 : vector<16xf32>
        %swap3A_349 = arith.index_cast %scan3A_279 : i32 to index
        %swap3A_350 = arith.constant 48 : index
        %swap3A_351 = tpu.vector_load %arg13[%swap3A_349, %swap3A_350] {strides = array<i32>} : memref<8x512xf32, #tpu.memory_space<vmem>>, vector<1x16xf32>,
        %swap3A_352 = vector.shape_cast %swap3A_351 : vector<1x16xf32> to vector<16xf32>
        %swap3A_353 = vector.shape_cast %add3A_348 : vector<16xf32> to vector<1x16xf32>
        tpu.vector_store %arg13[%swap3A_349, %swap3A_350], %swap3A_353 {strides = array<i32>} : memref<8x512xf32, #tpu.memory_space<vmem>>, vector<1x16xf32>,
        %get3A_354 = arith.index_cast %scan3A_279 : i32 to index
        %get3A_355 = arith.constant 64 : index
        %get3A_356 = tpu.vector_load %arg10[%get3A_354, %get3A_355] {strides = array<i32>} : memref<8x512xf32, #tpu.memory_space<vmem>>, vector<1x16xf32>,
        %get3A_357 = vector.shape_cast %get3A_356 : vector<1x16xf32> to vector<16xf32>
        %get3A_358 = arith.index_cast %scan3A_279 : i32 to index
        %get3A_359 = arith.constant 64 : index
        %get3A_360 = tpu.vector_load %arg11[%get3A_358, %get3A_359] {strides = array<i32>} : memref<8x512xf32, #tpu.memory_space<vmem>>, vector<1x16xf32>,
        %get3A_361 = vector.shape_cast %get3A_360 : vector<1x16xf32> to vector<16xf32>
        %add3A_362 = arith.addf %get3A_357, %get3A_361 : vector<16xf32>
        %get3A_363 = arith.index_cast %scan3A_279 : i32 to index
        %get3A_364 = arith.constant 64 : index
        %get3A_365 = tpu.vector_load %arg12[%get3A_363, %get3A_364] {strides = array<i32>} : memref<8x512xf32, #tpu.memory_space<vmem>>, vector<1x16xf32>,
        %get3A_366 = vector.shape_cast %get3A_365 : vector<1x16xf32> to vector<16xf32>
        %add3A_367 = arith.addf %add3A_362, %get3A_366 : vector<16xf32>
        %swap3A_368 = arith.index_cast %scan3A_279 : i32 to index
        %swap3A_369 = arith.constant 64 : index
        %swap3A_370 = tpu.vector_load %arg13[%swap3A_368, %swap3A_369] {strides = array<i32>} : memref<8x512xf32, #tpu.memory_space<vmem>>, vector<1x16xf32>,
        %swap3A_371 = vector.shape_cast %swap3A_370 : vector<1x16xf32> to vector<16xf32>
        %swap3A_372 = vector.shape_cast %add3A_367 : vector<16xf32> to vector<1x16xf32>
        tpu.vector_store %arg13[%swap3A_368, %swap3A_369], %swap3A_372 {strides = array<i32>} : memref<8x512xf32, #tpu.memory_space<vmem>>, vector<1x16xf32>,
        %get3A_373 = arith.index_cast %scan3A_279 : i32 to index
        %get3A_374 = arith.constant 80 : index
        %get3A_375 = tpu.vector_load %arg10[%get3A_373, %get3A_374] {strides = array<i32>} : memref<8x512xf32, #tpu.memory_space<vmem>>, vector<1x16xf32>,
        %get3A_376 = vector.shape_cast %get3A_375 : vector<1x16xf32> to vector<16xf32>
        %get3A_377 = arith.index_cast %scan3A_279 : i32 to index
        %get3A_378 = arith.constant 80 : index
        %get3A_379 = tpu.vector_load %arg11[%get3A_377, %get3A_378] {strides = array<i32>} : memref<8x512xf32, #tpu.memory_space<vmem>>, vector<1x16xf32>,
        %get3A_380 = vector.shape_cast %get3A_379 : vector<1x16xf32> to vector<16xf32>
        %add3A_381 = arith.addf %get3A_376, %get3A_380 : vector<16xf32>
        %get3A_382 = arith.index_cast %scan3A_279 : i32 to index
        %get3A_383 = arith.constant 80 : index
        %get3A_384 = tpu.vector_load %arg12[%get3A_382, %get3A_383] {strides = array<i32>} : memref<8x512xf32, #tpu.memory_space<vmem>>, vector<1x16xf32>,
        %get3A_385 = vector.shape_cast %get3A_384 : vector<1x16xf32> to vector<16xf32>
        %add3A_386 = arith.addf %add3A_381, %get3A_385 : vector<16xf32>
        %swap3A_387 = arith.index_cast %scan3A_279 : i32 to index
        %swap3A_388 = arith.constant 80 : index
        %swap3A_389 = tpu.vector_load %arg13[%swap3A_387, %swap3A_388] {strides = array<i32>} : memref<8x512xf32, #tpu.memory_space<vmem>>, vector<1x16xf32>,
        %swap3A_390 = vector.shape_cast %swap3A_389 : vector<1x16xf32> to vector<16xf32>
        %swap3A_391 = vector.shape_cast %add3A_386 : vector<16xf32> to vector<1x16xf32>
        tpu.vector_store %arg13[%swap3A_387, %swap3A_388], %swap3A_391 {strides = array<i32>} : memref<8x512xf32, #tpu.memory_space<vmem>>, vector<1x16xf32>,
        %get3A_392 = arith.index_cast %scan3A_279 : i32 to index
        %get3A_393 = arith.constant 96 : index
        %get3A_394 = tpu.vector_load %arg10[%get3A_392, %get3A_393] {strides = array<i32>} : memref<8x512xf32, #tpu.memory_space<vmem>>, vector<1x16xf32>,
        %get3A_395 = vector.shape_cast %get3A_394 : vector<1x16xf32> to vector<16xf32>
        %get3A_396 = arith.index_cast %scan3A_279 : i32 to index
        %get3A_397 = arith.constant 96 : index
        %get3A_398 = tpu.vector_load %arg11[%get3A_396, %get3A_397] {strides = array<i32>} : memref<8x512xf32, #tpu.memory_space<vmem>>, vector<1x16xf32>,
        %get3A_399 = vector.shape_cast %get3A_398 : vector<1x16xf32> to vector<16xf32>
        %add3A_400 = arith.addf %get3A_395, %get3A_399 : vector<16xf32>
        %get3A_401 = arith.index_cast %scan3A_279 : i32 to index
        %get3A_402 = arith.constant 96 : index
        %get3A_403 = tpu.vector_load %arg12[%get3A_401, %get3A_402] {strides = array<i32>} : memref<8x512xf32, #tpu.memory_space<vmem>>, vector<1x16xf32>,
        %get3A_404 = vector.shape_cast %get3A_403 : vector<1x16xf32> to vector<16xf32>
        %add3A_405 = arith.addf %add3A_400, %get3A_404 : vector<16xf32>
        %swap3A_406 = arith.index_cast %scan3A_279 : i32 to index
        %swap3A_407 = arith.constant 96 : index
        %swap3A_408 = tpu.vector_load %arg13[%swap3A_406, %swap3A_407] {strides = array<i32>} : memref<8x512xf32, #tpu.memory_space<vmem>>, vector<1x16xf32>,
        %swap3A_409 = vector.shape_cast %swap3A_408 : vector<1x16xf32> to vector<16xf32>
        %swap3A_410 = vector.shape_cast %add3A_405 : vector<16xf32> to vector<1x16xf32>
        tpu.vector_store %arg13[%swap3A_406, %swap3A_407], %swap3A_410 {strides = array<i32>} : memref<8x512xf32, #tpu.memory_space<vmem>>, vector<1x16xf32>,
        %get3A_411 = arith.index_cast %scan3A_279 : i32 to index
        %get3A_412 = arith.constant 112 : index
        %get3A_413 = tpu.vector_load %arg10[%get3A_411, %get3A_412] {strides = array<i32>} : memref<8x512xf32, #tpu.memory_space<vmem>>, vector<1x16xf32>,
        %get3A_414 = vector.shape_cast %get3A_413 : vector<1x16xf32> to vector<16xf32>
        %get3A_415 = arith.index_cast %scan3A_279 : i32 to index
        %get3A_416 = arith.constant 112 : index
        %get3A_417 = tpu.vector_load %arg11[%get3A_415, %get3A_416] {strides = array<i32>} : memref<8x512xf32, #tpu.memory_space<vmem>>, vector<1x16xf32>,
        %get3A_418 = vector.shape_cast %get3A_417 : vector<1x16xf32> to vector<16xf32>
        %add3A_419 = arith.addf %get3A_414, %get3A_418 : vector<16xf32>
        %get3A_420 = arith.index_cast %scan3A_279 : i32 to index
        %get3A_421 = arith.constant 112 : index
        %get3A_422 = tpu.vector_load %arg12[%get3A_420, %get3A_421] {strides = array<i32>} : memref<8x512xf32, #tpu.memory_space<vmem>>, vector<1x16xf32>,
        %get3A_423 = vector.shape_cast %get3A_422 : vector<1x16xf32> to vector<16xf32>
        %add3A_424 = arith.addf %add3A_419, %get3A_423 : vector<16xf32>
        %swap3A_425 = arith.index_cast %scan3A_279 : i32 to index
        %swap3A_426 = arith.constant 112 : index
        %swap3A_427 = tpu.vector_load %arg13[%swap3A_425, %swap3A_426] {strides = array<i32>} : memref<8x512xf32, #tpu.memory_space<vmem>>, vector<1x16xf32>,
        %swap3A_428 = vector.shape_cast %swap3A_427 : vector<1x16xf32> to vector<16xf32>
        %swap3A_429 = vector.shape_cast %add3A_424 : vector<16xf32> to vector<1x16xf32>
        tpu.vector_store %arg13[%swap3A_425, %swap3A_426], %swap3A_429 {strides = array<i32>} : memref<8x512xf32, #tpu.memory_space<vmem>>, vector<1x16xf32>,
        %get3A_430 = arith.index_cast %scan3A_279 : i32 to index
        %get3A_431 = arith.constant 128 : index
        %get3A_432 = tpu.vector_load %arg10[%get3A_430, %get3A_431] {strides = array<i32>} : memref<8x512xf32, #tpu.memory_space<vmem>>, vector<1x16xf32>,
        %get3A_433 = vector.shape_cast %get3A_432 : vector<1x16xf32> to vector<16xf32>
        %get3A_434 = arith.index_cast %scan3A_279 : i32 to index
        %get3A_435 = arith.constant 128 : index
        %get3A_436 = tpu.vector_load %arg11[%get3A_434, %get3A_435] {strides = array<i32>} : memref<8x512xf32, #tpu.memory_space<vmem>>, vector<1x16xf32>,
        %get3A_437 = vector.shape_cast %get3A_436 : vector<1x16xf32> to vector<16xf32>
        %add3A_438 = arith.addf %get3A_433, %get3A_437 : vector<16xf32>
        %get3A_439 = arith.index_cast %scan3A_279 : i32 to index
        %get3A_440 = arith.constant 128 : index
        %get3A_441 = tpu.vector_load %arg12[%get3A_439, %get3A_440] {strides = array<i32>} : memref<8x512xf32, #tpu.memory_space<vmem>>, vector<1x16xf32>,
        %get3A_442 = vector.shape_cast %get3A_441 : vector<1x16xf32> to vector<16xf32>
        %add3A_443 = arith.addf %add3A_438, %get3A_442 : vector<16xf32>
        %swap3A_444 = arith.index_cast %scan3A_279 : i32 to index
        %swap3A_445 = arith.constant 128 : index
        %swap3A_446 = tpu.vector_load %arg13[%swap3A_444, %swap3A_445] {strides = array<i32>} : memref<8x512xf32, #tpu.memory_space<vmem>>, vector<1x16xf32>,
        %swap3A_447 = vector.shape_cast %swap3A_446 : vector<1x16xf32> to vector<16xf32>
        %swap3A_448 = vector.shape_cast %add3A_443 : vector<16xf32> to vector<1x16xf32>
        tpu.vector_store %arg13[%swap3A_444, %swap3A_445], %swap3A_448 {strides = array<i32>} : memref<8x512xf32, #tpu.memory_space<vmem>>, vector<1x16xf32>,
        %get3A_449 = arith.index_cast %scan3A_279 : i32 to index
        %get3A_450 = arith.constant 144 : index
        %get3A_451 = tpu.vector_load %arg10[%get3A_449, %get3A_450] {strides = array<i32>} : memref<8x512xf32, #tpu.memory_space<vmem>>, vector<1x16xf32>,
        %get3A_452 = vector.shape_cast %get3A_451 : vector<1x16xf32> to vector<16xf32>
        %get3A_453 = arith.index_cast %scan3A_279 : i32 to index
        %get3A_454 = arith.constant 144 : index
        %get3A_455 = tpu.vector_load %arg11[%get3A_453, %get3A_454] {strides = array<i32>} : memref<8x512xf32, #tpu.memory_space<vmem>>, vector<1x16xf32>,
        %get3A_456 = vector.shape_cast %get3A_455 : vector<1x16xf32> to vector<16xf32>
        %add3A_457 = arith.addf %get3A_452, %get3A_456 : vector<16xf32>
        %get3A_458 = arith.index_cast %scan3A_279 : i32 to index
        %get3A_459 = arith.constant 144 : index
        %get3A_460 = tpu.vector_load %arg12[%get3A_458, %get3A_459] {strides = array<i32>} : memref<8x512xf32, #tpu.memory_space<vmem>>, vector<1x16xf32>,
        %get3A_461 = vector.shape_cast %get3A_460 : vector<1x16xf32> to vector<16xf32>
        %add3A_462 = arith.addf %add3A_457, %get3A_461 : vector<16xf32>
        %swap3A_463 = arith.index_cast %scan3A_279 : i32 to index
        %swap3A_464 = arith.constant 144 : index
        %swap3A_465 = tpu.vector_load %arg13[%swap3A_463, %swap3A_464] {strides = array<i32>} : memref<8x512xf32, #tpu.memory_space<vmem>>, vector<1x16xf32>,
        %swap3A_466 = vector.shape_cast %swap3A_465 : vector<1x16xf32> to vector<16xf32>
        %swap3A_467 = vector.shape_cast %add3A_462 : vector<16xf32> to vector<1x16xf32>
        tpu.vector_store %arg13[%swap3A_463, %swap3A_464], %swap3A_467 {strides = array<i32>} : memref<8x512xf32, #tpu.memory_space<vmem>>, vector<1x16xf32>,
        %get3A_468 = arith.index_cast %scan3A_279 : i32 to index
        %get3A_469 = arith.constant 160 : index
        %get3A_470 = tpu.vector_load %arg10[%get3A_468, %get3A_469] {strides = array<i32>} : memref<8x512xf32, #tpu.memory_space<vmem>>, vector<1x16xf32>,
        %get3A_471 = vector.shape_cast %get3A_470 : vector<1x16xf32> to vector<16xf32>
        %get3A_472 = arith.index_cast %scan3A_279 : i32 to index
        %get3A_473 = arith.constant 160 : index
        %get3A_474 = tpu.vector_load %arg11[%get3A_472, %get3A_473] {strides = array<i32>} : memref<8x512xf32, #tpu.memory_space<vmem>>, vector<1x16xf32>,
        %get3A_475 = vector.shape_cast %get3A_474 : vector<1x16xf32> to vector<16xf32>
        %add3A_476 = arith.addf %get3A_471, %get3A_475 : vector<16xf32>
        %get3A_477 = arith.index_cast %scan3A_279 : i32 to index
        %get3A_478 = arith.constant 160 : index
        %get3A_479 = tpu.vector_load %arg12[%get3A_477, %get3A_478] {strides = array<i32>} : memref<8x512xf32, #tpu.memory_space<vmem>>, vector<1x16xf32>,
        %get3A_480 = vector.shape_cast %get3A_479 : vector<1x16xf32> to vector<16xf32>
        %add3A_481 = arith.addf %add3A_476, %get3A_480 : vector<16xf32>
        %swap3A_482 = arith.index_cast %scan3A_279 : i32 to index
        %swap3A_483 = arith.constant 160 : index
        %swap3A_484 = tpu.vector_load %arg13[%swap3A_482, %swap3A_483] {strides = array<i32>} : memref<8x512xf32, #tpu.memory_space<vmem>>, vector<1x16xf32>,
        %swap3A_485 = vector.shape_cast %swap3A_484 : vector<1x16xf32> to vector<16xf32>
        %swap3A_486 = vector.shape_cast %add3A_481 : vector<16xf32> to vector<1x16xf32>
        tpu.vector_store %arg13[%swap3A_482, %swap3A_483], %swap3A_486 {strides = array<i32>} : memref<8x512xf32, #tpu.memory_space<vmem>>, vector<1x16xf32>,
        %get3A_487 = arith.index_cast %scan3A_279 : i32 to index
        %get3A_488 = arith.constant 176 : index
        %get3A_489 = tpu.vector_load %arg10[%get3A_487, %get3A_488] {strides = array<i32>} : memref<8x512xf32, #tpu.memory_space<vmem>>, vector<1x16xf32>,
        %get3A_490 = vector.shape_cast %get3A_489 : vector<1x16xf32> to vector<16xf32>
        %get3A_491 = arith.index_cast %scan3A_279 : i32 to index
        %get3A_492 = arith.constant 176 : index
        %get3A_493 = tpu.vector_load %arg11[%get3A_491, %get3A_492] {strides = array<i32>} : memref<8x512xf32, #tpu.memory_space<vmem>>, vector<1x16xf32>,
        %get3A_494 = vector.shape_cast %get3A_493 : vector<1x16xf32> to vector<16xf32>
        %add3A_495 = arith.addf %get3A_490, %get3A_494 : vector<16xf32>
        %get3A_496 = arith.index_cast %scan3A_279 : i32 to index
        %get3A_497 = arith.constant 176 : index
        %get3A_498 = tpu.vector_load %arg12[%get3A_496, %get3A_497] {strides = array<i32>} : memref<8x512xf32, #tpu.memory_space<vmem>>, vector<1x16xf32>,
        %get3A_499 = vector.shape_cast %get3A_498 : vector<1x16xf32> to vector<16xf32>
        %add3A_500 = arith.addf %add3A_495, %get3A_499 : vector<16xf32>
        %swap3A_501 = arith.index_cast %scan3A_279 : i32 to index
        %swap3A_502 = arith.constant 176 : index
        %swap3A_503 = tpu.vector_load %arg13[%swap3A_501, %swap3A_502] {strides = array<i32>} : memref<8x512xf32, #tpu.memory_space<vmem>>, vector<1x16xf32>,
        %swap3A_504 = vector.shape_cast %swap3A_503 : vector<1x16xf32> to vector<16xf32>
        %swap3A_505 = vector.shape_cast %add3A_500 : vector<16xf32> to vector<1x16xf32>
        tpu.vector_store %arg13[%swap3A_501, %swap3A_502], %swap3A_505 {strides = array<i32>} : memref<8x512xf32, #tpu.memory_space<vmem>>, vector<1x16xf32>,
        %get3A_506 = arith.index_cast %scan3A_279 : i32 to index
        %get3A_507 = arith.constant 192 : index
        %get3A_508 = tpu.vector_load %arg10[%get3A_506, %get3A_507] {strides = array<i32>} : memref<8x512xf32, #tpu.memory_space<vmem>>, vector<1x16xf32>,
        %get3A_509 = vector.shape_cast %get3A_508 : vector<1x16xf32> to vector<16xf32>
        %get3A_510 = arith.index_cast %scan3A_279 : i32 to index
        %get3A_511 = arith.constant 192 : index
        %get3A_512 = tpu.vector_load %arg11[%get3A_510, %get3A_511] {strides = array<i32>} : memref<8x512xf32, #tpu.memory_space<vmem>>, vector<1x16xf32>,
        %get3A_513 = vector.shape_cast %get3A_512 : vector<1x16xf32> to vector<16xf32>
        %add3A_514 = arith.addf %get3A_509, %get3A_513 : vector<16xf32>
        %get3A_515 = arith.index_cast %scan3A_279 : i32 to index
        %get3A_516 = arith.constant 192 : index
        %get3A_517 = tpu.vector_load %arg12[%get3A_515, %get3A_516] {strides = array<i32>} : memref<8x512xf32, #tpu.memory_space<vmem>>, vector<1x16xf32>,
        %get3A_518 = vector.shape_cast %get3A_517 : vector<1x16xf32> to vector<16xf32>
        %add3A_519 = arith.addf %add3A_514, %get3A_518 : vector<16xf32>
        %swap3A_520 = arith.index_cast %scan3A_279 : i32 to index
        %swap3A_521 = arith.constant 192 : index
        %swap3A_522 = tpu.vector_load %arg13[%swap3A_520, %swap3A_521] {strides = array<i32>} : memref<8x512xf32, #tpu.memory_space<vmem>>, vector<1x16xf32>,
        %swap3A_523 = vector.shape_cast %swap3A_522 : vector<1x16xf32> to vector<16xf32>
        %swap3A_524 = vector.shape_cast %add3A_519 : vector<16xf32> to vector<1x16xf32>
        tpu.vector_store %arg13[%swap3A_520, %swap3A_521], %swap3A_524 {strides = array<i32>} : memref<8x512xf32, #tpu.memory_space<vmem>>, vector<1x16xf32>,
        %get3A_525 = arith.index_cast %scan3A_279 : i32 to index
        %get3A_526 = arith.constant 208 : index
        %get3A_527 = tpu.vector_load %arg10[%get3A_525, %get3A_526] {strides = array<i32>} : memref<8x512xf32, #tpu.memory_space<vmem>>, vector<1x16xf32>,
        %get3A_528 = vector.shape_cast %get3A_527 : vector<1x16xf32> to vector<16xf32>
        %get3A_529 = arith.index_cast %scan3A_279 : i32 to index
        %get3A_530 = arith.constant 208 : index
        %get3A_531 = tpu.vector_load %arg11[%get3A_529, %get3A_530] {strides = array<i32>} : memref<8x512xf32, #tpu.memory_space<vmem>>, vector<1x16xf32>,
        %get3A_532 = vector.shape_cast %get3A_531 : vector<1x16xf32> to vector<16xf32>
        %add3A_533 = arith.addf %get3A_528, %get3A_532 : vector<16xf32>
        %get3A_534 = arith.index_cast %scan3A_279 : i32 to index
        %get3A_535 = arith.constant 208 : index
        %get3A_536 = tpu.vector_load %arg12[%get3A_534, %get3A_535] {strides = array<i32>} : memref<8x512xf32, #tpu.memory_space<vmem>>, vector<1x16xf32>,
        %get3A_537 = vector.shape_cast %get3A_536 : vector<1x16xf32> to vector<16xf32>
        %add3A_538 = arith.addf %add3A_533, %get3A_537 : vector<16xf32>
        %swap3A_539 = arith.index_cast %scan3A_279 : i32 to index
        %swap3A_540 = arith.constant 208 : index
        %swap3A_541 = tpu.vector_load %arg13[%swap3A_539, %swap3A_540] {strides = array<i32>} : memref<8x512xf32, #tpu.memory_space<vmem>>, vector<1x16xf32>,
        %swap3A_542 = vector.shape_cast %swap3A_541 : vector<1x16xf32> to vector<16xf32>
        %swap3A_543 = vector.shape_cast %add3A_538 : vector<16xf32> to vector<1x16xf32>
        tpu.vector_store %arg13[%swap3A_539, %swap3A_540], %swap3A_543 {strides = array<i32>} : memref<8x512xf32, #tpu.memory_space<vmem>>, vector<1x16xf32>,
        %get3A_544 = arith.index_cast %scan3A_279 : i32 to index
        %get3A_545 = arith.constant 224 : index
        %get3A_546 = tpu.vector_load %arg10[%get3A_544, %get3A_545] {strides = array<i32>} : memref<8x512xf32, #tpu.memory_space<vmem>>, vector<1x16xf32>,
        %get3A_547 = vector.shape_cast %get3A_546 : vector<1x16xf32> to vector<16xf32>
        %get3A_548 = arith.index_cast %scan3A_279 : i32 to index
        %get3A_549 = arith.constant 224 : index
        %get3A_550 = tpu.vector_load %arg11[%get3A_548, %get3A_549] {strides = array<i32>} : memref<8x512xf32, #tpu.memory_space<vmem>>, vector<1x16xf32>,
        %get3A_551 = vector.shape_cast %get3A_550 : vector<1x16xf32> to vector<16xf32>
        %add3A_552 = arith.addf %get3A_547, %get3A_551 : vector<16xf32>
        %get3A_553 = arith.index_cast %scan3A_279 : i32 to index
        %get3A_554 = arith.constant 224 : index
        %get3A_555 = tpu.vector_load %arg12[%get3A_553, %get3A_554] {strides = array<i32>} : memref<8x512xf32, #tpu.memory_space<vmem>>, vector<1x16xf32>,
        %get3A_556 = vector.shape_cast %get3A_555 : vector<1x16xf32> to vector<16xf32>
        %add3A_557 = arith.addf %add3A_552, %get3A_556 : vector<16xf32>
        %swap3A_558 = arith.index_cast %scan3A_279 : i32 to index
        %swap3A_559 = arith.constant 224 : index
        %swap3A_560 = tpu.vector_load %arg13[%swap3A_558, %swap3A_559] {strides = array<i32>} : memref<8x512xf32, #tpu.memory_space<vmem>>, vector<1x16xf32>,
        %swap3A_561 = vector.shape_cast %swap3A_560 : vector<1x16xf32> to vector<16xf32>
        %swap3A_562 = vector.shape_cast %add3A_557 : vector<16xf32> to vector<1x16xf32>
        tpu.vector_store %arg13[%swap3A_558, %swap3A_559], %swap3A_562 {strides = array<i32>} : memref<8x512xf32, #tpu.memory_space<vmem>>, vector<1x16xf32>,
        %get3A_563 = arith.index_cast %scan3A_279 : i32 to index
        %get3A_564 = arith.constant 240 : index
        %get3A_565 = tpu.vector_load %arg10[%get3A_563, %get3A_564] {strides = array<i32>} : memref<8x512xf32, #tpu.memory_space<vmem>>, vector<1x16xf32>,
        %get3A_566 = vector.shape_cast %get3A_565 : vector<1x16xf32> to vector<16xf32>
        %get3A_567 = arith.index_cast %scan3A_279 : i32 to index
        %get3A_568 = arith.constant 240 : index
        %get3A_569 = tpu.vector_load %arg11[%get3A_567, %get3A_568] {strides = array<i32>} : memref<8x512xf32, #tpu.memory_space<vmem>>, vector<1x16xf32>,
        %get3A_570 = vector.shape_cast %get3A_569 : vector<1x16xf32> to vector<16xf32>
        %add3A_571 = arith.addf %get3A_566, %get3A_570 : vector<16xf32>
        %get3A_572 = arith.index_cast %scan3A_279 : i32 to index
        %get3A_573 = arith.constant 240 : index
        %get3A_574 = tpu.vector_load %arg12[%get3A_572, %get3A_573] {strides = array<i32>} : memref<8x512xf32, #tpu.memory_space<vmem>>, vector<1x16xf32>,
        %get3A_575 = vector.shape_cast %get3A_574 : vector<1x16xf32> to vector<16xf32>
        %add3A_576 = arith.addf %add3A_571, %get3A_575 : vector<16xf32>
        %swap3A_577 = arith.index_cast %scan3A_279 : i32 to index
        %swap3A_578 = arith.constant 240 : index
        %swap3A_579 = tpu.vector_load %arg13[%swap3A_577, %swap3A_578] {strides = array<i32>} : memref<8x512xf32, #tpu.memory_space<vmem>>, vector<1x16xf32>,
        %swap3A_580 = vector.shape_cast %swap3A_579 : vector<1x16xf32> to vector<16xf32>
        %swap3A_581 = vector.shape_cast %add3A_576 : vector<16xf32> to vector<1x16xf32>
        tpu.vector_store %arg13[%swap3A_577, %swap3A_578], %swap3A_581 {strides = array<i32>} : memref<8x512xf32, #tpu.memory_space<vmem>>, vector<1x16xf32>,
        %get3A_582 = arith.index_cast %scan3A_279 : i32 to index
        %get3A_583 = arith.constant 256 : index
        %get3A_584 = tpu.vector_load %arg10[%get3A_582, %get3A_583] {strides = array<i32>} : memref<8x512xf32, #tpu.memory_space<vmem>>, vector<1x16xf32>,
        %get3A_585 = vector.shape_cast %get3A_584 : vector<1x16xf32> to vector<16xf32>
        %get3A_586 = arith.index_cast %scan3A_279 : i32 to index
        %get3A_587 = arith.constant 256 : index
        %get3A_588 = tpu.vector_load %arg11[%get3A_586, %get3A_587] {strides = array<i32>} : memref<8x512xf32, #tpu.memory_space<vmem>>, vector<1x16xf32>,
        %get3A_589 = vector.shape_cast %get3A_588 : vector<1x16xf32> to vector<16xf32>
        %add3A_590 = arith.addf %get3A_585, %get3A_589 : vector<16xf32>
        %get3A_591 = arith.index_cast %scan3A_279 : i32 to index
        %get3A_592 = arith.constant 256 : index
        %get3A_593 = tpu.vector_load %arg12[%get3A_591, %get3A_592] {strides = array<i32>} : memref<8x512xf32, #tpu.memory_space<vmem>>, vector<1x16xf32>,
        %get3A_594 = vector.shape_cast %get3A_593 : vector<1x16xf32> to vector<16xf32>
        %add3A_595 = arith.addf %add3A_590, %get3A_594 : vector<16xf32>
        %swap3A_596 = arith.index_cast %scan3A_279 : i32 to index
        %swap3A_597 = arith.constant 256 : index
        %swap3A_598 = tpu.vector_load %arg13[%swap3A_596, %swap3A_597] {strides = array<i32>} : memref<8x512xf32, #tpu.memory_space<vmem>>, vector<1x16xf32>,
        %swap3A_599 = vector.shape_cast %swap3A_598 : vector<1x16xf32> to vector<16xf32>
        %swap3A_600 = vector.shape_cast %add3A_595 : vector<16xf32> to vector<1x16xf32>
        tpu.vector_store %arg13[%swap3A_596, %swap3A_597], %swap3A_600 {strides = array<i32>} : memref<8x512xf32, #tpu.memory_space<vmem>>, vector<1x16xf32>,
        %get3A_601 = arith.index_cast %scan3A_279 : i32 to index
        %get3A_602 = arith.constant 272 : index
        %get3A_603 = tpu.vector_load %arg10[%get3A_601, %get3A_602] {strides = array<i32>} : memref<8x512xf32, #tpu.memory_space<vmem>>, vector<1x16xf32>,
        %get3A_604 = vector.shape_cast %get3A_603 : vector<1x16xf32> to vector<16xf32>
        %get3A_605 = arith.index_cast %scan3A_279 : i32 to index
        %get3A_606 = arith.constant 272 : index
        %get3A_607 = tpu.vector_load %arg11[%get3A_605, %get3A_606] {strides = array<i32>} : memref<8x512xf32, #tpu.memory_space<vmem>>, vector<1x16xf32>,
        %get3A_608 = vector.shape_cast %get3A_607 : vector<1x16xf32> to vector<16xf32>
        %add3A_609 = arith.addf %get3A_604, %get3A_608 : vector<16xf32>
        %get3A_610 = arith.index_cast %scan3A_279 : i32 to index
        %get3A_611 = arith.constant 272 : index
        %get3A_612 = tpu.vector_load %arg12[%get3A_610, %get3A_611] {strides = array<i32>} : memref<8x512xf32, #tpu.memory_space<vmem>>, vector<1x16xf32>,
        %get3A_613 = vector.shape_cast %get3A_612 : vector<1x16xf32> to vector<16xf32>
        %add3A_614 = arith.addf %add3A_609, %get3A_613 : vector<16xf32>
        %swap3A_615 = arith.index_cast %scan3A_279 : i32 to index
        %swap3A_616 = arith.constant 272 : index
        %swap3A_617 = tpu.vector_load %arg13[%swap3A_615, %swap3A_616] {strides = array<i32>} : memref<8x512xf32, #tpu.memory_space<vmem>>, vector<1x16xf32>,
        %swap3A_618 = vector.shape_cast %swap3A_617 : vector<1x16xf32> to vector<16xf32>
        %swap3A_619 = vector.shape_cast %add3A_614 : vector<16xf32> to vector<1x16xf32>
        tpu.vector_store %arg13[%swap3A_615, %swap3A_616], %swap3A_619 {strides = array<i32>} : memref<8x512xf32, #tpu.memory_space<vmem>>, vector<1x16xf32>,
        %get3A_620 = arith.index_cast %scan3A_279 : i32 to index
        %get3A_621 = arith.constant 288 : index
        %get3A_622 = tpu.vector_load %arg10[%get3A_620, %get3A_621] {strides = array<i32>} : memref<8x512xf32, #tpu.memory_space<vmem>>, vector<1x16xf32>,
        %get3A_623 = vector.shape_cast %get3A_622 : vector<1x16xf32> to vector<16xf32>
        %get3A_624 = arith.index_cast %scan3A_279 : i32 to index
        %get3A_625 = arith.constant 288 : index
        %get3A_626 = tpu.vector_load %arg11[%get3A_624, %get3A_625] {strides = array<i32>} : memref<8x512xf32, #tpu.memory_space<vmem>>, vector<1x16xf32>,
        %get3A_627 = vector.shape_cast %get3A_626 : vector<1x16xf32> to vector<16xf32>
        %add3A_628 = arith.addf %get3A_623, %get3A_627 : vector<16xf32>
        %get3A_629 = arith.index_cast %scan3A_279 : i32 to index
        %get3A_630 = arith.constant 288 : index
        %get3A_631 = tpu.vector_load %arg12[%get3A_629, %get3A_630] {strides = array<i32>} : memref<8x512xf32, #tpu.memory_space<vmem>>, vector<1x16xf32>,
        %get3A_632 = vector.shape_cast %get3A_631 : vector<1x16xf32> to vector<16xf32>
        %add3A_633 = arith.addf %add3A_628, %get3A_632 : vector<16xf32>
        %swap3A_634 = arith.index_cast %scan3A_279 : i32 to index
        %swap3A_635 = arith.constant 288 : index
        %swap3A_636 = tpu.vector_load %arg13[%swap3A_634, %swap3A_635] {strides = array<i32>} : memref<8x512xf32, #tpu.memory_space<vmem>>, vector<1x16xf32>,
        %swap3A_637 = vector.shape_cast %swap3A_636 : vector<1x16xf32> to vector<16xf32>
        %swap3A_638 = vector.shape_cast %add3A_633 : vector<16xf32> to vector<1x16xf32>
        tpu.vector_store %arg13[%swap3A_634, %swap3A_635], %swap3A_638 {strides = array<i32>} : memref<8x512xf32, #tpu.memory_space<vmem>>, vector<1x16xf32>,
        %get3A_639 = arith.index_cast %scan3A_279 : i32 to index
        %get3A_640 = arith.constant 304 : index
        %get3A_641 = tpu.vector_load %arg10[%get3A_639, %get3A_640] {strides = array<i32>} : memref<8x512xf32, #tpu.memory_space<vmem>>, vector<1x16xf32>,
        %get3A_642 = vector.shape_cast %get3A_641 : vector<1x16xf32> to vector<16xf32>
        %get3A_643 = arith.index_cast %scan3A_279 : i32 to index
        %get3A_644 = arith.constant 304 : index
        %get3A_645 = tpu.vector_load %arg11[%get3A_643, %get3A_644] {strides = array<i32>} : memref<8x512xf32, #tpu.memory_space<vmem>>, vector<1x16xf32>,
        %get3A_646 = vector.shape_cast %get3A_645 : vector<1x16xf32> to vector<16xf32>
        %add3A_647 = arith.addf %get3A_642, %get3A_646 : vector<16xf32>
        %get3A_648 = arith.index_cast %scan3A_279 : i32 to index
        %get3A_649 = arith.constant 304 : index
        %get3A_650 = tpu.vector_load %arg12[%get3A_648, %get3A_649] {strides = array<i32>} : memref<8x512xf32, #tpu.memory_space<vmem>>, vector<1x16xf32>,
        %get3A_651 = vector.shape_cast %get3A_650 : vector<1x16xf32> to vector<16xf32>
        %add3A_652 = arith.addf %add3A_647, %get3A_651 : vector<16xf32>
        %swap3A_653 = arith.index_cast %scan3A_279 : i32 to index
        %swap3A_654 = arith.constant 304 : index
        %swap3A_655 = tpu.vector_load %arg13[%swap3A_653, %swap3A_654] {strides = array<i32>} : memref<8x512xf32, #tpu.memory_space<vmem>>, vector<1x16xf32>,
        %swap3A_656 = vector.shape_cast %swap3A_655 : vector<1x16xf32> to vector<16xf32>
        %swap3A_657 = vector.shape_cast %add3A_652 : vector<16xf32> to vector<1x16xf32>
        tpu.vector_store %arg13[%swap3A_653, %swap3A_654], %swap3A_657 {strides = array<i32>} : memref<8x512xf32, #tpu.memory_space<vmem>>, vector<1x16xf32>,
        %get3A_658 = arith.index_cast %scan3A_279 : i32 to index
        %get3A_659 = arith.constant 320 : index
        %get3A_660 = tpu.vector_load %arg10[%get3A_658, %get3A_659] {strides = array<i32>} : memref<8x512xf32, #tpu.memory_space<vmem>>, vector<1x16xf32>,
        %get3A_661 = vector.shape_cast %get3A_660 : vector<1x16xf32> to vector<16xf32>
        %get3A_662 = arith.index_cast %scan3A_279 : i32 to index
        %get3A_663 = arith.constant 320 : index
        %get3A_664 = tpu.vector_load %arg11[%get3A_662, %get3A_663] {strides = array<i32>} : memref<8x512xf32, #tpu.memory_space<vmem>>, vector<1x16xf32>,
        %get3A_665 = vector.shape_cast %get3A_664 : vector<1x16xf32> to vector<16xf32>
        %add3A_666 = arith.addf %get3A_661, %get3A_665 : vector<16xf32>
        %get3A_667 = arith.index_cast %scan3A_279 : i32 to index
        %get3A_668 = arith.constant 320 : index
        %get3A_669 = tpu.vector_load %arg12[%get3A_667, %get3A_668] {strides = array<i32>} : memref<8x512xf32, #tpu.memory_space<vmem>>, vector<1x16xf32>,
        %get3A_670 = vector.shape_cast %get3A_669 : vector<1x16xf32> to vector<16xf32>
        %add3A_671 = arith.addf %add3A_666, %get3A_670 : vector<16xf32>
        %swap3A_672 = arith.index_cast %scan3A_279 : i32 to index
        %swap3A_673 = arith.constant 320 : index
        %swap3A_674 = tpu.vector_load %arg13[%swap3A_672, %swap3A_673] {strides = array<i32>} : memref<8x512xf32, #tpu.memory_space<vmem>>, vector<1x16xf32>,
        %swap3A_675 = vector.shape_cast %swap3A_674 : vector<1x16xf32> to vector<16xf32>
        %swap3A_676 = vector.shape_cast %add3A_671 : vector<16xf32> to vector<1x16xf32>
        tpu.vector_store %arg13[%swap3A_672, %swap3A_673], %swap3A_676 {strides = array<i32>} : memref<8x512xf32, #tpu.memory_space<vmem>>, vector<1x16xf32>,
        %get3A_677 = arith.index_cast %scan3A_279 : i32 to index
        %get3A_678 = arith.constant 336 : index
        %get3A_679 = tpu.vector_load %arg10[%get3A_677, %get3A_678] {strides = array<i32>} : memref<8x512xf32, #tpu.memory_space<vmem>>, vector<1x16xf32>,
        %get3A_680 = vector.shape_cast %get3A_679 : vector<1x16xf32> to vector<16xf32>
        %get3A_681 = arith.index_cast %scan3A_279 : i32 to index
        %get3A_682 = arith.constant 336 : index
        %get3A_683 = tpu.vector_load %arg11[%get3A_681, %get3A_682] {strides = array<i32>} : memref<8x512xf32, #tpu.memory_space<vmem>>, vector<1x16xf32>,
        %get3A_684 = vector.shape_cast %get3A_683 : vector<1x16xf32> to vector<16xf32>
        %add3A_685 = arith.addf %get3A_680, %get3A_684 : vector<16xf32>
        %get3A_686 = arith.index_cast %scan3A_279 : i32 to index
        %get3A_687 = arith.constant 336 : index
        %get3A_688 = tpu.vector_load %arg12[%get3A_686, %get3A_687] {strides = array<i32>} : memref<8x512xf32, #tpu.memory_space<vmem>>, vector<1x16xf32>,
        %get3A_689 = vector.shape_cast %get3A_688 : vector<1x16xf32> to vector<16xf32>
        %add3A_690 = arith.addf %add3A_685, %get3A_689 : vector<16xf32>
        %swap3A_691 = arith.index_cast %scan3A_279 : i32 to index
        %swap3A_692 = arith.constant 336 : index
        %swap3A_693 = tpu.vector_load %arg13[%swap3A_691, %swap3A_692] {strides = array<i32>} : memref<8x512xf32, #tpu.memory_space<vmem>>, vector<1x16xf32>,
        %swap3A_694 = vector.shape_cast %swap3A_693 : vector<1x16xf32> to vector<16xf32>
        %swap3A_695 = vector.shape_cast %add3A_690 : vector<16xf32> to vector<1x16xf32>
        tpu.vector_store %arg13[%swap3A_691, %swap3A_692], %swap3A_695 {strides = array<i32>} : memref<8x512xf32, #tpu.memory_space<vmem>>, vector<1x16xf32>,
        %get3A_696 = arith.index_cast %scan3A_279 : i32 to index
        %get3A_697 = arith.constant 352 : index
        %get3A_698 = tpu.vector_load %arg10[%get3A_696, %get3A_697] {strides = array<i32>} : memref<8x512xf32, #tpu.memory_space<vmem>>, vector<1x16xf32>,
        %get3A_699 = vector.shape_cast %get3A_698 : vector<1x16xf32> to vector<16xf32>
        %get3A_700 = arith.index_cast %scan3A_279 : i32 to index
        %get3A_701 = arith.constant 352 : index
        %get3A_702 = tpu.vector_load %arg11[%get3A_700, %get3A_701] {strides = array<i32>} : memref<8x512xf32, #tpu.memory_space<vmem>>, vector<1x16xf32>,
        %get3A_703 = vector.shape_cast %get3A_702 : vector<1x16xf32> to vector<16xf32>
        %add3A_704 = arith.addf %get3A_699, %get3A_703 : vector<16xf32>
        %get3A_705 = arith.index_cast %scan3A_279 : i32 to index
        %get3A_706 = arith.constant 352 : index
        %get3A_707 = tpu.vector_load %arg12[%get3A_705, %get3A_706] {strides = array<i32>} : memref<8x512xf32, #tpu.memory_space<vmem>>, vector<1x16xf32>,
        %get3A_708 = vector.shape_cast %get3A_707 : vector<1x16xf32> to vector<16xf32>
        %add3A_709 = arith.addf %add3A_704, %get3A_708 : vector<16xf32>
        %swap3A_710 = arith.index_cast %scan3A_279 : i32 to index
        %swap3A_711 = arith.constant 352 : index
        %swap3A_712 = tpu.vector_load %arg13[%swap3A_710, %swap3A_711] {strides = array<i32>} : memref<8x512xf32, #tpu.memory_space<vmem>>, vector<1x16xf32>,
        %swap3A_713 = vector.shape_cast %swap3A_712 : vector<1x16xf32> to vector<16xf32>
        %swap3A_714 = vector.shape_cast %add3A_709 : vector<16xf32> to vector<1x16xf32>
        tpu.vector_store %arg13[%swap3A_710, %swap3A_711], %swap3A_714 {strides = array<i32>} : memref<8x512xf32, #tpu.memory_space<vmem>>, vector<1x16xf32>,
        %get3A_715 = arith.index_cast %scan3A_279 : i32 to index
        %get3A_716 = arith.constant 368 : index
        %get3A_717 = tpu.vector_load %arg10[%get3A_715, %get3A_716] {strides = array<i32>} : memref<8x512xf32, #tpu.memory_space<vmem>>, vector<1x16xf32>,
        %get3A_718 = vector.shape_cast %get3A_717 : vector<1x16xf32> to vector<16xf32>
        %get3A_719 = arith.index_cast %scan3A_279 : i32 to index
        %get3A_720 = arith.constant 368 : index
        %get3A_721 = tpu.vector_load %arg11[%get3A_719, %get3A_720] {strides = array<i32>} : memref<8x512xf32, #tpu.memory_space<vmem>>, vector<1x16xf32>,
        %get3A_722 = vector.shape_cast %get3A_721 : vector<1x16xf32> to vector<16xf32>
        %add3A_723 = arith.addf %get3A_718, %get3A_722 : vector<16xf32>
        %get3A_724 = arith.index_cast %scan3A_279 : i32 to index
        %get3A_725 = arith.constant 368 : index
        %get3A_726 = tpu.vector_load %arg12[%get3A_724, %get3A_725] {strides = array<i32>} : memref<8x512xf32, #tpu.memory_space<vmem>>, vector<1x16xf32>,
        %get3A_727 = vector.shape_cast %get3A_726 : vector<1x16xf32> to vector<16xf32>
        %add3A_728 = arith.addf %add3A_723, %get3A_727 : vector<16xf32>
        %swap3A_729 = arith.index_cast %scan3A_279 : i32 to index
        %swap3A_730 = arith.constant 368 : index
        %swap3A_731 = tpu.vector_load %arg13[%swap3A_729, %swap3A_730] {strides = array<i32>} : memref<8x512xf32, #tpu.memory_space<vmem>>, vector<1x16xf32>,
        %swap3A_732 = vector.shape_cast %swap3A_731 : vector<1x16xf32> to vector<16xf32>
        %swap3A_733 = vector.shape_cast %add3A_728 : vector<16xf32> to vector<1x16xf32>
        tpu.vector_store %arg13[%swap3A_729, %swap3A_730], %swap3A_733 {strides = array<i32>} : memref<8x512xf32, #tpu.memory_space<vmem>>, vector<1x16xf32>,
        %get3A_734 = arith.index_cast %scan3A_279 : i32 to index
        %get3A_735 = arith.constant 384 : index
        %get3A_736 = tpu.vector_load %arg10[%get3A_734, %get3A_735] {strides = array<i32>} : memref<8x512xf32, #tpu.memory_space<vmem>>, vector<1x16xf32>,
        %get3A_737 = vector.shape_cast %get3A_736 : vector<1x16xf32> to vector<16xf32>
        %get3A_738 = arith.index_cast %scan3A_279 : i32 to index
        %get3A_739 = arith.constant 384 : index
        %get3A_740 = tpu.vector_load %arg11[%get3A_738, %get3A_739] {strides = array<i32>} : memref<8x512xf32, #tpu.memory_space<vmem>>, vector<1x16xf32>,
        %get3A_741 = vector.shape_cast %get3A_740 : vector<1x16xf32> to vector<16xf32>
        %add3A_742 = arith.addf %get3A_737, %get3A_741 : vector<16xf32>
        %get3A_743 = arith.index_cast %scan3A_279 : i32 to index
        %get3A_744 = arith.constant 384 : index
        %get3A_745 = tpu.vector_load %arg12[%get3A_743, %get3A_744] {strides = array<i32>} : memref<8x512xf32, #tpu.memory_space<vmem>>, vector<1x16xf32>,
        %get3A_746 = vector.shape_cast %get3A_745 : vector<1x16xf32> to vector<16xf32>
        %add3A_747 = arith.addf %add3A_742, %get3A_746 : vector<16xf32>
        %swap3A_748 = arith.index_cast %scan3A_279 : i32 to index
        %swap3A_749 = arith.constant 384 : index
        %swap3A_750 = tpu.vector_load %arg13[%swap3A_748, %swap3A_749] {strides = array<i32>} : memref<8x512xf32, #tpu.memory_space<vmem>>, vector<1x16xf32>,
        %swap3A_751 = vector.shape_cast %swap3A_750 : vector<1x16xf32> to vector<16xf32>
        %swap3A_752 = vector.shape_cast %add3A_747 : vector<16xf32> to vector<1x16xf32>
        tpu.vector_store %arg13[%swap3A_748, %swap3A_749], %swap3A_752 {strides = array<i32>} : memref<8x512xf32, #tpu.memory_space<vmem>>, vector<1x16xf32>,
        %get3A_753 = arith.index_cast %scan3A_279 : i32 to index
        %get3A_754 = arith.constant 400 : index
        %get3A_755 = tpu.vector_load %arg10[%get3A_753, %get3A_754] {strides = array<i32>} : memref<8x512xf32, #tpu.memory_space<vmem>>, vector<1x16xf32>,
        %get3A_756 = vector.shape_cast %get3A_755 : vector<1x16xf32> to vector<16xf32>
        %get3A_757 = arith.index_cast %scan3A_279 : i32 to index
        %get3A_758 = arith.constant 400 : index
        %get3A_759 = tpu.vector_load %arg11[%get3A_757, %get3A_758] {strides = array<i32>} : memref<8x512xf32, #tpu.memory_space<vmem>>, vector<1x16xf32>,
        %get3A_760 = vector.shape_cast %get3A_759 : vector<1x16xf32> to vector<16xf32>
        %add3A_761 = arith.addf %get3A_756, %get3A_760 : vector<16xf32>
        %get3A_762 = arith.index_cast %scan3A_279 : i32 to index
        %get3A_763 = arith.constant 400 : index
        %get3A_764 = tpu.vector_load %arg12[%get3A_762, %get3A_763] {strides = array<i32>} : memref<8x512xf32, #tpu.memory_space<vmem>>, vector<1x16xf32>,
        %get3A_765 = vector.shape_cast %get3A_764 : vector<1x16xf32> to vector<16xf32>
        %add3A_766 = arith.addf %add3A_761, %get3A_765 : vector<16xf32>
        %swap3A_767 = arith.index_cast %scan3A_279 : i32 to index
        %swap3A_768 = arith.constant 400 : index
        %swap3A_769 = tpu.vector_load %arg13[%swap3A_767, %swap3A_768] {strides = array<i32>} : memref<8x512xf32, #tpu.memory_space<vmem>>, vector<1x16xf32>,
        %swap3A_770 = vector.shape_cast %swap3A_769 : vector<1x16xf32> to vector<16xf32>
        %swap3A_771 = vector.shape_cast %add3A_766 : vector<16xf32> to vector<1x16xf32>
        tpu.vector_store %arg13[%swap3A_767, %swap3A_768], %swap3A_771 {strides = array<i32>} : memref<8x512xf32, #tpu.memory_space<vmem>>, vector<1x16xf32>,
        %get3A_772 = arith.index_cast %scan3A_279 : i32 to index
        %get3A_773 = arith.constant 416 : index
        %get3A_774 = tpu.vector_load %arg10[%get3A_772, %get3A_773] {strides = array<i32>} : memref<8x512xf32, #tpu.memory_space<vmem>>, vector<1x16xf32>,
        %get3A_775 = vector.shape_cast %get3A_774 : vector<1x16xf32> to vector<16xf32>
        %get3A_776 = arith.index_cast %scan3A_279 : i32 to index
        %get3A_777 = arith.constant 416 : index
        %get3A_778 = tpu.vector_load %arg11[%get3A_776, %get3A_777] {strides = array<i32>} : memref<8x512xf32, #tpu.memory_space<vmem>>, vector<1x16xf32>,
        %get3A_779 = vector.shape_cast %get3A_778 : vector<1x16xf32> to vector<16xf32>
        %add3A_780 = arith.addf %get3A_775, %get3A_779 : vector<16xf32>
        %get3A_781 = arith.index_cast %scan3A_279 : i32 to index
        %get3A_782 = arith.constant 416 : index
        %get3A_783 = tpu.vector_load %arg12[%get3A_781, %get3A_782] {strides = array<i32>} : memref<8x512xf32, #tpu.memory_space<vmem>>, vector<1x16xf32>,
        %get3A_784 = vector.shape_cast %get3A_783 : vector<1x16xf32> to vector<16xf32>
        %add3A_785 = arith.addf %add3A_780, %get3A_784 : vector<16xf32>
        %swap3A_786 = arith.index_cast %scan3A_279 : i32 to index
        %swap3A_787 = arith.constant 416 : index
        %swap3A_788 = tpu.vector_load %arg13[%swap3A_786, %swap3A_787] {strides = array<i32>} : memref<8x512xf32, #tpu.memory_space<vmem>>, vector<1x16xf32>,
        %swap3A_789 = vector.shape_cast %swap3A_788 : vector<1x16xf32> to vector<16xf32>
        %swap3A_790 = vector.shape_cast %add3A_785 : vector<16xf32> to vector<1x16xf32>
        tpu.vector_store %arg13[%swap3A_786, %swap3A_787], %swap3A_790 {strides = array<i32>} : memref<8x512xf32, #tpu.memory_space<vmem>>, vector<1x16xf32>,
        %get3A_791 = arith.index_cast %scan3A_279 : i32 to index
        %get3A_792 = arith.constant 432 : index
        %get3A_793 = tpu.vector_load %arg10[%get3A_791, %get3A_792] {strides = array<i32>} : memref<8x512xf32, #tpu.memory_space<vmem>>, vector<1x16xf32>,
        %get3A_794 = vector.shape_cast %get3A_793 : vector<1x16xf32> to vector<16xf32>
        %get3A_795 = arith.index_cast %scan3A_279 : i32 to index
        %get3A_796 = arith.constant 432 : index
        %get3A_797 = tpu.vector_load %arg11[%get3A_795, %get3A_796] {strides = array<i32>} : memref<8x512xf32, #tpu.memory_space<vmem>>, vector<1x16xf32>,
        %get3A_798 = vector.shape_cast %get3A_797 : vector<1x16xf32> to vector<16xf32>
        %add3A_799 = arith.addf %get3A_794, %get3A_798 : vector<16xf32>
        %get3A_800 = arith.index_cast %scan3A_279 : i32 to index
        %get3A_801 = arith.constant 432 : index
        %get3A_802 = tpu.vector_load %arg12[%get3A_800, %get3A_801] {strides = array<i32>} : memref<8x512xf32, #tpu.memory_space<vmem>>, vector<1x16xf32>,
        %get3A_803 = vector.shape_cast %get3A_802 : vector<1x16xf32> to vector<16xf32>
        %add3A_804 = arith.addf %add3A_799, %get3A_803 : vector<16xf32>
        %swap3A_805 = arith.index_cast %scan3A_279 : i32 to index
        %swap3A_806 = arith.constant 432 : index
        %swap3A_807 = tpu.vector_load %arg13[%swap3A_805, %swap3A_806] {strides = array<i32>} : memref<8x512xf32, #tpu.memory_space<vmem>>, vector<1x16xf32>,
        %swap3A_808 = vector.shape_cast %swap3A_807 : vector<1x16xf32> to vector<16xf32>
        %swap3A_809 = vector.shape_cast %add3A_804 : vector<16xf32> to vector<1x16xf32>
        tpu.vector_store %arg13[%swap3A_805, %swap3A_806], %swap3A_809 {strides = array<i32>} : memref<8x512xf32, #tpu.memory_space<vmem>>, vector<1x16xf32>,
        %get3A_810 = arith.index_cast %scan3A_279 : i32 to index
        %get3A_811 = arith.constant 448 : index
        %get3A_812 = tpu.vector_load %arg10[%get3A_810, %get3A_811] {strides = array<i32>} : memref<8x512xf32, #tpu.memory_space<vmem>>, vector<1x16xf32>,
        %get3A_813 = vector.shape_cast %get3A_812 : vector<1x16xf32> to vector<16xf32>
        %get3A_814 = arith.index_cast %scan3A_279 : i32 to index
        %get3A_815 = arith.constant 448 : index
        %get3A_816 = tpu.vector_load %arg11[%get3A_814, %get3A_815] {strides = array<i32>} : memref<8x512xf32, #tpu.memory_space<vmem>>, vector<1x16xf32>,
        %get3A_817 = vector.shape_cast %get3A_816 : vector<1x16xf32> to vector<16xf32>
        %add3A_818 = arith.addf %get3A_813, %get3A_817 : vector<16xf32>
        %get3A_819 = arith.index_cast %scan3A_279 : i32 to index
        %get3A_820 = arith.constant 448 : index
        %get3A_821 = tpu.vector_load %arg12[%get3A_819, %get3A_820] {strides = array<i32>} : memref<8x512xf32, #tpu.memory_space<vmem>>, vector<1x16xf32>,
        %get3A_822 = vector.shape_cast %get3A_821 : vector<1x16xf32> to vector<16xf32>
        %add3A_823 = arith.addf %add3A_818, %get3A_822 : vector<16xf32>
        %swap3A_824 = arith.index_cast %scan3A_279 : i32 to index
        %swap3A_825 = arith.constant 448 : index
        %swap3A_826 = tpu.vector_load %arg13[%swap3A_824, %swap3A_825] {strides = array<i32>} : memref<8x512xf32, #tpu.memory_space<vmem>>, vector<1x16xf32>,
        %swap3A_827 = vector.shape_cast %swap3A_826 : vector<1x16xf32> to vector<16xf32>
        %swap3A_828 = vector.shape_cast %add3A_823 : vector<16xf32> to vector<1x16xf32>
        tpu.vector_store %arg13[%swap3A_824, %swap3A_825], %swap3A_828 {strides = array<i32>} : memref<8x512xf32, #tpu.memory_space<vmem>>, vector<1x16xf32>,
        %get3A_829 = arith.index_cast %scan3A_279 : i32 to index
        %get3A_830 = arith.constant 464 : index
        %get3A_831 = tpu.vector_load %arg10[%get3A_829, %get3A_830] {strides = array<i32>} : memref<8x512xf32, #tpu.memory_space<vmem>>, vector<1x16xf32>,
        %get3A_832 = vector.shape_cast %get3A_831 : vector<1x16xf32> to vector<16xf32>
        %get3A_833 = arith.index_cast %scan3A_279 : i32 to index
        %get3A_834 = arith.constant 464 : index
        %get3A_835 = tpu.vector_load %arg11[%get3A_833, %get3A_834] {strides = array<i32>} : memref<8x512xf32, #tpu.memory_space<vmem>>, vector<1x16xf32>,
        %get3A_836 = vector.shape_cast %get3A_835 : vector<1x16xf32> to vector<16xf32>
        %add3A_837 = arith.addf %get3A_832, %get3A_836 : vector<16xf32>
        %get3A_838 = arith.index_cast %scan3A_279 : i32 to index
        %get3A_839 = arith.constant 464 : index
        %get3A_840 = tpu.vector_load %arg12[%get3A_838, %get3A_839] {strides = array<i32>} : memref<8x512xf32, #tpu.memory_space<vmem>>, vector<1x16xf32>,
        %get3A_841 = vector.shape_cast %get3A_840 : vector<1x16xf32> to vector<16xf32>
        %add3A_842 = arith.addf %add3A_837, %get3A_841 : vector<16xf32>
        %swap3A_843 = arith.index_cast %scan3A_279 : i32 to index
        %swap3A_844 = arith.constant 464 : index
        %swap3A_845 = tpu.vector_load %arg13[%swap3A_843, %swap3A_844] {strides = array<i32>} : memref<8x512xf32, #tpu.memory_space<vmem>>, vector<1x16xf32>,
        %swap3A_846 = vector.shape_cast %swap3A_845 : vector<1x16xf32> to vector<16xf32>
        %swap3A_847 = vector.shape_cast %add3A_842 : vector<16xf32> to vector<1x16xf32>
        tpu.vector_store %arg13[%swap3A_843, %swap3A_844], %swap3A_847 {strides = array<i32>} : memref<8x512xf32, #tpu.memory_space<vmem>>, vector<1x16xf32>,
        %get3A_848 = arith.index_cast %scan3A_279 : i32 to index
        %get3A_849 = arith.constant 480 : index
        %get3A_850 = tpu.vector_load %arg10[%get3A_848, %get3A_849] {strides = array<i32>} : memref<8x512xf32, #tpu.memory_space<vmem>>, vector<1x16xf32>,
        %get3A_851 = vector.shape_cast %get3A_850 : vector<1x16xf32> to vector<16xf32>
        %get3A_852 = arith.index_cast %scan3A_279 : i32 to index
        %get3A_853 = arith.constant 480 : index
        %get3A_854 = tpu.vector_load %arg11[%get3A_852, %get3A_853] {strides = array<i32>} : memref<8x512xf32, #tpu.memory_space<vmem>>, vector<1x16xf32>,
        %get3A_855 = vector.shape_cast %get3A_854 : vector<1x16xf32> to vector<16xf32>
        %add3A_856 = arith.addf %get3A_851, %get3A_855 : vector<16xf32>
        %get3A_857 = arith.index_cast %scan3A_279 : i32 to index
        %get3A_858 = arith.constant 480 : index
        %get3A_859 = tpu.vector_load %arg12[%get3A_857, %get3A_858] {strides = array<i32>} : memref<8x512xf32, #tpu.memory_space<vmem>>, vector<1x16xf32>,
        %get3A_860 = vector.shape_cast %get3A_859 : vector<1x16xf32> to vector<16xf32>
        %add3A_861 = arith.addf %add3A_856, %get3A_860 : vector<16xf32>
        %swap3A_862 = arith.index_cast %scan3A_279 : i32 to index
        %swap3A_863 = arith.constant 480 : index
        %swap3A_864 = tpu.vector_load %arg13[%swap3A_862, %swap3A_863] {strides = array<i32>} : memref<8x512xf32, #tpu.memory_space<vmem>>, vector<1x16xf32>,
        %swap3A_865 = vector.shape_cast %swap3A_864 : vector<1x16xf32> to vector<16xf32>
        %swap3A_866 = vector.shape_cast %add3A_861 : vector<16xf32> to vector<1x16xf32>
        tpu.vector_store %arg13[%swap3A_862, %swap3A_863], %swap3A_866 {strides = array<i32>} : memref<8x512xf32, #tpu.memory_space<vmem>>, vector<1x16xf32>,
        %get3A_867 = arith.index_cast %scan3A_279 : i32 to index
        %get3A_868 = arith.constant 496 : index
        %get3A_869 = tpu.vector_load %arg10[%get3A_867, %get3A_868] {strides = array<i32>} : memref<8x512xf32, #tpu.memory_space<vmem>>, vector<1x16xf32>,
        %get3A_870 = vector.shape_cast %get3A_869 : vector<1x16xf32> to vector<16xf32>
        %get3A_871 = arith.index_cast %scan3A_279 : i32 to index
        %get3A_872 = arith.constant 496 : index
        %get3A_873 = tpu.vector_load %arg11[%get3A_871, %get3A_872] {strides = array<i32>} : memref<8x512xf32, #tpu.memory_space<vmem>>, vector<1x16xf32>,
        %get3A_874 = vector.shape_cast %get3A_873 : vector<1x16xf32> to vector<16xf32>
        %add3A_875 = arith.addf %get3A_870, %get3A_874 : vector<16xf32>
        %get3A_876 = arith.index_cast %scan3A_279 : i32 to index
        %get3A_877 = arith.constant 496 : index
        %get3A_878 = tpu.vector_load %arg12[%get3A_876, %get3A_877] {strides = array<i32>} : memref<8x512xf32, #tpu.memory_space<vmem>>, vector<1x16xf32>,
        %get3A_879 = vector.shape_cast %get3A_878 : vector<1x16xf32> to vector<16xf32>
        %add3A_880 = arith.addf %add3A_875, %get3A_879 : vector<16xf32>
        %swap3A_881 = arith.index_cast %scan3A_279 : i32 to index
        %swap3A_882 = arith.constant 496 : index
        %swap3A_883 = tpu.vector_load %arg13[%swap3A_881, %swap3A_882] {strides = array<i32>} : memref<8x512xf32, #tpu.memory_space<vmem>>, vector<1x16xf32>,
        %swap3A_884 = vector.shape_cast %swap3A_883 : vector<1x16xf32> to vector<16xf32>
        %swap3A_885 = vector.shape_cast %add3A_880 : vector<16xf32> to vector<1x16xf32>
        tpu.vector_store %arg13[%swap3A_881, %swap3A_882], %swap3A_885 {strides = array<i32>} : memref<8x512xf32, #tpu.memory_space<vmem>>, vector<1x16xf32>,
      }
      %scan3A_124 = arith.constant 8 : i32
      %mul3A_125 = arith.constant 8 : i32
      %mul3A_126 = arith.muli %add3A_98, %mul3A_125 : i32
      %add3A_127 = arith.addi %mul3A_2, %mul3A_126 : i32
      %dma_start3A_128 = arith.constant 0 : i32
      %dma_start3A_129 = tpu.memref_slice %arg7[%add3A_127, %dma_start3A_128] : memref<16384x512xf32, #tpu.memory_space<hbm>> -> memref<8x512xf32, #tpu.memory_space<hbm>>
      %dma_start3A_130 = arith.constant 0 : i32
      %dma_start3A_131 = tpu.memref_slice %arg7[%add3A_127, %dma_start3A_130] : memref<16384x512xf32, #tpu.memory_space<hbm>> -> memref<8x512xf32, #tpu.memory_space<hbm>>
      tpu.enqueue_dma source(%arg13 : memref<8x512xf32, #tpu.memory_space<vmem>>) target(%dma_start3A_131 : memref<8x512xf32, #tpu.memory_space<hbm>>) target_semaphore(%arg30 : memref<!tpu.dma_semaphore, #tpu.memory_space<semaphore_mem>>)
      %add3A_132 = arith.constant 4 : i32
      %add3A_133 = arith.addi %add3A_98, %add3A_132 : i32
      %lt3A = arith.constant 64 : i32
      %lt3A_134 = arith.cmpi slt, %add3A_133, %lt3A : i32
      %convert_element_type3A_135 = arith.extui %lt3A_134 : i1 to i32
      %cond3A_136 = arith.constant 0 : i32
      %cond3A_137 = arith.cmpi ne, %convert_element_type3A_135, %cond3A_136 : i32
      scf.if %cond3A_137 {
        %add3A_279 = arith.constant 4 : i32
        %add3A_280 = arith.addi %add3A_98, %add3A_279 : i32
        %mul3A_281 = arith.constant 8 : i32
        %mul3A_282 = arith.muli %add3A_280, %mul3A_281 : i32
        %add3A_283 = arith.addi %mul3A_2, %mul3A_282 : i32
        %dma_start3A_284 = arith.constant 0 : i32
        %dma_start3A_285 = tpu.memref_slice %arg2[%add3A_283, %dma_start3A_284] : memref<16384x512xf32, #tpu.memory_space<hbm>> -> memref<8x512xf32, #tpu.memory_space<hbm>>
        %dma_start3A_286 = arith.constant 0 : i32
        %dma_start3A_287 = tpu.memref_slice %arg2[%add3A_283, %dma_start3A_286] : memref<16384x512xf32, #tpu.memory_space<hbm>> -> memref<8x512xf32, #tpu.memory_space<hbm>>
        tpu.enqueue_dma source(%dma_start3A_287 : memref<8x512xf32, #tpu.memory_space<hbm>>) target(%arg10 : memref<8x512xf32, #tpu.memory_space<vmem>>) target_semaphore(%arg26 : memref<!tpu.dma_semaphore, #tpu.memory_space<semaphore_mem>>)
        %dma_start3A_288 = tpu.memref_slice %arg8[%mul3A_282] : memref<512xi32, #tpu.memory_space<vmem>> -> memref<8xi32, #tpu.memory_space<vmem>>
        %dma_start3A_289 = arith.constant 0 : i32
        %dma_start3A_290 = arith.constant 0 : i32
        %dma_start3A_291 = tpu.memref_slice %arg5[%dma_start3A_289, %dma_start3A_290] : memref<100000x512xf32, #tpu.memory_space<hbm>> -> memref<100000x512xf32, #tpu.memory_space<hbm>>
        tpu.enqueue_indirect_dma source(%dma_start3A_291 : memref<100000x512xf32, #tpu.memory_space<hbm>>) target(%arg11 : memref<8x512xf32, #tpu.memory_space<vmem>>) offsets(%dma_start3A_288 : memref<8xi32, #tpu.memory_space<vmem>>) semaphore(%arg26 : memref<!tpu.dma_semaphore, #tpu.memory_space<semaphore_mem>>)
        %dma_start3A_292 = tpu.memref_slice %arg9[%mul3A_282] : memref<512xi32, #tpu.memory_space<vmem>> -> memref<8xi32, #tpu.memory_space<vmem>>
        %dma_start3A_293 = arith.constant 0 : i32
        %dma_start3A_294 = arith.constant 0 : i32
        %dma_start3A_295 = tpu.memref_slice %arg6[%dma_start3A_293, %dma_start3A_294] : memref<1000x512xf32, #tpu.memory_space<hbm>> -> memref<1000x512xf32, #tpu.memory_space<hbm>>
        tpu.enqueue_indirect_dma source(%dma_start3A_295 : memref<1000x512xf32, #tpu.memory_space<hbm>>) target(%arg12 : memref<8x512xf32, #tpu.memory_space<vmem>>) offsets(%dma_start3A_292 : memref<8xi32, #tpu.memory_space<vmem>>) semaphore(%arg26 : memref<!tpu.dma_semaphore, #tpu.memory_space<semaphore_mem>>)
      } else {
      }
      %mul3A_138 = arith.constant 4 : i32
      %mul3A_139 = arith.muli %scan3A_94, %mul3A_138 : i32
      %add3A_140 = arith.constant 1 : i32
      %add3A_141 = arith.addi %mul3A_139, %add3A_140 : i32
      %dma_wait3A_142 = arith.constant 0 : i32
      %dma_wait3A_143 = arith.constant 0 : i32
      %dma_wait3A_144 = tpu.memref_slice %arg2[%dma_wait3A_142, %dma_wait3A_143] : memref<16384x512xf32, #tpu.memory_space<hbm>> -> memref<8x512xf32, #tpu.memory_space<hbm>>
      %dma_wait3A_145 = arith.constant 0 : i32
      %dma_wait3A_146 = arith.constant 0 : i32
      %dma_wait3A_147 = tpu.memref_slice %arg2[%dma_wait3A_145, %dma_wait3A_146] : memref<16384x512xf32, #tpu.memory_space<hbm>> -> memref<8x512xf32, #tpu.memory_space<hbm>>
      tpu.wait_dma2 semaphore(%arg27 : memref<!tpu.dma_semaphore, #tpu.memory_space<semaphore_mem>>) src(%dma_wait3A_147 : memref<8x512xf32, #tpu.memory_space<hbm>>) dst(%arg14 : memref<8x512xf32, #tpu.memory_space<vmem>>)
      %dma_wait3A_148 = arith.constant 0 : i32
      %dma_wait3A_149 = arith.constant 0 : i32
      %dma_wait3A_150 = tpu.memref_slice %arg2[%dma_wait3A_148, %dma_wait3A_149] : memref<16384x512xf32, #tpu.memory_space<hbm>> -> memref<8x512xf32, #tpu.memory_space<hbm>>
      %dma_wait3A_151 = arith.constant 0 : i32
      %dma_wait3A_152 = arith.constant 0 : i32
      %dma_wait3A_153 = tpu.memref_slice %arg2[%dma_wait3A_151, %dma_wait3A_152] : memref<16384x512xf32, #tpu.memory_space<hbm>> -> memref<8x512xf32, #tpu.memory_space<hbm>>
      tpu.wait_dma2 semaphore(%arg27 : memref<!tpu.dma_semaphore, #tpu.memory_space<semaphore_mem>>) src(%dma_wait3A_153 : memref<8x512xf32, #tpu.memory_space<hbm>>) dst(%arg15 : memref<8x512xf32, #tpu.memory_space<vmem>>)
      %dma_wait3A_154 = arith.constant 0 : i32
      %dma_wait3A_155 = arith.constant 0 : i32
      %dma_wait3A_156 = tpu.memref_slice %arg2[%dma_wait3A_154, %dma_wait3A_155] : memref<16384x512xf32, #tpu.memory_space<hbm>> -> memref<8x512xf32, #tpu.memory_space<hbm>>
      %dma_wait3A_157 = arith.constant 0 : i32
      %dma_wait3A_158 = arith.constant 0 : i32
      %dma_wait3A_159 = tpu.memref_slice %arg2[%dma_wait3A_157, %dma_wait3A_158] : memref<16384x512xf32, #tpu.memory_space<hbm>> -> memref<8x512xf32, #tpu.memory_space<hbm>>
      tpu.wait_dma2 semaphore(%arg27 : memref<!tpu.dma_semaphore, #tpu.memory_space<semaphore_mem>>) src(%dma_wait3A_159 : memref<8x512xf32, #tpu.memory_space<hbm>>) dst(%arg16 : memref<8x512xf32, #tpu.memory_space<vmem>>)
      %ge3A_160 = arith.constant 4 : i32
      %ge3A_161 = arith.cmpi sge, %add3A_141, %ge3A_160 : i32
      %convert_element_type3A_162 = arith.extui %ge3A_161 : i1 to i32
      %cond3A_163 = arith.constant 0 : i32
      %cond3A_164 = arith.cmpi ne, %convert_element_type3A_162, %cond3A_163 : i32
      scf.if %cond3A_164 {
        %dma_wait3A_279 = arith.constant 0 : i32
        %dma_wait3A_280 = arith.constant 0 : i32
        %dma_wait3A_281 = tpu.memref_slice %arg7[%dma_wait3A_279, %dma_wait3A_280] : memref<16384x512xf32, #tpu.memory_space<hbm>> -> memref<8x512xf32, #tpu.memory_space<hbm>>
        %dma_wait3A_282 = arith.constant 0 : i32
        %dma_wait3A_283 = arith.constant 0 : i32
        %dma_wait3A_284 = tpu.memref_slice %arg7[%dma_wait3A_282, %dma_wait3A_283] : memref<16384x512xf32, #tpu.memory_space<hbm>> -> memref<8x512xf32, #tpu.memory_space<hbm>>
        tpu.wait_dma2 semaphore(%arg31 : memref<!tpu.dma_semaphore, #tpu.memory_space<semaphore_mem>>) src(%arg17 : memref<8x512xf32, #tpu.memory_space<vmem>>) dst(%dma_wait3A_284 : memref<8x512xf32, #tpu.memory_space<hbm>>)
      } else {
      }
      %scan3A_165 = arith.constant 0 : i32
      %scan3A_166 = arith.constant 0 : i32
      %scan3A_167 = arith.constant 8 : i32
      %scan3A_168 = arith.addi %scan3A_166, %scan3A_167 : i32
      %scan3A_169 = arith.constant 1 : i32
      scf.for %scan3A_279 = %scan3A_166 to %scan3A_168 step %scan3A_169  : i32 {
        %get3A = arith.index_cast %scan3A_279 : i32 to index
        %get3A_280 = arith.constant 0 : index
        %get3A_281 = tpu.vector_load %arg14[%get3A, %get3A_280] {strides = array<i32>} : memref<8x512xf32, #tpu.memory_space<vmem>>, vector<1x16xf32>,
        %get3A_282 = vector.shape_cast %get3A_281 : vector<1x16xf32> to vector<16xf32>
        %get3A_283 = arith.index_cast %scan3A_279 : i32 to index
        %get3A_284 = arith.constant 0 : index
        %get3A_285 = tpu.vector_load %arg15[%get3A_283, %get3A_284] {strides = array<i32>} : memref<8x512xf32, #tpu.memory_space<vmem>>, vector<1x16xf32>,
        %get3A_286 = vector.shape_cast %get3A_285 : vector<1x16xf32> to vector<16xf32>
        %add3A_287 = arith.addf %get3A_282, %get3A_286 : vector<16xf32>
        %get3A_288 = arith.index_cast %scan3A_279 : i32 to index
        %get3A_289 = arith.constant 0 : index
        %get3A_290 = tpu.vector_load %arg16[%get3A_288, %get3A_289] {strides = array<i32>} : memref<8x512xf32, #tpu.memory_space<vmem>>, vector<1x16xf32>,
        %get3A_291 = vector.shape_cast %get3A_290 : vector<1x16xf32> to vector<16xf32>
        %add3A_292 = arith.addf %add3A_287, %get3A_291 : vector<16xf32>
        %swap3A = arith.index_cast %scan3A_279 : i32 to index
        %swap3A_293 = arith.constant 0 : index
        %swap3A_294 = tpu.vector_load %arg17[%swap3A, %swap3A_293] {strides = array<i32>} : memref<8x512xf32, #tpu.memory_space<vmem>>, vector<1x16xf32>,
        %swap3A_295 = vector.shape_cast %swap3A_294 : vector<1x16xf32> to vector<16xf32>
        %swap3A_296 = vector.shape_cast %add3A_292 : vector<16xf32> to vector<1x16xf32>
        tpu.vector_store %arg17[%swap3A, %swap3A_293], %swap3A_296 {strides = array<i32>} : memref<8x512xf32, #tpu.memory_space<vmem>>, vector<1x16xf32>,
        %get3A_297 = arith.index_cast %scan3A_279 : i32 to index
        %get3A_298 = arith.constant 16 : index
        %get3A_299 = tpu.vector_load %arg14[%get3A_297, %get3A_298] {strides = array<i32>} : memref<8x512xf32, #tpu.memory_space<vmem>>, vector<1x16xf32>,
        %get3A_300 = vector.shape_cast %get3A_299 : vector<1x16xf32> to vector<16xf32>
        %get3A_301 = arith.index_cast %scan3A_279 : i32 to index
        %get3A_302 = arith.constant 16 : index
        %get3A_303 = tpu.vector_load %arg15[%get3A_301, %get3A_302] {strides = array<i32>} : memref<8x512xf32, #tpu.memory_space<vmem>>, vector<1x16xf32>,
        %get3A_304 = vector.shape_cast %get3A_303 : vector<1x16xf32> to vector<16xf32>
        %add3A_305 = arith.addf %get3A_300, %get3A_304 : vector<16xf32>
        %get3A_306 = arith.index_cast %scan3A_279 : i32 to index
        %get3A_307 = arith.constant 16 : index
        %get3A_308 = tpu.vector_load %arg16[%get3A_306, %get3A_307] {strides = array<i32>} : memref<8x512xf32, #tpu.memory_space<vmem>>, vector<1x16xf32>,
        %get3A_309 = vector.shape_cast %get3A_308 : vector<1x16xf32> to vector<16xf32>
        %add3A_310 = arith.addf %add3A_305, %get3A_309 : vector<16xf32>
        %swap3A_311 = arith.index_cast %scan3A_279 : i32 to index
        %swap3A_312 = arith.constant 16 : index
        %swap3A_313 = tpu.vector_load %arg17[%swap3A_311, %swap3A_312] {strides = array<i32>} : memref<8x512xf32, #tpu.memory_space<vmem>>, vector<1x16xf32>,
        %swap3A_314 = vector.shape_cast %swap3A_313 : vector<1x16xf32> to vector<16xf32>
        %swap3A_315 = vector.shape_cast %add3A_310 : vector<16xf32> to vector<1x16xf32>
        tpu.vector_store %arg17[%swap3A_311, %swap3A_312], %swap3A_315 {strides = array<i32>} : memref<8x512xf32, #tpu.memory_space<vmem>>, vector<1x16xf32>,
        %get3A_316 = arith.index_cast %scan3A_279 : i32 to index
        %get3A_317 = arith.constant 32 : index
        %get3A_318 = tpu.vector_load %arg14[%get3A_316, %get3A_317] {strides = array<i32>} : memref<8x512xf32, #tpu.memory_space<vmem>>, vector<1x16xf32>,
        %get3A_319 = vector.shape_cast %get3A_318 : vector<1x16xf32> to vector<16xf32>
        %get3A_320 = arith.index_cast %scan3A_279 : i32 to index
        %get3A_321 = arith.constant 32 : index
        %get3A_322 = tpu.vector_load %arg15[%get3A_320, %get3A_321] {strides = array<i32>} : memref<8x512xf32, #tpu.memory_space<vmem>>, vector<1x16xf32>,
        %get3A_323 = vector.shape_cast %get3A_322 : vector<1x16xf32> to vector<16xf32>
        %add3A_324 = arith.addf %get3A_319, %get3A_323 : vector<16xf32>
        %get3A_325 = arith.index_cast %scan3A_279 : i32 to index
        %get3A_326 = arith.constant 32 : index
        %get3A_327 = tpu.vector_load %arg16[%get3A_325, %get3A_326] {strides = array<i32>} : memref<8x512xf32, #tpu.memory_space<vmem>>, vector<1x16xf32>,
        %get3A_328 = vector.shape_cast %get3A_327 : vector<1x16xf32> to vector<16xf32>
        %add3A_329 = arith.addf %add3A_324, %get3A_328 : vector<16xf32>
        %swap3A_330 = arith.index_cast %scan3A_279 : i32 to index
        %swap3A_331 = arith.constant 32 : index
        %swap3A_332 = tpu.vector_load %arg17[%swap3A_330, %swap3A_331] {strides = array<i32>} : memref<8x512xf32, #tpu.memory_space<vmem>>, vector<1x16xf32>,
        %swap3A_333 = vector.shape_cast %swap3A_332 : vector<1x16xf32> to vector<16xf32>
        %swap3A_334 = vector.shape_cast %add3A_329 : vector<16xf32> to vector<1x16xf32>
        tpu.vector_store %arg17[%swap3A_330, %swap3A_331], %swap3A_334 {strides = array<i32>} : memref<8x512xf32, #tpu.memory_space<vmem>>, vector<1x16xf32>,
        %get3A_335 = arith.index_cast %scan3A_279 : i32 to index
        %get3A_336 = arith.constant 48 : index
        %get3A_337 = tpu.vector_load %arg14[%get3A_335, %get3A_336] {strides = array<i32>} : memref<8x512xf32, #tpu.memory_space<vmem>>, vector<1x16xf32>,
        %get3A_338 = vector.shape_cast %get3A_337 : vector<1x16xf32> to vector<16xf32>
        %get3A_339 = arith.index_cast %scan3A_279 : i32 to index
        %get3A_340 = arith.constant 48 : index
        %get3A_341 = tpu.vector_load %arg15[%get3A_339, %get3A_340] {strides = array<i32>} : memref<8x512xf32, #tpu.memory_space<vmem>>, vector<1x16xf32>,
        %get3A_342 = vector.shape_cast %get3A_341 : vector<1x16xf32> to vector<16xf32>
        %add3A_343 = arith.addf %get3A_338, %get3A_342 : vector<16xf32>
        %get3A_344 = arith.index_cast %scan3A_279 : i32 to index
        %get3A_345 = arith.constant 48 : index
        %get3A_346 = tpu.vector_load %arg16[%get3A_344, %get3A_345] {strides = array<i32>} : memref<8x512xf32, #tpu.memory_space<vmem>>, vector<1x16xf32>,
        %get3A_347 = vector.shape_cast %get3A_346 : vector<1x16xf32> to vector<16xf32>
        %add3A_348 = arith.addf %add3A_343, %get3A_347 : vector<16xf32>
        %swap3A_349 = arith.index_cast %scan3A_279 : i32 to index
        %swap3A_350 = arith.constant 48 : index
        %swap3A_351 = tpu.vector_load %arg17[%swap3A_349, %swap3A_350] {strides = array<i32>} : memref<8x512xf32, #tpu.memory_space<vmem>>, vector<1x16xf32>,
        %swap3A_352 = vector.shape_cast %swap3A_351 : vector<1x16xf32> to vector<16xf32>
        %swap3A_353 = vector.shape_cast %add3A_348 : vector<16xf32> to vector<1x16xf32>
        tpu.vector_store %arg17[%swap3A_349, %swap3A_350], %swap3A_353 {strides = array<i32>} : memref<8x512xf32, #tpu.memory_space<vmem>>, vector<1x16xf32>,
        %get3A_354 = arith.index_cast %scan3A_279 : i32 to index
        %get3A_355 = arith.constant 64 : index
        %get3A_356 = tpu.vector_load %arg14[%get3A_354, %get3A_355] {strides = array<i32>} : memref<8x512xf32, #tpu.memory_space<vmem>>, vector<1x16xf32>,
        %get3A_357 = vector.shape_cast %get3A_356 : vector<1x16xf32> to vector<16xf32>
        %get3A_358 = arith.index_cast %scan3A_279 : i32 to index
        %get3A_359 = arith.constant 64 : index
        %get3A_360 = tpu.vector_load %arg15[%get3A_358, %get3A_359] {strides = array<i32>} : memref<8x512xf32, #tpu.memory_space<vmem>>, vector<1x16xf32>,
        %get3A_361 = vector.shape_cast %get3A_360 : vector<1x16xf32> to vector<16xf32>
        %add3A_362 = arith.addf %get3A_357, %get3A_361 : vector<16xf32>
        %get3A_363 = arith.index_cast %scan3A_279 : i32 to index
        %get3A_364 = arith.constant 64 : index
        %get3A_365 = tpu.vector_load %arg16[%get3A_363, %get3A_364] {strides = array<i32>} : memref<8x512xf32, #tpu.memory_space<vmem>>, vector<1x16xf32>,
        %get3A_366 = vector.shape_cast %get3A_365 : vector<1x16xf32> to vector<16xf32>
        %add3A_367 = arith.addf %add3A_362, %get3A_366 : vector<16xf32>
        %swap3A_368 = arith.index_cast %scan3A_279 : i32 to index
        %swap3A_369 = arith.constant 64 : index
        %swap3A_370 = tpu.vector_load %arg17[%swap3A_368, %swap3A_369] {strides = array<i32>} : memref<8x512xf32, #tpu.memory_space<vmem>>, vector<1x16xf32>,
        %swap3A_371 = vector.shape_cast %swap3A_370 : vector<1x16xf32> to vector<16xf32>
        %swap3A_372 = vector.shape_cast %add3A_367 : vector<16xf32> to vector<1x16xf32>
        tpu.vector_store %arg17[%swap3A_368, %swap3A_369], %swap3A_372 {strides = array<i32>} : memref<8x512xf32, #tpu.memory_space<vmem>>, vector<1x16xf32>,
        %get3A_373 = arith.index_cast %scan3A_279 : i32 to index
        %get3A_374 = arith.constant 80 : index
        %get3A_375 = tpu.vector_load %arg14[%get3A_373, %get3A_374] {strides = array<i32>} : memref<8x512xf32, #tpu.memory_space<vmem>>, vector<1x16xf32>,
        %get3A_376 = vector.shape_cast %get3A_375 : vector<1x16xf32> to vector<16xf32>
        %get3A_377 = arith.index_cast %scan3A_279 : i32 to index
        %get3A_378 = arith.constant 80 : index
        %get3A_379 = tpu.vector_load %arg15[%get3A_377, %get3A_378] {strides = array<i32>} : memref<8x512xf32, #tpu.memory_space<vmem>>, vector<1x16xf32>,
        %get3A_380 = vector.shape_cast %get3A_379 : vector<1x16xf32> to vector<16xf32>
        %add3A_381 = arith.addf %get3A_376, %get3A_380 : vector<16xf32>
        %get3A_382 = arith.index_cast %scan3A_279 : i32 to index
        %get3A_383 = arith.constant 80 : index
        %get3A_384 = tpu.vector_load %arg16[%get3A_382, %get3A_383] {strides = array<i32>} : memref<8x512xf32, #tpu.memory_space<vmem>>, vector<1x16xf32>,
        %get3A_385 = vector.shape_cast %get3A_384 : vector<1x16xf32> to vector<16xf32>
        %add3A_386 = arith.addf %add3A_381, %get3A_385 : vector<16xf32>
        %swap3A_387 = arith.index_cast %scan3A_279 : i32 to index
        %swap3A_388 = arith.constant 80 : index
        %swap3A_389 = tpu.vector_load %arg17[%swap3A_387, %swap3A_388] {strides = array<i32>} : memref<8x512xf32, #tpu.memory_space<vmem>>, vector<1x16xf32>,
        %swap3A_390 = vector.shape_cast %swap3A_389 : vector<1x16xf32> to vector<16xf32>
        %swap3A_391 = vector.shape_cast %add3A_386 : vector<16xf32> to vector<1x16xf32>
        tpu.vector_store %arg17[%swap3A_387, %swap3A_388], %swap3A_391 {strides = array<i32>} : memref<8x512xf32, #tpu.memory_space<vmem>>, vector<1x16xf32>,
        %get3A_392 = arith.index_cast %scan3A_279 : i32 to index
        %get3A_393 = arith.constant 96 : index
        %get3A_394 = tpu.vector_load %arg14[%get3A_392, %get3A_393] {strides = array<i32>} : memref<8x512xf32, #tpu.memory_space<vmem>>, vector<1x16xf32>,
        %get3A_395 = vector.shape_cast %get3A_394 : vector<1x16xf32> to vector<16xf32>
        %get3A_396 = arith.index_cast %scan3A_279 : i32 to index
        %get3A_397 = arith.constant 96 : index
        %get3A_398 = tpu.vector_load %arg15[%get3A_396, %get3A_397] {strides = array<i32>} : memref<8x512xf32, #tpu.memory_space<vmem>>, vector<1x16xf32>,
        %get3A_399 = vector.shape_cast %get3A_398 : vector<1x16xf32> to vector<16xf32>
        %add3A_400 = arith.addf %get3A_395, %get3A_399 : vector<16xf32>
        %get3A_401 = arith.index_cast %scan3A_279 : i32 to index
        %get3A_402 = arith.constant 96 : index
        %get3A_403 = tpu.vector_load %arg16[%get3A_401, %get3A_402] {strides = array<i32>} : memref<8x512xf32, #tpu.memory_space<vmem>>, vector<1x16xf32>,
        %get3A_404 = vector.shape_cast %get3A_403 : vector<1x16xf32> to vector<16xf32>
        %add3A_405 = arith.addf %add3A_400, %get3A_404 : vector<16xf32>
        %swap3A_406 = arith.index_cast %scan3A_279 : i32 to index
        %swap3A_407 = arith.constant 96 : index
        %swap3A_408 = tpu.vector_load %arg17[%swap3A_406, %swap3A_407] {strides = array<i32>} : memref<8x512xf32, #tpu.memory_space<vmem>>, vector<1x16xf32>,
        %swap3A_409 = vector.shape_cast %swap3A_408 : vector<1x16xf32> to vector<16xf32>
        %swap3A_410 = vector.shape_cast %add3A_405 : vector<16xf32> to vector<1x16xf32>
        tpu.vector_store %arg17[%swap3A_406, %swap3A_407], %swap3A_410 {strides = array<i32>} : memref<8x512xf32, #tpu.memory_space<vmem>>, vector<1x16xf32>,
        %get3A_411 = arith.index_cast %scan3A_279 : i32 to index
        %get3A_412 = arith.constant 112 : index
        %get3A_413 = tpu.vector_load %arg14[%get3A_411, %get3A_412] {strides = array<i32>} : memref<8x512xf32, #tpu.memory_space<vmem>>, vector<1x16xf32>,
        %get3A_414 = vector.shape_cast %get3A_413 : vector<1x16xf32> to vector<16xf32>
        %get3A_415 = arith.index_cast %scan3A_279 : i32 to index
        %get3A_416 = arith.constant 112 : index
        %get3A_417 = tpu.vector_load %arg15[%get3A_415, %get3A_416] {strides = array<i32>} : memref<8x512xf32, #tpu.memory_space<vmem>>, vector<1x16xf32>,
        %get3A_418 = vector.shape_cast %get3A_417 : vector<1x16xf32> to vector<16xf32>
        %add3A_419 = arith.addf %get3A_414, %get3A_418 : vector<16xf32>
        %get3A_420 = arith.index_cast %scan3A_279 : i32 to index
        %get3A_421 = arith.constant 112 : index
        %get3A_422 = tpu.vector_load %arg16[%get3A_420, %get3A_421] {strides = array<i32>} : memref<8x512xf32, #tpu.memory_space<vmem>>, vector<1x16xf32>,
        %get3A_423 = vector.shape_cast %get3A_422 : vector<1x16xf32> to vector<16xf32>
        %add3A_424 = arith.addf %add3A_419, %get3A_423 : vector<16xf32>
        %swap3A_425 = arith.index_cast %scan3A_279 : i32 to index
        %swap3A_426 = arith.constant 112 : index
        %swap3A_427 = tpu.vector_load %arg17[%swap3A_425, %swap3A_426] {strides = array<i32>} : memref<8x512xf32, #tpu.memory_space<vmem>>, vector<1x16xf32>,
        %swap3A_428 = vector.shape_cast %swap3A_427 : vector<1x16xf32> to vector<16xf32>
        %swap3A_429 = vector.shape_cast %add3A_424 : vector<16xf32> to vector<1x16xf32>
        tpu.vector_store %arg17[%swap3A_425, %swap3A_426], %swap3A_429 {strides = array<i32>} : memref<8x512xf32, #tpu.memory_space<vmem>>, vector<1x16xf32>,
        %get3A_430 = arith.index_cast %scan3A_279 : i32 to index
        %get3A_431 = arith.constant 128 : index
        %get3A_432 = tpu.vector_load %arg14[%get3A_430, %get3A_431] {strides = array<i32>} : memref<8x512xf32, #tpu.memory_space<vmem>>, vector<1x16xf32>,
        %get3A_433 = vector.shape_cast %get3A_432 : vector<1x16xf32> to vector<16xf32>
        %get3A_434 = arith.index_cast %scan3A_279 : i32 to index
        %get3A_435 = arith.constant 128 : index
        %get3A_436 = tpu.vector_load %arg15[%get3A_434, %get3A_435] {strides = array<i32>} : memref<8x512xf32, #tpu.memory_space<vmem>>, vector<1x16xf32>,
        %get3A_437 = vector.shape_cast %get3A_436 : vector<1x16xf32> to vector<16xf32>
        %add3A_438 = arith.addf %get3A_433, %get3A_437 : vector<16xf32>
        %get3A_439 = arith.index_cast %scan3A_279 : i32 to index
        %get3A_440 = arith.constant 128 : index
        %get3A_441 = tpu.vector_load %arg16[%get3A_439, %get3A_440] {strides = array<i32>} : memref<8x512xf32, #tpu.memory_space<vmem>>, vector<1x16xf32>,
        %get3A_442 = vector.shape_cast %get3A_441 : vector<1x16xf32> to vector<16xf32>
        %add3A_443 = arith.addf %add3A_438, %get3A_442 : vector<16xf32>
        %swap3A_444 = arith.index_cast %scan3A_279 : i32 to index
        %swap3A_445 = arith.constant 128 : index
        %swap3A_446 = tpu.vector_load %arg17[%swap3A_444, %swap3A_445] {strides = array<i32>} : memref<8x512xf32, #tpu.memory_space<vmem>>, vector<1x16xf32>,
        %swap3A_447 = vector.shape_cast %swap3A_446 : vector<1x16xf32> to vector<16xf32>
        %swap3A_448 = vector.shape_cast %add3A_443 : vector<16xf32> to vector<1x16xf32>
        tpu.vector_store %arg17[%swap3A_444, %swap3A_445], %swap3A_448 {strides = array<i32>} : memref<8x512xf32, #tpu.memory_space<vmem>>, vector<1x16xf32>,
        %get3A_449 = arith.index_cast %scan3A_279 : i32 to index
        %get3A_450 = arith.constant 144 : index
        %get3A_451 = tpu.vector_load %arg14[%get3A_449, %get3A_450] {strides = array<i32>} : memref<8x512xf32, #tpu.memory_space<vmem>>, vector<1x16xf32>,
        %get3A_452 = vector.shape_cast %get3A_451 : vector<1x16xf32> to vector<16xf32>
        %get3A_453 = arith.index_cast %scan3A_279 : i32 to index
        %get3A_454 = arith.constant 144 : index
        %get3A_455 = tpu.vector_load %arg15[%get3A_453, %get3A_454] {strides = array<i32>} : memref<8x512xf32, #tpu.memory_space<vmem>>, vector<1x16xf32>,
        %get3A_456 = vector.shape_cast %get3A_455 : vector<1x16xf32> to vector<16xf32>
        %add3A_457 = arith.addf %get3A_452, %get3A_456 : vector<16xf32>
        %get3A_458 = arith.index_cast %scan3A_279 : i32 to index
        %get3A_459 = arith.constant 144 : index
        %get3A_460 = tpu.vector_load %arg16[%get3A_458, %get3A_459] {strides = array<i32>} : memref<8x512xf32, #tpu.memory_space<vmem>>, vector<1x16xf32>,
        %get3A_461 = vector.shape_cast %get3A_460 : vector<1x16xf32> to vector<16xf32>
        %add3A_462 = arith.addf %add3A_457, %get3A_461 : vector<16xf32>
        %swap3A_463 = arith.index_cast %scan3A_279 : i32 to index
        %swap3A_464 = arith.constant 144 : index
        %swap3A_465 = tpu.vector_load %arg17[%swap3A_463, %swap3A_464] {strides = array<i32>} : memref<8x512xf32, #tpu.memory_space<vmem>>, vector<1x16xf32>,
        %swap3A_466 = vector.shape_cast %swap3A_465 : vector<1x16xf32> to vector<16xf32>
        %swap3A_467 = vector.shape_cast %add3A_462 : vector<16xf32> to vector<1x16xf32>
        tpu.vector_store %arg17[%swap3A_463, %swap3A_464], %swap3A_467 {strides = array<i32>} : memref<8x512xf32, #tpu.memory_space<vmem>>, vector<1x16xf32>,
        %get3A_468 = arith.index_cast %scan3A_279 : i32 to index
        %get3A_469 = arith.constant 160 : index
        %get3A_470 = tpu.vector_load %arg14[%get3A_468, %get3A_469] {strides = array<i32>} : memref<8x512xf32, #tpu.memory_space<vmem>>, vector<1x16xf32>,
        %get3A_471 = vector.shape_cast %get3A_470 : vector<1x16xf32> to vector<16xf32>
        %get3A_472 = arith.index_cast %scan3A_279 : i32 to index
        %get3A_473 = arith.constant 160 : index
        %get3A_474 = tpu.vector_load %arg15[%get3A_472, %get3A_473] {strides = array<i32>} : memref<8x512xf32, #tpu.memory_space<vmem>>, vector<1x16xf32>,
        %get3A_475 = vector.shape_cast %get3A_474 : vector<1x16xf32> to vector<16xf32>
        %add3A_476 = arith.addf %get3A_471, %get3A_475 : vector<16xf32>
        %get3A_477 = arith.index_cast %scan3A_279 : i32 to index
        %get3A_478 = arith.constant 160 : index
        %get3A_479 = tpu.vector_load %arg16[%get3A_477, %get3A_478] {strides = array<i32>} : memref<8x512xf32, #tpu.memory_space<vmem>>, vector<1x16xf32>,
        %get3A_480 = vector.shape_cast %get3A_479 : vector<1x16xf32> to vector<16xf32>
        %add3A_481 = arith.addf %add3A_476, %get3A_480 : vector<16xf32>
        %swap3A_482 = arith.index_cast %scan3A_279 : i32 to index
        %swap3A_483 = arith.constant 160 : index
        %swap3A_484 = tpu.vector_load %arg17[%swap3A_482, %swap3A_483] {strides = array<i32>} : memref<8x512xf32, #tpu.memory_space<vmem>>, vector<1x16xf32>,
        %swap3A_485 = vector.shape_cast %swap3A_484 : vector<1x16xf32> to vector<16xf32>
        %swap3A_486 = vector.shape_cast %add3A_481 : vector<16xf32> to vector<1x16xf32>
        tpu.vector_store %arg17[%swap3A_482, %swap3A_483], %swap3A_486 {strides = array<i32>} : memref<8x512xf32, #tpu.memory_space<vmem>>, vector<1x16xf32>,
        %get3A_487 = arith.index_cast %scan3A_279 : i32 to index
        %get3A_488 = arith.constant 176 : index
        %get3A_489 = tpu.vector_load %arg14[%get3A_487, %get3A_488] {strides = array<i32>} : memref<8x512xf32, #tpu.memory_space<vmem>>, vector<1x16xf32>,
        %get3A_490 = vector.shape_cast %get3A_489 : vector<1x16xf32> to vector<16xf32>
        %get3A_491 = arith.index_cast %scan3A_279 : i32 to index
        %get3A_492 = arith.constant 176 : index
        %get3A_493 = tpu.vector_load %arg15[%get3A_491, %get3A_492] {strides = array<i32>} : memref<8x512xf32, #tpu.memory_space<vmem>>, vector<1x16xf32>,
        %get3A_494 = vector.shape_cast %get3A_493 : vector<1x16xf32> to vector<16xf32>
        %add3A_495 = arith.addf %get3A_490, %get3A_494 : vector<16xf32>
        %get3A_496 = arith.index_cast %scan3A_279 : i32 to index
        %get3A_497 = arith.constant 176 : index
        %get3A_498 = tpu.vector_load %arg16[%get3A_496, %get3A_497] {strides = array<i32>} : memref<8x512xf32, #tpu.memory_space<vmem>>, vector<1x16xf32>,
        %get3A_499 = vector.shape_cast %get3A_498 : vector<1x16xf32> to vector<16xf32>
        %add3A_500 = arith.addf %add3A_495, %get3A_499 : vector<16xf32>
        %swap3A_501 = arith.index_cast %scan3A_279 : i32 to index
        %swap3A_502 = arith.constant 176 : index
        %swap3A_503 = tpu.vector_load %arg17[%swap3A_501, %swap3A_502] {strides = array<i32>} : memref<8x512xf32, #tpu.memory_space<vmem>>, vector<1x16xf32>,
        %swap3A_504 = vector.shape_cast %swap3A_503 : vector<1x16xf32> to vector<16xf32>
        %swap3A_505 = vector.shape_cast %add3A_500 : vector<16xf32> to vector<1x16xf32>
        tpu.vector_store %arg17[%swap3A_501, %swap3A_502], %swap3A_505 {strides = array<i32>} : memref<8x512xf32, #tpu.memory_space<vmem>>, vector<1x16xf32>,
        %get3A_506 = arith.index_cast %scan3A_279 : i32 to index
        %get3A_507 = arith.constant 192 : index
        %get3A_508 = tpu.vector_load %arg14[%get3A_506, %get3A_507] {strides = array<i32>} : memref<8x512xf32, #tpu.memory_space<vmem>>, vector<1x16xf32>,
        %get3A_509 = vector.shape_cast %get3A_508 : vector<1x16xf32> to vector<16xf32>
        %get3A_510 = arith.index_cast %scan3A_279 : i32 to index
        %get3A_511 = arith.constant 192 : index
        %get3A_512 = tpu.vector_load %arg15[%get3A_510, %get3A_511] {strides = array<i32>} : memref<8x512xf32, #tpu.memory_space<vmem>>, vector<1x16xf32>,
        %get3A_513 = vector.shape_cast %get3A_512 : vector<1x16xf32> to vector<16xf32>
        %add3A_514 = arith.addf %get3A_509, %get3A_513 : vector<16xf32>
        %get3A_515 = arith.index_cast %scan3A_279 : i32 to index
        %get3A_516 = arith.constant 192 : index
        %get3A_517 = tpu.vector_load %arg16[%get3A_515, %get3A_516] {strides = array<i32>} : memref<8x512xf32, #tpu.memory_space<vmem>>, vector<1x16xf32>,
        %get3A_518 = vector.shape_cast %get3A_517 : vector<1x16xf32> to vector<16xf32>
        %add3A_519 = arith.addf %add3A_514, %get3A_518 : vector<16xf32>
        %swap3A_520 = arith.index_cast %scan3A_279 : i32 to index
        %swap3A_521 = arith.constant 192 : index
        %swap3A_522 = tpu.vector_load %arg17[%swap3A_520, %swap3A_521] {strides = array<i32>} : memref<8x512xf32, #tpu.memory_space<vmem>>, vector<1x16xf32>,
        %swap3A_523 = vector.shape_cast %swap3A_522 : vector<1x16xf32> to vector<16xf32>
        %swap3A_524 = vector.shape_cast %add3A_519 : vector<16xf32> to vector<1x16xf32>
        tpu.vector_store %arg17[%swap3A_520, %swap3A_521], %swap3A_524 {strides = array<i32>} : memref<8x512xf32, #tpu.memory_space<vmem>>, vector<1x16xf32>,
        %get3A_525 = arith.index_cast %scan3A_279 : i32 to index
        %get3A_526 = arith.constant 208 : index
        %get3A_527 = tpu.vector_load %arg14[%get3A_525, %get3A_526] {strides = array<i32>} : memref<8x512xf32, #tpu.memory_space<vmem>>, vector<1x16xf32>,
        %get3A_528 = vector.shape_cast %get3A_527 : vector<1x16xf32> to vector<16xf32>
        %get3A_529 = arith.index_cast %scan3A_279 : i32 to index
        %get3A_530 = arith.constant 208 : index
        %get3A_531 = tpu.vector_load %arg15[%get3A_529, %get3A_530] {strides = array<i32>} : memref<8x512xf32, #tpu.memory_space<vmem>>, vector<1x16xf32>,
        %get3A_532 = vector.shape_cast %get3A_531 : vector<1x16xf32> to vector<16xf32>
        %add3A_533 = arith.addf %get3A_528, %get3A_532 : vector<16xf32>
        %get3A_534 = arith.index_cast %scan3A_279 : i32 to index
        %get3A_535 = arith.constant 208 : index
        %get3A_536 = tpu.vector_load %arg16[%get3A_534, %get3A_535] {strides = array<i32>} : memref<8x512xf32, #tpu.memory_space<vmem>>, vector<1x16xf32>,
        %get3A_537 = vector.shape_cast %get3A_536 : vector<1x16xf32> to vector<16xf32>
        %add3A_538 = arith.addf %add3A_533, %get3A_537 : vector<16xf32>
        %swap3A_539 = arith.index_cast %scan3A_279 : i32 to index
        %swap3A_540 = arith.constant 208 : index
        %swap3A_541 = tpu.vector_load %arg17[%swap3A_539, %swap3A_540] {strides = array<i32>} : memref<8x512xf32, #tpu.memory_space<vmem>>, vector<1x16xf32>,
        %swap3A_542 = vector.shape_cast %swap3A_541 : vector<1x16xf32> to vector<16xf32>
        %swap3A_543 = vector.shape_cast %add3A_538 : vector<16xf32> to vector<1x16xf32>
        tpu.vector_store %arg17[%swap3A_539, %swap3A_540], %swap3A_543 {strides = array<i32>} : memref<8x512xf32, #tpu.memory_space<vmem>>, vector<1x16xf32>,
        %get3A_544 = arith.index_cast %scan3A_279 : i32 to index
        %get3A_545 = arith.constant 224 : index
        %get3A_546 = tpu.vector_load %arg14[%get3A_544, %get3A_545] {strides = array<i32>} : memref<8x512xf32, #tpu.memory_space<vmem>>, vector<1x16xf32>,
        %get3A_547 = vector.shape_cast %get3A_546 : vector<1x16xf32> to vector<16xf32>
        %get3A_548 = arith.index_cast %scan3A_279 : i32 to index
        %get3A_549 = arith.constant 224 : index
        %get3A_550 = tpu.vector_load %arg15[%get3A_548, %get3A_549] {strides = array<i32>} : memref<8x512xf32, #tpu.memory_space<vmem>>, vector<1x16xf32>,
        %get3A_551 = vector.shape_cast %get3A_550 : vector<1x16xf32> to vector<16xf32>
        %add3A_552 = arith.addf %get3A_547, %get3A_551 : vector<16xf32>
        %get3A_553 = arith.index_cast %scan3A_279 : i32 to index
        %get3A_554 = arith.constant 224 : index
        %get3A_555 = tpu.vector_load %arg16[%get3A_553, %get3A_554] {strides = array<i32>} : memref<8x512xf32, #tpu.memory_space<vmem>>, vector<1x16xf32>,
        %get3A_556 = vector.shape_cast %get3A_555 : vector<1x16xf32> to vector<16xf32>
        %add3A_557 = arith.addf %add3A_552, %get3A_556 : vector<16xf32>
        %swap3A_558 = arith.index_cast %scan3A_279 : i32 to index
        %swap3A_559 = arith.constant 224 : index
        %swap3A_560 = tpu.vector_load %arg17[%swap3A_558, %swap3A_559] {strides = array<i32>} : memref<8x512xf32, #tpu.memory_space<vmem>>, vector<1x16xf32>,
        %swap3A_561 = vector.shape_cast %swap3A_560 : vector<1x16xf32> to vector<16xf32>
        %swap3A_562 = vector.shape_cast %add3A_557 : vector<16xf32> to vector<1x16xf32>
        tpu.vector_store %arg17[%swap3A_558, %swap3A_559], %swap3A_562 {strides = array<i32>} : memref<8x512xf32, #tpu.memory_space<vmem>>, vector<1x16xf32>,
        %get3A_563 = arith.index_cast %scan3A_279 : i32 to index
        %get3A_564 = arith.constant 240 : index
        %get3A_565 = tpu.vector_load %arg14[%get3A_563, %get3A_564] {strides = array<i32>} : memref<8x512xf32, #tpu.memory_space<vmem>>, vector<1x16xf32>,
        %get3A_566 = vector.shape_cast %get3A_565 : vector<1x16xf32> to vector<16xf32>
        %get3A_567 = arith.index_cast %scan3A_279 : i32 to index
        %get3A_568 = arith.constant 240 : index
        %get3A_569 = tpu.vector_load %arg15[%get3A_567, %get3A_568] {strides = array<i32>} : memref<8x512xf32, #tpu.memory_space<vmem>>, vector<1x16xf32>,
        %get3A_570 = vector.shape_cast %get3A_569 : vector<1x16xf32> to vector<16xf32>
        %add3A_571 = arith.addf %get3A_566, %get3A_570 : vector<16xf32>
        %get3A_572 = arith.index_cast %scan3A_279 : i32 to index
        %get3A_573 = arith.constant 240 : index
        %get3A_574 = tpu.vector_load %arg16[%get3A_572, %get3A_573] {strides = array<i32>} : memref<8x512xf32, #tpu.memory_space<vmem>>, vector<1x16xf32>,
        %get3A_575 = vector.shape_cast %get3A_574 : vector<1x16xf32> to vector<16xf32>
        %add3A_576 = arith.addf %add3A_571, %get3A_575 : vector<16xf32>
        %swap3A_577 = arith.index_cast %scan3A_279 : i32 to index
        %swap3A_578 = arith.constant 240 : index
        %swap3A_579 = tpu.vector_load %arg17[%swap3A_577, %swap3A_578] {strides = array<i32>} : memref<8x512xf32, #tpu.memory_space<vmem>>, vector<1x16xf32>,
        %swap3A_580 = vector.shape_cast %swap3A_579 : vector<1x16xf32> to vector<16xf32>
        %swap3A_581 = vector.shape_cast %add3A_576 : vector<16xf32> to vector<1x16xf32>
        tpu.vector_store %arg17[%swap3A_577, %swap3A_578], %swap3A_581 {strides = array<i32>} : memref<8x512xf32, #tpu.memory_space<vmem>>, vector<1x16xf32>,
        %get3A_582 = arith.index_cast %scan3A_279 : i32 to index
        %get3A_583 = arith.constant 256 : index
        %get3A_584 = tpu.vector_load %arg14[%get3A_582, %get3A_583] {strides = array<i32>} : memref<8x512xf32, #tpu.memory_space<vmem>>, vector<1x16xf32>,
        %get3A_585 = vector.shape_cast %get3A_584 : vector<1x16xf32> to vector<16xf32>
        %get3A_586 = arith.index_cast %scan3A_279 : i32 to index
        %get3A_587 = arith.constant 256 : index
        %get3A_588 = tpu.vector_load %arg15[%get3A_586, %get3A_587] {strides = array<i32>} : memref<8x512xf32, #tpu.memory_space<vmem>>, vector<1x16xf32>,
        %get3A_589 = vector.shape_cast %get3A_588 : vector<1x16xf32> to vector<16xf32>
        %add3A_590 = arith.addf %get3A_585, %get3A_589 : vector<16xf32>
        %get3A_591 = arith.index_cast %scan3A_279 : i32 to index
        %get3A_592 = arith.constant 256 : index
        %get3A_593 = tpu.vector_load %arg16[%get3A_591, %get3A_592] {strides = array<i32>} : memref<8x512xf32, #tpu.memory_space<vmem>>, vector<1x16xf32>,
        %get3A_594 = vector.shape_cast %get3A_593 : vector<1x16xf32> to vector<16xf32>
        %add3A_595 = arith.addf %add3A_590, %get3A_594 : vector<16xf32>
        %swap3A_596 = arith.index_cast %scan3A_279 : i32 to index
        %swap3A_597 = arith.constant 256 : index
        %swap3A_598 = tpu.vector_load %arg17[%swap3A_596, %swap3A_597] {strides = array<i32>} : memref<8x512xf32, #tpu.memory_space<vmem>>, vector<1x16xf32>,
        %swap3A_599 = vector.shape_cast %swap3A_598 : vector<1x16xf32> to vector<16xf32>
        %swap3A_600 = vector.shape_cast %add3A_595 : vector<16xf32> to vector<1x16xf32>
        tpu.vector_store %arg17[%swap3A_596, %swap3A_597], %swap3A_600 {strides = array<i32>} : memref<8x512xf32, #tpu.memory_space<vmem>>, vector<1x16xf32>,
        %get3A_601 = arith.index_cast %scan3A_279 : i32 to index
        %get3A_602 = arith.constant 272 : index
        %get3A_603 = tpu.vector_load %arg14[%get3A_601, %get3A_602] {strides = array<i32>} : memref<8x512xf32, #tpu.memory_space<vmem>>, vector<1x16xf32>,
        %get3A_604 = vector.shape_cast %get3A_603 : vector<1x16xf32> to vector<16xf32>
        %get3A_605 = arith.index_cast %scan3A_279 : i32 to index
        %get3A_606 = arith.constant 272 : index
        %get3A_607 = tpu.vector_load %arg15[%get3A_605, %get3A_606] {strides = array<i32>} : memref<8x512xf32, #tpu.memory_space<vmem>>, vector<1x16xf32>,
        %get3A_608 = vector.shape_cast %get3A_607 : vector<1x16xf32> to vector<16xf32>
        %add3A_609 = arith.addf %get3A_604, %get3A_608 : vector<16xf32>
        %get3A_610 = arith.index_cast %scan3A_279 : i32 to index
        %get3A_611 = arith.constant 272 : index
        %get3A_612 = tpu.vector_load %arg16[%get3A_610, %get3A_611] {strides = array<i32>} : memref<8x512xf32, #tpu.memory_space<vmem>>, vector<1x16xf32>,
        %get3A_613 = vector.shape_cast %get3A_612 : vector<1x16xf32> to vector<16xf32>
        %add3A_614 = arith.addf %add3A_609, %get3A_613 : vector<16xf32>
        %swap3A_615 = arith.index_cast %scan3A_279 : i32 to index
        %swap3A_616 = arith.constant 272 : index
        %swap3A_617 = tpu.vector_load %arg17[%swap3A_615, %swap3A_616] {strides = array<i32>} : memref<8x512xf32, #tpu.memory_space<vmem>>, vector<1x16xf32>,
        %swap3A_618 = vector.shape_cast %swap3A_617 : vector<1x16xf32> to vector<16xf32>
        %swap3A_619 = vector.shape_cast %add3A_614 : vector<16xf32> to vector<1x16xf32>
        tpu.vector_store %arg17[%swap3A_615, %swap3A_616], %swap3A_619 {strides = array<i32>} : memref<8x512xf32, #tpu.memory_space<vmem>>, vector<1x16xf32>,
        %get3A_620 = arith.index_cast %scan3A_279 : i32 to index
        %get3A_621 = arith.constant 288 : index
        %get3A_622 = tpu.vector_load %arg14[%get3A_620, %get3A_621] {strides = array<i32>} : memref<8x512xf32, #tpu.memory_space<vmem>>, vector<1x16xf32>,
        %get3A_623 = vector.shape_cast %get3A_622 : vector<1x16xf32> to vector<16xf32>
        %get3A_624 = arith.index_cast %scan3A_279 : i32 to index
        %get3A_625 = arith.constant 288 : index
        %get3A_626 = tpu.vector_load %arg15[%get3A_624, %get3A_625] {strides = array<i32>} : memref<8x512xf32, #tpu.memory_space<vmem>>, vector<1x16xf32>,
        %get3A_627 = vector.shape_cast %get3A_626 : vector<1x16xf32> to vector<16xf32>
        %add3A_628 = arith.addf %get3A_623, %get3A_627 : vector<16xf32>
        %get3A_629 = arith.index_cast %scan3A_279 : i32 to index
        %get3A_630 = arith.constant 288 : index
        %get3A_631 = tpu.vector_load %arg16[%get3A_629, %get3A_630] {strides = array<i32>} : memref<8x512xf32, #tpu.memory_space<vmem>>, vector<1x16xf32>,
        %get3A_632 = vector.shape_cast %get3A_631 : vector<1x16xf32> to vector<16xf32>
        %add3A_633 = arith.addf %add3A_628, %get3A_632 : vector<16xf32>
        %swap3A_634 = arith.index_cast %scan3A_279 : i32 to index
        %swap3A_635 = arith.constant 288 : index
        %swap3A_636 = tpu.vector_load %arg17[%swap3A_634, %swap3A_635] {strides = array<i32>} : memref<8x512xf32, #tpu.memory_space<vmem>>, vector<1x16xf32>,
        %swap3A_637 = vector.shape_cast %swap3A_636 : vector<1x16xf32> to vector<16xf32>
        %swap3A_638 = vector.shape_cast %add3A_633 : vector<16xf32> to vector<1x16xf32>
        tpu.vector_store %arg17[%swap3A_634, %swap3A_635], %swap3A_638 {strides = array<i32>} : memref<8x512xf32, #tpu.memory_space<vmem>>, vector<1x16xf32>,
        %get3A_639 = arith.index_cast %scan3A_279 : i32 to index
        %get3A_640 = arith.constant 304 : index
        %get3A_641 = tpu.vector_load %arg14[%get3A_639, %get3A_640] {strides = array<i32>} : memref<8x512xf32, #tpu.memory_space<vmem>>, vector<1x16xf32>,
        %get3A_642 = vector.shape_cast %get3A_641 : vector<1x16xf32> to vector<16xf32>
        %get3A_643 = arith.index_cast %scan3A_279 : i32 to index
        %get3A_644 = arith.constant 304 : index
        %get3A_645 = tpu.vector_load %arg15[%get3A_643, %get3A_644] {strides = array<i32>} : memref<8x512xf32, #tpu.memory_space<vmem>>, vector<1x16xf32>,
        %get3A_646 = vector.shape_cast %get3A_645 : vector<1x16xf32> to vector<16xf32>
        %add3A_647 = arith.addf %get3A_642, %get3A_646 : vector<16xf32>
        %get3A_648 = arith.index_cast %scan3A_279 : i32 to index
        %get3A_649 = arith.constant 304 : index
        %get3A_650 = tpu.vector_load %arg16[%get3A_648, %get3A_649] {strides = array<i32>} : memref<8x512xf32, #tpu.memory_space<vmem>>, vector<1x16xf32>,
        %get3A_651 = vector.shape_cast %get3A_650 : vector<1x16xf32> to vector<16xf32>
        %add3A_652 = arith.addf %add3A_647, %get3A_651 : vector<16xf32>
        %swap3A_653 = arith.index_cast %scan3A_279 : i32 to index
        %swap3A_654 = arith.constant 304 : index
        %swap3A_655 = tpu.vector_load %arg17[%swap3A_653, %swap3A_654] {strides = array<i32>} : memref<8x512xf32, #tpu.memory_space<vmem>>, vector<1x16xf32>,
        %swap3A_656 = vector.shape_cast %swap3A_655 : vector<1x16xf32> to vector<16xf32>
        %swap3A_657 = vector.shape_cast %add3A_652 : vector<16xf32> to vector<1x16xf32>
        tpu.vector_store %arg17[%swap3A_653, %swap3A_654], %swap3A_657 {strides = array<i32>} : memref<8x512xf32, #tpu.memory_space<vmem>>, vector<1x16xf32>,
        %get3A_658 = arith.index_cast %scan3A_279 : i32 to index
        %get3A_659 = arith.constant 320 : index
        %get3A_660 = tpu.vector_load %arg14[%get3A_658, %get3A_659] {strides = array<i32>} : memref<8x512xf32, #tpu.memory_space<vmem>>, vector<1x16xf32>,
        %get3A_661 = vector.shape_cast %get3A_660 : vector<1x16xf32> to vector<16xf32>
        %get3A_662 = arith.index_cast %scan3A_279 : i32 to index
        %get3A_663 = arith.constant 320 : index
        %get3A_664 = tpu.vector_load %arg15[%get3A_662, %get3A_663] {strides = array<i32>} : memref<8x512xf32, #tpu.memory_space<vmem>>, vector<1x16xf32>,
        %get3A_665 = vector.shape_cast %get3A_664 : vector<1x16xf32> to vector<16xf32>
        %add3A_666 = arith.addf %get3A_661, %get3A_665 : vector<16xf32>
        %get3A_667 = arith.index_cast %scan3A_279 : i32 to index
        %get3A_668 = arith.constant 320 : index
        %get3A_669 = tpu.vector_load %arg16[%get3A_667, %get3A_668] {strides = array<i32>} : memref<8x512xf32, #tpu.memory_space<vmem>>, vector<1x16xf32>,
        %get3A_670 = vector.shape_cast %get3A_669 : vector<1x16xf32> to vector<16xf32>
        %add3A_671 = arith.addf %add3A_666, %get3A_670 : vector<16xf32>
        %swap3A_672 = arith.index_cast %scan3A_279 : i32 to index
        %swap3A_673 = arith.constant 320 : index
        %swap3A_674 = tpu.vector_load %arg17[%swap3A_672, %swap3A_673] {strides = array<i32>} : memref<8x512xf32, #tpu.memory_space<vmem>>, vector<1x16xf32>,
        %swap3A_675 = vector.shape_cast %swap3A_674 : vector<1x16xf32> to vector<16xf32>
        %swap3A_676 = vector.shape_cast %add3A_671 : vector<16xf32> to vector<1x16xf32>
        tpu.vector_store %arg17[%swap3A_672, %swap3A_673], %swap3A_676 {strides = array<i32>} : memref<8x512xf32, #tpu.memory_space<vmem>>, vector<1x16xf32>,
        %get3A_677 = arith.index_cast %scan3A_279 : i32 to index
        %get3A_678 = arith.constant 336 : index
        %get3A_679 = tpu.vector_load %arg14[%get3A_677, %get3A_678] {strides = array<i32>} : memref<8x512xf32, #tpu.memory_space<vmem>>, vector<1x16xf32>,
        %get3A_680 = vector.shape_cast %get3A_679 : vector<1x16xf32> to vector<16xf32>
        %get3A_681 = arith.index_cast %scan3A_279 : i32 to index
        %get3A_682 = arith.constant 336 : index
        %get3A_683 = tpu.vector_load %arg15[%get3A_681, %get3A_682] {strides = array<i32>} : memref<8x512xf32, #tpu.memory_space<vmem>>, vector<1x16xf32>,
        %get3A_684 = vector.shape_cast %get3A_683 : vector<1x16xf32> to vector<16xf32>
        %add3A_685 = arith.addf %get3A_680, %get3A_684 : vector<16xf32>
        %get3A_686 = arith.index_cast %scan3A_279 : i32 to index
        %get3A_687 = arith.constant 336 : index
        %get3A_688 = tpu.vector_load %arg16[%get3A_686, %get3A_687] {strides = array<i32>} : memref<8x512xf32, #tpu.memory_space<vmem>>, vector<1x16xf32>,
        %get3A_689 = vector.shape_cast %get3A_688 : vector<1x16xf32> to vector<16xf32>
        %add3A_690 = arith.addf %add3A_685, %get3A_689 : vector<16xf32>
        %swap3A_691 = arith.index_cast %scan3A_279 : i32 to index
        %swap3A_692 = arith.constant 336 : index
        %swap3A_693 = tpu.vector_load %arg17[%swap3A_691, %swap3A_692] {strides = array<i32>} : memref<8x512xf32, #tpu.memory_space<vmem>>, vector<1x16xf32>,
        %swap3A_694 = vector.shape_cast %swap3A_693 : vector<1x16xf32> to vector<16xf32>
        %swap3A_695 = vector.shape_cast %add3A_690 : vector<16xf32> to vector<1x16xf32>
        tpu.vector_store %arg17[%swap3A_691, %swap3A_692], %swap3A_695 {strides = array<i32>} : memref<8x512xf32, #tpu.memory_space<vmem>>, vector<1x16xf32>,
        %get3A_696 = arith.index_cast %scan3A_279 : i32 to index
        %get3A_697 = arith.constant 352 : index
        %get3A_698 = tpu.vector_load %arg14[%get3A_696, %get3A_697] {strides = array<i32>} : memref<8x512xf32, #tpu.memory_space<vmem>>, vector<1x16xf32>,
        %get3A_699 = vector.shape_cast %get3A_698 : vector<1x16xf32> to vector<16xf32>
        %get3A_700 = arith.index_cast %scan3A_279 : i32 to index
        %get3A_701 = arith.constant 352 : index
        %get3A_702 = tpu.vector_load %arg15[%get3A_700, %get3A_701] {strides = array<i32>} : memref<8x512xf32, #tpu.memory_space<vmem>>, vector<1x16xf32>,
        %get3A_703 = vector.shape_cast %get3A_702 : vector<1x16xf32> to vector<16xf32>
        %add3A_704 = arith.addf %get3A_699, %get3A_703 : vector<16xf32>
        %get3A_705 = arith.index_cast %scan3A_279 : i32 to index
        %get3A_706 = arith.constant 352 : index
        %get3A_707 = tpu.vector_load %arg16[%get3A_705, %get3A_706] {strides = array<i32>} : memref<8x512xf32, #tpu.memory_space<vmem>>, vector<1x16xf32>,
        %get3A_708 = vector.shape_cast %get3A_707 : vector<1x16xf32> to vector<16xf32>
        %add3A_709 = arith.addf %add3A_704, %get3A_708 : vector<16xf32>
        %swap3A_710 = arith.index_cast %scan3A_279 : i32 to index
        %swap3A_711 = arith.constant 352 : index
        %swap3A_712 = tpu.vector_load %arg17[%swap3A_710, %swap3A_711] {strides = array<i32>} : memref<8x512xf32, #tpu.memory_space<vmem>>, vector<1x16xf32>,
        %swap3A_713 = vector.shape_cast %swap3A_712 : vector<1x16xf32> to vector<16xf32>
        %swap3A_714 = vector.shape_cast %add3A_709 : vector<16xf32> to vector<1x16xf32>
        tpu.vector_store %arg17[%swap3A_710, %swap3A_711], %swap3A_714 {strides = array<i32>} : memref<8x512xf32, #tpu.memory_space<vmem>>, vector<1x16xf32>,
        %get3A_715 = arith.index_cast %scan3A_279 : i32 to index
        %get3A_716 = arith.constant 368 : index
        %get3A_717 = tpu.vector_load %arg14[%get3A_715, %get3A_716] {strides = array<i32>} : memref<8x512xf32, #tpu.memory_space<vmem>>, vector<1x16xf32>,
        %get3A_718 = vector.shape_cast %get3A_717 : vector<1x16xf32> to vector<16xf32>
        %get3A_719 = arith.index_cast %scan3A_279 : i32 to index
        %get3A_720 = arith.constant 368 : index
        %get3A_721 = tpu.vector_load %arg15[%get3A_719, %get3A_720] {strides = array<i32>} : memref<8x512xf32, #tpu.memory_space<vmem>>, vector<1x16xf32>,
        %get3A_722 = vector.shape_cast %get3A_721 : vector<1x16xf32> to vector<16xf32>
        %add3A_723 = arith.addf %get3A_718, %get3A_722 : vector<16xf32>
        %get3A_724 = arith.index_cast %scan3A_279 : i32 to index
        %get3A_725 = arith.constant 368 : index
        %get3A_726 = tpu.vector_load %arg16[%get3A_724, %get3A_725] {strides = array<i32>} : memref<8x512xf32, #tpu.memory_space<vmem>>, vector<1x16xf32>,
        %get3A_727 = vector.shape_cast %get3A_726 : vector<1x16xf32> to vector<16xf32>
        %add3A_728 = arith.addf %add3A_723, %get3A_727 : vector<16xf32>
        %swap3A_729 = arith.index_cast %scan3A_279 : i32 to index
        %swap3A_730 = arith.constant 368 : index
        %swap3A_731 = tpu.vector_load %arg17[%swap3A_729, %swap3A_730] {strides = array<i32>} : memref<8x512xf32, #tpu.memory_space<vmem>>, vector<1x16xf32>,
        %swap3A_732 = vector.shape_cast %swap3A_731 : vector<1x16xf32> to vector<16xf32>
        %swap3A_733 = vector.shape_cast %add3A_728 : vector<16xf32> to vector<1x16xf32>
        tpu.vector_store %arg17[%swap3A_729, %swap3A_730], %swap3A_733 {strides = array<i32>} : memref<8x512xf32, #tpu.memory_space<vmem>>, vector<1x16xf32>,
        %get3A_734 = arith.index_cast %scan3A_279 : i32 to index
        %get3A_735 = arith.constant 384 : index
        %get3A_736 = tpu.vector_load %arg14[%get3A_734, %get3A_735] {strides = array<i32>} : memref<8x512xf32, #tpu.memory_space<vmem>>, vector<1x16xf32>,
        %get3A_737 = vector.shape_cast %get3A_736 : vector<1x16xf32> to vector<16xf32>
        %get3A_738 = arith.index_cast %scan3A_279 : i32 to index
        %get3A_739 = arith.constant 384 : index
        %get3A_740 = tpu.vector_load %arg15[%get3A_738, %get3A_739] {strides = array<i32>} : memref<8x512xf32, #tpu.memory_space<vmem>>, vector<1x16xf32>,
        %get3A_741 = vector.shape_cast %get3A_740 : vector<1x16xf32> to vector<16xf32>
        %add3A_742 = arith.addf %get3A_737, %get3A_741 : vector<16xf32>
        %get3A_743 = arith.index_cast %scan3A_279 : i32 to index
        %get3A_744 = arith.constant 384 : index
        %get3A_745 = tpu.vector_load %arg16[%get3A_743, %get3A_744] {strides = array<i32>} : memref<8x512xf32, #tpu.memory_space<vmem>>, vector<1x16xf32>,
        %get3A_746 = vector.shape_cast %get3A_745 : vector<1x16xf32> to vector<16xf32>
        %add3A_747 = arith.addf %add3A_742, %get3A_746 : vector<16xf32>
        %swap3A_748 = arith.index_cast %scan3A_279 : i32 to index
        %swap3A_749 = arith.constant 384 : index
        %swap3A_750 = tpu.vector_load %arg17[%swap3A_748, %swap3A_749] {strides = array<i32>} : memref<8x512xf32, #tpu.memory_space<vmem>>, vector<1x16xf32>,
        %swap3A_751 = vector.shape_cast %swap3A_750 : vector<1x16xf32> to vector<16xf32>
        %swap3A_752 = vector.shape_cast %add3A_747 : vector<16xf32> to vector<1x16xf32>
        tpu.vector_store %arg17[%swap3A_748, %swap3A_749], %swap3A_752 {strides = array<i32>} : memref<8x512xf32, #tpu.memory_space<vmem>>, vector<1x16xf32>,
        %get3A_753 = arith.index_cast %scan3A_279 : i32 to index
        %get3A_754 = arith.constant 400 : index
        %get3A_755 = tpu.vector_load %arg14[%get3A_753, %get3A_754] {strides = array<i32>} : memref<8x512xf32, #tpu.memory_space<vmem>>, vector<1x16xf32>,
        %get3A_756 = vector.shape_cast %get3A_755 : vector<1x16xf32> to vector<16xf32>
        %get3A_757 = arith.index_cast %scan3A_279 : i32 to index
        %get3A_758 = arith.constant 400 : index
        %get3A_759 = tpu.vector_load %arg15[%get3A_757, %get3A_758] {strides = array<i32>} : memref<8x512xf32, #tpu.memory_space<vmem>>, vector<1x16xf32>,
        %get3A_760 = vector.shape_cast %get3A_759 : vector<1x16xf32> to vector<16xf32>
        %add3A_761 = arith.addf %get3A_756, %get3A_760 : vector<16xf32>
        %get3A_762 = arith.index_cast %scan3A_279 : i32 to index
        %get3A_763 = arith.constant 400 : index
        %get3A_764 = tpu.vector_load %arg16[%get3A_762, %get3A_763] {strides = array<i32>} : memref<8x512xf32, #tpu.memory_space<vmem>>, vector<1x16xf32>,
        %get3A_765 = vector.shape_cast %get3A_764 : vector<1x16xf32> to vector<16xf32>
        %add3A_766 = arith.addf %add3A_761, %get3A_765 : vector<16xf32>
        %swap3A_767 = arith.index_cast %scan3A_279 : i32 to index
        %swap3A_768 = arith.constant 400 : index
        %swap3A_769 = tpu.vector_load %arg17[%swap3A_767, %swap3A_768] {strides = array<i32>} : memref<8x512xf32, #tpu.memory_space<vmem>>, vector<1x16xf32>,
        %swap3A_770 = vector.shape_cast %swap3A_769 : vector<1x16xf32> to vector<16xf32>
        %swap3A_771 = vector.shape_cast %add3A_766 : vector<16xf32> to vector<1x16xf32>
        tpu.vector_store %arg17[%swap3A_767, %swap3A_768], %swap3A_771 {strides = array<i32>} : memref<8x512xf32, #tpu.memory_space<vmem>>, vector<1x16xf32>,
        %get3A_772 = arith.index_cast %scan3A_279 : i32 to index
        %get3A_773 = arith.constant 416 : index
        %get3A_774 = tpu.vector_load %arg14[%get3A_772, %get3A_773] {strides = array<i32>} : memref<8x512xf32, #tpu.memory_space<vmem>>, vector<1x16xf32>,
        %get3A_775 = vector.shape_cast %get3A_774 : vector<1x16xf32> to vector<16xf32>
        %get3A_776 = arith.index_cast %scan3A_279 : i32 to index
        %get3A_777 = arith.constant 416 : index
        %get3A_778 = tpu.vector_load %arg15[%get3A_776, %get3A_777] {strides = array<i32>} : memref<8x512xf32, #tpu.memory_space<vmem>>, vector<1x16xf32>,
        %get3A_779 = vector.shape_cast %get3A_778 : vector<1x16xf32> to vector<16xf32>
        %add3A_780 = arith.addf %get3A_775, %get3A_779 : vector<16xf32>
        %get3A_781 = arith.index_cast %scan3A_279 : i32 to index
        %get3A_782 = arith.constant 416 : index
        %get3A_783 = tpu.vector_load %arg16[%get3A_781, %get3A_782] {strides = array<i32>} : memref<8x512xf32, #tpu.memory_space<vmem>>, vector<1x16xf32>,
        %get3A_784 = vector.shape_cast %get3A_783 : vector<1x16xf32> to vector<16xf32>
        %add3A_785 = arith.addf %add3A_780, %get3A_784 : vector<16xf32>
        %swap3A_786 = arith.index_cast %scan3A_279 : i32 to index
        %swap3A_787 = arith.constant 416 : index
        %swap3A_788 = tpu.vector_load %arg17[%swap3A_786, %swap3A_787] {strides = array<i32>} : memref<8x512xf32, #tpu.memory_space<vmem>>, vector<1x16xf32>,
        %swap3A_789 = vector.shape_cast %swap3A_788 : vector<1x16xf32> to vector<16xf32>
        %swap3A_790 = vector.shape_cast %add3A_785 : vector<16xf32> to vector<1x16xf32>
        tpu.vector_store %arg17[%swap3A_786, %swap3A_787], %swap3A_790 {strides = array<i32>} : memref<8x512xf32, #tpu.memory_space<vmem>>, vector<1x16xf32>,
        %get3A_791 = arith.index_cast %scan3A_279 : i32 to index
        %get3A_792 = arith.constant 432 : index
        %get3A_793 = tpu.vector_load %arg14[%get3A_791, %get3A_792] {strides = array<i32>} : memref<8x512xf32, #tpu.memory_space<vmem>>, vector<1x16xf32>,
        %get3A_794 = vector.shape_cast %get3A_793 : vector<1x16xf32> to vector<16xf32>
        %get3A_795 = arith.index_cast %scan3A_279 : i32 to index
        %get3A_796 = arith.constant 432 : index
        %get3A_797 = tpu.vector_load %arg15[%get3A_795, %get3A_796] {strides = array<i32>} : memref<8x512xf32, #tpu.memory_space<vmem>>, vector<1x16xf32>,
        %get3A_798 = vector.shape_cast %get3A_797 : vector<1x16xf32> to vector<16xf32>
        %add3A_799 = arith.addf %get3A_794, %get3A_798 : vector<16xf32>
        %get3A_800 = arith.index_cast %scan3A_279 : i32 to index
        %get3A_801 = arith.constant 432 : index
        %get3A_802 = tpu.vector_load %arg16[%get3A_800, %get3A_801] {strides = array<i32>} : memref<8x512xf32, #tpu.memory_space<vmem>>, vector<1x16xf32>,
        %get3A_803 = vector.shape_cast %get3A_802 : vector<1x16xf32> to vector<16xf32>
        %add3A_804 = arith.addf %add3A_799, %get3A_803 : vector<16xf32>
        %swap3A_805 = arith.index_cast %scan3A_279 : i32 to index
        %swap3A_806 = arith.constant 432 : index
        %swap3A_807 = tpu.vector_load %arg17[%swap3A_805, %swap3A_806] {strides = array<i32>} : memref<8x512xf32, #tpu.memory_space<vmem>>, vector<1x16xf32>,
        %swap3A_808 = vector.shape_cast %swap3A_807 : vector<1x16xf32> to vector<16xf32>
        %swap3A_809 = vector.shape_cast %add3A_804 : vector<16xf32> to vector<1x16xf32>
        tpu.vector_store %arg17[%swap3A_805, %swap3A_806], %swap3A_809 {strides = array<i32>} : memref<8x512xf32, #tpu.memory_space<vmem>>, vector<1x16xf32>,
        %get3A_810 = arith.index_cast %scan3A_279 : i32 to index
        %get3A_811 = arith.constant 448 : index
        %get3A_812 = tpu.vector_load %arg14[%get3A_810, %get3A_811] {strides = array<i32>} : memref<8x512xf32, #tpu.memory_space<vmem>>, vector<1x16xf32>,
        %get3A_813 = vector.shape_cast %get3A_812 : vector<1x16xf32> to vector<16xf32>
        %get3A_814 = arith.index_cast %scan3A_279 : i32 to index
        %get3A_815 = arith.constant 448 : index
        %get3A_816 = tpu.vector_load %arg15[%get3A_814, %get3A_815] {strides = array<i32>} : memref<8x512xf32, #tpu.memory_space<vmem>>, vector<1x16xf32>,
        %get3A_817 = vector.shape_cast %get3A_816 : vector<1x16xf32> to vector<16xf32>
        %add3A_818 = arith.addf %get3A_813, %get3A_817 : vector<16xf32>
        %get3A_819 = arith.index_cast %scan3A_279 : i32 to index
        %get3A_820 = arith.constant 448 : index
        %get3A_821 = tpu.vector_load %arg16[%get3A_819, %get3A_820] {strides = array<i32>} : memref<8x512xf32, #tpu.memory_space<vmem>>, vector<1x16xf32>,
        %get3A_822 = vector.shape_cast %get3A_821 : vector<1x16xf32> to vector<16xf32>
        %add3A_823 = arith.addf %add3A_818, %get3A_822 : vector<16xf32>
        %swap3A_824 = arith.index_cast %scan3A_279 : i32 to index
        %swap3A_825 = arith.constant 448 : index
        %swap3A_826 = tpu.vector_load %arg17[%swap3A_824, %swap3A_825] {strides = array<i32>} : memref<8x512xf32, #tpu.memory_space<vmem>>, vector<1x16xf32>,
        %swap3A_827 = vector.shape_cast %swap3A_826 : vector<1x16xf32> to vector<16xf32>
        %swap3A_828 = vector.shape_cast %add3A_823 : vector<16xf32> to vector<1x16xf32>
        tpu.vector_store %arg17[%swap3A_824, %swap3A_825], %swap3A_828 {strides = array<i32>} : memref<8x512xf32, #tpu.memory_space<vmem>>, vector<1x16xf32>,
        %get3A_829 = arith.index_cast %scan3A_279 : i32 to index
        %get3A_830 = arith.constant 464 : index
        %get3A_831 = tpu.vector_load %arg14[%get3A_829, %get3A_830] {strides = array<i32>} : memref<8x512xf32, #tpu.memory_space<vmem>>, vector<1x16xf32>,
        %get3A_832 = vector.shape_cast %get3A_831 : vector<1x16xf32> to vector<16xf32>
        %get3A_833 = arith.index_cast %scan3A_279 : i32 to index
        %get3A_834 = arith.constant 464 : index
        %get3A_835 = tpu.vector_load %arg15[%get3A_833, %get3A_834] {strides = array<i32>} : memref<8x512xf32, #tpu.memory_space<vmem>>, vector<1x16xf32>,
        %get3A_836 = vector.shape_cast %get3A_835 : vector<1x16xf32> to vector<16xf32>
        %add3A_837 = arith.addf %get3A_832, %get3A_836 : vector<16xf32>
        %get3A_838 = arith.index_cast %scan3A_279 : i32 to index
        %get3A_839 = arith.constant 464 : index
        %get3A_840 = tpu.vector_load %arg16[%get3A_838, %get3A_839] {strides = array<i32>} : memref<8x512xf32, #tpu.memory_space<vmem>>, vector<1x16xf32>,
        %get3A_841 = vector.shape_cast %get3A_840 : vector<1x16xf32> to vector<16xf32>
        %add3A_842 = arith.addf %add3A_837, %get3A_841 : vector<16xf32>
        %swap3A_843 = arith.index_cast %scan3A_279 : i32 to index
        %swap3A_844 = arith.constant 464 : index
        %swap3A_845 = tpu.vector_load %arg17[%swap3A_843, %swap3A_844] {strides = array<i32>} : memref<8x512xf32, #tpu.memory_space<vmem>>, vector<1x16xf32>,
        %swap3A_846 = vector.shape_cast %swap3A_845 : vector<1x16xf32> to vector<16xf32>
        %swap3A_847 = vector.shape_cast %add3A_842 : vector<16xf32> to vector<1x16xf32>
        tpu.vector_store %arg17[%swap3A_843, %swap3A_844], %swap3A_847 {strides = array<i32>} : memref<8x512xf32, #tpu.memory_space<vmem>>, vector<1x16xf32>,
        %get3A_848 = arith.index_cast %scan3A_279 : i32 to index
        %get3A_849 = arith.constant 480 : index
        %get3A_850 = tpu.vector_load %arg14[%get3A_848, %get3A_849] {strides = array<i32>} : memref<8x512xf32, #tpu.memory_space<vmem>>, vector<1x16xf32>,
        %get3A_851 = vector.shape_cast %get3A_850 : vector<1x16xf32> to vector<16xf32>
        %get3A_852 = arith.index_cast %scan3A_279 : i32 to index
        %get3A_853 = arith.constant 480 : index
        %get3A_854 = tpu.vector_load %arg15[%get3A_852, %get3A_853] {strides = array<i32>} : memref<8x512xf32, #tpu.memory_space<vmem>>, vector<1x16xf32>,
        %get3A_855 = vector.shape_cast %get3A_854 : vector<1x16xf32> to vector<16xf32>
        %add3A_856 = arith.addf %get3A_851, %get3A_855 : vector<16xf32>
        %get3A_857 = arith.index_cast %scan3A_279 : i32 to index
        %get3A_858 = arith.constant 480 : index
        %get3A_859 = tpu.vector_load %arg16[%get3A_857, %get3A_858] {strides = array<i32>} : memref<8x512xf32, #tpu.memory_space<vmem>>, vector<1x16xf32>,
        %get3A_860 = vector.shape_cast %get3A_859 : vector<1x16xf32> to vector<16xf32>
        %add3A_861 = arith.addf %add3A_856, %get3A_860 : vector<16xf32>
        %swap3A_862 = arith.index_cast %scan3A_279 : i32 to index
        %swap3A_863 = arith.constant 480 : index
        %swap3A_864 = tpu.vector_load %arg17[%swap3A_862, %swap3A_863] {strides = array<i32>} : memref<8x512xf32, #tpu.memory_space<vmem>>, vector<1x16xf32>,
        %swap3A_865 = vector.shape_cast %swap3A_864 : vector<1x16xf32> to vector<16xf32>
        %swap3A_866 = vector.shape_cast %add3A_861 : vector<16xf32> to vector<1x16xf32>
        tpu.vector_store %arg17[%swap3A_862, %swap3A_863], %swap3A_866 {strides = array<i32>} : memref<8x512xf32, #tpu.memory_space<vmem>>, vector<1x16xf32>,
        %get3A_867 = arith.index_cast %scan3A_279 : i32 to index
        %get3A_868 = arith.constant 496 : index
        %get3A_869 = tpu.vector_load %arg14[%get3A_867, %get3A_868] {strides = array<i32>} : memref<8x512xf32, #tpu.memory_space<vmem>>, vector<1x16xf32>,
        %get3A_870 = vector.shape_cast %get3A_869 : vector<1x16xf32> to vector<16xf32>
        %get3A_871 = arith.index_cast %scan3A_279 : i32 to index
        %get3A_872 = arith.constant 496 : index
        %get3A_873 = tpu.vector_load %arg15[%get3A_871, %get3A_872] {strides = array<i32>} : memref<8x512xf32, #tpu.memory_space<vmem>>, vector<1x16xf32>,
        %get3A_874 = vector.shape_cast %get3A_873 : vector<1x16xf32> to vector<16xf32>
        %add3A_875 = arith.addf %get3A_870, %get3A_874 : vector<16xf32>
        %get3A_876 = arith.index_cast %scan3A_279 : i32 to index
        %get3A_877 = arith.constant 496 : index
        %get3A_878 = tpu.vector_load %arg16[%get3A_876, %get3A_877] {strides = array<i32>} : memref<8x512xf32, #tpu.memory_space<vmem>>, vector<1x16xf32>,
        %get3A_879 = vector.shape_cast %get3A_878 : vector<1x16xf32> to vector<16xf32>
        %add3A_880 = arith.addf %add3A_875, %get3A_879 : vector<16xf32>
        %swap3A_881 = arith.index_cast %scan3A_279 : i32 to index
        %swap3A_882 = arith.constant 496 : index
        %swap3A_883 = tpu.vector_load %arg17[%swap3A_881, %swap3A_882] {strides = array<i32>} : memref<8x512xf32, #tpu.memory_space<vmem>>, vector<1x16xf32>,
        %swap3A_884 = vector.shape_cast %swap3A_883 : vector<1x16xf32> to vector<16xf32>
        %swap3A_885 = vector.shape_cast %add3A_880 : vector<16xf32> to vector<1x16xf32>
        tpu.vector_store %arg17[%swap3A_881, %swap3A_882], %swap3A_885 {strides = array<i32>} : memref<8x512xf32, #tpu.memory_space<vmem>>, vector<1x16xf32>,
      }
      %scan3A_170 = arith.constant 8 : i32
      %mul3A_171 = arith.constant 8 : i32
      %mul3A_172 = arith.muli %add3A_141, %mul3A_171 : i32
      %add3A_173 = arith.addi %mul3A_2, %mul3A_172 : i32
      %dma_start3A_174 = arith.constant 0 : i32
      %dma_start3A_175 = tpu.memref_slice %arg7[%add3A_173, %dma_start3A_174] : memref<16384x512xf32, #tpu.memory_space<hbm>> -> memref<8x512xf32, #tpu.memory_space<hbm>>
      %dma_start3A_176 = arith.constant 0 : i32
      %dma_start3A_177 = tpu.memref_slice %arg7[%add3A_173, %dma_start3A_176] : memref<16384x512xf32, #tpu.memory_space<hbm>> -> memref<8x512xf32, #tpu.memory_space<hbm>>
      tpu.enqueue_dma source(%arg17 : memref<8x512xf32, #tpu.memory_space<vmem>>) target(%dma_start3A_177 : memref<8x512xf32, #tpu.memory_space<hbm>>) target_semaphore(%arg31 : memref<!tpu.dma_semaphore, #tpu.memory_space<semaphore_mem>>)
      %add3A_178 = arith.constant 4 : i32
      %add3A_179 = arith.addi %add3A_141, %add3A_178 : i32
      %lt3A_180 = arith.constant 64 : i32
      %lt3A_181 = arith.cmpi slt, %add3A_179, %lt3A_180 : i32
      %convert_element_type3A_182 = arith.extui %lt3A_181 : i1 to i32
      %cond3A_183 = arith.constant 0 : i32
      %cond3A_184 = arith.cmpi ne, %convert_element_type3A_182, %cond3A_183 : i32
      scf.if %cond3A_184 {
        %add3A_279 = arith.constant 4 : i32
        %add3A_280 = arith.addi %add3A_141, %add3A_279 : i32
        %mul3A_281 = arith.constant 8 : i32
        %mul3A_282 = arith.muli %add3A_280, %mul3A_281 : i32
        %add3A_283 = arith.addi %mul3A_2, %mul3A_282 : i32
        %dma_start3A_284 = arith.constant 0 : i32
        %dma_start3A_285 = tpu.memref_slice %arg2[%add3A_283, %dma_start3A_284] : memref<16384x512xf32, #tpu.memory_space<hbm>> -> memref<8x512xf32, #tpu.memory_space<hbm>>
        %dma_start3A_286 = arith.constant 0 : i32
        %dma_start3A_287 = tpu.memref_slice %arg2[%add3A_283, %dma_start3A_286] : memref<16384x512xf32, #tpu.memory_space<hbm>> -> memref<8x512xf32, #tpu.memory_space<hbm>>
        tpu.enqueue_dma source(%dma_start3A_287 : memref<8x512xf32, #tpu.memory_space<hbm>>) target(%arg14 : memref<8x512xf32, #tpu.memory_space<vmem>>) target_semaphore(%arg27 : memref<!tpu.dma_semaphore, #tpu.memory_space<semaphore_mem>>)
        %dma_start3A_288 = tpu.memref_slice %arg8[%mul3A_282] : memref<512xi32, #tpu.memory_space<vmem>> -> memref<8xi32, #tpu.memory_space<vmem>>
        %dma_start3A_289 = arith.constant 0 : i32
        %dma_start3A_290 = arith.constant 0 : i32
        %dma_start3A_291 = tpu.memref_slice %arg5[%dma_start3A_289, %dma_start3A_290] : memref<100000x512xf32, #tpu.memory_space<hbm>> -> memref<100000x512xf32, #tpu.memory_space<hbm>>
        tpu.enqueue_indirect_dma source(%dma_start3A_291 : memref<100000x512xf32, #tpu.memory_space<hbm>>) target(%arg15 : memref<8x512xf32, #tpu.memory_space<vmem>>) offsets(%dma_start3A_288 : memref<8xi32, #tpu.memory_space<vmem>>) semaphore(%arg27 : memref<!tpu.dma_semaphore, #tpu.memory_space<semaphore_mem>>)
        %dma_start3A_292 = tpu.memref_slice %arg9[%mul3A_282] : memref<512xi32, #tpu.memory_space<vmem>> -> memref<8xi32, #tpu.memory_space<vmem>>
        %dma_start3A_293 = arith.constant 0 : i32
        %dma_start3A_294 = arith.constant 0 : i32
        %dma_start3A_295 = tpu.memref_slice %arg6[%dma_start3A_293, %dma_start3A_294] : memref<1000x512xf32, #tpu.memory_space<hbm>> -> memref<1000x512xf32, #tpu.memory_space<hbm>>
        tpu.enqueue_indirect_dma source(%dma_start3A_295 : memref<1000x512xf32, #tpu.memory_space<hbm>>) target(%arg16 : memref<8x512xf32, #tpu.memory_space<vmem>>) offsets(%dma_start3A_292 : memref<8xi32, #tpu.memory_space<vmem>>) semaphore(%arg27 : memref<!tpu.dma_semaphore, #tpu.memory_space<semaphore_mem>>)
      } else {
      }
      %mul3A_185 = arith.constant 4 : i32
      %mul3A_186 = arith.muli %scan3A_94, %mul3A_185 : i32
      %add3A_187 = arith.constant 2 : i32
      %add3A_188 = arith.addi %mul3A_186, %add3A_187 : i32
      %dma_wait3A_189 = arith.constant 0 : i32
      %dma_wait3A_190 = arith.constant 0 : i32
      %dma_wait3A_191 = tpu.memref_slice %arg2[%dma_wait3A_189, %dma_wait3A_190] : memref<16384x512xf32, #tpu.memory_space<hbm>> -> memref<8x512xf32, #tpu.memory_space<hbm>>
      %dma_wait3A_192 = arith.constant 0 : i32
      %dma_wait3A_193 = arith.constant 0 : i32
      %dma_wait3A_194 = tpu.memref_slice %arg2[%dma_wait3A_192, %dma_wait3A_193] : memref<16384x512xf32, #tpu.memory_space<hbm>> -> memref<8x512xf32, #tpu.memory_space<hbm>>
      tpu.wait_dma2 semaphore(%arg28 : memref<!tpu.dma_semaphore, #tpu.memory_space<semaphore_mem>>) src(%dma_wait3A_194 : memref<8x512xf32, #tpu.memory_space<hbm>>) dst(%arg18 : memref<8x512xf32, #tpu.memory_space<vmem>>)
      %dma_wait3A_195 = arith.constant 0 : i32
      %dma_wait3A_196 = arith.constant 0 : i32
      %dma_wait3A_197 = tpu.memref_slice %arg2[%dma_wait3A_195, %dma_wait3A_196] : memref<16384x512xf32, #tpu.memory_space<hbm>> -> memref<8x512xf32, #tpu.memory_space<hbm>>
      %dma_wait3A_198 = arith.constant 0 : i32
      %dma_wait3A_199 = arith.constant 0 : i32
      %dma_wait3A_200 = tpu.memref_slice %arg2[%dma_wait3A_198, %dma_wait3A_199] : memref<16384x512xf32, #tpu.memory_space<hbm>> -> memref<8x512xf32, #tpu.memory_space<hbm>>
      tpu.wait_dma2 semaphore(%arg28 : memref<!tpu.dma_semaphore, #tpu.memory_space<semaphore_mem>>) src(%dma_wait3A_200 : memref<8x512xf32, #tpu.memory_space<hbm>>) dst(%arg19 : memref<8x512xf32, #tpu.memory_space<vmem>>)
      %dma_wait3A_201 = arith.constant 0 : i32
      %dma_wait3A_202 = arith.constant 0 : i32
      %dma_wait3A_203 = tpu.memref_slice %arg2[%dma_wait3A_201, %dma_wait3A_202] : memref<16384x512xf32, #tpu.memory_space<hbm>> -> memref<8x512xf32, #tpu.memory_space<hbm>>
      %dma_wait3A_204 = arith.constant 0 : i32
      %dma_wait3A_205 = arith.constant 0 : i32
      %dma_wait3A_206 = tpu.memref_slice %arg2[%dma_wait3A_204, %dma_wait3A_205] : memref<16384x512xf32, #tpu.memory_space<hbm>> -> memref<8x512xf32, #tpu.memory_space<hbm>>
      tpu.wait_dma2 semaphore(%arg28 : memref<!tpu.dma_semaphore, #tpu.memory_space<semaphore_mem>>) src(%dma_wait3A_206 : memref<8x512xf32, #tpu.memory_space<hbm>>) dst(%arg20 : memref<8x512xf32, #tpu.memory_space<vmem>>)
      %ge3A_207 = arith.constant 4 : i32
      %ge3A_208 = arith.cmpi sge, %add3A_188, %ge3A_207 : i32
      %convert_element_type3A_209 = arith.extui %ge3A_208 : i1 to i32
      %cond3A_210 = arith.constant 0 : i32
      %cond3A_211 = arith.cmpi ne, %convert_element_type3A_209, %cond3A_210 : i32
      scf.if %cond3A_211 {
        %dma_wait3A_279 = arith.constant 0 : i32
        %dma_wait3A_280 = arith.constant 0 : i32
        %dma_wait3A_281 = tpu.memref_slice %arg7[%dma_wait3A_279, %dma_wait3A_280] : memref<16384x512xf32, #tpu.memory_space<hbm>> -> memref<8x512xf32, #tpu.memory_space<hbm>>
        %dma_wait3A_282 = arith.constant 0 : i32
        %dma_wait3A_283 = arith.constant 0 : i32
        %dma_wait3A_284 = tpu.memref_slice %arg7[%dma_wait3A_282, %dma_wait3A_283] : memref<16384x512xf32, #tpu.memory_space<hbm>> -> memref<8x512xf32, #tpu.memory_space<hbm>>
        tpu.wait_dma2 semaphore(%arg32 : memref<!tpu.dma_semaphore, #tpu.memory_space<semaphore_mem>>) src(%arg21 : memref<8x512xf32, #tpu.memory_space<vmem>>) dst(%dma_wait3A_284 : memref<8x512xf32, #tpu.memory_space<hbm>>)
      } else {
      }
      %scan3A_212 = arith.constant 0 : i32
      %scan3A_213 = arith.constant 0 : i32
      %scan3A_214 = arith.constant 8 : i32
      %scan3A_215 = arith.addi %scan3A_213, %scan3A_214 : i32
      %scan3A_216 = arith.constant 1 : i32
      scf.for %scan3A_279 = %scan3A_213 to %scan3A_215 step %scan3A_216  : i32 {
        %get3A = arith.index_cast %scan3A_279 : i32 to index
        %get3A_280 = arith.constant 0 : index
        %get3A_281 = tpu.vector_load %arg18[%get3A, %get3A_280] {strides = array<i32>} : memref<8x512xf32, #tpu.memory_space<vmem>>, vector<1x16xf32>,
        %get3A_282 = vector.shape_cast %get3A_281 : vector<1x16xf32> to vector<16xf32>
        %get3A_283 = arith.index_cast %scan3A_279 : i32 to index
        %get3A_284 = arith.constant 0 : index
        %get3A_285 = tpu.vector_load %arg19[%get3A_283, %get3A_284] {strides = array<i32>} : memref<8x512xf32, #tpu.memory_space<vmem>>, vector<1x16xf32>,
        %get3A_286 = vector.shape_cast %get3A_285 : vector<1x16xf32> to vector<16xf32>
        %add3A_287 = arith.addf %get3A_282, %get3A_286 : vector<16xf32>
        %get3A_288 = arith.index_cast %scan3A_279 : i32 to index
        %get3A_289 = arith.constant 0 : index
        %get3A_290 = tpu.vector_load %arg20[%get3A_288, %get3A_289] {strides = array<i32>} : memref<8x512xf32, #tpu.memory_space<vmem>>, vector<1x16xf32>,
        %get3A_291 = vector.shape_cast %get3A_290 : vector<1x16xf32> to vector<16xf32>
        %add3A_292 = arith.addf %add3A_287, %get3A_291 : vector<16xf32>
        %swap3A = arith.index_cast %scan3A_279 : i32 to index
        %swap3A_293 = arith.constant 0 : index
        %swap3A_294 = tpu.vector_load %arg21[%swap3A, %swap3A_293] {strides = array<i32>} : memref<8x512xf32, #tpu.memory_space<vmem>>, vector<1x16xf32>,
        %swap3A_295 = vector.shape_cast %swap3A_294 : vector<1x16xf32> to vector<16xf32>
        %swap3A_296 = vector.shape_cast %add3A_292 : vector<16xf32> to vector<1x16xf32>
        tpu.vector_store %arg21[%swap3A, %swap3A_293], %swap3A_296 {strides = array<i32>} : memref<8x512xf32, #tpu.memory_space<vmem>>, vector<1x16xf32>,
        %get3A_297 = arith.index_cast %scan3A_279 : i32 to index
        %get3A_298 = arith.constant 16 : index
        %get3A_299 = tpu.vector_load %arg18[%get3A_297, %get3A_298] {strides = array<i32>} : memref<8x512xf32, #tpu.memory_space<vmem>>, vector<1x16xf32>,
        %get3A_300 = vector.shape_cast %get3A_299 : vector<1x16xf32> to vector<16xf32>
        %get3A_301 = arith.index_cast %scan3A_279 : i32 to index
        %get3A_302 = arith.constant 16 : index
        %get3A_303 = tpu.vector_load %arg19[%get3A_301, %get3A_302] {strides = array<i32>} : memref<8x512xf32, #tpu.memory_space<vmem>>, vector<1x16xf32>,
        %get3A_304 = vector.shape_cast %get3A_303 : vector<1x16xf32> to vector<16xf32>
        %add3A_305 = arith.addf %get3A_300, %get3A_304 : vector<16xf32>
        %get3A_306 = arith.index_cast %scan3A_279 : i32 to index
        %get3A_307 = arith.constant 16 : index
        %get3A_308 = tpu.vector_load %arg20[%get3A_306, %get3A_307] {strides = array<i32>} : memref<8x512xf32, #tpu.memory_space<vmem>>, vector<1x16xf32>,
        %get3A_309 = vector.shape_cast %get3A_308 : vector<1x16xf32> to vector<16xf32>
        %add3A_310 = arith.addf %add3A_305, %get3A_309 : vector<16xf32>
        %swap3A_311 = arith.index_cast %scan3A_279 : i32 to index
        %swap3A_312 = arith.constant 16 : index
        %swap3A_313 = tpu.vector_load %arg21[%swap3A_311, %swap3A_312] {strides = array<i32>} : memref<8x512xf32, #tpu.memory_space<vmem>>, vector<1x16xf32>,
        %swap3A_314 = vector.shape_cast %swap3A_313 : vector<1x16xf32> to vector<16xf32>
        %swap3A_315 = vector.shape_cast %add3A_310 : vector<16xf32> to vector<1x16xf32>
        tpu.vector_store %arg21[%swap3A_311, %swap3A_312], %swap3A_315 {strides = array<i32>} : memref<8x512xf32, #tpu.memory_space<vmem>>, vector<1x16xf32>,
        %get3A_316 = arith.index_cast %scan3A_279 : i32 to index
        %get3A_317 = arith.constant 32 : index
        %get3A_318 = tpu.vector_load %arg18[%get3A_316, %get3A_317] {strides = array<i32>} : memref<8x512xf32, #tpu.memory_space<vmem>>, vector<1x16xf32>,
        %get3A_319 = vector.shape_cast %get3A_318 : vector<1x16xf32> to vector<16xf32>
        %get3A_320 = arith.index_cast %scan3A_279 : i32 to index
        %get3A_321 = arith.constant 32 : index
        %get3A_322 = tpu.vector_load %arg19[%get3A_320, %get3A_321] {strides = array<i32>} : memref<8x512xf32, #tpu.memory_space<vmem>>, vector<1x16xf32>,
        %get3A_323 = vector.shape_cast %get3A_322 : vector<1x16xf32> to vector<16xf32>
        %add3A_324 = arith.addf %get3A_319, %get3A_323 : vector<16xf32>
        %get3A_325 = arith.index_cast %scan3A_279 : i32 to index
        %get3A_326 = arith.constant 32 : index
        %get3A_327 = tpu.vector_load %arg20[%get3A_325, %get3A_326] {strides = array<i32>} : memref<8x512xf32, #tpu.memory_space<vmem>>, vector<1x16xf32>,
        %get3A_328 = vector.shape_cast %get3A_327 : vector<1x16xf32> to vector<16xf32>
        %add3A_329 = arith.addf %add3A_324, %get3A_328 : vector<16xf32>
        %swap3A_330 = arith.index_cast %scan3A_279 : i32 to index
        %swap3A_331 = arith.constant 32 : index
        %swap3A_332 = tpu.vector_load %arg21[%swap3A_330, %swap3A_331] {strides = array<i32>} : memref<8x512xf32, #tpu.memory_space<vmem>>, vector<1x16xf32>,
        %swap3A_333 = vector.shape_cast %swap3A_332 : vector<1x16xf32> to vector<16xf32>
        %swap3A_334 = vector.shape_cast %add3A_329 : vector<16xf32> to vector<1x16xf32>
        tpu.vector_store %arg21[%swap3A_330, %swap3A_331], %swap3A_334 {strides = array<i32>} : memref<8x512xf32, #tpu.memory_space<vmem>>, vector<1x16xf32>,
        %get3A_335 = arith.index_cast %scan3A_279 : i32 to index
        %get3A_336 = arith.constant 48 : index
        %get3A_337 = tpu.vector_load %arg18[%get3A_335, %get3A_336] {strides = array<i32>} : memref<8x512xf32, #tpu.memory_space<vmem>>, vector<1x16xf32>,
        %get3A_338 = vector.shape_cast %get3A_337 : vector<1x16xf32> to vector<16xf32>
        %get3A_339 = arith.index_cast %scan3A_279 : i32 to index
        %get3A_340 = arith.constant 48 : index
        %get3A_341 = tpu.vector_load %arg19[%get3A_339, %get3A_340] {strides = array<i32>} : memref<8x512xf32, #tpu.memory_space<vmem>>, vector<1x16xf32>,
        %get3A_342 = vector.shape_cast %get3A_341 : vector<1x16xf32> to vector<16xf32>
        %add3A_343 = arith.addf %get3A_338, %get3A_342 : vector<16xf32>
        %get3A_344 = arith.index_cast %scan3A_279 : i32 to index
        %get3A_345 = arith.constant 48 : index
        %get3A_346 = tpu.vector_load %arg20[%get3A_344, %get3A_345] {strides = array<i32>} : memref<8x512xf32, #tpu.memory_space<vmem>>, vector<1x16xf32>,
        %get3A_347 = vector.shape_cast %get3A_346 : vector<1x16xf32> to vector<16xf32>
        %add3A_348 = arith.addf %add3A_343, %get3A_347 : vector<16xf32>
        %swap3A_349 = arith.index_cast %scan3A_279 : i32 to index
        %swap3A_350 = arith.constant 48 : index
        %swap3A_351 = tpu.vector_load %arg21[%swap3A_349, %swap3A_350] {strides = array<i32>} : memref<8x512xf32, #tpu.memory_space<vmem>>, vector<1x16xf32>,
        %swap3A_352 = vector.shape_cast %swap3A_351 : vector<1x16xf32> to vector<16xf32>
        %swap3A_353 = vector.shape_cast %add3A_348 : vector<16xf32> to vector<1x16xf32>
        tpu.vector_store %arg21[%swap3A_349, %swap3A_350], %swap3A_353 {strides = array<i32>} : memref<8x512xf32, #tpu.memory_space<vmem>>, vector<1x16xf32>,
        %get3A_354 = arith.index_cast %scan3A_279 : i32 to index
        %get3A_355 = arith.constant 64 : index
        %get3A_356 = tpu.vector_load %arg18[%get3A_354, %get3A_355] {strides = array<i32>} : memref<8x512xf32, #tpu.memory_space<vmem>>, vector<1x16xf32>,
        %get3A_357 = vector.shape_cast %get3A_356 : vector<1x16xf32> to vector<16xf32>
        %get3A_358 = arith.index_cast %scan3A_279 : i32 to index
        %get3A_359 = arith.constant 64 : index
        %get3A_360 = tpu.vector_load %arg19[%get3A_358, %get3A_359] {strides = array<i32>} : memref<8x512xf32, #tpu.memory_space<vmem>>, vector<1x16xf32>,
        %get3A_361 = vector.shape_cast %get3A_360 : vector<1x16xf32> to vector<16xf32>
        %add3A_362 = arith.addf %get3A_357, %get3A_361 : vector<16xf32>
        %get3A_363 = arith.index_cast %scan3A_279 : i32 to index
        %get3A_364 = arith.constant 64 : index
        %get3A_365 = tpu.vector_load %arg20[%get3A_363, %get3A_364] {strides = array<i32>} : memref<8x512xf32, #tpu.memory_space<vmem>>, vector<1x16xf32>,
        %get3A_366 = vector.shape_cast %get3A_365 : vector<1x16xf32> to vector<16xf32>
        %add3A_367 = arith.addf %add3A_362, %get3A_366 : vector<16xf32>
        %swap3A_368 = arith.index_cast %scan3A_279 : i32 to index
        %swap3A_369 = arith.constant 64 : index
        %swap3A_370 = tpu.vector_load %arg21[%swap3A_368, %swap3A_369] {strides = array<i32>} : memref<8x512xf32, #tpu.memory_space<vmem>>, vector<1x16xf32>,
        %swap3A_371 = vector.shape_cast %swap3A_370 : vector<1x16xf32> to vector<16xf32>
        %swap3A_372 = vector.shape_cast %add3A_367 : vector<16xf32> to vector<1x16xf32>
        tpu.vector_store %arg21[%swap3A_368, %swap3A_369], %swap3A_372 {strides = array<i32>} : memref<8x512xf32, #tpu.memory_space<vmem>>, vector<1x16xf32>,
        %get3A_373 = arith.index_cast %scan3A_279 : i32 to index
        %get3A_374 = arith.constant 80 : index
        %get3A_375 = tpu.vector_load %arg18[%get3A_373, %get3A_374] {strides = array<i32>} : memref<8x512xf32, #tpu.memory_space<vmem>>, vector<1x16xf32>,
        %get3A_376 = vector.shape_cast %get3A_375 : vector<1x16xf32> to vector<16xf32>
        %get3A_377 = arith.index_cast %scan3A_279 : i32 to index
        %get3A_378 = arith.constant 80 : index
        %get3A_379 = tpu.vector_load %arg19[%get3A_377, %get3A_378] {strides = array<i32>} : memref<8x512xf32, #tpu.memory_space<vmem>>, vector<1x16xf32>,
        %get3A_380 = vector.shape_cast %get3A_379 : vector<1x16xf32> to vector<16xf32>
        %add3A_381 = arith.addf %get3A_376, %get3A_380 : vector<16xf32>
        %get3A_382 = arith.index_cast %scan3A_279 : i32 to index
        %get3A_383 = arith.constant 80 : index
        %get3A_384 = tpu.vector_load %arg20[%get3A_382, %get3A_383] {strides = array<i32>} : memref<8x512xf32, #tpu.memory_space<vmem>>, vector<1x16xf32>,
        %get3A_385 = vector.shape_cast %get3A_384 : vector<1x16xf32> to vector<16xf32>
        %add3A_386 = arith.addf %add3A_381, %get3A_385 : vector<16xf32>
        %swap3A_387 = arith.index_cast %scan3A_279 : i32 to index
        %swap3A_388 = arith.constant 80 : index
        %swap3A_389 = tpu.vector_load %arg21[%swap3A_387, %swap3A_388] {strides = array<i32>} : memref<8x512xf32, #tpu.memory_space<vmem>>, vector<1x16xf32>,
        %swap3A_390 = vector.shape_cast %swap3A_389 : vector<1x16xf32> to vector<16xf32>
        %swap3A_391 = vector.shape_cast %add3A_386 : vector<16xf32> to vector<1x16xf32>
        tpu.vector_store %arg21[%swap3A_387, %swap3A_388], %swap3A_391 {strides = array<i32>} : memref<8x512xf32, #tpu.memory_space<vmem>>, vector<1x16xf32>,
        %get3A_392 = arith.index_cast %scan3A_279 : i32 to index
        %get3A_393 = arith.constant 96 : index
        %get3A_394 = tpu.vector_load %arg18[%get3A_392, %get3A_393] {strides = array<i32>} : memref<8x512xf32, #tpu.memory_space<vmem>>, vector<1x16xf32>,
        %get3A_395 = vector.shape_cast %get3A_394 : vector<1x16xf32> to vector<16xf32>
        %get3A_396 = arith.index_cast %scan3A_279 : i32 to index
        %get3A_397 = arith.constant 96 : index
        %get3A_398 = tpu.vector_load %arg19[%get3A_396, %get3A_397] {strides = array<i32>} : memref<8x512xf32, #tpu.memory_space<vmem>>, vector<1x16xf32>,
        %get3A_399 = vector.shape_cast %get3A_398 : vector<1x16xf32> to vector<16xf32>
        %add3A_400 = arith.addf %get3A_395, %get3A_399 : vector<16xf32>
        %get3A_401 = arith.index_cast %scan3A_279 : i32 to index
        %get3A_402 = arith.constant 96 : index
        %get3A_403 = tpu.vector_load %arg20[%get3A_401, %get3A_402] {strides = array<i32>} : memref<8x512xf32, #tpu.memory_space<vmem>>, vector<1x16xf32>,
        %get3A_404 = vector.shape_cast %get3A_403 : vector<1x16xf32> to vector<16xf32>
        %add3A_405 = arith.addf %add3A_400, %get3A_404 : vector<16xf32>
        %swap3A_406 = arith.index_cast %scan3A_279 : i32 to index
        %swap3A_407 = arith.constant 96 : index
        %swap3A_408 = tpu.vector_load %arg21[%swap3A_406, %swap3A_407] {strides = array<i32>} : memref<8x512xf32, #tpu.memory_space<vmem>>, vector<1x16xf32>,
        %swap3A_409 = vector.shape_cast %swap3A_408 : vector<1x16xf32> to vector<16xf32>
        %swap3A_410 = vector.shape_cast %add3A_405 : vector<16xf32> to vector<1x16xf32>
        tpu.vector_store %arg21[%swap3A_406, %swap3A_407], %swap3A_410 {strides = array<i32>} : memref<8x512xf32, #tpu.memory_space<vmem>>, vector<1x16xf32>,
        %get3A_411 = arith.index_cast %scan3A_279 : i32 to index
        %get3A_412 = arith.constant 112 : index
        %get3A_413 = tpu.vector_load %arg18[%get3A_411, %get3A_412] {strides = array<i32>} : memref<8x512xf32, #tpu.memory_space<vmem>>, vector<1x16xf32>,
        %get3A_414 = vector.shape_cast %get3A_413 : vector<1x16xf32> to vector<16xf32>
        %get3A_415 = arith.index_cast %scan3A_279 : i32 to index
        %get3A_416 = arith.constant 112 : index
        %get3A_417 = tpu.vector_load %arg19[%get3A_415, %get3A_416] {strides = array<i32>} : memref<8x512xf32, #tpu.memory_space<vmem>>, vector<1x16xf32>,
        %get3A_418 = vector.shape_cast %get3A_417 : vector<1x16xf32> to vector<16xf32>
        %add3A_419 = arith.addf %get3A_414, %get3A_418 : vector<16xf32>
        %get3A_420 = arith.index_cast %scan3A_279 : i32 to index
        %get3A_421 = arith.constant 112 : index
        %get3A_422 = tpu.vector_load %arg20[%get3A_420, %get3A_421] {strides = array<i32>} : memref<8x512xf32, #tpu.memory_space<vmem>>, vector<1x16xf32>,
        %get3A_423 = vector.shape_cast %get3A_422 : vector<1x16xf32> to vector<16xf32>
        %add3A_424 = arith.addf %add3A_419, %get3A_423 : vector<16xf32>
        %swap3A_425 = arith.index_cast %scan3A_279 : i32 to index
        %swap3A_426 = arith.constant 112 : index
        %swap3A_427 = tpu.vector_load %arg21[%swap3A_425, %swap3A_426] {strides = array<i32>} : memref<8x512xf32, #tpu.memory_space<vmem>>, vector<1x16xf32>,
        %swap3A_428 = vector.shape_cast %swap3A_427 : vector<1x16xf32> to vector<16xf32>
        %swap3A_429 = vector.shape_cast %add3A_424 : vector<16xf32> to vector<1x16xf32>
        tpu.vector_store %arg21[%swap3A_425, %swap3A_426], %swap3A_429 {strides = array<i32>} : memref<8x512xf32, #tpu.memory_space<vmem>>, vector<1x16xf32>,
        %get3A_430 = arith.index_cast %scan3A_279 : i32 to index
        %get3A_431 = arith.constant 128 : index
        %get3A_432 = tpu.vector_load %arg18[%get3A_430, %get3A_431] {strides = array<i32>} : memref<8x512xf32, #tpu.memory_space<vmem>>, vector<1x16xf32>,
        %get3A_433 = vector.shape_cast %get3A_432 : vector<1x16xf32> to vector<16xf32>
        %get3A_434 = arith.index_cast %scan3A_279 : i32 to index
        %get3A_435 = arith.constant 128 : index
        %get3A_436 = tpu.vector_load %arg19[%get3A_434, %get3A_435] {strides = array<i32>} : memref<8x512xf32, #tpu.memory_space<vmem>>, vector<1x16xf32>,
        %get3A_437 = vector.shape_cast %get3A_436 : vector<1x16xf32> to vector<16xf32>
        %add3A_438 = arith.addf %get3A_433, %get3A_437 : vector<16xf32>
        %get3A_439 = arith.index_cast %scan3A_279 : i32 to index
        %get3A_440 = arith.constant 128 : index
        %get3A_441 = tpu.vector_load %arg20[%get3A_439, %get3A_440] {strides = array<i32>} : memref<8x512xf32, #tpu.memory_space<vmem>>, vector<1x16xf32>,
        %get3A_442 = vector.shape_cast %get3A_441 : vector<1x16xf32> to vector<16xf32>
        %add3A_443 = arith.addf %add3A_438, %get3A_442 : vector<16xf32>
        %swap3A_444 = arith.index_cast %scan3A_279 : i32 to index
        %swap3A_445 = arith.constant 128 : index
        %swap3A_446 = tpu.vector_load %arg21[%swap3A_444, %swap3A_445] {strides = array<i32>} : memref<8x512xf32, #tpu.memory_space<vmem>>, vector<1x16xf32>,
        %swap3A_447 = vector.shape_cast %swap3A_446 : vector<1x16xf32> to vector<16xf32>
        %swap3A_448 = vector.shape_cast %add3A_443 : vector<16xf32> to vector<1x16xf32>
        tpu.vector_store %arg21[%swap3A_444, %swap3A_445], %swap3A_448 {strides = array<i32>} : memref<8x512xf32, #tpu.memory_space<vmem>>, vector<1x16xf32>,
        %get3A_449 = arith.index_cast %scan3A_279 : i32 to index
        %get3A_450 = arith.constant 144 : index
        %get3A_451 = tpu.vector_load %arg18[%get3A_449, %get3A_450] {strides = array<i32>} : memref<8x512xf32, #tpu.memory_space<vmem>>, vector<1x16xf32>,
        %get3A_452 = vector.shape_cast %get3A_451 : vector<1x16xf32> to vector<16xf32>
        %get3A_453 = arith.index_cast %scan3A_279 : i32 to index
        %get3A_454 = arith.constant 144 : index
        %get3A_455 = tpu.vector_load %arg19[%get3A_453, %get3A_454] {strides = array<i32>} : memref<8x512xf32, #tpu.memory_space<vmem>>, vector<1x16xf32>,
        %get3A_456 = vector.shape_cast %get3A_455 : vector<1x16xf32> to vector<16xf32>
        %add3A_457 = arith.addf %get3A_452, %get3A_456 : vector<16xf32>
        %get3A_458 = arith.index_cast %scan3A_279 : i32 to index
        %get3A_459 = arith.constant 144 : index
        %get3A_460 = tpu.vector_load %arg20[%get3A_458, %get3A_459] {strides = array<i32>} : memref<8x512xf32, #tpu.memory_space<vmem>>, vector<1x16xf32>,
        %get3A_461 = vector.shape_cast %get3A_460 : vector<1x16xf32> to vector<16xf32>
        %add3A_462 = arith.addf %add3A_457, %get3A_461 : vector<16xf32>
        %swap3A_463 = arith.index_cast %scan3A_279 : i32 to index
        %swap3A_464 = arith.constant 144 : index
        %swap3A_465 = tpu.vector_load %arg21[%swap3A_463, %swap3A_464] {strides = array<i32>} : memref<8x512xf32, #tpu.memory_space<vmem>>, vector<1x16xf32>,
        %swap3A_466 = vector.shape_cast %swap3A_465 : vector<1x16xf32> to vector<16xf32>
        %swap3A_467 = vector.shape_cast %add3A_462 : vector<16xf32> to vector<1x16xf32>
        tpu.vector_store %arg21[%swap3A_463, %swap3A_464], %swap3A_467 {strides = array<i32>} : memref<8x512xf32, #tpu.memory_space<vmem>>, vector<1x16xf32>,
        %get3A_468 = arith.index_cast %scan3A_279 : i32 to index
        %get3A_469 = arith.constant 160 : index
        %get3A_470 = tpu.vector_load %arg18[%get3A_468, %get3A_469] {strides = array<i32>} : memref<8x512xf32, #tpu.memory_space<vmem>>, vector<1x16xf32>,
        %get3A_471 = vector.shape_cast %get3A_470 : vector<1x16xf32> to vector<16xf32>
        %get3A_472 = arith.index_cast %scan3A_279 : i32 to index
        %get3A_473 = arith.constant 160 : index
        %get3A_474 = tpu.vector_load %arg19[%get3A_472, %get3A_473] {strides = array<i32>} : memref<8x512xf32, #tpu.memory_space<vmem>>, vector<1x16xf32>,
        %get3A_475 = vector.shape_cast %get3A_474 : vector<1x16xf32> to vector<16xf32>
        %add3A_476 = arith.addf %get3A_471, %get3A_475 : vector<16xf32>
        %get3A_477 = arith.index_cast %scan3A_279 : i32 to index
        %get3A_478 = arith.constant 160 : index
        %get3A_479 = tpu.vector_load %arg20[%get3A_477, %get3A_478] {strides = array<i32>} : memref<8x512xf32, #tpu.memory_space<vmem>>, vector<1x16xf32>,
        %get3A_480 = vector.shape_cast %get3A_479 : vector<1x16xf32> to vector<16xf32>
        %add3A_481 = arith.addf %add3A_476, %get3A_480 : vector<16xf32>
        %swap3A_482 = arith.index_cast %scan3A_279 : i32 to index
        %swap3A_483 = arith.constant 160 : index
        %swap3A_484 = tpu.vector_load %arg21[%swap3A_482, %swap3A_483] {strides = array<i32>} : memref<8x512xf32, #tpu.memory_space<vmem>>, vector<1x16xf32>,
        %swap3A_485 = vector.shape_cast %swap3A_484 : vector<1x16xf32> to vector<16xf32>
        %swap3A_486 = vector.shape_cast %add3A_481 : vector<16xf32> to vector<1x16xf32>
        tpu.vector_store %arg21[%swap3A_482, %swap3A_483], %swap3A_486 {strides = array<i32>} : memref<8x512xf32, #tpu.memory_space<vmem>>, vector<1x16xf32>,
        %get3A_487 = arith.index_cast %scan3A_279 : i32 to index
        %get3A_488 = arith.constant 176 : index
        %get3A_489 = tpu.vector_load %arg18[%get3A_487, %get3A_488] {strides = array<i32>} : memref<8x512xf32, #tpu.memory_space<vmem>>, vector<1x16xf32>,
        %get3A_490 = vector.shape_cast %get3A_489 : vector<1x16xf32> to vector<16xf32>
        %get3A_491 = arith.index_cast %scan3A_279 : i32 to index
        %get3A_492 = arith.constant 176 : index
        %get3A_493 = tpu.vector_load %arg19[%get3A_491, %get3A_492] {strides = array<i32>} : memref<8x512xf32, #tpu.memory_space<vmem>>, vector<1x16xf32>,
        %get3A_494 = vector.shape_cast %get3A_493 : vector<1x16xf32> to vector<16xf32>
        %add3A_495 = arith.addf %get3A_490, %get3A_494 : vector<16xf32>
        %get3A_496 = arith.index_cast %scan3A_279 : i32 to index
        %get3A_497 = arith.constant 176 : index
        %get3A_498 = tpu.vector_load %arg20[%get3A_496, %get3A_497] {strides = array<i32>} : memref<8x512xf32, #tpu.memory_space<vmem>>, vector<1x16xf32>,
        %get3A_499 = vector.shape_cast %get3A_498 : vector<1x16xf32> to vector<16xf32>
        %add3A_500 = arith.addf %add3A_495, %get3A_499 : vector<16xf32>
        %swap3A_501 = arith.index_cast %scan3A_279 : i32 to index
        %swap3A_502 = arith.constant 176 : index
        %swap3A_503 = tpu.vector_load %arg21[%swap3A_501, %swap3A_502] {strides = array<i32>} : memref<8x512xf32, #tpu.memory_space<vmem>>, vector<1x16xf32>,
        %swap3A_504 = vector.shape_cast %swap3A_503 : vector<1x16xf32> to vector<16xf32>
        %swap3A_505 = vector.shape_cast %add3A_500 : vector<16xf32> to vector<1x16xf32>
        tpu.vector_store %arg21[%swap3A_501, %swap3A_502], %swap3A_505 {strides = array<i32>} : memref<8x512xf32, #tpu.memory_space<vmem>>, vector<1x16xf32>,
        %get3A_506 = arith.index_cast %scan3A_279 : i32 to index
        %get3A_507 = arith.constant 192 : index
        %get3A_508 = tpu.vector_load %arg18[%get3A_506, %get3A_507] {strides = array<i32>} : memref<8x512xf32, #tpu.memory_space<vmem>>, vector<1x16xf32>,
        %get3A_509 = vector.shape_cast %get3A_508 : vector<1x16xf32> to vector<16xf32>
        %get3A_510 = arith.index_cast %scan3A_279 : i32 to index
        %get3A_511 = arith.constant 192 : index
        %get3A_512 = tpu.vector_load %arg19[%get3A_510, %get3A_511] {strides = array<i32>} : memref<8x512xf32, #tpu.memory_space<vmem>>, vector<1x16xf32>,
        %get3A_513 = vector.shape_cast %get3A_512 : vector<1x16xf32> to vector<16xf32>
        %add3A_514 = arith.addf %get3A_509, %get3A_513 : vector<16xf32>
        %get3A_515 = arith.index_cast %scan3A_279 : i32 to index
        %get3A_516 = arith.constant 192 : index
        %get3A_517 = tpu.vector_load %arg20[%get3A_515, %get3A_516] {strides = array<i32>} : memref<8x512xf32, #tpu.memory_space<vmem>>, vector<1x16xf32>,
        %get3A_518 = vector.shape_cast %get3A_517 : vector<1x16xf32> to vector<16xf32>
        %add3A_519 = arith.addf %add3A_514, %get3A_518 : vector<16xf32>
        %swap3A_520 = arith.index_cast %scan3A_279 : i32 to index
        %swap3A_521 = arith.constant 192 : index
        %swap3A_522 = tpu.vector_load %arg21[%swap3A_520, %swap3A_521] {strides = array<i32>} : memref<8x512xf32, #tpu.memory_space<vmem>>, vector<1x16xf32>,
        %swap3A_523 = vector.shape_cast %swap3A_522 : vector<1x16xf32> to vector<16xf32>
        %swap3A_524 = vector.shape_cast %add3A_519 : vector<16xf32> to vector<1x16xf32>
        tpu.vector_store %arg21[%swap3A_520, %swap3A_521], %swap3A_524 {strides = array<i32>} : memref<8x512xf32, #tpu.memory_space<vmem>>, vector<1x16xf32>,
        %get3A_525 = arith.index_cast %scan3A_279 : i32 to index
        %get3A_526 = arith.constant 208 : index
        %get3A_527 = tpu.vector_load %arg18[%get3A_525, %get3A_526] {strides = array<i32>} : memref<8x512xf32, #tpu.memory_space<vmem>>, vector<1x16xf32>,
        %get3A_528 = vector.shape_cast %get3A_527 : vector<1x16xf32> to vector<16xf32>
        %get3A_529 = arith.index_cast %scan3A_279 : i32 to index
        %get3A_530 = arith.constant 208 : index
        %get3A_531 = tpu.vector_load %arg19[%get3A_529, %get3A_530] {strides = array<i32>} : memref<8x512xf32, #tpu.memory_space<vmem>>, vector<1x16xf32>,
        %get3A_532 = vector.shape_cast %get3A_531 : vector<1x16xf32> to vector<16xf32>
        %add3A_533 = arith.addf %get3A_528, %get3A_532 : vector<16xf32>
        %get3A_534 = arith.index_cast %scan3A_279 : i32 to index
        %get3A_535 = arith.constant 208 : index
        %get3A_536 = tpu.vector_load %arg20[%get3A_534, %get3A_535] {strides = array<i32>} : memref<8x512xf32, #tpu.memory_space<vmem>>, vector<1x16xf32>,
        %get3A_537 = vector.shape_cast %get3A_536 : vector<1x16xf32> to vector<16xf32>
        %add3A_538 = arith.addf %add3A_533, %get3A_537 : vector<16xf32>
        %swap3A_539 = arith.index_cast %scan3A_279 : i32 to index
        %swap3A_540 = arith.constant 208 : index
        %swap3A_541 = tpu.vector_load %arg21[%swap3A_539, %swap3A_540] {strides = array<i32>} : memref<8x512xf32, #tpu.memory_space<vmem>>, vector<1x16xf32>,
        %swap3A_542 = vector.shape_cast %swap3A_541 : vector<1x16xf32> to vector<16xf32>
        %swap3A_543 = vector.shape_cast %add3A_538 : vector<16xf32> to vector<1x16xf32>
        tpu.vector_store %arg21[%swap3A_539, %swap3A_540], %swap3A_543 {strides = array<i32>} : memref<8x512xf32, #tpu.memory_space<vmem>>, vector<1x16xf32>,
        %get3A_544 = arith.index_cast %scan3A_279 : i32 to index
        %get3A_545 = arith.constant 224 : index
        %get3A_546 = tpu.vector_load %arg18[%get3A_544, %get3A_545] {strides = array<i32>} : memref<8x512xf32, #tpu.memory_space<vmem>>, vector<1x16xf32>,
        %get3A_547 = vector.shape_cast %get3A_546 : vector<1x16xf32> to vector<16xf32>
        %get3A_548 = arith.index_cast %scan3A_279 : i32 to index
        %get3A_549 = arith.constant 224 : index
        %get3A_550 = tpu.vector_load %arg19[%get3A_548, %get3A_549] {strides = array<i32>} : memref<8x512xf32, #tpu.memory_space<vmem>>, vector<1x16xf32>,
        %get3A_551 = vector.shape_cast %get3A_550 : vector<1x16xf32> to vector<16xf32>
        %add3A_552 = arith.addf %get3A_547, %get3A_551 : vector<16xf32>
        %get3A_553 = arith.index_cast %scan3A_279 : i32 to index
        %get3A_554 = arith.constant 224 : index
        %get3A_555 = tpu.vector_load %arg20[%get3A_553, %get3A_554] {strides = array<i32>} : memref<8x512xf32, #tpu.memory_space<vmem>>, vector<1x16xf32>,
        %get3A_556 = vector.shape_cast %get3A_555 : vector<1x16xf32> to vector<16xf32>
        %add3A_557 = arith.addf %add3A_552, %get3A_556 : vector<16xf32>
        %swap3A_558 = arith.index_cast %scan3A_279 : i32 to index
        %swap3A_559 = arith.constant 224 : index
        %swap3A_560 = tpu.vector_load %arg21[%swap3A_558, %swap3A_559] {strides = array<i32>} : memref<8x512xf32, #tpu.memory_space<vmem>>, vector<1x16xf32>,
        %swap3A_561 = vector.shape_cast %swap3A_560 : vector<1x16xf32> to vector<16xf32>
        %swap3A_562 = vector.shape_cast %add3A_557 : vector<16xf32> to vector<1x16xf32>
        tpu.vector_store %arg21[%swap3A_558, %swap3A_559], %swap3A_562 {strides = array<i32>} : memref<8x512xf32, #tpu.memory_space<vmem>>, vector<1x16xf32>,
        %get3A_563 = arith.index_cast %scan3A_279 : i32 to index
        %get3A_564 = arith.constant 240 : index
        %get3A_565 = tpu.vector_load %arg18[%get3A_563, %get3A_564] {strides = array<i32>} : memref<8x512xf32, #tpu.memory_space<vmem>>, vector<1x16xf32>,
        %get3A_566 = vector.shape_cast %get3A_565 : vector<1x16xf32> to vector<16xf32>
        %get3A_567 = arith.index_cast %scan3A_279 : i32 to index
        %get3A_568 = arith.constant 240 : index
        %get3A_569 = tpu.vector_load %arg19[%get3A_567, %get3A_568] {strides = array<i32>} : memref<8x512xf32, #tpu.memory_space<vmem>>, vector<1x16xf32>,
        %get3A_570 = vector.shape_cast %get3A_569 : vector<1x16xf32> to vector<16xf32>
        %add3A_571 = arith.addf %get3A_566, %get3A_570 : vector<16xf32>
        %get3A_572 = arith.index_cast %scan3A_279 : i32 to index
        %get3A_573 = arith.constant 240 : index
        %get3A_574 = tpu.vector_load %arg20[%get3A_572, %get3A_573] {strides = array<i32>} : memref<8x512xf32, #tpu.memory_space<vmem>>, vector<1x16xf32>,
        %get3A_575 = vector.shape_cast %get3A_574 : vector<1x16xf32> to vector<16xf32>
        %add3A_576 = arith.addf %add3A_571, %get3A_575 : vector<16xf32>
        %swap3A_577 = arith.index_cast %scan3A_279 : i32 to index
        %swap3A_578 = arith.constant 240 : index
        %swap3A_579 = tpu.vector_load %arg21[%swap3A_577, %swap3A_578] {strides = array<i32>} : memref<8x512xf32, #tpu.memory_space<vmem>>, vector<1x16xf32>,
        %swap3A_580 = vector.shape_cast %swap3A_579 : vector<1x16xf32> to vector<16xf32>
        %swap3A_581 = vector.shape_cast %add3A_576 : vector<16xf32> to vector<1x16xf32>
        tpu.vector_store %arg21[%swap3A_577, %swap3A_578], %swap3A_581 {strides = array<i32>} : memref<8x512xf32, #tpu.memory_space<vmem>>, vector<1x16xf32>,
        %get3A_582 = arith.index_cast %scan3A_279 : i32 to index
        %get3A_583 = arith.constant 256 : index
        %get3A_584 = tpu.vector_load %arg18[%get3A_582, %get3A_583] {strides = array<i32>} : memref<8x512xf32, #tpu.memory_space<vmem>>, vector<1x16xf32>,
        %get3A_585 = vector.shape_cast %get3A_584 : vector<1x16xf32> to vector<16xf32>
        %get3A_586 = arith.index_cast %scan3A_279 : i32 to index
        %get3A_587 = arith.constant 256 : index
        %get3A_588 = tpu.vector_load %arg19[%get3A_586, %get3A_587] {strides = array<i32>} : memref<8x512xf32, #tpu.memory_space<vmem>>, vector<1x16xf32>,
        %get3A_589 = vector.shape_cast %get3A_588 : vector<1x16xf32> to vector<16xf32>
        %add3A_590 = arith.addf %get3A_585, %get3A_589 : vector<16xf32>
        %get3A_591 = arith.index_cast %scan3A_279 : i32 to index
        %get3A_592 = arith.constant 256 : index
        %get3A_593 = tpu.vector_load %arg20[%get3A_591, %get3A_592] {strides = array<i32>} : memref<8x512xf32, #tpu.memory_space<vmem>>, vector<1x16xf32>,
        %get3A_594 = vector.shape_cast %get3A_593 : vector<1x16xf32> to vector<16xf32>
        %add3A_595 = arith.addf %add3A_590, %get3A_594 : vector<16xf32>
        %swap3A_596 = arith.index_cast %scan3A_279 : i32 to index
        %swap3A_597 = arith.constant 256 : index
        %swap3A_598 = tpu.vector_load %arg21[%swap3A_596, %swap3A_597] {strides = array<i32>} : memref<8x512xf32, #tpu.memory_space<vmem>>, vector<1x16xf32>,
        %swap3A_599 = vector.shape_cast %swap3A_598 : vector<1x16xf32> to vector<16xf32>
        %swap3A_600 = vector.shape_cast %add3A_595 : vector<16xf32> to vector<1x16xf32>
        tpu.vector_store %arg21[%swap3A_596, %swap3A_597], %swap3A_600 {strides = array<i32>} : memref<8x512xf32, #tpu.memory_space<vmem>>, vector<1x16xf32>,
        %get3A_601 = arith.index_cast %scan3A_279 : i32 to index
        %get3A_602 = arith.constant 272 : index
        %get3A_603 = tpu.vector_load %arg18[%get3A_601, %get3A_602] {strides = array<i32>} : memref<8x512xf32, #tpu.memory_space<vmem>>, vector<1x16xf32>,
        %get3A_604 = vector.shape_cast %get3A_603 : vector<1x16xf32> to vector<16xf32>
        %get3A_605 = arith.index_cast %scan3A_279 : i32 to index
        %get3A_606 = arith.constant 272 : index
        %get3A_607 = tpu.vector_load %arg19[%get3A_605, %get3A_606] {strides = array<i32>} : memref<8x512xf32, #tpu.memory_space<vmem>>, vector<1x16xf32>,
        %get3A_608 = vector.shape_cast %get3A_607 : vector<1x16xf32> to vector<16xf32>
        %add3A_609 = arith.addf %get3A_604, %get3A_608 : vector<16xf32>
        %get3A_610 = arith.index_cast %scan3A_279 : i32 to index
        %get3A_611 = arith.constant 272 : index
        %get3A_612 = tpu.vector_load %arg20[%get3A_610, %get3A_611] {strides = array<i32>} : memref<8x512xf32, #tpu.memory_space<vmem>>, vector<1x16xf32>,
        %get3A_613 = vector.shape_cast %get3A_612 : vector<1x16xf32> to vector<16xf32>
        %add3A_614 = arith.addf %add3A_609, %get3A_613 : vector<16xf32>
        %swap3A_615 = arith.index_cast %scan3A_279 : i32 to index
        %swap3A_616 = arith.constant 272 : index
        %swap3A_617 = tpu.vector_load %arg21[%swap3A_615, %swap3A_616] {strides = array<i32>} : memref<8x512xf32, #tpu.memory_space<vmem>>, vector<1x16xf32>,
        %swap3A_618 = vector.shape_cast %swap3A_617 : vector<1x16xf32> to vector<16xf32>
        %swap3A_619 = vector.shape_cast %add3A_614 : vector<16xf32> to vector<1x16xf32>
        tpu.vector_store %arg21[%swap3A_615, %swap3A_616], %swap3A_619 {strides = array<i32>} : memref<8x512xf32, #tpu.memory_space<vmem>>, vector<1x16xf32>,
        %get3A_620 = arith.index_cast %scan3A_279 : i32 to index
        %get3A_621 = arith.constant 288 : index
        %get3A_622 = tpu.vector_load %arg18[%get3A_620, %get3A_621] {strides = array<i32>} : memref<8x512xf32, #tpu.memory_space<vmem>>, vector<1x16xf32>,
        %get3A_623 = vector.shape_cast %get3A_622 : vector<1x16xf32> to vector<16xf32>
        %get3A_624 = arith.index_cast %scan3A_279 : i32 to index
        %get3A_625 = arith.constant 288 : index
        %get3A_626 = tpu.vector_load %arg19[%get3A_624, %get3A_625] {strides = array<i32>} : memref<8x512xf32, #tpu.memory_space<vmem>>, vector<1x16xf32>,
        %get3A_627 = vector.shape_cast %get3A_626 : vector<1x16xf32> to vector<16xf32>
        %add3A_628 = arith.addf %get3A_623, %get3A_627 : vector<16xf32>
        %get3A_629 = arith.index_cast %scan3A_279 : i32 to index
        %get3A_630 = arith.constant 288 : index
        %get3A_631 = tpu.vector_load %arg20[%get3A_629, %get3A_630] {strides = array<i32>} : memref<8x512xf32, #tpu.memory_space<vmem>>, vector<1x16xf32>,
        %get3A_632 = vector.shape_cast %get3A_631 : vector<1x16xf32> to vector<16xf32>
        %add3A_633 = arith.addf %add3A_628, %get3A_632 : vector<16xf32>
        %swap3A_634 = arith.index_cast %scan3A_279 : i32 to index
        %swap3A_635 = arith.constant 288 : index
        %swap3A_636 = tpu.vector_load %arg21[%swap3A_634, %swap3A_635] {strides = array<i32>} : memref<8x512xf32, #tpu.memory_space<vmem>>, vector<1x16xf32>,
        %swap3A_637 = vector.shape_cast %swap3A_636 : vector<1x16xf32> to vector<16xf32>
        %swap3A_638 = vector.shape_cast %add3A_633 : vector<16xf32> to vector<1x16xf32>
        tpu.vector_store %arg21[%swap3A_634, %swap3A_635], %swap3A_638 {strides = array<i32>} : memref<8x512xf32, #tpu.memory_space<vmem>>, vector<1x16xf32>,
        %get3A_639 = arith.index_cast %scan3A_279 : i32 to index
        %get3A_640 = arith.constant 304 : index
        %get3A_641 = tpu.vector_load %arg18[%get3A_639, %get3A_640] {strides = array<i32>} : memref<8x512xf32, #tpu.memory_space<vmem>>, vector<1x16xf32>,
        %get3A_642 = vector.shape_cast %get3A_641 : vector<1x16xf32> to vector<16xf32>
        %get3A_643 = arith.index_cast %scan3A_279 : i32 to index
        %get3A_644 = arith.constant 304 : index
        %get3A_645 = tpu.vector_load %arg19[%get3A_643, %get3A_644] {strides = array<i32>} : memref<8x512xf32, #tpu.memory_space<vmem>>, vector<1x16xf32>,
        %get3A_646 = vector.shape_cast %get3A_645 : vector<1x16xf32> to vector<16xf32>
        %add3A_647 = arith.addf %get3A_642, %get3A_646 : vector<16xf32>
        %get3A_648 = arith.index_cast %scan3A_279 : i32 to index
        %get3A_649 = arith.constant 304 : index
        %get3A_650 = tpu.vector_load %arg20[%get3A_648, %get3A_649] {strides = array<i32>} : memref<8x512xf32, #tpu.memory_space<vmem>>, vector<1x16xf32>,
        %get3A_651 = vector.shape_cast %get3A_650 : vector<1x16xf32> to vector<16xf32>
        %add3A_652 = arith.addf %add3A_647, %get3A_651 : vector<16xf32>
        %swap3A_653 = arith.index_cast %scan3A_279 : i32 to index
        %swap3A_654 = arith.constant 304 : index
        %swap3A_655 = tpu.vector_load %arg21[%swap3A_653, %swap3A_654] {strides = array<i32>} : memref<8x512xf32, #tpu.memory_space<vmem>>, vector<1x16xf32>,
        %swap3A_656 = vector.shape_cast %swap3A_655 : vector<1x16xf32> to vector<16xf32>
        %swap3A_657 = vector.shape_cast %add3A_652 : vector<16xf32> to vector<1x16xf32>
        tpu.vector_store %arg21[%swap3A_653, %swap3A_654], %swap3A_657 {strides = array<i32>} : memref<8x512xf32, #tpu.memory_space<vmem>>, vector<1x16xf32>,
        %get3A_658 = arith.index_cast %scan3A_279 : i32 to index
        %get3A_659 = arith.constant 320 : index
        %get3A_660 = tpu.vector_load %arg18[%get3A_658, %get3A_659] {strides = array<i32>} : memref<8x512xf32, #tpu.memory_space<vmem>>, vector<1x16xf32>,
        %get3A_661 = vector.shape_cast %get3A_660 : vector<1x16xf32> to vector<16xf32>
        %get3A_662 = arith.index_cast %scan3A_279 : i32 to index
        %get3A_663 = arith.constant 320 : index
        %get3A_664 = tpu.vector_load %arg19[%get3A_662, %get3A_663] {strides = array<i32>} : memref<8x512xf32, #tpu.memory_space<vmem>>, vector<1x16xf32>,
        %get3A_665 = vector.shape_cast %get3A_664 : vector<1x16xf32> to vector<16xf32>
        %add3A_666 = arith.addf %get3A_661, %get3A_665 : vector<16xf32>
        %get3A_667 = arith.index_cast %scan3A_279 : i32 to index
        %get3A_668 = arith.constant 320 : index
        %get3A_669 = tpu.vector_load %arg20[%get3A_667, %get3A_668] {strides = array<i32>} : memref<8x512xf32, #tpu.memory_space<vmem>>, vector<1x16xf32>,
        %get3A_670 = vector.shape_cast %get3A_669 : vector<1x16xf32> to vector<16xf32>
        %add3A_671 = arith.addf %add3A_666, %get3A_670 : vector<16xf32>
        %swap3A_672 = arith.index_cast %scan3A_279 : i32 to index
        %swap3A_673 = arith.constant 320 : index
        %swap3A_674 = tpu.vector_load %arg21[%swap3A_672, %swap3A_673] {strides = array<i32>} : memref<8x512xf32, #tpu.memory_space<vmem>>, vector<1x16xf32>,
        %swap3A_675 = vector.shape_cast %swap3A_674 : vector<1x16xf32> to vector<16xf32>
        %swap3A_676 = vector.shape_cast %add3A_671 : vector<16xf32> to vector<1x16xf32>
        tpu.vector_store %arg21[%swap3A_672, %swap3A_673], %swap3A_676 {strides = array<i32>} : memref<8x512xf32, #tpu.memory_space<vmem>>, vector<1x16xf32>,
        %get3A_677 = arith.index_cast %scan3A_279 : i32 to index
        %get3A_678 = arith.constant 336 : index
        %get3A_679 = tpu.vector_load %arg18[%get3A_677, %get3A_678] {strides = array<i32>} : memref<8x512xf32, #tpu.memory_space<vmem>>, vector<1x16xf32>,
        %get3A_680 = vector.shape_cast %get3A_679 : vector<1x16xf32> to vector<16xf32>
        %get3A_681 = arith.index_cast %scan3A_279 : i32 to index
        %get3A_682 = arith.constant 336 : index
        %get3A_683 = tpu.vector_load %arg19[%get3A_681, %get3A_682] {strides = array<i32>} : memref<8x512xf32, #tpu.memory_space<vmem>>, vector<1x16xf32>,
        %get3A_684 = vector.shape_cast %get3A_683 : vector<1x16xf32> to vector<16xf32>
        %add3A_685 = arith.addf %get3A_680, %get3A_684 : vector<16xf32>
        %get3A_686 = arith.index_cast %scan3A_279 : i32 to index
        %get3A_687 = arith.constant 336 : index
        %get3A_688 = tpu.vector_load %arg20[%get3A_686, %get3A_687] {strides = array<i32>} : memref<8x512xf32, #tpu.memory_space<vmem>>, vector<1x16xf32>,
        %get3A_689 = vector.shape_cast %get3A_688 : vector<1x16xf32> to vector<16xf32>
        %add3A_690 = arith.addf %add3A_685, %get3A_689 : vector<16xf32>
        %swap3A_691 = arith.index_cast %scan3A_279 : i32 to index
        %swap3A_692 = arith.constant 336 : index
        %swap3A_693 = tpu.vector_load %arg21[%swap3A_691, %swap3A_692] {strides = array<i32>} : memref<8x512xf32, #tpu.memory_space<vmem>>, vector<1x16xf32>,
        %swap3A_694 = vector.shape_cast %swap3A_693 : vector<1x16xf32> to vector<16xf32>
        %swap3A_695 = vector.shape_cast %add3A_690 : vector<16xf32> to vector<1x16xf32>
        tpu.vector_store %arg21[%swap3A_691, %swap3A_692], %swap3A_695 {strides = array<i32>} : memref<8x512xf32, #tpu.memory_space<vmem>>, vector<1x16xf32>,
        %get3A_696 = arith.index_cast %scan3A_279 : i32 to index
        %get3A_697 = arith.constant 352 : index
        %get3A_698 = tpu.vector_load %arg18[%get3A_696, %get3A_697] {strides = array<i32>} : memref<8x512xf32, #tpu.memory_space<vmem>>, vector<1x16xf32>,
        %get3A_699 = vector.shape_cast %get3A_698 : vector<1x16xf32> to vector<16xf32>
        %get3A_700 = arith.index_cast %scan3A_279 : i32 to index
        %get3A_701 = arith.constant 352 : index
        %get3A_702 = tpu.vector_load %arg19[%get3A_700, %get3A_701] {strides = array<i32>} : memref<8x512xf32, #tpu.memory_space<vmem>>, vector<1x16xf32>,
        %get3A_703 = vector.shape_cast %get3A_702 : vector<1x16xf32> to vector<16xf32>
        %add3A_704 = arith.addf %get3A_699, %get3A_703 : vector<16xf32>
        %get3A_705 = arith.index_cast %scan3A_279 : i32 to index
        %get3A_706 = arith.constant 352 : index
        %get3A_707 = tpu.vector_load %arg20[%get3A_705, %get3A_706] {strides = array<i32>} : memref<8x512xf32, #tpu.memory_space<vmem>>, vector<1x16xf32>,
        %get3A_708 = vector.shape_cast %get3A_707 : vector<1x16xf32> to vector<16xf32>
        %add3A_709 = arith.addf %add3A_704, %get3A_708 : vector<16xf32>
        %swap3A_710 = arith.index_cast %scan3A_279 : i32 to index
        %swap3A_711 = arith.constant 352 : index
        %swap3A_712 = tpu.vector_load %arg21[%swap3A_710, %swap3A_711] {strides = array<i32>} : memref<8x512xf32, #tpu.memory_space<vmem>>, vector<1x16xf32>,
        %swap3A_713 = vector.shape_cast %swap3A_712 : vector<1x16xf32> to vector<16xf32>
        %swap3A_714 = vector.shape_cast %add3A_709 : vector<16xf32> to vector<1x16xf32>
        tpu.vector_store %arg21[%swap3A_710, %swap3A_711], %swap3A_714 {strides = array<i32>} : memref<8x512xf32, #tpu.memory_space<vmem>>, vector<1x16xf32>,
        %get3A_715 = arith.index_cast %scan3A_279 : i32 to index
        %get3A_716 = arith.constant 368 : index
        %get3A_717 = tpu.vector_load %arg18[%get3A_715, %get3A_716] {strides = array<i32>} : memref<8x512xf32, #tpu.memory_space<vmem>>, vector<1x16xf32>,
        %get3A_718 = vector.shape_cast %get3A_717 : vector<1x16xf32> to vector<16xf32>
        %get3A_719 = arith.index_cast %scan3A_279 : i32 to index
        %get3A_720 = arith.constant 368 : index
        %get3A_721 = tpu.vector_load %arg19[%get3A_719, %get3A_720] {strides = array<i32>} : memref<8x512xf32, #tpu.memory_space<vmem>>, vector<1x16xf32>,
        %get3A_722 = vector.shape_cast %get3A_721 : vector<1x16xf32> to vector<16xf32>
        %add3A_723 = arith.addf %get3A_718, %get3A_722 : vector<16xf32>
        %get3A_724 = arith.index_cast %scan3A_279 : i32 to index
        %get3A_725 = arith.constant 368 : index
        %get3A_726 = tpu.vector_load %arg20[%get3A_724, %get3A_725] {strides = array<i32>} : memref<8x512xf32, #tpu.memory_space<vmem>>, vector<1x16xf32>,
        %get3A_727 = vector.shape_cast %get3A_726 : vector<1x16xf32> to vector<16xf32>
        %add3A_728 = arith.addf %add3A_723, %get3A_727 : vector<16xf32>
        %swap3A_729 = arith.index_cast %scan3A_279 : i32 to index
        %swap3A_730 = arith.constant 368 : index
        %swap3A_731 = tpu.vector_load %arg21[%swap3A_729, %swap3A_730] {strides = array<i32>} : memref<8x512xf32, #tpu.memory_space<vmem>>, vector<1x16xf32>,
        %swap3A_732 = vector.shape_cast %swap3A_731 : vector<1x16xf32> to vector<16xf32>
        %swap3A_733 = vector.shape_cast %add3A_728 : vector<16xf32> to vector<1x16xf32>
        tpu.vector_store %arg21[%swap3A_729, %swap3A_730], %swap3A_733 {strides = array<i32>} : memref<8x512xf32, #tpu.memory_space<vmem>>, vector<1x16xf32>,
        %get3A_734 = arith.index_cast %scan3A_279 : i32 to index
        %get3A_735 = arith.constant 384 : index
        %get3A_736 = tpu.vector_load %arg18[%get3A_734, %get3A_735] {strides = array<i32>} : memref<8x512xf32, #tpu.memory_space<vmem>>, vector<1x16xf32>,
        %get3A_737 = vector.shape_cast %get3A_736 : vector<1x16xf32> to vector<16xf32>
        %get3A_738 = arith.index_cast %scan3A_279 : i32 to index
        %get3A_739 = arith.constant 384 : index
        %get3A_740 = tpu.vector_load %arg19[%get3A_738, %get3A_739] {strides = array<i32>} : memref<8x512xf32, #tpu.memory_space<vmem>>, vector<1x16xf32>,
        %get3A_741 = vector.shape_cast %get3A_740 : vector<1x16xf32> to vector<16xf32>
        %add3A_742 = arith.addf %get3A_737, %get3A_741 : vector<16xf32>
        %get3A_743 = arith.index_cast %scan3A_279 : i32 to index
        %get3A_744 = arith.constant 384 : index
        %get3A_745 = tpu.vector_load %arg20[%get3A_743, %get3A_744] {strides = array<i32>} : memref<8x512xf32, #tpu.memory_space<vmem>>, vector<1x16xf32>,
        %get3A_746 = vector.shape_cast %get3A_745 : vector<1x16xf32> to vector<16xf32>
        %add3A_747 = arith.addf %add3A_742, %get3A_746 : vector<16xf32>
        %swap3A_748 = arith.index_cast %scan3A_279 : i32 to index
        %swap3A_749 = arith.constant 384 : index
        %swap3A_750 = tpu.vector_load %arg21[%swap3A_748, %swap3A_749] {strides = array<i32>} : memref<8x512xf32, #tpu.memory_space<vmem>>, vector<1x16xf32>,
        %swap3A_751 = vector.shape_cast %swap3A_750 : vector<1x16xf32> to vector<16xf32>
        %swap3A_752 = vector.shape_cast %add3A_747 : vector<16xf32> to vector<1x16xf32>
        tpu.vector_store %arg21[%swap3A_748, %swap3A_749], %swap3A_752 {strides = array<i32>} : memref<8x512xf32, #tpu.memory_space<vmem>>, vector<1x16xf32>,
        %get3A_753 = arith.index_cast %scan3A_279 : i32 to index
        %get3A_754 = arith.constant 400 : index
        %get3A_755 = tpu.vector_load %arg18[%get3A_753, %get3A_754] {strides = array<i32>} : memref<8x512xf32, #tpu.memory_space<vmem>>, vector<1x16xf32>,
        %get3A_756 = vector.shape_cast %get3A_755 : vector<1x16xf32> to vector<16xf32>
        %get3A_757 = arith.index_cast %scan3A_279 : i32 to index
        %get3A_758 = arith.constant 400 : index
        %get3A_759 = tpu.vector_load %arg19[%get3A_757, %get3A_758] {strides = array<i32>} : memref<8x512xf32, #tpu.memory_space<vmem>>, vector<1x16xf32>,
        %get3A_760 = vector.shape_cast %get3A_759 : vector<1x16xf32> to vector<16xf32>
        %add3A_761 = arith.addf %get3A_756, %get3A_760 : vector<16xf32>
        %get3A_762 = arith.index_cast %scan3A_279 : i32 to index
        %get3A_763 = arith.constant 400 : index
        %get3A_764 = tpu.vector_load %arg20[%get3A_762, %get3A_763] {strides = array<i32>} : memref<8x512xf32, #tpu.memory_space<vmem>>, vector<1x16xf32>,
        %get3A_765 = vector.shape_cast %get3A_764 : vector<1x16xf32> to vector<16xf32>
        %add3A_766 = arith.addf %add3A_761, %get3A_765 : vector<16xf32>
        %swap3A_767 = arith.index_cast %scan3A_279 : i32 to index
        %swap3A_768 = arith.constant 400 : index
        %swap3A_769 = tpu.vector_load %arg21[%swap3A_767, %swap3A_768] {strides = array<i32>} : memref<8x512xf32, #tpu.memory_space<vmem>>, vector<1x16xf32>,
        %swap3A_770 = vector.shape_cast %swap3A_769 : vector<1x16xf32> to vector<16xf32>
        %swap3A_771 = vector.shape_cast %add3A_766 : vector<16xf32> to vector<1x16xf32>
        tpu.vector_store %arg21[%swap3A_767, %swap3A_768], %swap3A_771 {strides = array<i32>} : memref<8x512xf32, #tpu.memory_space<vmem>>, vector<1x16xf32>,
        %get3A_772 = arith.index_cast %scan3A_279 : i32 to index
        %get3A_773 = arith.constant 416 : index
        %get3A_774 = tpu.vector_load %arg18[%get3A_772, %get3A_773] {strides = array<i32>} : memref<8x512xf32, #tpu.memory_space<vmem>>, vector<1x16xf32>,
        %get3A_775 = vector.shape_cast %get3A_774 : vector<1x16xf32> to vector<16xf32>
        %get3A_776 = arith.index_cast %scan3A_279 : i32 to index
        %get3A_777 = arith.constant 416 : index
        %get3A_778 = tpu.vector_load %arg19[%get3A_776, %get3A_777] {strides = array<i32>} : memref<8x512xf32, #tpu.memory_space<vmem>>, vector<1x16xf32>,
        %get3A_779 = vector.shape_cast %get3A_778 : vector<1x16xf32> to vector<16xf32>
        %add3A_780 = arith.addf %get3A_775, %get3A_779 : vector<16xf32>
        %get3A_781 = arith.index_cast %scan3A_279 : i32 to index
        %get3A_782 = arith.constant 416 : index
        %get3A_783 = tpu.vector_load %arg20[%get3A_781, %get3A_782] {strides = array<i32>} : memref<8x512xf32, #tpu.memory_space<vmem>>, vector<1x16xf32>,
        %get3A_784 = vector.shape_cast %get3A_783 : vector<1x16xf32> to vector<16xf32>
        %add3A_785 = arith.addf %add3A_780, %get3A_784 : vector<16xf32>
        %swap3A_786 = arith.index_cast %scan3A_279 : i32 to index
        %swap3A_787 = arith.constant 416 : index
        %swap3A_788 = tpu.vector_load %arg21[%swap3A_786, %swap3A_787] {strides = array<i32>} : memref<8x512xf32, #tpu.memory_space<vmem>>, vector<1x16xf32>,
        %swap3A_789 = vector.shape_cast %swap3A_788 : vector<1x16xf32> to vector<16xf32>
        %swap3A_790 = vector.shape_cast %add3A_785 : vector<16xf32> to vector<1x16xf32>
        tpu.vector_store %arg21[%swap3A_786, %swap3A_787], %swap3A_790 {strides = array<i32>} : memref<8x512xf32, #tpu.memory_space<vmem>>, vector<1x16xf32>,
        %get3A_791 = arith.index_cast %scan3A_279 : i32 to index
        %get3A_792 = arith.constant 432 : index
        %get3A_793 = tpu.vector_load %arg18[%get3A_791, %get3A_792] {strides = array<i32>} : memref<8x512xf32, #tpu.memory_space<vmem>>, vector<1x16xf32>,
        %get3A_794 = vector.shape_cast %get3A_793 : vector<1x16xf32> to vector<16xf32>
        %get3A_795 = arith.index_cast %scan3A_279 : i32 to index
        %get3A_796 = arith.constant 432 : index
        %get3A_797 = tpu.vector_load %arg19[%get3A_795, %get3A_796] {strides = array<i32>} : memref<8x512xf32, #tpu.memory_space<vmem>>, vector<1x16xf32>,
        %get3A_798 = vector.shape_cast %get3A_797 : vector<1x16xf32> to vector<16xf32>
        %add3A_799 = arith.addf %get3A_794, %get3A_798 : vector<16xf32>
        %get3A_800 = arith.index_cast %scan3A_279 : i32 to index
        %get3A_801 = arith.constant 432 : index
        %get3A_802 = tpu.vector_load %arg20[%get3A_800, %get3A_801] {strides = array<i32>} : memref<8x512xf32, #tpu.memory_space<vmem>>, vector<1x16xf32>,
        %get3A_803 = vector.shape_cast %get3A_802 : vector<1x16xf32> to vector<16xf32>
        %add3A_804 = arith.addf %add3A_799, %get3A_803 : vector<16xf32>
        %swap3A_805 = arith.index_cast %scan3A_279 : i32 to index
        %swap3A_806 = arith.constant 432 : index
        %swap3A_807 = tpu.vector_load %arg21[%swap3A_805, %swap3A_806] {strides = array<i32>} : memref<8x512xf32, #tpu.memory_space<vmem>>, vector<1x16xf32>,
        %swap3A_808 = vector.shape_cast %swap3A_807 : vector<1x16xf32> to vector<16xf32>
        %swap3A_809 = vector.shape_cast %add3A_804 : vector<16xf32> to vector<1x16xf32>
        tpu.vector_store %arg21[%swap3A_805, %swap3A_806], %swap3A_809 {strides = array<i32>} : memref<8x512xf32, #tpu.memory_space<vmem>>, vector<1x16xf32>,
        %get3A_810 = arith.index_cast %scan3A_279 : i32 to index
        %get3A_811 = arith.constant 448 : index
        %get3A_812 = tpu.vector_load %arg18[%get3A_810, %get3A_811] {strides = array<i32>} : memref<8x512xf32, #tpu.memory_space<vmem>>, vector<1x16xf32>,
        %get3A_813 = vector.shape_cast %get3A_812 : vector<1x16xf32> to vector<16xf32>
        %get3A_814 = arith.index_cast %scan3A_279 : i32 to index
        %get3A_815 = arith.constant 448 : index
        %get3A_816 = tpu.vector_load %arg19[%get3A_814, %get3A_815] {strides = array<i32>} : memref<8x512xf32, #tpu.memory_space<vmem>>, vector<1x16xf32>,
        %get3A_817 = vector.shape_cast %get3A_816 : vector<1x16xf32> to vector<16xf32>
        %add3A_818 = arith.addf %get3A_813, %get3A_817 : vector<16xf32>
        %get3A_819 = arith.index_cast %scan3A_279 : i32 to index
        %get3A_820 = arith.constant 448 : index
        %get3A_821 = tpu.vector_load %arg20[%get3A_819, %get3A_820] {strides = array<i32>} : memref<8x512xf32, #tpu.memory_space<vmem>>, vector<1x16xf32>,
        %get3A_822 = vector.shape_cast %get3A_821 : vector<1x16xf32> to vector<16xf32>
        %add3A_823 = arith.addf %add3A_818, %get3A_822 : vector<16xf32>
        %swap3A_824 = arith.index_cast %scan3A_279 : i32 to index
        %swap3A_825 = arith.constant 448 : index
        %swap3A_826 = tpu.vector_load %arg21[%swap3A_824, %swap3A_825] {strides = array<i32>} : memref<8x512xf32, #tpu.memory_space<vmem>>, vector<1x16xf32>,
        %swap3A_827 = vector.shape_cast %swap3A_826 : vector<1x16xf32> to vector<16xf32>
        %swap3A_828 = vector.shape_cast %add3A_823 : vector<16xf32> to vector<1x16xf32>
        tpu.vector_store %arg21[%swap3A_824, %swap3A_825], %swap3A_828 {strides = array<i32>} : memref<8x512xf32, #tpu.memory_space<vmem>>, vector<1x16xf32>,
        %get3A_829 = arith.index_cast %scan3A_279 : i32 to index
        %get3A_830 = arith.constant 464 : index
        %get3A_831 = tpu.vector_load %arg18[%get3A_829, %get3A_830] {strides = array<i32>} : memref<8x512xf32, #tpu.memory_space<vmem>>, vector<1x16xf32>,
        %get3A_832 = vector.shape_cast %get3A_831 : vector<1x16xf32> to vector<16xf32>
        %get3A_833 = arith.index_cast %scan3A_279 : i32 to index
        %get3A_834 = arith.constant 464 : index
        %get3A_835 = tpu.vector_load %arg19[%get3A_833, %get3A_834] {strides = array<i32>} : memref<8x512xf32, #tpu.memory_space<vmem>>, vector<1x16xf32>,
        %get3A_836 = vector.shape_cast %get3A_835 : vector<1x16xf32> to vector<16xf32>
        %add3A_837 = arith.addf %get3A_832, %get3A_836 : vector<16xf32>
        %get3A_838 = arith.index_cast %scan3A_279 : i32 to index
        %get3A_839 = arith.constant 464 : index
        %get3A_840 = tpu.vector_load %arg20[%get3A_838, %get3A_839] {strides = array<i32>} : memref<8x512xf32, #tpu.memory_space<vmem>>, vector<1x16xf32>,
        %get3A_841 = vector.shape_cast %get3A_840 : vector<1x16xf32> to vector<16xf32>
        %add3A_842 = arith.addf %add3A_837, %get3A_841 : vector<16xf32>
        %swap3A_843 = arith.index_cast %scan3A_279 : i32 to index
        %swap3A_844 = arith.constant 464 : index
        %swap3A_845 = tpu.vector_load %arg21[%swap3A_843, %swap3A_844] {strides = array<i32>} : memref<8x512xf32, #tpu.memory_space<vmem>>, vector<1x16xf32>,
        %swap3A_846 = vector.shape_cast %swap3A_845 : vector<1x16xf32> to vector<16xf32>
        %swap3A_847 = vector.shape_cast %add3A_842 : vector<16xf32> to vector<1x16xf32>
        tpu.vector_store %arg21[%swap3A_843, %swap3A_844], %swap3A_847 {strides = array<i32>} : memref<8x512xf32, #tpu.memory_space<vmem>>, vector<1x16xf32>,
        %get3A_848 = arith.index_cast %scan3A_279 : i32 to index
        %get3A_849 = arith.constant 480 : index
        %get3A_850 = tpu.vector_load %arg18[%get3A_848, %get3A_849] {strides = array<i32>} : memref<8x512xf32, #tpu.memory_space<vmem>>, vector<1x16xf32>,
        %get3A_851 = vector.shape_cast %get3A_850 : vector<1x16xf32> to vector<16xf32>
        %get3A_852 = arith.index_cast %scan3A_279 : i32 to index
        %get3A_853 = arith.constant 480 : index
        %get3A_854 = tpu.vector_load %arg19[%get3A_852, %get3A_853] {strides = array<i32>} : memref<8x512xf32, #tpu.memory_space<vmem>>, vector<1x16xf32>,
        %get3A_855 = vector.shape_cast %get3A_854 : vector<1x16xf32> to vector<16xf32>
        %add3A_856 = arith.addf %get3A_851, %get3A_855 : vector<16xf32>
        %get3A_857 = arith.index_cast %scan3A_279 : i32 to index
        %get3A_858 = arith.constant 480 : index
        %get3A_859 = tpu.vector_load %arg20[%get3A_857, %get3A_858] {strides = array<i32>} : memref<8x512xf32, #tpu.memory_space<vmem>>, vector<1x16xf32>,
        %get3A_860 = vector.shape_cast %get3A_859 : vector<1x16xf32> to vector<16xf32>
        %add3A_861 = arith.addf %add3A_856, %get3A_860 : vector<16xf32>
        %swap3A_862 = arith.index_cast %scan3A_279 : i32 to index
        %swap3A_863 = arith.constant 480 : index
        %swap3A_864 = tpu.vector_load %arg21[%swap3A_862, %swap3A_863] {strides = array<i32>} : memref<8x512xf32, #tpu.memory_space<vmem>>, vector<1x16xf32>,
        %swap3A_865 = vector.shape_cast %swap3A_864 : vector<1x16xf32> to vector<16xf32>
        %swap3A_866 = vector.shape_cast %add3A_861 : vector<16xf32> to vector<1x16xf32>
        tpu.vector_store %arg21[%swap3A_862, %swap3A_863], %swap3A_866 {strides = array<i32>} : memref<8x512xf32, #tpu.memory_space<vmem>>, vector<1x16xf32>,
        %get3A_867 = arith.index_cast %scan3A_279 : i32 to index
        %get3A_868 = arith.constant 496 : index
        %get3A_869 = tpu.vector_load %arg18[%get3A_867, %get3A_868] {strides = array<i32>} : memref<8x512xf32, #tpu.memory_space<vmem>>, vector<1x16xf32>,
        %get3A_870 = vector.shape_cast %get3A_869 : vector<1x16xf32> to vector<16xf32>
        %get3A_871 = arith.index_cast %scan3A_279 : i32 to index
        %get3A_872 = arith.constant 496 : index
        %get3A_873 = tpu.vector_load %arg19[%get3A_871, %get3A_872] {strides = array<i32>} : memref<8x512xf32, #tpu.memory_space<vmem>>, vector<1x16xf32>,
        %get3A_874 = vector.shape_cast %get3A_873 : vector<1x16xf32> to vector<16xf32>
        %add3A_875 = arith.addf %get3A_870, %get3A_874 : vector<16xf32>
        %get3A_876 = arith.index_cast %scan3A_279 : i32 to index
        %get3A_877 = arith.constant 496 : index
        %get3A_878 = tpu.vector_load %arg20[%get3A_876, %get3A_877] {strides = array<i32>} : memref<8x512xf32, #tpu.memory_space<vmem>>, vector<1x16xf32>,
        %get3A_879 = vector.shape_cast %get3A_878 : vector<1x16xf32> to vector<16xf32>
        %add3A_880 = arith.addf %add3A_875, %get3A_879 : vector<16xf32>
        %swap3A_881 = arith.index_cast %scan3A_279 : i32 to index
        %swap3A_882 = arith.constant 496 : index
        %swap3A_883 = tpu.vector_load %arg21[%swap3A_881, %swap3A_882] {strides = array<i32>} : memref<8x512xf32, #tpu.memory_space<vmem>>, vector<1x16xf32>,
        %swap3A_884 = vector.shape_cast %swap3A_883 : vector<1x16xf32> to vector<16xf32>
        %swap3A_885 = vector.shape_cast %add3A_880 : vector<16xf32> to vector<1x16xf32>
        tpu.vector_store %arg21[%swap3A_881, %swap3A_882], %swap3A_885 {strides = array<i32>} : memref<8x512xf32, #tpu.memory_space<vmem>>, vector<1x16xf32>,
      }
      %scan3A_217 = arith.constant 8 : i32
      %mul3A_218 = arith.constant 8 : i32
      %mul3A_219 = arith.muli %add3A_188, %mul3A_218 : i32
      %add3A_220 = arith.addi %mul3A_2, %mul3A_219 : i32
      %dma_start3A_221 = arith.constant 0 : i32
      %dma_start3A_222 = tpu.memref_slice %arg7[%add3A_220, %dma_start3A_221] : memref<16384x512xf32, #tpu.memory_space<hbm>> -> memref<8x512xf32, #tpu.memory_space<hbm>>
      %dma_start3A_223 = arith.constant 0 : i32
      %dma_start3A_224 = tpu.memref_slice %arg7[%add3A_220, %dma_start3A_223] : memref<16384x512xf32, #tpu.memory_space<hbm>> -> memref<8x512xf32, #tpu.memory_space<hbm>>
      tpu.enqueue_dma source(%arg21 : memref<8x512xf32, #tpu.memory_space<vmem>>) target(%dma_start3A_224 : memref<8x512xf32, #tpu.memory_space<hbm>>) target_semaphore(%arg32 : memref<!tpu.dma_semaphore, #tpu.memory_space<semaphore_mem>>)
      %add3A_225 = arith.constant 4 : i32
      %add3A_226 = arith.addi %add3A_188, %add3A_225 : i32
      %lt3A_227 = arith.constant 64 : i32
      %lt3A_228 = arith.cmpi slt, %add3A_226, %lt3A_227 : i32
      %convert_element_type3A_229 = arith.extui %lt3A_228 : i1 to i32
      %cond3A_230 = arith.constant 0 : i32
      %cond3A_231 = arith.cmpi ne, %convert_element_type3A_229, %cond3A_230 : i32
      scf.if %cond3A_231 {
        %add3A_279 = arith.constant 4 : i32
        %add3A_280 = arith.addi %add3A_188, %add3A_279 : i32
        %mul3A_281 = arith.constant 8 : i32
        %mul3A_282 = arith.muli %add3A_280, %mul3A_281 : i32
        %add3A_283 = arith.addi %mul3A_2, %mul3A_282 : i32
        %dma_start3A_284 = arith.constant 0 : i32
        %dma_start3A_285 = tpu.memref_slice %arg2[%add3A_283, %dma_start3A_284] : memref<16384x512xf32, #tpu.memory_space<hbm>> -> memref<8x512xf32, #tpu.memory_space<hbm>>
        %dma_start3A_286 = arith.constant 0 : i32
        %dma_start3A_287 = tpu.memref_slice %arg2[%add3A_283, %dma_start3A_286] : memref<16384x512xf32, #tpu.memory_space<hbm>> -> memref<8x512xf32, #tpu.memory_space<hbm>>
        tpu.enqueue_dma source(%dma_start3A_287 : memref<8x512xf32, #tpu.memory_space<hbm>>) target(%arg18 : memref<8x512xf32, #tpu.memory_space<vmem>>) target_semaphore(%arg28 : memref<!tpu.dma_semaphore, #tpu.memory_space<semaphore_mem>>)
        %dma_start3A_288 = tpu.memref_slice %arg8[%mul3A_282] : memref<512xi32, #tpu.memory_space<vmem>> -> memref<8xi32, #tpu.memory_space<vmem>>
        %dma_start3A_289 = arith.constant 0 : i32
        %dma_start3A_290 = arith.constant 0 : i32
        %dma_start3A_291 = tpu.memref_slice %arg5[%dma_start3A_289, %dma_start3A_290] : memref<100000x512xf32, #tpu.memory_space<hbm>> -> memref<100000x512xf32, #tpu.memory_space<hbm>>
        tpu.enqueue_indirect_dma source(%dma_start3A_291 : memref<100000x512xf32, #tpu.memory_space<hbm>>) target(%arg19 : memref<8x512xf32, #tpu.memory_space<vmem>>) offsets(%dma_start3A_288 : memref<8xi32, #tpu.memory_space<vmem>>) semaphore(%arg28 : memref<!tpu.dma_semaphore, #tpu.memory_space<semaphore_mem>>)
        %dma_start3A_292 = tpu.memref_slice %arg9[%mul3A_282] : memref<512xi32, #tpu.memory_space<vmem>> -> memref<8xi32, #tpu.memory_space<vmem>>
        %dma_start3A_293 = arith.constant 0 : i32
        %dma_start3A_294 = arith.constant 0 : i32
        %dma_start3A_295 = tpu.memref_slice %arg6[%dma_start3A_293, %dma_start3A_294] : memref<1000x512xf32, #tpu.memory_space<hbm>> -> memref<1000x512xf32, #tpu.memory_space<hbm>>
        tpu.enqueue_indirect_dma source(%dma_start3A_295 : memref<1000x512xf32, #tpu.memory_space<hbm>>) target(%arg20 : memref<8x512xf32, #tpu.memory_space<vmem>>) offsets(%dma_start3A_292 : memref<8xi32, #tpu.memory_space<vmem>>) semaphore(%arg28 : memref<!tpu.dma_semaphore, #tpu.memory_space<semaphore_mem>>)
      } else {
      }
      %mul3A_232 = arith.constant 4 : i32
      %mul3A_233 = arith.muli %scan3A_94, %mul3A_232 : i32
      %add3A_234 = arith.constant 3 : i32
      %add3A_235 = arith.addi %mul3A_233, %add3A_234 : i32
      %dma_wait3A_236 = arith.constant 0 : i32
      %dma_wait3A_237 = arith.constant 0 : i32
      %dma_wait3A_238 = tpu.memref_slice %arg2[%dma_wait3A_236, %dma_wait3A_237] : memref<16384x512xf32, #tpu.memory_space<hbm>> -> memref<8x512xf32, #tpu.memory_space<hbm>>
      %dma_wait3A_239 = arith.constant 0 : i32
      %dma_wait3A_240 = arith.constant 0 : i32
      %dma_wait3A_241 = tpu.memref_slice %arg2[%dma_wait3A_239, %dma_wait3A_240] : memref<16384x512xf32, #tpu.memory_space<hbm>> -> memref<8x512xf32, #tpu.memory_space<hbm>>
      tpu.wait_dma2 semaphore(%arg29 : memref<!tpu.dma_semaphore, #tpu.memory_space<semaphore_mem>>) src(%dma_wait3A_241 : memref<8x512xf32, #tpu.memory_space<hbm>>) dst(%arg22 : memref<8x512xf32, #tpu.memory_space<vmem>>)
      %dma_wait3A_242 = arith.constant 0 : i32
      %dma_wait3A_243 = arith.constant 0 : i32
      %dma_wait3A_244 = tpu.memref_slice %arg2[%dma_wait3A_242, %dma_wait3A_243] : memref<16384x512xf32, #tpu.memory_space<hbm>> -> memref<8x512xf32, #tpu.memory_space<hbm>>
      %dma_wait3A_245 = arith.constant 0 : i32
      %dma_wait3A_246 = arith.constant 0 : i32
      %dma_wait3A_247 = tpu.memref_slice %arg2[%dma_wait3A_245, %dma_wait3A_246] : memref<16384x512xf32, #tpu.memory_space<hbm>> -> memref<8x512xf32, #tpu.memory_space<hbm>>
      tpu.wait_dma2 semaphore(%arg29 : memref<!tpu.dma_semaphore, #tpu.memory_space<semaphore_mem>>) src(%dma_wait3A_247 : memref<8x512xf32, #tpu.memory_space<hbm>>) dst(%arg23 : memref<8x512xf32, #tpu.memory_space<vmem>>)
      %dma_wait3A_248 = arith.constant 0 : i32
      %dma_wait3A_249 = arith.constant 0 : i32
      %dma_wait3A_250 = tpu.memref_slice %arg2[%dma_wait3A_248, %dma_wait3A_249] : memref<16384x512xf32, #tpu.memory_space<hbm>> -> memref<8x512xf32, #tpu.memory_space<hbm>>
      %dma_wait3A_251 = arith.constant 0 : i32
      %dma_wait3A_252 = arith.constant 0 : i32
      %dma_wait3A_253 = tpu.memref_slice %arg2[%dma_wait3A_251, %dma_wait3A_252] : memref<16384x512xf32, #tpu.memory_space<hbm>> -> memref<8x512xf32, #tpu.memory_space<hbm>>
      tpu.wait_dma2 semaphore(%arg29 : memref<!tpu.dma_semaphore, #tpu.memory_space<semaphore_mem>>) src(%dma_wait3A_253 : memref<8x512xf32, #tpu.memory_space<hbm>>) dst(%arg24 : memref<8x512xf32, #tpu.memory_space<vmem>>)
      %ge3A_254 = arith.constant 4 : i32
      %ge3A_255 = arith.cmpi sge, %add3A_235, %ge3A_254 : i32
      %convert_element_type3A_256 = arith.extui %ge3A_255 : i1 to i32
      %cond3A_257 = arith.constant 0 : i32
      %cond3A_258 = arith.cmpi ne, %convert_element_type3A_256, %cond3A_257 : i32
      scf.if %cond3A_258 {
        %dma_wait3A_279 = arith.constant 0 : i32
        %dma_wait3A_280 = arith.constant 0 : i32
        %dma_wait3A_281 = tpu.memref_slice %arg7[%dma_wait3A_279, %dma_wait3A_280] : memref<16384x512xf32, #tpu.memory_space<hbm>> -> memref<8x512xf32, #tpu.memory_space<hbm>>
        %dma_wait3A_282 = arith.constant 0 : i32
        %dma_wait3A_283 = arith.constant 0 : i32
        %dma_wait3A_284 = tpu.memref_slice %arg7[%dma_wait3A_282, %dma_wait3A_283] : memref<16384x512xf32, #tpu.memory_space<hbm>> -> memref<8x512xf32, #tpu.memory_space<hbm>>
        tpu.wait_dma2 semaphore(%arg33 : memref<!tpu.dma_semaphore, #tpu.memory_space<semaphore_mem>>) src(%arg25 : memref<8x512xf32, #tpu.memory_space<vmem>>) dst(%dma_wait3A_284 : memref<8x512xf32, #tpu.memory_space<hbm>>)
      } else {
      }
      %scan3A_259 = arith.constant 0 : i32
      %scan3A_260 = arith.constant 0 : i32
      %scan3A_261 = arith.constant 8 : i32
      %scan3A_262 = arith.addi %scan3A_260, %scan3A_261 : i32
      %scan3A_263 = arith.constant 1 : i32
      scf.for %scan3A_279 = %scan3A_260 to %scan3A_262 step %scan3A_263  : i32 {
        %get3A = arith.index_cast %scan3A_279 : i32 to index
        %get3A_280 = arith.constant 0 : index
        %get3A_281 = tpu.vector_load %arg22[%get3A, %get3A_280] {strides = array<i32>} : memref<8x512xf32, #tpu.memory_space<vmem>>, vector<1x16xf32>,
        %get3A_282 = vector.shape_cast %get3A_281 : vector<1x16xf32> to vector<16xf32>
        %get3A_283 = arith.index_cast %scan3A_279 : i32 to index
        %get3A_284 = arith.constant 0 : index
        %get3A_285 = tpu.vector_load %arg23[%get3A_283, %get3A_284] {strides = array<i32>} : memref<8x512xf32, #tpu.memory_space<vmem>>, vector<1x16xf32>,
        %get3A_286 = vector.shape_cast %get3A_285 : vector<1x16xf32> to vector<16xf32>
        %add3A_287 = arith.addf %get3A_282, %get3A_286 : vector<16xf32>
        %get3A_288 = arith.index_cast %scan3A_279 : i32 to index
        %get3A_289 = arith.constant 0 : index
        %get3A_290 = tpu.vector_load %arg24[%get3A_288, %get3A_289] {strides = array<i32>} : memref<8x512xf32, #tpu.memory_space<vmem>>, vector<1x16xf32>,
        %get3A_291 = vector.shape_cast %get3A_290 : vector<1x16xf32> to vector<16xf32>
        %add3A_292 = arith.addf %add3A_287, %get3A_291 : vector<16xf32>
        %swap3A = arith.index_cast %scan3A_279 : i32 to index
        %swap3A_293 = arith.constant 0 : index
        %swap3A_294 = tpu.vector_load %arg25[%swap3A, %swap3A_293] {strides = array<i32>} : memref<8x512xf32, #tpu.memory_space<vmem>>, vector<1x16xf32>,
        %swap3A_295 = vector.shape_cast %swap3A_294 : vector<1x16xf32> to vector<16xf32>
        %swap3A_296 = vector.shape_cast %add3A_292 : vector<16xf32> to vector<1x16xf32>
        tpu.vector_store %arg25[%swap3A, %swap3A_293], %swap3A_296 {strides = array<i32>} : memref<8x512xf32, #tpu.memory_space<vmem>>, vector<1x16xf32>,
        %get3A_297 = arith.index_cast %scan3A_279 : i32 to index
        %get3A_298 = arith.constant 16 : index
        %get3A_299 = tpu.vector_load %arg22[%get3A_297, %get3A_298] {strides = array<i32>} : memref<8x512xf32, #tpu.memory_space<vmem>>, vector<1x16xf32>,
        %get3A_300 = vector.shape_cast %get3A_299 : vector<1x16xf32> to vector<16xf32>
        %get3A_301 = arith.index_cast %scan3A_279 : i32 to index
        %get3A_302 = arith.constant 16 : index
        %get3A_303 = tpu.vector_load %arg23[%get3A_301, %get3A_302] {strides = array<i32>} : memref<8x512xf32, #tpu.memory_space<vmem>>, vector<1x16xf32>,
        %get3A_304 = vector.shape_cast %get3A_303 : vector<1x16xf32> to vector<16xf32>
        %add3A_305 = arith.addf %get3A_300, %get3A_304 : vector<16xf32>
        %get3A_306 = arith.index_cast %scan3A_279 : i32 to index
        %get3A_307 = arith.constant 16 : index
        %get3A_308 = tpu.vector_load %arg24[%get3A_306, %get3A_307] {strides = array<i32>} : memref<8x512xf32, #tpu.memory_space<vmem>>, vector<1x16xf32>,
        %get3A_309 = vector.shape_cast %get3A_308 : vector<1x16xf32> to vector<16xf32>
        %add3A_310 = arith.addf %add3A_305, %get3A_309 : vector<16xf32>
        %swap3A_311 = arith.index_cast %scan3A_279 : i32 to index
        %swap3A_312 = arith.constant 16 : index
        %swap3A_313 = tpu.vector_load %arg25[%swap3A_311, %swap3A_312] {strides = array<i32>} : memref<8x512xf32, #tpu.memory_space<vmem>>, vector<1x16xf32>,
        %swap3A_314 = vector.shape_cast %swap3A_313 : vector<1x16xf32> to vector<16xf32>
        %swap3A_315 = vector.shape_cast %add3A_310 : vector<16xf32> to vector<1x16xf32>
        tpu.vector_store %arg25[%swap3A_311, %swap3A_312], %swap3A_315 {strides = array<i32>} : memref<8x512xf32, #tpu.memory_space<vmem>>, vector<1x16xf32>,
        %get3A_316 = arith.index_cast %scan3A_279 : i32 to index
        %get3A_317 = arith.constant 32 : index
        %get3A_318 = tpu.vector_load %arg22[%get3A_316, %get3A_317] {strides = array<i32>} : memref<8x512xf32, #tpu.memory_space<vmem>>, vector<1x16xf32>,
        %get3A_319 = vector.shape_cast %get3A_318 : vector<1x16xf32> to vector<16xf32>
        %get3A_320 = arith.index_cast %scan3A_279 : i32 to index
        %get3A_321 = arith.constant 32 : index
        %get3A_322 = tpu.vector_load %arg23[%get3A_320, %get3A_321] {strides = array<i32>} : memref<8x512xf32, #tpu.memory_space<vmem>>, vector<1x16xf32>,
        %get3A_323 = vector.shape_cast %get3A_322 : vector<1x16xf32> to vector<16xf32>
        %add3A_324 = arith.addf %get3A_319, %get3A_323 : vector<16xf32>
        %get3A_325 = arith.index_cast %scan3A_279 : i32 to index
        %get3A_326 = arith.constant 32 : index
        %get3A_327 = tpu.vector_load %arg24[%get3A_325, %get3A_326] {strides = array<i32>} : memref<8x512xf32, #tpu.memory_space<vmem>>, vector<1x16xf32>,
        %get3A_328 = vector.shape_cast %get3A_327 : vector<1x16xf32> to vector<16xf32>
        %add3A_329 = arith.addf %add3A_324, %get3A_328 : vector<16xf32>
        %swap3A_330 = arith.index_cast %scan3A_279 : i32 to index
        %swap3A_331 = arith.constant 32 : index
        %swap3A_332 = tpu.vector_load %arg25[%swap3A_330, %swap3A_331] {strides = array<i32>} : memref<8x512xf32, #tpu.memory_space<vmem>>, vector<1x16xf32>,
        %swap3A_333 = vector.shape_cast %swap3A_332 : vector<1x16xf32> to vector<16xf32>
        %swap3A_334 = vector.shape_cast %add3A_329 : vector<16xf32> to vector<1x16xf32>
        tpu.vector_store %arg25[%swap3A_330, %swap3A_331], %swap3A_334 {strides = array<i32>} : memref<8x512xf32, #tpu.memory_space<vmem>>, vector<1x16xf32>,
        %get3A_335 = arith.index_cast %scan3A_279 : i32 to index
        %get3A_336 = arith.constant 48 : index
        %get3A_337 = tpu.vector_load %arg22[%get3A_335, %get3A_336] {strides = array<i32>} : memref<8x512xf32, #tpu.memory_space<vmem>>, vector<1x16xf32>,
        %get3A_338 = vector.shape_cast %get3A_337 : vector<1x16xf32> to vector<16xf32>
        %get3A_339 = arith.index_cast %scan3A_279 : i32 to index
        %get3A_340 = arith.constant 48 : index
        %get3A_341 = tpu.vector_load %arg23[%get3A_339, %get3A_340] {strides = array<i32>} : memref<8x512xf32, #tpu.memory_space<vmem>>, vector<1x16xf32>,
        %get3A_342 = vector.shape_cast %get3A_341 : vector<1x16xf32> to vector<16xf32>
        %add3A_343 = arith.addf %get3A_338, %get3A_342 : vector<16xf32>
        %get3A_344 = arith.index_cast %scan3A_279 : i32 to index
        %get3A_345 = arith.constant 48 : index
        %get3A_346 = tpu.vector_load %arg24[%get3A_344, %get3A_345] {strides = array<i32>} : memref<8x512xf32, #tpu.memory_space<vmem>>, vector<1x16xf32>,
        %get3A_347 = vector.shape_cast %get3A_346 : vector<1x16xf32> to vector<16xf32>
        %add3A_348 = arith.addf %add3A_343, %get3A_347 : vector<16xf32>
        %swap3A_349 = arith.index_cast %scan3A_279 : i32 to index
        %swap3A_350 = arith.constant 48 : index
        %swap3A_351 = tpu.vector_load %arg25[%swap3A_349, %swap3A_350] {strides = array<i32>} : memref<8x512xf32, #tpu.memory_space<vmem>>, vector<1x16xf32>,
        %swap3A_352 = vector.shape_cast %swap3A_351 : vector<1x16xf32> to vector<16xf32>
        %swap3A_353 = vector.shape_cast %add3A_348 : vector<16xf32> to vector<1x16xf32>
        tpu.vector_store %arg25[%swap3A_349, %swap3A_350], %swap3A_353 {strides = array<i32>} : memref<8x512xf32, #tpu.memory_space<vmem>>, vector<1x16xf32>,
        %get3A_354 = arith.index_cast %scan3A_279 : i32 to index
        %get3A_355 = arith.constant 64 : index
        %get3A_356 = tpu.vector_load %arg22[%get3A_354, %get3A_355] {strides = array<i32>} : memref<8x512xf32, #tpu.memory_space<vmem>>, vector<1x16xf32>,
        %get3A_357 = vector.shape_cast %get3A_356 : vector<1x16xf32> to vector<16xf32>
        %get3A_358 = arith.index_cast %scan3A_279 : i32 to index
        %get3A_359 = arith.constant 64 : index
        %get3A_360 = tpu.vector_load %arg23[%get3A_358, %get3A_359] {strides = array<i32>} : memref<8x512xf32, #tpu.memory_space<vmem>>, vector<1x16xf32>,
        %get3A_361 = vector.shape_cast %get3A_360 : vector<1x16xf32> to vector<16xf32>
        %add3A_362 = arith.addf %get3A_357, %get3A_361 : vector<16xf32>
        %get3A_363 = arith.index_cast %scan3A_279 : i32 to index
        %get3A_364 = arith.constant 64 : index
        %get3A_365 = tpu.vector_load %arg24[%get3A_363, %get3A_364] {strides = array<i32>} : memref<8x512xf32, #tpu.memory_space<vmem>>, vector<1x16xf32>,
        %get3A_366 = vector.shape_cast %get3A_365 : vector<1x16xf32> to vector<16xf32>
        %add3A_367 = arith.addf %add3A_362, %get3A_366 : vector<16xf32>
        %swap3A_368 = arith.index_cast %scan3A_279 : i32 to index
        %swap3A_369 = arith.constant 64 : index
        %swap3A_370 = tpu.vector_load %arg25[%swap3A_368, %swap3A_369] {strides = array<i32>} : memref<8x512xf32, #tpu.memory_space<vmem>>, vector<1x16xf32>,
        %swap3A_371 = vector.shape_cast %swap3A_370 : vector<1x16xf32> to vector<16xf32>
        %swap3A_372 = vector.shape_cast %add3A_367 : vector<16xf32> to vector<1x16xf32>
        tpu.vector_store %arg25[%swap3A_368, %swap3A_369], %swap3A_372 {strides = array<i32>} : memref<8x512xf32, #tpu.memory_space<vmem>>, vector<1x16xf32>,
        %get3A_373 = arith.index_cast %scan3A_279 : i32 to index
        %get3A_374 = arith.constant 80 : index
        %get3A_375 = tpu.vector_load %arg22[%get3A_373, %get3A_374] {strides = array<i32>} : memref<8x512xf32, #tpu.memory_space<vmem>>, vector<1x16xf32>,
        %get3A_376 = vector.shape_cast %get3A_375 : vector<1x16xf32> to vector<16xf32>
        %get3A_377 = arith.index_cast %scan3A_279 : i32 to index
        %get3A_378 = arith.constant 80 : index
        %get3A_379 = tpu.vector_load %arg23[%get3A_377, %get3A_378] {strides = array<i32>} : memref<8x512xf32, #tpu.memory_space<vmem>>, vector<1x16xf32>,
        %get3A_380 = vector.shape_cast %get3A_379 : vector<1x16xf32> to vector<16xf32>
        %add3A_381 = arith.addf %get3A_376, %get3A_380 : vector<16xf32>
        %get3A_382 = arith.index_cast %scan3A_279 : i32 to index
        %get3A_383 = arith.constant 80 : index
        %get3A_384 = tpu.vector_load %arg24[%get3A_382, %get3A_383] {strides = array<i32>} : memref<8x512xf32, #tpu.memory_space<vmem>>, vector<1x16xf32>,
        %get3A_385 = vector.shape_cast %get3A_384 : vector<1x16xf32> to vector<16xf32>
        %add3A_386 = arith.addf %add3A_381, %get3A_385 : vector<16xf32>
        %swap3A_387 = arith.index_cast %scan3A_279 : i32 to index
        %swap3A_388 = arith.constant 80 : index
        %swap3A_389 = tpu.vector_load %arg25[%swap3A_387, %swap3A_388] {strides = array<i32>} : memref<8x512xf32, #tpu.memory_space<vmem>>, vector<1x16xf32>,
        %swap3A_390 = vector.shape_cast %swap3A_389 : vector<1x16xf32> to vector<16xf32>
        %swap3A_391 = vector.shape_cast %add3A_386 : vector<16xf32> to vector<1x16xf32>
        tpu.vector_store %arg25[%swap3A_387, %swap3A_388], %swap3A_391 {strides = array<i32>} : memref<8x512xf32, #tpu.memory_space<vmem>>, vector<1x16xf32>,
        %get3A_392 = arith.index_cast %scan3A_279 : i32 to index
        %get3A_393 = arith.constant 96 : index
        %get3A_394 = tpu.vector_load %arg22[%get3A_392, %get3A_393] {strides = array<i32>} : memref<8x512xf32, #tpu.memory_space<vmem>>, vector<1x16xf32>,
        %get3A_395 = vector.shape_cast %get3A_394 : vector<1x16xf32> to vector<16xf32>
        %get3A_396 = arith.index_cast %scan3A_279 : i32 to index
        %get3A_397 = arith.constant 96 : index
        %get3A_398 = tpu.vector_load %arg23[%get3A_396, %get3A_397] {strides = array<i32>} : memref<8x512xf32, #tpu.memory_space<vmem>>, vector<1x16xf32>,
        %get3A_399 = vector.shape_cast %get3A_398 : vector<1x16xf32> to vector<16xf32>
        %add3A_400 = arith.addf %get3A_395, %get3A_399 : vector<16xf32>
        %get3A_401 = arith.index_cast %scan3A_279 : i32 to index
        %get3A_402 = arith.constant 96 : index
        %get3A_403 = tpu.vector_load %arg24[%get3A_401, %get3A_402] {strides = array<i32>} : memref<8x512xf32, #tpu.memory_space<vmem>>, vector<1x16xf32>,
        %get3A_404 = vector.shape_cast %get3A_403 : vector<1x16xf32> to vector<16xf32>
        %add3A_405 = arith.addf %add3A_400, %get3A_404 : vector<16xf32>
        %swap3A_406 = arith.index_cast %scan3A_279 : i32 to index
        %swap3A_407 = arith.constant 96 : index
        %swap3A_408 = tpu.vector_load %arg25[%swap3A_406, %swap3A_407] {strides = array<i32>} : memref<8x512xf32, #tpu.memory_space<vmem>>, vector<1x16xf32>,
        %swap3A_409 = vector.shape_cast %swap3A_408 : vector<1x16xf32> to vector<16xf32>
        %swap3A_410 = vector.shape_cast %add3A_405 : vector<16xf32> to vector<1x16xf32>
        tpu.vector_store %arg25[%swap3A_406, %swap3A_407], %swap3A_410 {strides = array<i32>} : memref<8x512xf32, #tpu.memory_space<vmem>>, vector<1x16xf32>,
        %get3A_411 = arith.index_cast %scan3A_279 : i32 to index
        %get3A_412 = arith.constant 112 : index
        %get3A_413 = tpu.vector_load %arg22[%get3A_411, %get3A_412] {strides = array<i32>} : memref<8x512xf32, #tpu.memory_space<vmem>>, vector<1x16xf32>,
        %get3A_414 = vector.shape_cast %get3A_413 : vector<1x16xf32> to vector<16xf32>
        %get3A_415 = arith.index_cast %scan3A_279 : i32 to index
        %get3A_416 = arith.constant 112 : index
        %get3A_417 = tpu.vector_load %arg23[%get3A_415, %get3A_416] {strides = array<i32>} : memref<8x512xf32, #tpu.memory_space<vmem>>, vector<1x16xf32>,
        %get3A_418 = vector.shape_cast %get3A_417 : vector<1x16xf32> to vector<16xf32>
        %add3A_419 = arith.addf %get3A_414, %get3A_418 : vector<16xf32>
        %get3A_420 = arith.index_cast %scan3A_279 : i32 to index
        %get3A_421 = arith.constant 112 : index
        %get3A_422 = tpu.vector_load %arg24[%get3A_420, %get3A_421] {strides = array<i32>} : memref<8x512xf32, #tpu.memory_space<vmem>>, vector<1x16xf32>,
        %get3A_423 = vector.shape_cast %get3A_422 : vector<1x16xf32> to vector<16xf32>
        %add3A_424 = arith.addf %add3A_419, %get3A_423 : vector<16xf32>
        %swap3A_425 = arith.index_cast %scan3A_279 : i32 to index
        %swap3A_426 = arith.constant 112 : index
        %swap3A_427 = tpu.vector_load %arg25[%swap3A_425, %swap3A_426] {strides = array<i32>} : memref<8x512xf32, #tpu.memory_space<vmem>>, vector<1x16xf32>,
        %swap3A_428 = vector.shape_cast %swap3A_427 : vector<1x16xf32> to vector<16xf32>
        %swap3A_429 = vector.shape_cast %add3A_424 : vector<16xf32> to vector<1x16xf32>
        tpu.vector_store %arg25[%swap3A_425, %swap3A_426], %swap3A_429 {strides = array<i32>} : memref<8x512xf32, #tpu.memory_space<vmem>>, vector<1x16xf32>,
        %get3A_430 = arith.index_cast %scan3A_279 : i32 to index
        %get3A_431 = arith.constant 128 : index
        %get3A_432 = tpu.vector_load %arg22[%get3A_430, %get3A_431] {strides = array<i32>} : memref<8x512xf32, #tpu.memory_space<vmem>>, vector<1x16xf32>,
        %get3A_433 = vector.shape_cast %get3A_432 : vector<1x16xf32> to vector<16xf32>
        %get3A_434 = arith.index_cast %scan3A_279 : i32 to index
        %get3A_435 = arith.constant 128 : index
        %get3A_436 = tpu.vector_load %arg23[%get3A_434, %get3A_435] {strides = array<i32>} : memref<8x512xf32, #tpu.memory_space<vmem>>, vector<1x16xf32>,
        %get3A_437 = vector.shape_cast %get3A_436 : vector<1x16xf32> to vector<16xf32>
        %add3A_438 = arith.addf %get3A_433, %get3A_437 : vector<16xf32>
        %get3A_439 = arith.index_cast %scan3A_279 : i32 to index
        %get3A_440 = arith.constant 128 : index
        %get3A_441 = tpu.vector_load %arg24[%get3A_439, %get3A_440] {strides = array<i32>} : memref<8x512xf32, #tpu.memory_space<vmem>>, vector<1x16xf32>,
        %get3A_442 = vector.shape_cast %get3A_441 : vector<1x16xf32> to vector<16xf32>
        %add3A_443 = arith.addf %add3A_438, %get3A_442 : vector<16xf32>
        %swap3A_444 = arith.index_cast %scan3A_279 : i32 to index
        %swap3A_445 = arith.constant 128 : index
        %swap3A_446 = tpu.vector_load %arg25[%swap3A_444, %swap3A_445] {strides = array<i32>} : memref<8x512xf32, #tpu.memory_space<vmem>>, vector<1x16xf32>,
        %swap3A_447 = vector.shape_cast %swap3A_446 : vector<1x16xf32> to vector<16xf32>
        %swap3A_448 = vector.shape_cast %add3A_443 : vector<16xf32> to vector<1x16xf32>
        tpu.vector_store %arg25[%swap3A_444, %swap3A_445], %swap3A_448 {strides = array<i32>} : memref<8x512xf32, #tpu.memory_space<vmem>>, vector<1x16xf32>,
        %get3A_449 = arith.index_cast %scan3A_279 : i32 to index
        %get3A_450 = arith.constant 144 : index
        %get3A_451 = tpu.vector_load %arg22[%get3A_449, %get3A_450] {strides = array<i32>} : memref<8x512xf32, #tpu.memory_space<vmem>>, vector<1x16xf32>,
        %get3A_452 = vector.shape_cast %get3A_451 : vector<1x16xf32> to vector<16xf32>
        %get3A_453 = arith.index_cast %scan3A_279 : i32 to index
        %get3A_454 = arith.constant 144 : index
        %get3A_455 = tpu.vector_load %arg23[%get3A_453, %get3A_454] {strides = array<i32>} : memref<8x512xf32, #tpu.memory_space<vmem>>, vector<1x16xf32>,
        %get3A_456 = vector.shape_cast %get3A_455 : vector<1x16xf32> to vector<16xf32>
        %add3A_457 = arith.addf %get3A_452, %get3A_456 : vector<16xf32>
        %get3A_458 = arith.index_cast %scan3A_279 : i32 to index
        %get3A_459 = arith.constant 144 : index
        %get3A_460 = tpu.vector_load %arg24[%get3A_458, %get3A_459] {strides = array<i32>} : memref<8x512xf32, #tpu.memory_space<vmem>>, vector<1x16xf32>,
        %get3A_461 = vector.shape_cast %get3A_460 : vector<1x16xf32> to vector<16xf32>
        %add3A_462 = arith.addf %add3A_457, %get3A_461 : vector<16xf32>
        %swap3A_463 = arith.index_cast %scan3A_279 : i32 to index
        %swap3A_464 = arith.constant 144 : index
        %swap3A_465 = tpu.vector_load %arg25[%swap3A_463, %swap3A_464] {strides = array<i32>} : memref<8x512xf32, #tpu.memory_space<vmem>>, vector<1x16xf32>,
        %swap3A_466 = vector.shape_cast %swap3A_465 : vector<1x16xf32> to vector<16xf32>
        %swap3A_467 = vector.shape_cast %add3A_462 : vector<16xf32> to vector<1x16xf32>
        tpu.vector_store %arg25[%swap3A_463, %swap3A_464], %swap3A_467 {strides = array<i32>} : memref<8x512xf32, #tpu.memory_space<vmem>>, vector<1x16xf32>,
        %get3A_468 = arith.index_cast %scan3A_279 : i32 to index
        %get3A_469 = arith.constant 160 : index
        %get3A_470 = tpu.vector_load %arg22[%get3A_468, %get3A_469] {strides = array<i32>} : memref<8x512xf32, #tpu.memory_space<vmem>>, vector<1x16xf32>,
        %get3A_471 = vector.shape_cast %get3A_470 : vector<1x16xf32> to vector<16xf32>
        %get3A_472 = arith.index_cast %scan3A_279 : i32 to index
        %get3A_473 = arith.constant 160 : index
        %get3A_474 = tpu.vector_load %arg23[%get3A_472, %get3A_473] {strides = array<i32>} : memref<8x512xf32, #tpu.memory_space<vmem>>, vector<1x16xf32>,
        %get3A_475 = vector.shape_cast %get3A_474 : vector<1x16xf32> to vector<16xf32>
        %add3A_476 = arith.addf %get3A_471, %get3A_475 : vector<16xf32>
        %get3A_477 = arith.index_cast %scan3A_279 : i32 to index
        %get3A_478 = arith.constant 160 : index
        %get3A_479 = tpu.vector_load %arg24[%get3A_477, %get3A_478] {strides = array<i32>} : memref<8x512xf32, #tpu.memory_space<vmem>>, vector<1x16xf32>,
        %get3A_480 = vector.shape_cast %get3A_479 : vector<1x16xf32> to vector<16xf32>
        %add3A_481 = arith.addf %add3A_476, %get3A_480 : vector<16xf32>
        %swap3A_482 = arith.index_cast %scan3A_279 : i32 to index
        %swap3A_483 = arith.constant 160 : index
        %swap3A_484 = tpu.vector_load %arg25[%swap3A_482, %swap3A_483] {strides = array<i32>} : memref<8x512xf32, #tpu.memory_space<vmem>>, vector<1x16xf32>,
        %swap3A_485 = vector.shape_cast %swap3A_484 : vector<1x16xf32> to vector<16xf32>
        %swap3A_486 = vector.shape_cast %add3A_481 : vector<16xf32> to vector<1x16xf32>
        tpu.vector_store %arg25[%swap3A_482, %swap3A_483], %swap3A_486 {strides = array<i32>} : memref<8x512xf32, #tpu.memory_space<vmem>>, vector<1x16xf32>,
        %get3A_487 = arith.index_cast %scan3A_279 : i32 to index
        %get3A_488 = arith.constant 176 : index
        %get3A_489 = tpu.vector_load %arg22[%get3A_487, %get3A_488] {strides = array<i32>} : memref<8x512xf32, #tpu.memory_space<vmem>>, vector<1x16xf32>,
        %get3A_490 = vector.shape_cast %get3A_489 : vector<1x16xf32> to vector<16xf32>
        %get3A_491 = arith.index_cast %scan3A_279 : i32 to index
        %get3A_492 = arith.constant 176 : index
        %get3A_493 = tpu.vector_load %arg23[%get3A_491, %get3A_492] {strides = array<i32>} : memref<8x512xf32, #tpu.memory_space<vmem>>, vector<1x16xf32>,
        %get3A_494 = vector.shape_cast %get3A_493 : vector<1x16xf32> to vector<16xf32>
        %add3A_495 = arith.addf %get3A_490, %get3A_494 : vector<16xf32>
        %get3A_496 = arith.index_cast %scan3A_279 : i32 to index
        %get3A_497 = arith.constant 176 : index
        %get3A_498 = tpu.vector_load %arg24[%get3A_496, %get3A_497] {strides = array<i32>} : memref<8x512xf32, #tpu.memory_space<vmem>>, vector<1x16xf32>,
        %get3A_499 = vector.shape_cast %get3A_498 : vector<1x16xf32> to vector<16xf32>
        %add3A_500 = arith.addf %add3A_495, %get3A_499 : vector<16xf32>
        %swap3A_501 = arith.index_cast %scan3A_279 : i32 to index
        %swap3A_502 = arith.constant 176 : index
        %swap3A_503 = tpu.vector_load %arg25[%swap3A_501, %swap3A_502] {strides = array<i32>} : memref<8x512xf32, #tpu.memory_space<vmem>>, vector<1x16xf32>,
        %swap3A_504 = vector.shape_cast %swap3A_503 : vector<1x16xf32> to vector<16xf32>
        %swap3A_505 = vector.shape_cast %add3A_500 : vector<16xf32> to vector<1x16xf32>
        tpu.vector_store %arg25[%swap3A_501, %swap3A_502], %swap3A_505 {strides = array<i32>} : memref<8x512xf32, #tpu.memory_space<vmem>>, vector<1x16xf32>,
        %get3A_506 = arith.index_cast %scan3A_279 : i32 to index
        %get3A_507 = arith.constant 192 : index
        %get3A_508 = tpu.vector_load %arg22[%get3A_506, %get3A_507] {strides = array<i32>} : memref<8x512xf32, #tpu.memory_space<vmem>>, vector<1x16xf32>,
        %get3A_509 = vector.shape_cast %get3A_508 : vector<1x16xf32> to vector<16xf32>
        %get3A_510 = arith.index_cast %scan3A_279 : i32 to index
        %get3A_511 = arith.constant 192 : index
        %get3A_512 = tpu.vector_load %arg23[%get3A_510, %get3A_511] {strides = array<i32>} : memref<8x512xf32, #tpu.memory_space<vmem>>, vector<1x16xf32>,
        %get3A_513 = vector.shape_cast %get3A_512 : vector<1x16xf32> to vector<16xf32>
        %add3A_514 = arith.addf %get3A_509, %get3A_513 : vector<16xf32>
        %get3A_515 = arith.index_cast %scan3A_279 : i32 to index
        %get3A_516 = arith.constant 192 : index
        %get3A_517 = tpu.vector_load %arg24[%get3A_515, %get3A_516] {strides = array<i32>} : memref<8x512xf32, #tpu.memory_space<vmem>>, vector<1x16xf32>,
        %get3A_518 = vector.shape_cast %get3A_517 : vector<1x16xf32> to vector<16xf32>
        %add3A_519 = arith.addf %add3A_514, %get3A_518 : vector<16xf32>
        %swap3A_520 = arith.index_cast %scan3A_279 : i32 to index
        %swap3A_521 = arith.constant 192 : index
        %swap3A_522 = tpu.vector_load %arg25[%swap3A_520, %swap3A_521] {strides = array<i32>} : memref<8x512xf32, #tpu.memory_space<vmem>>, vector<1x16xf32>,
        %swap3A_523 = vector.shape_cast %swap3A_522 : vector<1x16xf32> to vector<16xf32>
        %swap3A_524 = vector.shape_cast %add3A_519 : vector<16xf32> to vector<1x16xf32>
        tpu.vector_store %arg25[%swap3A_520, %swap3A_521], %swap3A_524 {strides = array<i32>} : memref<8x512xf32, #tpu.memory_space<vmem>>, vector<1x16xf32>,
        %get3A_525 = arith.index_cast %scan3A_279 : i32 to index
        %get3A_526 = arith.constant 208 : index
        %get3A_527 = tpu.vector_load %arg22[%get3A_525, %get3A_526] {strides = array<i32>} : memref<8x512xf32, #tpu.memory_space<vmem>>, vector<1x16xf32>,
        %get3A_528 = vector.shape_cast %get3A_527 : vector<1x16xf32> to vector<16xf32>
        %get3A_529 = arith.index_cast %scan3A_279 : i32 to index
        %get3A_530 = arith.constant 208 : index
        %get3A_531 = tpu.vector_load %arg23[%get3A_529, %get3A_530] {strides = array<i32>} : memref<8x512xf32, #tpu.memory_space<vmem>>, vector<1x16xf32>,
        %get3A_532 = vector.shape_cast %get3A_531 : vector<1x16xf32> to vector<16xf32>
        %add3A_533 = arith.addf %get3A_528, %get3A_532 : vector<16xf32>
        %get3A_534 = arith.index_cast %scan3A_279 : i32 to index
        %get3A_535 = arith.constant 208 : index
        %get3A_536 = tpu.vector_load %arg24[%get3A_534, %get3A_535] {strides = array<i32>} : memref<8x512xf32, #tpu.memory_space<vmem>>, vector<1x16xf32>,
        %get3A_537 = vector.shape_cast %get3A_536 : vector<1x16xf32> to vector<16xf32>
        %add3A_538 = arith.addf %add3A_533, %get3A_537 : vector<16xf32>
        %swap3A_539 = arith.index_cast %scan3A_279 : i32 to index
        %swap3A_540 = arith.constant 208 : index
        %swap3A_541 = tpu.vector_load %arg25[%swap3A_539, %swap3A_540] {strides = array<i32>} : memref<8x512xf32, #tpu.memory_space<vmem>>, vector<1x16xf32>,
        %swap3A_542 = vector.shape_cast %swap3A_541 : vector<1x16xf32> to vector<16xf32>
        %swap3A_543 = vector.shape_cast %add3A_538 : vector<16xf32> to vector<1x16xf32>
        tpu.vector_store %arg25[%swap3A_539, %swap3A_540], %swap3A_543 {strides = array<i32>} : memref<8x512xf32, #tpu.memory_space<vmem>>, vector<1x16xf32>,
        %get3A_544 = arith.index_cast %scan3A_279 : i32 to index
        %get3A_545 = arith.constant 224 : index
        %get3A_546 = tpu.vector_load %arg22[%get3A_544, %get3A_545] {strides = array<i32>} : memref<8x512xf32, #tpu.memory_space<vmem>>, vector<1x16xf32>,
        %get3A_547 = vector.shape_cast %get3A_546 : vector<1x16xf32> to vector<16xf32>
        %get3A_548 = arith.index_cast %scan3A_279 : i32 to index
        %get3A_549 = arith.constant 224 : index
        %get3A_550 = tpu.vector_load %arg23[%get3A_548, %get3A_549] {strides = array<i32>} : memref<8x512xf32, #tpu.memory_space<vmem>>, vector<1x16xf32>,
        %get3A_551 = vector.shape_cast %get3A_550 : vector<1x16xf32> to vector<16xf32>
        %add3A_552 = arith.addf %get3A_547, %get3A_551 : vector<16xf32>
        %get3A_553 = arith.index_cast %scan3A_279 : i32 to index
        %get3A_554 = arith.constant 224 : index
        %get3A_555 = tpu.vector_load %arg24[%get3A_553, %get3A_554] {strides = array<i32>} : memref<8x512xf32, #tpu.memory_space<vmem>>, vector<1x16xf32>,
        %get3A_556 = vector.shape_cast %get3A_555 : vector<1x16xf32> to vector<16xf32>
        %add3A_557 = arith.addf %add3A_552, %get3A_556 : vector<16xf32>
        %swap3A_558 = arith.index_cast %scan3A_279 : i32 to index
        %swap3A_559 = arith.constant 224 : index
        %swap3A_560 = tpu.vector_load %arg25[%swap3A_558, %swap3A_559] {strides = array<i32>} : memref<8x512xf32, #tpu.memory_space<vmem>>, vector<1x16xf32>,
        %swap3A_561 = vector.shape_cast %swap3A_560 : vector<1x16xf32> to vector<16xf32>
        %swap3A_562 = vector.shape_cast %add3A_557 : vector<16xf32> to vector<1x16xf32>
        tpu.vector_store %arg25[%swap3A_558, %swap3A_559], %swap3A_562 {strides = array<i32>} : memref<8x512xf32, #tpu.memory_space<vmem>>, vector<1x16xf32>,
        %get3A_563 = arith.index_cast %scan3A_279 : i32 to index
        %get3A_564 = arith.constant 240 : index
        %get3A_565 = tpu.vector_load %arg22[%get3A_563, %get3A_564] {strides = array<i32>} : memref<8x512xf32, #tpu.memory_space<vmem>>, vector<1x16xf32>,
        %get3A_566 = vector.shape_cast %get3A_565 : vector<1x16xf32> to vector<16xf32>
        %get3A_567 = arith.index_cast %scan3A_279 : i32 to index
        %get3A_568 = arith.constant 240 : index
        %get3A_569 = tpu.vector_load %arg23[%get3A_567, %get3A_568] {strides = array<i32>} : memref<8x512xf32, #tpu.memory_space<vmem>>, vector<1x16xf32>,
        %get3A_570 = vector.shape_cast %get3A_569 : vector<1x16xf32> to vector<16xf32>
        %add3A_571 = arith.addf %get3A_566, %get3A_570 : vector<16xf32>
        %get3A_572 = arith.index_cast %scan3A_279 : i32 to index
        %get3A_573 = arith.constant 240 : index
        %get3A_574 = tpu.vector_load %arg24[%get3A_572, %get3A_573] {strides = array<i32>} : memref<8x512xf32, #tpu.memory_space<vmem>>, vector<1x16xf32>,
        %get3A_575 = vector.shape_cast %get3A_574 : vector<1x16xf32> to vector<16xf32>
        %add3A_576 = arith.addf %add3A_571, %get3A_575 : vector<16xf32>
        %swap3A_577 = arith.index_cast %scan3A_279 : i32 to index
        %swap3A_578 = arith.constant 240 : index
        %swap3A_579 = tpu.vector_load %arg25[%swap3A_577, %swap3A_578] {strides = array<i32>} : memref<8x512xf32, #tpu.memory_space<vmem>>, vector<1x16xf32>,
        %swap3A_580 = vector.shape_cast %swap3A_579 : vector<1x16xf32> to vector<16xf32>
        %swap3A_581 = vector.shape_cast %add3A_576 : vector<16xf32> to vector<1x16xf32>
        tpu.vector_store %arg25[%swap3A_577, %swap3A_578], %swap3A_581 {strides = array<i32>} : memref<8x512xf32, #tpu.memory_space<vmem>>, vector<1x16xf32>,
        %get3A_582 = arith.index_cast %scan3A_279 : i32 to index
        %get3A_583 = arith.constant 256 : index
        %get3A_584 = tpu.vector_load %arg22[%get3A_582, %get3A_583] {strides = array<i32>} : memref<8x512xf32, #tpu.memory_space<vmem>>, vector<1x16xf32>,
        %get3A_585 = vector.shape_cast %get3A_584 : vector<1x16xf32> to vector<16xf32>
        %get3A_586 = arith.index_cast %scan3A_279 : i32 to index
        %get3A_587 = arith.constant 256 : index
        %get3A_588 = tpu.vector_load %arg23[%get3A_586, %get3A_587] {strides = array<i32>} : memref<8x512xf32, #tpu.memory_space<vmem>>, vector<1x16xf32>,
        %get3A_589 = vector.shape_cast %get3A_588 : vector<1x16xf32> to vector<16xf32>
        %add3A_590 = arith.addf %get3A_585, %get3A_589 : vector<16xf32>
        %get3A_591 = arith.index_cast %scan3A_279 : i32 to index
        %get3A_592 = arith.constant 256 : index
        %get3A_593 = tpu.vector_load %arg24[%get3A_591, %get3A_592] {strides = array<i32>} : memref<8x512xf32, #tpu.memory_space<vmem>>, vector<1x16xf32>,
        %get3A_594 = vector.shape_cast %get3A_593 : vector<1x16xf32> to vector<16xf32>
        %add3A_595 = arith.addf %add3A_590, %get3A_594 : vector<16xf32>
        %swap3A_596 = arith.index_cast %scan3A_279 : i32 to index
        %swap3A_597 = arith.constant 256 : index
        %swap3A_598 = tpu.vector_load %arg25[%swap3A_596, %swap3A_597] {strides = array<i32>} : memref<8x512xf32, #tpu.memory_space<vmem>>, vector<1x16xf32>,
        %swap3A_599 = vector.shape_cast %swap3A_598 : vector<1x16xf32> to vector<16xf32>
        %swap3A_600 = vector.shape_cast %add3A_595 : vector<16xf32> to vector<1x16xf32>
        tpu.vector_store %arg25[%swap3A_596, %swap3A_597], %swap3A_600 {strides = array<i32>} : memref<8x512xf32, #tpu.memory_space<vmem>>, vector<1x16xf32>,
        %get3A_601 = arith.index_cast %scan3A_279 : i32 to index
        %get3A_602 = arith.constant 272 : index
        %get3A_603 = tpu.vector_load %arg22[%get3A_601, %get3A_602] {strides = array<i32>} : memref<8x512xf32, #tpu.memory_space<vmem>>, vector<1x16xf32>,
        %get3A_604 = vector.shape_cast %get3A_603 : vector<1x16xf32> to vector<16xf32>
        %get3A_605 = arith.index_cast %scan3A_279 : i32 to index
        %get3A_606 = arith.constant 272 : index
        %get3A_607 = tpu.vector_load %arg23[%get3A_605, %get3A_606] {strides = array<i32>} : memref<8x512xf32, #tpu.memory_space<vmem>>, vector<1x16xf32>,
        %get3A_608 = vector.shape_cast %get3A_607 : vector<1x16xf32> to vector<16xf32>
        %add3A_609 = arith.addf %get3A_604, %get3A_608 : vector<16xf32>
        %get3A_610 = arith.index_cast %scan3A_279 : i32 to index
        %get3A_611 = arith.constant 272 : index
        %get3A_612 = tpu.vector_load %arg24[%get3A_610, %get3A_611] {strides = array<i32>} : memref<8x512xf32, #tpu.memory_space<vmem>>, vector<1x16xf32>,
        %get3A_613 = vector.shape_cast %get3A_612 : vector<1x16xf32> to vector<16xf32>
        %add3A_614 = arith.addf %add3A_609, %get3A_613 : vector<16xf32>
        %swap3A_615 = arith.index_cast %scan3A_279 : i32 to index
        %swap3A_616 = arith.constant 272 : index
        %swap3A_617 = tpu.vector_load %arg25[%swap3A_615, %swap3A_616] {strides = array<i32>} : memref<8x512xf32, #tpu.memory_space<vmem>>, vector<1x16xf32>,
        %swap3A_618 = vector.shape_cast %swap3A_617 : vector<1x16xf32> to vector<16xf32>
        %swap3A_619 = vector.shape_cast %add3A_614 : vector<16xf32> to vector<1x16xf32>
        tpu.vector_store %arg25[%swap3A_615, %swap3A_616], %swap3A_619 {strides = array<i32>} : memref<8x512xf32, #tpu.memory_space<vmem>>, vector<1x16xf32>,
        %get3A_620 = arith.index_cast %scan3A_279 : i32 to index
        %get3A_621 = arith.constant 288 : index
        %get3A_622 = tpu.vector_load %arg22[%get3A_620, %get3A_621] {strides = array<i32>} : memref<8x512xf32, #tpu.memory_space<vmem>>, vector<1x16xf32>,
        %get3A_623 = vector.shape_cast %get3A_622 : vector<1x16xf32> to vector<16xf32>
        %get3A_624 = arith.index_cast %scan3A_279 : i32 to index
        %get3A_625 = arith.constant 288 : index
        %get3A_626 = tpu.vector_load %arg23[%get3A_624, %get3A_625] {strides = array<i32>} : memref<8x512xf32, #tpu.memory_space<vmem>>, vector<1x16xf32>,
        %get3A_627 = vector.shape_cast %get3A_626 : vector<1x16xf32> to vector<16xf32>
        %add3A_628 = arith.addf %get3A_623, %get3A_627 : vector<16xf32>
        %get3A_629 = arith.index_cast %scan3A_279 : i32 to index
        %get3A_630 = arith.constant 288 : index
        %get3A_631 = tpu.vector_load %arg24[%get3A_629, %get3A_630] {strides = array<i32>} : memref<8x512xf32, #tpu.memory_space<vmem>>, vector<1x16xf32>,
        %get3A_632 = vector.shape_cast %get3A_631 : vector<1x16xf32> to vector<16xf32>
        %add3A_633 = arith.addf %add3A_628, %get3A_632 : vector<16xf32>
        %swap3A_634 = arith.index_cast %scan3A_279 : i32 to index
        %swap3A_635 = arith.constant 288 : index
        %swap3A_636 = tpu.vector_load %arg25[%swap3A_634, %swap3A_635] {strides = array<i32>} : memref<8x512xf32, #tpu.memory_space<vmem>>, vector<1x16xf32>,
        %swap3A_637 = vector.shape_cast %swap3A_636 : vector<1x16xf32> to vector<16xf32>
        %swap3A_638 = vector.shape_cast %add3A_633 : vector<16xf32> to vector<1x16xf32>
        tpu.vector_store %arg25[%swap3A_634, %swap3A_635], %swap3A_638 {strides = array<i32>} : memref<8x512xf32, #tpu.memory_space<vmem>>, vector<1x16xf32>,
        %get3A_639 = arith.index_cast %scan3A_279 : i32 to index
        %get3A_640 = arith.constant 304 : index
        %get3A_641 = tpu.vector_load %arg22[%get3A_639, %get3A_640] {strides = array<i32>} : memref<8x512xf32, #tpu.memory_space<vmem>>, vector<1x16xf32>,
        %get3A_642 = vector.shape_cast %get3A_641 : vector<1x16xf32> to vector<16xf32>
        %get3A_643 = arith.index_cast %scan3A_279 : i32 to index
        %get3A_644 = arith.constant 304 : index
        %get3A_645 = tpu.vector_load %arg23[%get3A_643, %get3A_644] {strides = array<i32>} : memref<8x512xf32, #tpu.memory_space<vmem>>, vector<1x16xf32>,
        %get3A_646 = vector.shape_cast %get3A_645 : vector<1x16xf32> to vector<16xf32>
        %add3A_647 = arith.addf %get3A_642, %get3A_646 : vector<16xf32>
        %get3A_648 = arith.index_cast %scan3A_279 : i32 to index
        %get3A_649 = arith.constant 304 : index
        %get3A_650 = tpu.vector_load %arg24[%get3A_648, %get3A_649] {strides = array<i32>} : memref<8x512xf32, #tpu.memory_space<vmem>>, vector<1x16xf32>,
        %get3A_651 = vector.shape_cast %get3A_650 : vector<1x16xf32> to vector<16xf32>
        %add3A_652 = arith.addf %add3A_647, %get3A_651 : vector<16xf32>
        %swap3A_653 = arith.index_cast %scan3A_279 : i32 to index
        %swap3A_654 = arith.constant 304 : index
        %swap3A_655 = tpu.vector_load %arg25[%swap3A_653, %swap3A_654] {strides = array<i32>} : memref<8x512xf32, #tpu.memory_space<vmem>>, vector<1x16xf32>,
        %swap3A_656 = vector.shape_cast %swap3A_655 : vector<1x16xf32> to vector<16xf32>
        %swap3A_657 = vector.shape_cast %add3A_652 : vector<16xf32> to vector<1x16xf32>
        tpu.vector_store %arg25[%swap3A_653, %swap3A_654], %swap3A_657 {strides = array<i32>} : memref<8x512xf32, #tpu.memory_space<vmem>>, vector<1x16xf32>,
        %get3A_658 = arith.index_cast %scan3A_279 : i32 to index
        %get3A_659 = arith.constant 320 : index
        %get3A_660 = tpu.vector_load %arg22[%get3A_658, %get3A_659] {strides = array<i32>} : memref<8x512xf32, #tpu.memory_space<vmem>>, vector<1x16xf32>,
        %get3A_661 = vector.shape_cast %get3A_660 : vector<1x16xf32> to vector<16xf32>
        %get3A_662 = arith.index_cast %scan3A_279 : i32 to index
        %get3A_663 = arith.constant 320 : index
        %get3A_664 = tpu.vector_load %arg23[%get3A_662, %get3A_663] {strides = array<i32>} : memref<8x512xf32, #tpu.memory_space<vmem>>, vector<1x16xf32>,
        %get3A_665 = vector.shape_cast %get3A_664 : vector<1x16xf32> to vector<16xf32>
        %add3A_666 = arith.addf %get3A_661, %get3A_665 : vector<16xf32>
        %get3A_667 = arith.index_cast %scan3A_279 : i32 to index
        %get3A_668 = arith.constant 320 : index
        %get3A_669 = tpu.vector_load %arg24[%get3A_667, %get3A_668] {strides = array<i32>} : memref<8x512xf32, #tpu.memory_space<vmem>>, vector<1x16xf32>,
        %get3A_670 = vector.shape_cast %get3A_669 : vector<1x16xf32> to vector<16xf32>
        %add3A_671 = arith.addf %add3A_666, %get3A_670 : vector<16xf32>
        %swap3A_672 = arith.index_cast %scan3A_279 : i32 to index
        %swap3A_673 = arith.constant 320 : index
        %swap3A_674 = tpu.vector_load %arg25[%swap3A_672, %swap3A_673] {strides = array<i32>} : memref<8x512xf32, #tpu.memory_space<vmem>>, vector<1x16xf32>,
        %swap3A_675 = vector.shape_cast %swap3A_674 : vector<1x16xf32> to vector<16xf32>
        %swap3A_676 = vector.shape_cast %add3A_671 : vector<16xf32> to vector<1x16xf32>
        tpu.vector_store %arg25[%swap3A_672, %swap3A_673], %swap3A_676 {strides = array<i32>} : memref<8x512xf32, #tpu.memory_space<vmem>>, vector<1x16xf32>,
        %get3A_677 = arith.index_cast %scan3A_279 : i32 to index
        %get3A_678 = arith.constant 336 : index
        %get3A_679 = tpu.vector_load %arg22[%get3A_677, %get3A_678] {strides = array<i32>} : memref<8x512xf32, #tpu.memory_space<vmem>>, vector<1x16xf32>,
        %get3A_680 = vector.shape_cast %get3A_679 : vector<1x16xf32> to vector<16xf32>
        %get3A_681 = arith.index_cast %scan3A_279 : i32 to index
        %get3A_682 = arith.constant 336 : index
        %get3A_683 = tpu.vector_load %arg23[%get3A_681, %get3A_682] {strides = array<i32>} : memref<8x512xf32, #tpu.memory_space<vmem>>, vector<1x16xf32>,
        %get3A_684 = vector.shape_cast %get3A_683 : vector<1x16xf32> to vector<16xf32>
        %add3A_685 = arith.addf %get3A_680, %get3A_684 : vector<16xf32>
        %get3A_686 = arith.index_cast %scan3A_279 : i32 to index
        %get3A_687 = arith.constant 336 : index
        %get3A_688 = tpu.vector_load %arg24[%get3A_686, %get3A_687] {strides = array<i32>} : memref<8x512xf32, #tpu.memory_space<vmem>>, vector<1x16xf32>,
        %get3A_689 = vector.shape_cast %get3A_688 : vector<1x16xf32> to vector<16xf32>
        %add3A_690 = arith.addf %add3A_685, %get3A_689 : vector<16xf32>
        %swap3A_691 = arith.index_cast %scan3A_279 : i32 to index
        %swap3A_692 = arith.constant 336 : index
        %swap3A_693 = tpu.vector_load %arg25[%swap3A_691, %swap3A_692] {strides = array<i32>} : memref<8x512xf32, #tpu.memory_space<vmem>>, vector<1x16xf32>,
        %swap3A_694 = vector.shape_cast %swap3A_693 : vector<1x16xf32> to vector<16xf32>
        %swap3A_695 = vector.shape_cast %add3A_690 : vector<16xf32> to vector<1x16xf32>
        tpu.vector_store %arg25[%swap3A_691, %swap3A_692], %swap3A_695 {strides = array<i32>} : memref<8x512xf32, #tpu.memory_space<vmem>>, vector<1x16xf32>,
        %get3A_696 = arith.index_cast %scan3A_279 : i32 to index
        %get3A_697 = arith.constant 352 : index
        %get3A_698 = tpu.vector_load %arg22[%get3A_696, %get3A_697] {strides = array<i32>} : memref<8x512xf32, #tpu.memory_space<vmem>>, vector<1x16xf32>,
        %get3A_699 = vector.shape_cast %get3A_698 : vector<1x16xf32> to vector<16xf32>
        %get3A_700 = arith.index_cast %scan3A_279 : i32 to index
        %get3A_701 = arith.constant 352 : index
        %get3A_702 = tpu.vector_load %arg23[%get3A_700, %get3A_701] {strides = array<i32>} : memref<8x512xf32, #tpu.memory_space<vmem>>, vector<1x16xf32>,
        %get3A_703 = vector.shape_cast %get3A_702 : vector<1x16xf32> to vector<16xf32>
        %add3A_704 = arith.addf %get3A_699, %get3A_703 : vector<16xf32>
        %get3A_705 = arith.index_cast %scan3A_279 : i32 to index
        %get3A_706 = arith.constant 352 : index
        %get3A_707 = tpu.vector_load %arg24[%get3A_705, %get3A_706] {strides = array<i32>} : memref<8x512xf32, #tpu.memory_space<vmem>>, vector<1x16xf32>,
        %get3A_708 = vector.shape_cast %get3A_707 : vector<1x16xf32> to vector<16xf32>
        %add3A_709 = arith.addf %add3A_704, %get3A_708 : vector<16xf32>
        %swap3A_710 = arith.index_cast %scan3A_279 : i32 to index
        %swap3A_711 = arith.constant 352 : index
        %swap3A_712 = tpu.vector_load %arg25[%swap3A_710, %swap3A_711] {strides = array<i32>} : memref<8x512xf32, #tpu.memory_space<vmem>>, vector<1x16xf32>,
        %swap3A_713 = vector.shape_cast %swap3A_712 : vector<1x16xf32> to vector<16xf32>
        %swap3A_714 = vector.shape_cast %add3A_709 : vector<16xf32> to vector<1x16xf32>
        tpu.vector_store %arg25[%swap3A_710, %swap3A_711], %swap3A_714 {strides = array<i32>} : memref<8x512xf32, #tpu.memory_space<vmem>>, vector<1x16xf32>,
        %get3A_715 = arith.index_cast %scan3A_279 : i32 to index
        %get3A_716 = arith.constant 368 : index
        %get3A_717 = tpu.vector_load %arg22[%get3A_715, %get3A_716] {strides = array<i32>} : memref<8x512xf32, #tpu.memory_space<vmem>>, vector<1x16xf32>,
        %get3A_718 = vector.shape_cast %get3A_717 : vector<1x16xf32> to vector<16xf32>
        %get3A_719 = arith.index_cast %scan3A_279 : i32 to index
        %get3A_720 = arith.constant 368 : index
        %get3A_721 = tpu.vector_load %arg23[%get3A_719, %get3A_720] {strides = array<i32>} : memref<8x512xf32, #tpu.memory_space<vmem>>, vector<1x16xf32>,
        %get3A_722 = vector.shape_cast %get3A_721 : vector<1x16xf32> to vector<16xf32>
        %add3A_723 = arith.addf %get3A_718, %get3A_722 : vector<16xf32>
        %get3A_724 = arith.index_cast %scan3A_279 : i32 to index
        %get3A_725 = arith.constant 368 : index
        %get3A_726 = tpu.vector_load %arg24[%get3A_724, %get3A_725] {strides = array<i32>} : memref<8x512xf32, #tpu.memory_space<vmem>>, vector<1x16xf32>,
        %get3A_727 = vector.shape_cast %get3A_726 : vector<1x16xf32> to vector<16xf32>
        %add3A_728 = arith.addf %add3A_723, %get3A_727 : vector<16xf32>
        %swap3A_729 = arith.index_cast %scan3A_279 : i32 to index
        %swap3A_730 = arith.constant 368 : index
        %swap3A_731 = tpu.vector_load %arg25[%swap3A_729, %swap3A_730] {strides = array<i32>} : memref<8x512xf32, #tpu.memory_space<vmem>>, vector<1x16xf32>,
        %swap3A_732 = vector.shape_cast %swap3A_731 : vector<1x16xf32> to vector<16xf32>
        %swap3A_733 = vector.shape_cast %add3A_728 : vector<16xf32> to vector<1x16xf32>
        tpu.vector_store %arg25[%swap3A_729, %swap3A_730], %swap3A_733 {strides = array<i32>} : memref<8x512xf32, #tpu.memory_space<vmem>>, vector<1x16xf32>,
        %get3A_734 = arith.index_cast %scan3A_279 : i32 to index
        %get3A_735 = arith.constant 384 : index
        %get3A_736 = tpu.vector_load %arg22[%get3A_734, %get3A_735] {strides = array<i32>} : memref<8x512xf32, #tpu.memory_space<vmem>>, vector<1x16xf32>,
        %get3A_737 = vector.shape_cast %get3A_736 : vector<1x16xf32> to vector<16xf32>
        %get3A_738 = arith.index_cast %scan3A_279 : i32 to index
        %get3A_739 = arith.constant 384 : index
        %get3A_740 = tpu.vector_load %arg23[%get3A_738, %get3A_739] {strides = array<i32>} : memref<8x512xf32, #tpu.memory_space<vmem>>, vector<1x16xf32>,
        %get3A_741 = vector.shape_cast %get3A_740 : vector<1x16xf32> to vector<16xf32>
        %add3A_742 = arith.addf %get3A_737, %get3A_741 : vector<16xf32>
        %get3A_743 = arith.index_cast %scan3A_279 : i32 to index
        %get3A_744 = arith.constant 384 : index
        %get3A_745 = tpu.vector_load %arg24[%get3A_743, %get3A_744] {strides = array<i32>} : memref<8x512xf32, #tpu.memory_space<vmem>>, vector<1x16xf32>,
        %get3A_746 = vector.shape_cast %get3A_745 : vector<1x16xf32> to vector<16xf32>
        %add3A_747 = arith.addf %add3A_742, %get3A_746 : vector<16xf32>
        %swap3A_748 = arith.index_cast %scan3A_279 : i32 to index
        %swap3A_749 = arith.constant 384 : index
        %swap3A_750 = tpu.vector_load %arg25[%swap3A_748, %swap3A_749] {strides = array<i32>} : memref<8x512xf32, #tpu.memory_space<vmem>>, vector<1x16xf32>,
        %swap3A_751 = vector.shape_cast %swap3A_750 : vector<1x16xf32> to vector<16xf32>
        %swap3A_752 = vector.shape_cast %add3A_747 : vector<16xf32> to vector<1x16xf32>
        tpu.vector_store %arg25[%swap3A_748, %swap3A_749], %swap3A_752 {strides = array<i32>} : memref<8x512xf32, #tpu.memory_space<vmem>>, vector<1x16xf32>,
        %get3A_753 = arith.index_cast %scan3A_279 : i32 to index
        %get3A_754 = arith.constant 400 : index
        %get3A_755 = tpu.vector_load %arg22[%get3A_753, %get3A_754] {strides = array<i32>} : memref<8x512xf32, #tpu.memory_space<vmem>>, vector<1x16xf32>,
        %get3A_756 = vector.shape_cast %get3A_755 : vector<1x16xf32> to vector<16xf32>
        %get3A_757 = arith.index_cast %scan3A_279 : i32 to index
        %get3A_758 = arith.constant 400 : index
        %get3A_759 = tpu.vector_load %arg23[%get3A_757, %get3A_758] {strides = array<i32>} : memref<8x512xf32, #tpu.memory_space<vmem>>, vector<1x16xf32>,
        %get3A_760 = vector.shape_cast %get3A_759 : vector<1x16xf32> to vector<16xf32>
        %add3A_761 = arith.addf %get3A_756, %get3A_760 : vector<16xf32>
        %get3A_762 = arith.index_cast %scan3A_279 : i32 to index
        %get3A_763 = arith.constant 400 : index
        %get3A_764 = tpu.vector_load %arg24[%get3A_762, %get3A_763] {strides = array<i32>} : memref<8x512xf32, #tpu.memory_space<vmem>>, vector<1x16xf32>,
        %get3A_765 = vector.shape_cast %get3A_764 : vector<1x16xf32> to vector<16xf32>
        %add3A_766 = arith.addf %add3A_761, %get3A_765 : vector<16xf32>
        %swap3A_767 = arith.index_cast %scan3A_279 : i32 to index
        %swap3A_768 = arith.constant 400 : index
        %swap3A_769 = tpu.vector_load %arg25[%swap3A_767, %swap3A_768] {strides = array<i32>} : memref<8x512xf32, #tpu.memory_space<vmem>>, vector<1x16xf32>,
        %swap3A_770 = vector.shape_cast %swap3A_769 : vector<1x16xf32> to vector<16xf32>
        %swap3A_771 = vector.shape_cast %add3A_766 : vector<16xf32> to vector<1x16xf32>
        tpu.vector_store %arg25[%swap3A_767, %swap3A_768], %swap3A_771 {strides = array<i32>} : memref<8x512xf32, #tpu.memory_space<vmem>>, vector<1x16xf32>,
        %get3A_772 = arith.index_cast %scan3A_279 : i32 to index
        %get3A_773 = arith.constant 416 : index
        %get3A_774 = tpu.vector_load %arg22[%get3A_772, %get3A_773] {strides = array<i32>} : memref<8x512xf32, #tpu.memory_space<vmem>>, vector<1x16xf32>,
        %get3A_775 = vector.shape_cast %get3A_774 : vector<1x16xf32> to vector<16xf32>
        %get3A_776 = arith.index_cast %scan3A_279 : i32 to index
        %get3A_777 = arith.constant 416 : index
        %get3A_778 = tpu.vector_load %arg23[%get3A_776, %get3A_777] {strides = array<i32>} : memref<8x512xf32, #tpu.memory_space<vmem>>, vector<1x16xf32>,
        %get3A_779 = vector.shape_cast %get3A_778 : vector<1x16xf32> to vector<16xf32>
        %add3A_780 = arith.addf %get3A_775, %get3A_779 : vector<16xf32>
        %get3A_781 = arith.index_cast %scan3A_279 : i32 to index
        %get3A_782 = arith.constant 416 : index
        %get3A_783 = tpu.vector_load %arg24[%get3A_781, %get3A_782] {strides = array<i32>} : memref<8x512xf32, #tpu.memory_space<vmem>>, vector<1x16xf32>,
        %get3A_784 = vector.shape_cast %get3A_783 : vector<1x16xf32> to vector<16xf32>
        %add3A_785 = arith.addf %add3A_780, %get3A_784 : vector<16xf32>
        %swap3A_786 = arith.index_cast %scan3A_279 : i32 to index
        %swap3A_787 = arith.constant 416 : index
        %swap3A_788 = tpu.vector_load %arg25[%swap3A_786, %swap3A_787] {strides = array<i32>} : memref<8x512xf32, #tpu.memory_space<vmem>>, vector<1x16xf32>,
        %swap3A_789 = vector.shape_cast %swap3A_788 : vector<1x16xf32> to vector<16xf32>
        %swap3A_790 = vector.shape_cast %add3A_785 : vector<16xf32> to vector<1x16xf32>
        tpu.vector_store %arg25[%swap3A_786, %swap3A_787], %swap3A_790 {strides = array<i32>} : memref<8x512xf32, #tpu.memory_space<vmem>>, vector<1x16xf32>,
        %get3A_791 = arith.index_cast %scan3A_279 : i32 to index
        %get3A_792 = arith.constant 432 : index
        %get3A_793 = tpu.vector_load %arg22[%get3A_791, %get3A_792] {strides = array<i32>} : memref<8x512xf32, #tpu.memory_space<vmem>>, vector<1x16xf32>,
        %get3A_794 = vector.shape_cast %get3A_793 : vector<1x16xf32> to vector<16xf32>
        %get3A_795 = arith.index_cast %scan3A_279 : i32 to index
        %get3A_796 = arith.constant 432 : index
        %get3A_797 = tpu.vector_load %arg23[%get3A_795, %get3A_796] {strides = array<i32>} : memref<8x512xf32, #tpu.memory_space<vmem>>, vector<1x16xf32>,
        %get3A_798 = vector.shape_cast %get3A_797 : vector<1x16xf32> to vector<16xf32>
        %add3A_799 = arith.addf %get3A_794, %get3A_798 : vector<16xf32>
        %get3A_800 = arith.index_cast %scan3A_279 : i32 to index
        %get3A_801 = arith.constant 432 : index
        %get3A_802 = tpu.vector_load %arg24[%get3A_800, %get3A_801] {strides = array<i32>} : memref<8x512xf32, #tpu.memory_space<vmem>>, vector<1x16xf32>,
        %get3A_803 = vector.shape_cast %get3A_802 : vector<1x16xf32> to vector<16xf32>
        %add3A_804 = arith.addf %add3A_799, %get3A_803 : vector<16xf32>
        %swap3A_805 = arith.index_cast %scan3A_279 : i32 to index
        %swap3A_806 = arith.constant 432 : index
        %swap3A_807 = tpu.vector_load %arg25[%swap3A_805, %swap3A_806] {strides = array<i32>} : memref<8x512xf32, #tpu.memory_space<vmem>>, vector<1x16xf32>,
        %swap3A_808 = vector.shape_cast %swap3A_807 : vector<1x16xf32> to vector<16xf32>
        %swap3A_809 = vector.shape_cast %add3A_804 : vector<16xf32> to vector<1x16xf32>
        tpu.vector_store %arg25[%swap3A_805, %swap3A_806], %swap3A_809 {strides = array<i32>} : memref<8x512xf32, #tpu.memory_space<vmem>>, vector<1x16xf32>,
        %get3A_810 = arith.index_cast %scan3A_279 : i32 to index
        %get3A_811 = arith.constant 448 : index
        %get3A_812 = tpu.vector_load %arg22[%get3A_810, %get3A_811] {strides = array<i32>} : memref<8x512xf32, #tpu.memory_space<vmem>>, vector<1x16xf32>,
        %get3A_813 = vector.shape_cast %get3A_812 : vector<1x16xf32> to vector<16xf32>
        %get3A_814 = arith.index_cast %scan3A_279 : i32 to index
        %get3A_815 = arith.constant 448 : index
        %get3A_816 = tpu.vector_load %arg23[%get3A_814, %get3A_815] {strides = array<i32>} : memref<8x512xf32, #tpu.memory_space<vmem>>, vector<1x16xf32>,
        %get3A_817 = vector.shape_cast %get3A_816 : vector<1x16xf32> to vector<16xf32>
        %add3A_818 = arith.addf %get3A_813, %get3A_817 : vector<16xf32>
        %get3A_819 = arith.index_cast %scan3A_279 : i32 to index
        %get3A_820 = arith.constant 448 : index
        %get3A_821 = tpu.vector_load %arg24[%get3A_819, %get3A_820] {strides = array<i32>} : memref<8x512xf32, #tpu.memory_space<vmem>>, vector<1x16xf32>,
        %get3A_822 = vector.shape_cast %get3A_821 : vector<1x16xf32> to vector<16xf32>
        %add3A_823 = arith.addf %add3A_818, %get3A_822 : vector<16xf32>
        %swap3A_824 = arith.index_cast %scan3A_279 : i32 to index
        %swap3A_825 = arith.constant 448 : index
        %swap3A_826 = tpu.vector_load %arg25[%swap3A_824, %swap3A_825] {strides = array<i32>} : memref<8x512xf32, #tpu.memory_space<vmem>>, vector<1x16xf32>,
        %swap3A_827 = vector.shape_cast %swap3A_826 : vector<1x16xf32> to vector<16xf32>
        %swap3A_828 = vector.shape_cast %add3A_823 : vector<16xf32> to vector<1x16xf32>
        tpu.vector_store %arg25[%swap3A_824, %swap3A_825], %swap3A_828 {strides = array<i32>} : memref<8x512xf32, #tpu.memory_space<vmem>>, vector<1x16xf32>,
        %get3A_829 = arith.index_cast %scan3A_279 : i32 to index
        %get3A_830 = arith.constant 464 : index
        %get3A_831 = tpu.vector_load %arg22[%get3A_829, %get3A_830] {strides = array<i32>} : memref<8x512xf32, #tpu.memory_space<vmem>>, vector<1x16xf32>,
        %get3A_832 = vector.shape_cast %get3A_831 : vector<1x16xf32> to vector<16xf32>
        %get3A_833 = arith.index_cast %scan3A_279 : i32 to index
        %get3A_834 = arith.constant 464 : index
        %get3A_835 = tpu.vector_load %arg23[%get3A_833, %get3A_834] {strides = array<i32>} : memref<8x512xf32, #tpu.memory_space<vmem>>, vector<1x16xf32>,
        %get3A_836 = vector.shape_cast %get3A_835 : vector<1x16xf32> to vector<16xf32>
        %add3A_837 = arith.addf %get3A_832, %get3A_836 : vector<16xf32>
        %get3A_838 = arith.index_cast %scan3A_279 : i32 to index
        %get3A_839 = arith.constant 464 : index
        %get3A_840 = tpu.vector_load %arg24[%get3A_838, %get3A_839] {strides = array<i32>} : memref<8x512xf32, #tpu.memory_space<vmem>>, vector<1x16xf32>,
        %get3A_841 = vector.shape_cast %get3A_840 : vector<1x16xf32> to vector<16xf32>
        %add3A_842 = arith.addf %add3A_837, %get3A_841 : vector<16xf32>
        %swap3A_843 = arith.index_cast %scan3A_279 : i32 to index
        %swap3A_844 = arith.constant 464 : index
        %swap3A_845 = tpu.vector_load %arg25[%swap3A_843, %swap3A_844] {strides = array<i32>} : memref<8x512xf32, #tpu.memory_space<vmem>>, vector<1x16xf32>,
        %swap3A_846 = vector.shape_cast %swap3A_845 : vector<1x16xf32> to vector<16xf32>
        %swap3A_847 = vector.shape_cast %add3A_842 : vector<16xf32> to vector<1x16xf32>
        tpu.vector_store %arg25[%swap3A_843, %swap3A_844], %swap3A_847 {strides = array<i32>} : memref<8x512xf32, #tpu.memory_space<vmem>>, vector<1x16xf32>,
        %get3A_848 = arith.index_cast %scan3A_279 : i32 to index
        %get3A_849 = arith.constant 480 : index
        %get3A_850 = tpu.vector_load %arg22[%get3A_848, %get3A_849] {strides = array<i32>} : memref<8x512xf32, #tpu.memory_space<vmem>>, vector<1x16xf32>,
        %get3A_851 = vector.shape_cast %get3A_850 : vector<1x16xf32> to vector<16xf32>
        %get3A_852 = arith.index_cast %scan3A_279 : i32 to index
        %get3A_853 = arith.constant 480 : index
        %get3A_854 = tpu.vector_load %arg23[%get3A_852, %get3A_853] {strides = array<i32>} : memref<8x512xf32, #tpu.memory_space<vmem>>, vector<1x16xf32>,
        %get3A_855 = vector.shape_cast %get3A_854 : vector<1x16xf32> to vector<16xf32>
        %add3A_856 = arith.addf %get3A_851, %get3A_855 : vector<16xf32>
        %get3A_857 = arith.index_cast %scan3A_279 : i32 to index
        %get3A_858 = arith.constant 480 : index
        %get3A_859 = tpu.vector_load %arg24[%get3A_857, %get3A_858] {strides = array<i32>} : memref<8x512xf32, #tpu.memory_space<vmem>>, vector<1x16xf32>,
        %get3A_860 = vector.shape_cast %get3A_859 : vector<1x16xf32> to vector<16xf32>
        %add3A_861 = arith.addf %add3A_856, %get3A_860 : vector<16xf32>
        %swap3A_862 = arith.index_cast %scan3A_279 : i32 to index
        %swap3A_863 = arith.constant 480 : index
        %swap3A_864 = tpu.vector_load %arg25[%swap3A_862, %swap3A_863] {strides = array<i32>} : memref<8x512xf32, #tpu.memory_space<vmem>>, vector<1x16xf32>,
        %swap3A_865 = vector.shape_cast %swap3A_864 : vector<1x16xf32> to vector<16xf32>
        %swap3A_866 = vector.shape_cast %add3A_861 : vector<16xf32> to vector<1x16xf32>
        tpu.vector_store %arg25[%swap3A_862, %swap3A_863], %swap3A_866 {strides = array<i32>} : memref<8x512xf32, #tpu.memory_space<vmem>>, vector<1x16xf32>,
        %get3A_867 = arith.index_cast %scan3A_279 : i32 to index
        %get3A_868 = arith.constant 496 : index
        %get3A_869 = tpu.vector_load %arg22[%get3A_867, %get3A_868] {strides = array<i32>} : memref<8x512xf32, #tpu.memory_space<vmem>>, vector<1x16xf32>,
        %get3A_870 = vector.shape_cast %get3A_869 : vector<1x16xf32> to vector<16xf32>
        %get3A_871 = arith.index_cast %scan3A_279 : i32 to index
        %get3A_872 = arith.constant 496 : index
        %get3A_873 = tpu.vector_load %arg23[%get3A_871, %get3A_872] {strides = array<i32>} : memref<8x512xf32, #tpu.memory_space<vmem>>, vector<1x16xf32>,
        %get3A_874 = vector.shape_cast %get3A_873 : vector<1x16xf32> to vector<16xf32>
        %add3A_875 = arith.addf %get3A_870, %get3A_874 : vector<16xf32>
        %get3A_876 = arith.index_cast %scan3A_279 : i32 to index
        %get3A_877 = arith.constant 496 : index
        %get3A_878 = tpu.vector_load %arg24[%get3A_876, %get3A_877] {strides = array<i32>} : memref<8x512xf32, #tpu.memory_space<vmem>>, vector<1x16xf32>,
        %get3A_879 = vector.shape_cast %get3A_878 : vector<1x16xf32> to vector<16xf32>
        %add3A_880 = arith.addf %add3A_875, %get3A_879 : vector<16xf32>
        %swap3A_881 = arith.index_cast %scan3A_279 : i32 to index
        %swap3A_882 = arith.constant 496 : index
        %swap3A_883 = tpu.vector_load %arg25[%swap3A_881, %swap3A_882] {strides = array<i32>} : memref<8x512xf32, #tpu.memory_space<vmem>>, vector<1x16xf32>,
        %swap3A_884 = vector.shape_cast %swap3A_883 : vector<1x16xf32> to vector<16xf32>
        %swap3A_885 = vector.shape_cast %add3A_880 : vector<16xf32> to vector<1x16xf32>
        tpu.vector_store %arg25[%swap3A_881, %swap3A_882], %swap3A_885 {strides = array<i32>} : memref<8x512xf32, #tpu.memory_space<vmem>>, vector<1x16xf32>,
      }
      %scan3A_264 = arith.constant 8 : i32
      %mul3A_265 = arith.constant 8 : i32
      %mul3A_266 = arith.muli %add3A_235, %mul3A_265 : i32
      %add3A_267 = arith.addi %mul3A_2, %mul3A_266 : i32
      %dma_start3A_268 = arith.constant 0 : i32
      %dma_start3A_269 = tpu.memref_slice %arg7[%add3A_267, %dma_start3A_268] : memref<16384x512xf32, #tpu.memory_space<hbm>> -> memref<8x512xf32, #tpu.memory_space<hbm>>
      %dma_start3A_270 = arith.constant 0 : i32
      %dma_start3A_271 = tpu.memref_slice %arg7[%add3A_267, %dma_start3A_270] : memref<16384x512xf32, #tpu.memory_space<hbm>> -> memref<8x512xf32, #tpu.memory_space<hbm>>
      tpu.enqueue_dma source(%arg25 : memref<8x512xf32, #tpu.memory_space<vmem>>) target(%dma_start3A_271 : memref<8x512xf32, #tpu.memory_space<hbm>>) target_semaphore(%arg33 : memref<!tpu.dma_semaphore, #tpu.memory_space<semaphore_mem>>)
      %add3A_272 = arith.constant 4 : i32
      %add3A_273 = arith.addi %add3A_235, %add3A_272 : i32
      %lt3A_274 = arith.constant 64 : i32
      %lt3A_275 = arith.cmpi slt, %add3A_273, %lt3A_274 : i32
      %convert_element_type3A_276 = arith.extui %lt3A_275 : i1 to i32
      %cond3A_277 = arith.constant 0 : i32
      %cond3A_278 = arith.cmpi ne, %convert_element_type3A_276, %cond3A_277 : i32
      scf.if %cond3A_278 {
        %add3A_279 = arith.constant 4 : i32
        %add3A_280 = arith.addi %add3A_235, %add3A_279 : i32
        %mul3A_281 = arith.constant 8 : i32
        %mul3A_282 = arith.muli %add3A_280, %mul3A_281 : i32
        %add3A_283 = arith.addi %mul3A_2, %mul3A_282 : i32
        %dma_start3A_284 = arith.constant 0 : i32
        %dma_start3A_285 = tpu.memref_slice %arg2[%add3A_283, %dma_start3A_284] : memref<16384x512xf32, #tpu.memory_space<hbm>> -> memref<8x512xf32, #tpu.memory_space<hbm>>
        %dma_start3A_286 = arith.constant 0 : i32
        %dma_start3A_287 = tpu.memref_slice %arg2[%add3A_283, %dma_start3A_286] : memref<16384x512xf32, #tpu.memory_space<hbm>> -> memref<8x512xf32, #tpu.memory_space<hbm>>
        tpu.enqueue_dma source(%dma_start3A_287 : memref<8x512xf32, #tpu.memory_space<hbm>>) target(%arg22 : memref<8x512xf32, #tpu.memory_space<vmem>>) target_semaphore(%arg29 : memref<!tpu.dma_semaphore, #tpu.memory_space<semaphore_mem>>)
        %dma_start3A_288 = tpu.memref_slice %arg8[%mul3A_282] : memref<512xi32, #tpu.memory_space<vmem>> -> memref<8xi32, #tpu.memory_space<vmem>>
        %dma_start3A_289 = arith.constant 0 : i32
        %dma_start3A_290 = arith.constant 0 : i32
        %dma_start3A_291 = tpu.memref_slice %arg5[%dma_start3A_289, %dma_start3A_290] : memref<100000x512xf32, #tpu.memory_space<hbm>> -> memref<100000x512xf32, #tpu.memory_space<hbm>>
        tpu.enqueue_indirect_dma source(%dma_start3A_291 : memref<100000x512xf32, #tpu.memory_space<hbm>>) target(%arg23 : memref<8x512xf32, #tpu.memory_space<vmem>>) offsets(%dma_start3A_288 : memref<8xi32, #tpu.memory_space<vmem>>) semaphore(%arg29 : memref<!tpu.dma_semaphore, #tpu.memory_space<semaphore_mem>>)
        %dma_start3A_292 = tpu.memref_slice %arg9[%mul3A_282] : memref<512xi32, #tpu.memory_space<vmem>> -> memref<8xi32, #tpu.memory_space<vmem>>
        %dma_start3A_293 = arith.constant 0 : i32
        %dma_start3A_294 = arith.constant 0 : i32
        %dma_start3A_295 = tpu.memref_slice %arg6[%dma_start3A_293, %dma_start3A_294] : memref<1000x512xf32, #tpu.memory_space<hbm>> -> memref<1000x512xf32, #tpu.memory_space<hbm>>
        tpu.enqueue_indirect_dma source(%dma_start3A_295 : memref<1000x512xf32, #tpu.memory_space<hbm>>) target(%arg24 : memref<8x512xf32, #tpu.memory_space<vmem>>) offsets(%dma_start3A_292 : memref<8xi32, #tpu.memory_space<vmem>>) semaphore(%arg29 : memref<!tpu.dma_semaphore, #tpu.memory_space<semaphore_mem>>)
      } else {
      }
    }
    %scan3A_70 = arith.constant 16 : i32
    %dma_wait3A = arith.constant 0 : i32
    %dma_wait3A_71 = arith.constant 0 : i32
    %dma_wait3A_72 = tpu.memref_slice %arg7[%dma_wait3A, %dma_wait3A_71] : memref<16384x512xf32, #tpu.memory_space<hbm>> -> memref<8x512xf32, #tpu.memory_space<hbm>>
    %dma_wait3A_73 = arith.constant 0 : i32
    %dma_wait3A_74 = arith.constant 0 : i32
    %dma_wait3A_75 = tpu.memref_slice %arg7[%dma_wait3A_73, %dma_wait3A_74] : memref<16384x512xf32, #tpu.memory_space<hbm>> -> memref<8x512xf32, #tpu.memory_space<hbm>>
    tpu.wait_dma2 semaphore(%arg30 : memref<!tpu.dma_semaphore, #tpu.memory_space<semaphore_mem>>) src(%arg13 : memref<8x512xf32, #tpu.memory_space<vmem>>) dst(%dma_wait3A_75 : memref<8x512xf32, #tpu.memory_space<hbm>>)
    %dma_wait3A_76 = arith.constant 0 : i32
    %dma_wait3A_77 = arith.constant 0 : i32
    %dma_wait3A_78 = tpu.memref_slice %arg7[%dma_wait3A_76, %dma_wait3A_77] : memref<16384x512xf32, #tpu.memory_space<hbm>> -> memref<8x512xf32, #tpu.memory_space<hbm>>
    %dma_wait3A_79 = arith.constant 0 : i32
    %dma_wait3A_80 = arith.constant 0 : i32
    %dma_wait3A_81 = tpu.memref_slice %arg7[%dma_wait3A_79, %dma_wait3A_80] : memref<16384x512xf32, #tpu.memory_space<hbm>> -> memref<8x512xf32, #tpu.memory_space<hbm>>
    tpu.wait_dma2 semaphore(%arg31 : memref<!tpu.dma_semaphore, #tpu.memory_space<semaphore_mem>>) src(%arg17 : memref<8x512xf32, #tpu.memory_space<vmem>>) dst(%dma_wait3A_81 : memref<8x512xf32, #tpu.memory_space<hbm>>)
    %dma_wait3A_82 = arith.constant 0 : i32
    %dma_wait3A_83 = arith.constant 0 : i32
    %dma_wait3A_84 = tpu.memref_slice %arg7[%dma_wait3A_82, %dma_wait3A_83] : memref<16384x512xf32, #tpu.memory_space<hbm>> -> memref<8x512xf32, #tpu.memory_space<hbm>>
    %dma_wait3A_85 = arith.constant 0 : i32
    %dma_wait3A_86 = arith.constant 0 : i32
    %dma_wait3A_87 = tpu.memref_slice %arg7[%dma_wait3A_85, %dma_wait3A_86] : memref<16384x512xf32, #tpu.memory_space<hbm>> -> memref<8x512xf32, #tpu.memory_space<hbm>>
    tpu.wait_dma2 semaphore(%arg32 : memref<!tpu.dma_semaphore, #tpu.memory_space<semaphore_mem>>) src(%arg21 : memref<8x512xf32, #tpu.memory_space<vmem>>) dst(%dma_wait3A_87 : memref<8x512xf32, #tpu.memory_space<hbm>>)
    %dma_wait3A_88 = arith.constant 0 : i32
    %dma_wait3A_89 = arith.constant 0 : i32
    %dma_wait3A_90 = tpu.memref_slice %arg7[%dma_wait3A_88, %dma_wait3A_89] : memref<16384x512xf32, #tpu.memory_space<hbm>> -> memref<8x512xf32, #tpu.memory_space<hbm>>
    %dma_wait3A_91 = arith.constant 0 : i32
    %dma_wait3A_92 = arith.constant 0 : i32
    %dma_wait3A_93 = tpu.memref_slice %arg7[%dma_wait3A_91, %dma_wait3A_92] : memref<16384x512xf32, #tpu.memory_space<hbm>> -> memref<8x512xf32, #tpu.memory_space<hbm>>
    tpu.wait_dma2 semaphore(%arg33 : memref<!tpu.dma_semaphore, #tpu.memory_space<semaphore_mem>>) src(%arg25 : memref<8x512xf32, #tpu.memory_space<vmem>>) dst(%dma_wait3A_93 : memref<8x512xf32, #tpu.memory_space<hbm>>)
    return
  }
}

</mosaic_0001>

<sc_bundles>
// kernel: kernel.3.cloned.1.call-start
scs
__scs_entry_jumppad:
0x0: {  	(pc) =	sbr.rel $0x88, $3  }
0x1: {  	(tag) =	ssettag $0x0;
	lr =	simm.s32 $0x1  }
0x2: {  	[smem:$0x3F9C] =	sst lr;
	_ =	strace $0xD0000000  }
0x3: {  	_ = 	snop  }
0x4: {  	_ = 	snop  }
0x5: {  	_ = 	snop  }
0x6: {  	_ = 	snop  }
0x7: {  	_ = 	snop  }
__scs_overlays_trampoline_lowered:
0x8: {  	[smem:$0x3FAB] =	sst s0  }
0x9: {  	[smem:$0x3FAC] =	sst s1  }
0xa: {  	[smem:$0x3FAD] =	sst s2  }
0xb: {  	[smem:$0x3FAE] =	sst s3  }
0xc: {  	[smem:$0x3FAF] =	sst s4  }
0xd: {  	[smem:$0x3FB0] =	sst s5  }
0xe: {  	[smem:$0x3FB1] =	sst s6  }
0xf: {  	[smem:$0x3FB2] =	sst s7  }
0x10: {  	[smem:$0x3FB3] =	sst s8  }
0x11: {  	[smem:$0x3FB4] =	sst s9;
	s0 =	simm.s32 @!p0 $0x0  }
0x12: {  	s1 =	sld [smem:$0x3F9A];
	s0 =	simm.s32 @p0 $0x1  }
0x13: {  	[smem:$0x3FB5] =	sst s0;
	s0 =	simm.s32 @!p1 $0x0  }
0x14: {  	s2 =	sld [smem:$0x3F99];
	s0 =	simm.s32 @p1 $0x1  }
0x15: {  	[smem:$0x3FB6] =	sst s0;
	s0 =	simm.s32 @!p2 $0x0  }
0x16: {  	s3 =	sld [smem:$0x3FDB];
	s0 =	simm.s32 @p2 $0x1  }
0x17: {  	s4 =	simm.s32 $0x1BF5;
	[smem:$0x3FB8] =	sst s0  }
0x18: {  	s0 =	sld [smem:$0x3F9B];
	_ =	swait.ge [sflag:s4], $0x0  }
0x19: {  	s7 =	sld [smem:$0x3F9C]  }
0x1a: {  	s8 =	sadd.s32 $0xFFFFE003, lr  }
0x1b: {  	s9 =	sadd.s32 $0xFFFFFEF7, lr;
	s5 =	simm.s32 $0xFFFFFFFF;
	p2 =	slt.u32 s8, $0xFFFFF086  }
0x1c: {  	p1 =	slt.u32 s9, $0xF7A;
	s5 =	simm.s32 @!p2 $0x0  }
0x1d: {  	s5 =	simm.s32 @p1 $0x1;
	p0 =	seq.s32 s7, s2  }
0x1e: {  	s7 =	smul.u32 @!p0 $0xF7A, s2;
	p2 =	seq.s32 @!p0 s5, $0x0  }
0x1f: {  	s9 =	smul.u32 $0xF7A, s1;
	s8 =	simm.s32 @!p0 $0x1BF5;
	p2 =	por !p2, p0  }
0x20: {  	[sflag:s8] =	ssyncset.s32 @!p0 $0xFFFFF086;
	s6 =	sadd.s32 @!p0 s3, s7;
	s7 =	simm.s32 @!p0 $0x108  }
0x21: {  	s3 =	sadd.s32 s3, s9;
	s6 =	sadd.s32 @!p0 $0x88, s6;
	s7 =	simm.s32 @p2 $0x1082  }
0x22: {  	[simem:s7], [sflag:s8] =	dma.local @!p0 [hbm:s6], $0xF7A  }
0x23: {  	s9 =	sor.u32 $0xD0000000, s2;
	s6 =	simm.s32 $0x108;
	_ =	swait.ge @!p0 [sflag:s8], $0x0  }
0x24: {  	s3 =	sadd.s32 $0x88, s3;
	s6 =	simm.s32 @!p1 $0x1082;
	[sflag:s4] =	ssyncset.s32 $0xFFFFF086  }
0x25: {  	[simem:s6], [sflag:s4] =	dma.local [hbm:s3], $0xF7A  }
0x26: {  	[smem:$0x3F9C] =	sst s1;
	(tag) =	ssettag s2;
	_ =	strace s9  }
0x27: {  	s1 =	sld [smem:$0x3FAC]  }
0x28: {  	s2 =	sld [smem:$0x3FAD]  }
0x29: {  	s4 =	sld [smem:$0x3FAF]  }
0x2a: {  	p0 =	seq.s32 s5, $0x0;
	s5 =	sld [smem:$0x3FB0]  }
0x2b: {  	s6 =	sld [smem:$0x3FB1]  }
0x2c: {  	s7 =	sld [smem:$0x3FB2]  }
0x2d: {  	s3 =	simm.s32 $0x108;
	s8 =	sld [smem:$0x3FB3]  }
0x2e: {  	s3 =	simm.s32 @!p0 $0x1082;
	s9 =	sld [smem:$0x3FB4]  }
0x2f: {  	lr =	sadd.s32 s0, s3;
	s0 =	sld [smem:$0x3FAB]  }
0x30: {  	s3 =	sld [smem:$0x3FAE]  }
0x31: {  	[smem:$0x3FB7] =	sst s10  }
0x32: {  	s10 =	sld [smem:$0x3FB5];
	_ =	sdelay $0x3  }
0x33: {  	p0 =	seq.s32 s10, $0x1;
	s10 =	sld [smem:$0x3FB7];
	_ =	sdelay $0x3  }
0x34: {  	[smem:$0x3FB7] =	sst s10  }
0x35: {  	s10 =	sld [smem:$0x3FB6];
	_ =	sdelay $0x3  }
0x36: {  	p1 =	seq.s32 s10, $0x1;
	s10 =	sld [smem:$0x3FB7];
	_ =	sdelay $0x3  }
0x37: {  	[smem:$0x3FB7] =	sst s10  }
0x38: {  	s10 =	sld [smem:$0x3FB8]  }
0x39: {  	_ = 	snop;
	(pc) =	sbr.ind lr, $3  }
0x3a: {  	_ = 	snop  }
0x3b: {  	_ = 	snop  }
0x3c: {  	p2 =	seq.s32 s10, $0x1;
	s10 =	sld [smem:$0x3FB7]  }
0x3d: {  	_ =	shalt  }
0x3e: {  	_ =	shalt  }
0x3f: {  	_ =	shalt  }
0x40: {  	_ =	shalt  }
0x41: {  	_ =	shalt  }
0x42: {  	_ =	shalt  }
0x43: {  	_ =	shalt  }
0x44: {  	_ =	shalt  }
0x45: {  	_ =	shalt  }
0x46: {  	_ =	shalt  }
0x47: {  	_ =	shalt  }
0x48: {  	_ =	shalt  }
0x49: {  	_ =	shalt  }
0x4a: {  	_ =	shalt  }
0x4b: {  	_ =	shalt  }
0x4c: {  	_ =	shalt  }
0x4d: {  	_ =	shalt  }
0x4e: {  	_ =	shalt  }
0x4f: {  	_ =	shalt  }
0x50: {  	_ =	shalt  }
0x51: {  	_ =	shalt  }
0x52: {  	_ =	shalt  }
0x53: {  	_ =	shalt  }
0x54: {  	_ =	shalt  }
0x55: {  	_ =	shalt  }
0x56: {  	_ =	shalt  }
0x57: {  	_ =	shalt  }
0x58: {  	_ =	shalt  }
0x59: {  	_ =	shalt  }
0x5a: {  	_ =	shalt  }
0x5b: {  	_ =	shalt  }
0x5c: {  	_ =	shalt  }
0x5d: {  	_ =	shalt  }
0x5e: {  	_ =	shalt  }
0x5f: {  	_ =	shalt  }
0x60: {  	_ =	shalt  }
0x61: {  	_ =	shalt  }
0x62: {  	_ =	shalt  }
0x63: {  	_ =	shalt  }
0x64: {  	_ =	shalt  }
0x65: {  	_ =	shalt  }
0x66: {  	_ =	shalt  }
0x67: {  	_ =	shalt  }
0x68: {  	_ =	shalt  }
0x69: {  	_ =	shalt  }
0x6a: {  	_ =	shalt  }
0x6b: {  	_ =	shalt  }
0x6c: {  	_ =	shalt  }
0x6d: {  	_ =	shalt  }
0x6e: {  	_ =	shalt  }
0x6f: {  	_ =	shalt  }
0x70: {  	_ =	shalt  }
0x71: {  	_ =	shalt  }
0x72: {  	_ =	shalt  }
0x73: {  	_ =	shalt  }
0x74: {  	_ =	shalt  }
0x75: {  	_ =	shalt  }
0x76: {  	_ =	shalt  }
0x77: {  	_ =	shalt  }
0x78: {  	_ =	shalt  }
0x79: {  	_ =	shalt  }
0x7a: {  	_ =	shalt  }
0x7b: {  	_ =	shalt  }
0x7c: {  	_ =	shalt  }
0x7d: {  	_ =	shalt  }
0x7e: {  	_ =	shalt  }
0x7f: {  	_ =	shalt  }
0x80: {  	_ =	shalt  }
0x81: {  	_ =	shalt  }
0x82: {  	_ =	shalt  }
0x83: {  	_ =	shalt  }
0x84: {  	_ =	shalt  }
0x85: {  	_ =	shalt  }
0x86: {  	_ =	shalt  }
0x87: {  	_ =	shalt  }
.Lfunc_end0:
.L_simem_size_0:
called_computation_lowered:
.L_overlay_start_0:
0x88: {  	s2 =	sld [smem:$0x3FD9]  }
0x89: {  	s3 =	sld [smem:$0x3FFE];
	_ =	sdelay $0x1  }
0x8a: {  	s1 =	srdreg.scid  }
0x8b: {  	s0 =	sand.u32 $0x1, s1  }
0x8c: {  	s18 =	sshll.u32 s0, $0xA;
	s2 =	sadd.s32 s3, s2  }
0x8d: {  	s2 =	sadd.s32 s2, s18  }
0x8e: {  	[smem:$0x3FC3] =	sst s2  }
0x8f: {  	_ = 	snop  }
0x90: {  	s2 =	sld [smem:$0x3FC9]  }
0x91: {  	s19 =	sld [smem:$0x3FC8]  }
0x92: {  	s4 =	sld [smem:$0x3FC7]  }
0x93: {  	s5 =	sld [smem:$0x3FC6]  }
0x94: {  	s6 =	sld [smem:$0x3FC5]  }
0x95: {  	s7 =	sld [smem:$0x3FD0];
	(tm) =	ssettm $0x1  }
0x96: {  	s8 =	sld [smem:$0x3FFB];
	_ =	sdelay $0x3  }
0x97: {  	_ =	strace s8  }
0x98: {  	s8 =	sld [smem:$0x3FFC];
	_ =	sdelay $0x3  }
0x99: {  	_ =	strace s8  }
0x9a: {  	s8 =	sld [smem:$0x3FFD];
	_ =	sdelay $0x3  }
0x9b: {  	_ =	strace s8  }
0x9c: {  	_ =	strace $0x8FFFFFFF  }
0x9d: {  	s20 =	sld [smem:$0x3FDB];
	_ =	sdelay $0x1  }
0x9e: {  	s9 =	simm.s32 $_scs_section_size  }
0x9f: {  	s10 =	simm.s32 $_size__tile_overlayer_lowered;
	s11 =	simm.s32 $_tile_overlayer_lowered  }
0xa0: {  	s23 =	simm.s32 $0x1BFF;
	s22 =	sshll.u32 s11, $0x1;
	s8 =	sadd.s32 s9, s20  }
0xa1: {  	s12 =	simm.s32 $0x0;
	s21 =	sshll.u32 s10, $0x1;
	s10 =	sadd.s32 s22, s8  }
0xa2: {  	[timem:s12], [sflag:s23] =	dma.local [hbm:s10], s21  }
0xa3: {  	_ =	swait.ge [sflag:s23], s21  }
0xa4: {  	s9 =	ssub.s32 $0x0, s21;
	[sflag:s23] =	ssyncset.done $0x0  }
0xa5: {  	[sflag:s23] =	ssyncadd.s32 s9;
	_ =	sdelay $0x1  }
0xa6: {  	s24 =	simm.s32 $0x1B8B  }
0xa7: {  	_ =	swait.ge [sflag:s24], $0x1  }
0xa8: {  	[sflag:s24] =	ssyncset.done $0x0  }
0xa9: {  	s25 =	simm.s32 $0x1B8E;
	[sflag:s24] =	ssyncadd.s32 $0xFFFFFFFF  }
0xaa: {  	s26 =	simm.s32 $execute0_lowered;
	[smem:$0x3FD2] =	sst s25  }
0xab: {  	s9 =	sshll.u32 s26, $0x1;
	_ =	strace $0x80000046;
	[dreg:$0x1] =	wrdreg $0xFFFFFFFF  }
0xac: {  	s28 =	simm.s32 $_size_execute0_lowered;
	s8 =	sadd.s32 s8, s9;
	[dreg:$0x0] =	wrdreg $0x0  }
0xad: {  	s9 =	sshll.u32 s28, $0x1;
	[dreg:$0x2] =	wrdreg s8  }
0xae: {  	[dreg:$0x3] =	wrdreg s9  }
0xaf: {  	[dreg:$0x4] =	wrdreg $0xC0  }
0xb0: {  	_ =	task [dreg:s12], $0x5FFFF  }
0xb1: {  	[dreg:$0x1] =	wrdreg $0xFFFFFFFF  }
0xb2: {  	[dreg:$0x0] =	wrdreg $0x60  }
0xb3: {  	[dreg:$0x2] =	wrdreg s2  }
0xb4: {  	[dreg:$0x3] =	wrdreg s19  }
0xb5: {  	[dreg:$0x4] =	wrdreg s4  }
0xb6: {  	[dreg:$0x5] =	wrdreg s5  }
0xb7: {  	[dreg:$0x6] =	wrdreg s6  }
0xb8: {  	[dreg:$0x7] =	wrdreg s7  }
0xb9: {  	[dreg:$0x8] =	wrdreg $0x9  }
0xba: {  	_ =	task.clear_ibuf [dreg:s12], $0x9FFFF;
	_ =	strace $0x90000046  }
0xbb: {  	s29 =	simm.s32 $0x9;
	_ =	strace $0x80000048  }
0xbc: {  	_ =	swait.ge [sflag:s29], $0x1  }
0xbd: {  	[sflag:s29] =	ssyncadd.s32 $0xFFFFFFFF  }
0xbe: {  	_ =	strace $0x90000048  }
0xbf: {  	_ =	sfence  }
0xc0: {  	s30 =	sld [smem:$0x0];
	_ =	sdelay $0x2  }
0xc1: {  	s31 =	sshll.u32 s1, $0xD;
	s1 =	sshrl.u32 s1, $0x2  }
0xc2: {  	s3 =	sand.u32 $0x4000, s31;
	s1 =	sadd.s32 s1, s30  }
0xc3: {  	s0 =	sor.u32 s3, s0;
	s1 =	sshll.u32 s1, $0x11  }
0xc4: {  	s0 =	sor.u32 s1, s0  }
0xc5: {  	s0 =	sadd.s32 $0x8F2B, s0  }
0xc6: {  	[sflag:s0] =	ssyncadd.remote.s32 $0x1  }
0xc7: {  	_ =	sfence.sel $0xFFFF  }
0xc8: {  	[dreg:$0x0] =	wrdreg $0xFFFFFFFF;
	(pc) =	sbr.abs _section_cstart, $3  }
0xc9: {  	[dreg:$0x1] =	wrdreg $0xFFFFFFFF  }
0xca: {  	_ =	task.clear_ibuf [dreg:s12], $0x2FFFF;
	_ =	strace $0x9FFFFFFF  }
0xcb: {  	(tm) =	ssettm $0x7FFFFFFF  }
tec
execute0_lowered:
.L_overlay_start_1:
0x0: {  	(tag) =	ssettag $0x1  }
0x1: {  	s0 =	rddreg [dreg:$0x0]  }
0x2: {  	s1 =	rddreg [dreg:$0x1]  }
0x3: {  	s3 =	rddreg [dreg:$0x2]  }
0x4: {  	s2 =	rddreg [dreg:$0x3]  }
0x5: {  	s4 =	rddreg [dreg:$0x4]  }
0x6: {  	s5 =	rddreg [dreg:$0x5]  }
0x7: {  	s6 =	srdreg.scid;
	s8 =	stileid.u32  }
0x8: {  	s28 =	simm.s32 $0xEC00;
	s29 =	simm.s32 $0x1;
	s30 =	simm.s32 $0x3400  }
0x9: {  	s31 =	simm.s32 $0x2;
	s20 =	simm.s32 $0xB400;
	s15 =	simm.s32 $0x0  }
0xa: {  	s7 =	sand.u32 $0x1, s6;
	s6 =	simm.s32 $0x0;
	s8 =	sshll.u32 s8, $0xA  }
0xb: {  	s11 =	sadd.s32 $0x100, s2;
	s12 =	sadd.s32 $0x100, s4;
	s9 =	sshll.u32 s7, $0x9  }
0xc: {  	[smem:$0x7FF] =	sst s6;
	s10 =	ssub.s32 $0x2, s7;
	s7 =	sor.u32 s9, s8  }
0xd: {  	_ =	strace $0x80000047;
	s21 =	sshrl.u32 s10, $0x1;
	s9 =	sshrl.u32 s7, $0x3  }
0xe: {  	s8 =	ssub.s32 s10, s21;
	s22 =	sshll.u32 s7, $0x6;
	s1 =	sadd.s32 s1, s9  }
0xf: {  	s21 =	simm.s32 $0x4;
	s3 =	sadd.s32 s3, s9;
	[dreg:$0x7] =	wrdreg s1  }
0x10: {  	s23 =	sadd.s32 s0, s22;
	s16 =	sadd.s32 s5, s22;
	[dreg:$0x8] =	wrdreg s3  }
0x11: {  	s26 =	smax.u32 s8, $0x1;
	s22 =	simm.s32 $0xF400;
	[dreg:$0x9] =	wrdreg s23  }
.Ltmp0:
0x12: {  	v0 =	vlaneseq.u32;
	s24 =	sadd.s32 $0x200, s23;
	[dreg:$0xd] =	wrdreg s26;
	(pc) =	sbr.rel .LBB2_1-.Ltmp0, $4  }
0x13: {  	v1 =	vshrl.u32 v0, $0x3;
	s25 =	sadd.s32 $0x400, s23;
	s3 =	sadd.s32 $0x600, s23;
	[dreg:$0xa] =	wrdreg s24  }
0x14: {  	v0 =	vand.u32 $0x7, v0;
	v63 =	vmul.u32 $0x8, v1;
	s18 =	sadd.s32 $0x400, s16;
	s23 =	simm.s32 $0xC400;
	[dreg:$0xb] =	wrdreg s25  }
0x15: {  	[tilespmem:$0x1FFE0] =	vst v0;
	s26 =	simm.s32 $0xE400;
	s1 =	simm.s32 $0x7400;
	[dreg:$0xc] =	wrdreg s3  }
0x16: {  	vm0 =	vmmov $0xffff;
	[tilespmem:$0x1FFF0] =	vst v63;
	s24 =	simm.s32 $0xD400;
	s25 =	simm.s32 $0xDC00;
	s3 =	simm.s32 $0x3  }
.LBB2_12:
0x17: {  	s8 =	simm.s32 $0x5  }
0x18: {  	_ =	swait.ge [sflag:s8], $0x1000  }
0x19: {  	[sflag:s8] =	ssyncset.done $0x0  }
0x1a: {  	s14 =	simm.s32 $0x6;
	[sflag:s8] =	ssyncadd.s32 $0xFFFFF000  }
0x1b: {  	_ =	swait.ge [sflag:s14], $0x1000  }
0x1c: {  	[sflag:s14] =	ssyncset.done $0x0  }
0x1d: {  	s17 =	simm.s32 $0x7;
	[sflag:s14] =	ssyncadd.s32 $0xFFFFF000  }
0x1e: {  	_ =	swait.ge [sflag:s17], $0x1000  }
0x1f: {  	[sflag:s17] =	ssyncset.done $0x0  }
0x20: {  	s9 =	simm.s32 $0x8;
	[sflag:s17] =	ssyncadd.s32 $0xFFFFF000  }
0x21: {  	_ =	swait.ge [sflag:s9], $0x1000  }
0x22: {  	s15 =	sadd.s32 $0x1, s15;
	s19 =	rddreg [dreg:$0xd]  }
0x23: {  	p0 =	sne.s32 s15, s19  }
.Ltmp1:
0x24: {  	_ = 	snop;
	(pc) =	sbr.rel @!p0 .LBB2_13-.Ltmp1, $3  }
0x25: {  	_ =	sdelay $0x1  }
0x26: {  	[sflag:s9] =	ssyncset.done $0x0  }
0x27: {  	[sflag:s9] =	ssyncadd.s32 $0xFFFFF000  }
.LBB2_1:
0x28: {  	s8 =	rddreg [dreg:$0x7];
	s9 =	simm.s32 $0x9  }
0x29: {  	[tilespmem:s6], [sflag:$0x9] =	stream.linear.gather [hbm4b:s8+s6], $0x200, $0x38;
	[tilespmem:$0x10400] =	vst v63  }
0x2a: {  	_ =	swait.ge [sflag:s9], $0x200  }
0x2b: {  	[sflag:s9] =	ssyncset.done $0x0  }
0x2c: {  	s10 =	simm.s32 $0x200;
	s14 =	rddreg [dreg:$0x8];
	[sflag:s9] =	ssyncadd.s32 $0xFFFFFE00  }
0x2d: {  	[tilespmem:s10], [sflag:$0x9] =	stream.linear.gather [hbm4b:s14+s6], $0x200, $0x38;
	[tilespmem:$0x10400] =	vst v63  }
0x2e: {  	_ =	swait.ge [sflag:s9], $0x200  }
0x2f: {  	[sflag:s9] =	ssyncset.done $0x0  }
0x30: {  	s19 =	simm.s32 $0x400;
	s17 =	rddreg [dreg:$0x9];
	[sflag:s9] =	ssyncadd.s32 $0xFFFFFE00  }
0x31: {  	[tilespmem:s19], [sflag:$0x1] =	stream.linear.gather [hbm4b:s17+s6], $0x1000, $0x38;
	[tilespmem:$0x10400] =	vst v63  }
0x32: {  	v2 =	vld.msk [tilespmem:$0x0], $0xff;
	_ =	sdelay $0x2  }
0x33: {  	v0 =	vld [tilespmem:$0x1FFE0];
	_ =	sdelay $0x1  }
0x34: {  	v1 =	vld [tilespmem:$0x1FFF0];
	v3 =	vshll.u32 v2, $0x2  }
0x35: {  	v2 =	vand.u32 $0x7, v2;
	v3 =	vand.u32 $0xFFFFFFE0, v3  }
0x36: {  	v2 =	vor.u32 v2, v3  }
0x37: {  	v2 =	vperm.xlane v2, v0;
	_ =	sdelay $0x1  }
0x38: {  	v2 =	vadd.s32 v1, v2;
	_ =	sdelay $0x3  }
0x39: {  	s9 =	simm.s32 $0x1400  }
0x3a: {  	[tilespmem:s9], [sflag:$0x1] =	stream.indirect_vreg.gather [hbm4b:s2+s6], $0x80, v2, vm0, $0xb8;
	[tilespmem:$0x10400] =	vst v63  }
0x3b: {  	s10 =	simm.s32 $0x1C00  }
0x3c: {  	[tilespmem:s10], [sflag:$0x1] =	stream.indirect_vreg.gather [hbm4b:s11+s6], $0x80, v2, vm0, $0xb8;
	[tilespmem:$0x10400] =	vst v63  }
0x3d: {  	v2 =	vld.msk [tilespmem:$0x200], $0xff;
	_ =	sdelay $0x4  }
0x3e: {  	v57 =	vshll.u32 v2, $0x2  }
0x3f: {  	v2 =	vand.u32 $0x7, v2;
	v3 =	vand.u32 $0xFFFFFFE0, v57  }
0x40: {  	v2 =	vor.u32 v2, v3  }
0x41: {  	v2 =	vperm.xlane v2, v0;
	_ =	sdelay $0x1  }
0x42: {  	v2 =	vadd.s32 v1, v2;
	_ =	sdelay $0x3  }
0x43: {  	s13 =	simm.s32 $0x2400  }
0x44: {  	[tilespmem:s13], [sflag:$0x1] =	stream.indirect_vreg.gather [hbm4b:s4+s6], $0x80, v2, vm0, $0xb8;
	[tilespmem:$0x10400] =	vst v63  }
0x45: {  	s14 =	simm.s32 $0x2C00  }
0x46: {  	[tilespmem:s14], [sflag:$0x1] =	stream.indirect_vreg.gather [hbm4b:s12+s6], $0x80, v2, vm0, $0xb8;
	[tilespmem:$0x10400] =	vst v63  }
0x47: {  	s17 =	rddreg [dreg:$0xa];
	s19 =	simm.s32 $0x4400  }
0x48: {  	[tilespmem:s19], [sflag:$0x2] =	stream.linear.gather [hbm4b:s17+s6], $0x1000, $0x38;
	[tilespmem:$0x10400] =	vst v63  }
0x49: {  	v2 =	vld.msk [tilespmem:$0x8], $0xff;
	_ =	sdelay $0x4  }
0x4a: {  	v58 =	vshll.u32 v2, $0x2  }
0x4b: {  	v2 =	vand.u32 $0x7, v2;
	v3 =	vand.u32 $0xFFFFFFE0, v58  }
0x4c: {  	v2 =	vor.u32 v2, v3  }
0x4d: {  	v2 =	vperm.xlane v2, v0;
	_ =	sdelay $0x1  }
0x4e: {  	v2 =	vadd.s32 v1, v2;
	_ =	sdelay $0x3  }
0x4f: {  	s9 =	simm.s32 $0x5400  }
0x50: {  	[tilespmem:s9], [sflag:$0x2] =	stream.indirect_vreg.gather [hbm4b:s2+s6], $0x80, v2, vm0, $0xb8;
	[tilespmem:$0x10400] =	vst v63  }
0x51: {  	s10 =	simm.s32 $0x5C00  }
0x52: {  	[tilespmem:s10], [sflag:$0x2] =	stream.indirect_vreg.gather [hbm4b:s11+s6], $0x80, v2, vm0, $0xb8;
	[tilespmem:$0x10400] =	vst v63  }
0x53: {  	v2 =	vld.msk [tilespmem:$0x208], $0xff;
	_ =	sdelay $0x4  }
0x54: {  	v59 =	vshll.u32 v2, $0x2  }
0x55: {  	v2 =	vand.u32 $0x7, v2;
	v3 =	vand.u32 $0xFFFFFFE0, v59  }
0x56: {  	v2 =	vor.u32 v2, v3  }
0x57: {  	v2 =	vperm.xlane v2, v0;
	_ =	sdelay $0x1  }
0x58: {  	v2 =	vadd.s32 v1, v2;
	_ =	sdelay $0x3  }
0x59: {  	s13 =	simm.s32 $0x6400  }
0x5a: {  	[tilespmem:s13], [sflag:$0x2] =	stream.indirect_vreg.gather [hbm4b:s4+s6], $0x80, v2, vm0, $0xb8;
	[tilespmem:$0x10400] =	vst v63  }
0x5b: {  	s14 =	simm.s32 $0x6C00  }
0x5c: {  	[tilespmem:s14], [sflag:$0x2] =	stream.indirect_vreg.gather [hbm4b:s12+s6], $0x80, v2, vm0, $0xb8;
	[tilespmem:$0x10400] =	vst v63  }
0x5d: {  	s17 =	rddreg [dreg:$0xb];
	s19 =	simm.s32 $0x8400  }
0x5e: {  	[tilespmem:s19], [sflag:$0x3] =	stream.linear.gather [hbm4b:s17+s6], $0x1000, $0x38;
	[tilespmem:$0x10400] =	vst v63  }
0x5f: {  	v2 =	vld.msk [tilespmem:$0x10], $0xff;
	_ =	sdelay $0x4  }
0x60: {  	v60 =	vshll.u32 v2, $0x2  }
0x61: {  	v2 =	vand.u32 $0x7, v2;
	v3 =	vand.u32 $0xFFFFFFE0, v60  }
0x62: {  	v2 =	vor.u32 v2, v3  }
0x63: {  	v2 =	vperm.xlane v2, v0;
	_ =	sdelay $0x1  }
0x64: {  	v2 =	vadd.s32 v1, v2;
	_ =	sdelay $0x3  }
0x65: {  	s10 =	simm.s32 $0x9400  }
0x66: {  	[tilespmem:s10], [sflag:$0x3] =	stream.indirect_vreg.gather [hbm4b:s2+s6], $0x80, v2, vm0, $0xb8;
	[tilespmem:$0x10400] =	vst v63  }
0x67: {  	s13 =	simm.s32 $0x9C00  }
0x68: {  	[tilespmem:s13], [sflag:$0x3] =	stream.indirect_vreg.gather [hbm4b:s11+s6], $0x80, v2, vm0, $0xb8;
	[tilespmem:$0x10400] =	vst v63  }
0x69: {  	v2 =	vld.msk [tilespmem:$0x210], $0xff;
	_ =	sdelay $0x4  }
0x6a: {  	v61 =	vshll.u32 v2, $0x2  }
0x6b: {  	v2 =	vand.u32 $0x7, v2;
	v3 =	vand.u32 $0xFFFFFFE0, v61  }
0x6c: {  	v2 =	vor.u32 v2, v3  }
0x6d: {  	v2 =	vperm.xlane v2, v0;
	_ =	sdelay $0x1  }
0x6e: {  	v2 =	vadd.s32 v1, v2;
	_ =	sdelay $0x3  }
0x6f: {  	s14 =	simm.s32 $0xA400  }
0x70: {  	[tilespmem:s14], [sflag:$0x3] =	stream.indirect_vreg.gather [hbm4b:s4+s6], $0x80, v2, vm0, $0xb8;
	[tilespmem:$0x10400] =	vst v63  }
0x71: {  	s17 =	simm.s32 $0xAC00  }
0x72: {  	[tilespmem:s17], [sflag:$0x3] =	stream.indirect_vreg.gather [hbm4b:s12+s6], $0x80, v2, vm0, $0xb8;
	[tilespmem:$0x10400] =	vst v63  }
0x73: {  	s19 =	rddreg [dreg:$0xc]  }
0x74: {  	[tilespmem:s23], [sflag:$0x4] =	stream.linear.gather [hbm4b:s19+s6], $0x1000, $0x38;
	[tilespmem:$0x10400] =	vst v63  }
0x75: {  	v2 =	vld.msk [tilespmem:$0x18], $0xff;
	_ =	sdelay $0x4  }
0x76: {  	v62 =	vshll.u32 v2, $0x2  }
0x77: {  	v2 =	vand.u32 $0x7, v2;
	v3 =	vand.u32 $0xFFFFFFE0, v62  }
0x78: {  	v2 =	vor.u32 v2, v3  }
0x79: {  	v2 =	vperm.xlane v2, v0;
	_ =	sdelay $0x1  }
0x7a: {  	v2 =	vadd.s32 v1, v2;
	_ =	sdelay $0x4  }
0x7b: {  	[tilespmem:s24], [sflag:$0x4] =	stream.indirect_vreg.gather [hbm4b:s2+s6], $0x80, v2, vm0, $0xb8;
	[tilespmem:$0x10400] =	vst v63  }
0x7c: {  	_ = 	snop  }
0x7d: {  	[tilespmem:s25], [sflag:$0x4] =	stream.indirect_vreg.gather [hbm4b:s11+s6], $0x80, v2, vm0, $0xb8;
	[tilespmem:$0x10400] =	vst v63  }
0x7e: {  	v2 =	vld.msk [tilespmem:$0x218], $0xff;
	_ =	sdelay $0x4  }
0x7f: {  	v63 =	vshll.u32 v2, $0x2  }
0x80: {  	v2 =	vand.u32 $0x7, v2;
	v3 =	vand.u32 $0xFFFFFFE0, v63  }
0x81: {  	v2 =	vor.u32 v2, v3  }
0x82: {  	v2 =	vperm.xlane v2, v0;
	_ =	sdelay $0x1  }
0x83: {  	v2 =	vadd.s32 v1, v2;
	_ =	sdelay $0x4  }
0x84: {  	[tilespmem:s26], [sflag:$0x4] =	stream.indirect_vreg.gather [hbm4b:s4+s6], $0x80, v2, vm0, $0xb8;
	[tilespmem:$0x10400] =	vst v63  }
0x85: {  	s17 =	simm.s32 $0x0  }
0x86: {  	[tilespmem:s28], [sflag:$0x4] =	stream.indirect_vreg.gather [hbm4b:s12+s6], $0x80, v2, vm0, $0xb8;
	[tilespmem:$0x10400] =	vst v63  }
.LBB2_2:
0x87: {  	_ =	swait.ge [sflag:s29], $0x1000  }
0x88: {  	[sflag:s29] =	ssyncset.done $0x0  }
0x89: {  	[sflag:s29] =	ssyncadd.s32 $0xFFFFF000  }
0x8a: {  	_ =	swait.ge [sflag:s29], $0x1000  }
0x8b: {  	[sflag:s29] =	ssyncset.done $0x0  }
0x8c: {  	[sflag:s29] =	ssyncadd.s32 $0xFFFFF000  }
0x8d: {  	_ =	swait.ge [sflag:s29], $0x1000  }
0x8e: {  	p0 =	seq.s32 s17, $0x0;
	[sflag:s29] =	ssyncset.done $0x0  }
0x8f: {  	s8 =	simm.s32 @!p0 $0x5;
	[sflag:s29] =	ssyncadd.s32 $0xFFFFF000  }
0x90: {  	_ =	swait.ge @!p0 [sflag:s8], $0x1000  }
0x91: {  	[sflag:s8] =	ssyncset.done @!p0 $0x0  }
0x92: {  	[sflag:s8] =	ssyncadd.s32 @!p0 $0xFFFFF000;
	s8 =	simm.s32 $0xFFFFFC00  }
0x93: {  	v2 =	vld [tilespmem:s8+$0x1470]  }
0x94: {  	v3 =	vld [tilespmem:s8+$0x2470]  }
0x95: {  	v4 =	vld [tilespmem:s8+$0x800]  }
0x96: {  	v5 =	vld [tilespmem:s8+$0x3470]  }
0x97: {  	v6 =	vld [tilespmem:s8+$0x1800]  }
0x98: {  	v7 =	vld [tilespmem:s8+$0x810]  }
0x99: {  	v8 =	vld [tilespmem:s8+$0x1810]  }
0x9a: {  	v11 =	vld [tilespmem:s8+$0x820]  }
0x9b: {  	v9 =	vld [tilespmem:s8+$0x1820]  }
0x9c: {  	v10 =	vld [tilespmem:s8+$0x1830]  }
0x9d: {  	v13 =	vld [tilespmem:s8+$0x840]  }
0x9e: {  	v12 =	vld [tilespmem:s8+$0x1840]  }
0x9f: {  	v15 =	vld [tilespmem:s8+$0x850]  }
0xa0: {  	v14 =	vld [tilespmem:s8+$0x1850]  }
0xa1: {  	v17 =	vld [tilespmem:s8+$0x860]  }
0xa2: {  	v16 =	vld [tilespmem:s8+$0x1860]  }
0xa3: {  	v19 =	vld [tilespmem:s8+$0x870]  }
0xa4: {  	v18 =	vld [tilespmem:s8+$0x1870]  }
0xa5: {  	v21 =	vld [tilespmem:s8+$0xC00]  }
0xa6: {  	v20 =	vld [tilespmem:s8+$0x1C00]  }
0xa7: {  	v23 =	vld [tilespmem:s8+$0xC10]  }
0xa8: {  	v22 =	vld [tilespmem:s8+$0x1C10]  }
0xa9: {  	v25 =	vld [tilespmem:s8+$0xC20]  }
0xaa: {  	v24 =	vld [tilespmem:s8+$0x1C20]  }
0xab: {  	v27 =	vld [tilespmem:s8+$0xC30]  }
0xac: {  	v26 =	vld [tilespmem:s8+$0x1C30]  }
0xad: {  	v29 =	vld [tilespmem:s8+$0xC40]  }
0xae: {  	v28 =	vld [tilespmem:s8+$0x1C40]  }
0xaf: {  	v31 =	vld [tilespmem:s8+$0xC50]  }
0xb0: {  	v30 =	vld [tilespmem:s8+$0x1C50]  }
0xb1: {  	v33 =	vld [tilespmem:s8+$0xC60]  }
0xb2: {  	v32 =	vld [tilespmem:s8+$0x1C60]  }
0xb3: {  	v35 =	vld [tilespmem:s8+$0xC70]  }
0xb4: {  	v34 =	vld [tilespmem:s8+$0x1C70]  }
0xb5: {  	v37 =	vld [tilespmem:s8+$0x1000]  }
0xb6: {  	v36 =	vld [tilespmem:s8+$0x2000]  }
0xb7: {  	v39 =	vld [tilespmem:s8+$0x1010]  }
0xb8: {  	v38 =	vld [tilespmem:s8+$0x2010]  }
0xb9: {  	v41 =	vld [tilespmem:s8+$0x1020]  }
0xba: {  	v40 =	vld [tilespmem:s8+$0x2020]  }
0xbb: {  	v43 =	vld [tilespmem:s8+$0x1030]  }
0xbc: {  	v42 =	vld [tilespmem:s8+$0x2030]  }
0xbd: {  	v45 =	vld [tilespmem:s8+$0x1040]  }
0xbe: {  	v44 =	vld [tilespmem:s8+$0x2040]  }
0xbf: {  	v47 =	vld [tilespmem:s8+$0x1050]  }
0xc0: {  	v46 =	vld [tilespmem:s8+$0x2050]  }
0xc1: {  	v0 =	vld [tilespmem:s8+$0x1400]  }
0xc2: {  	v49 =	vld [tilespmem:s8+$0x1060]  }
0xc3: {  	v48 =	vld [tilespmem:s8+$0x2060]  }
0xc4: {  	v51 =	vld [tilespmem:s8+$0x1070]  }
0xc5: {  	v50 =	vld [tilespmem:s8+$0x2070]  }
0xc6: {  	[tilespmem:$0x1FFC0] =	vst v0;
	v0 =	vld [tilespmem:s8+$0x1450]  }
0xc7: {  	v60 =	vld [tilespmem:s8+$0x2400]  }
0xc8: {  	v52 =	vld [tilespmem:s8+$0x1410]  }
0xc9: {  	v1 =	vld [tilespmem:s8+$0x2810];
	v2 =	vadd.f32 v3, v2  }
0xca: {  	v3 =	vld [tilespmem:s8+$0x2840]  }
0xcb: {  	v2 =	vadd.f32 v5, v2;
	[tilespmem:$0x1FFD0] =	vst v0;
	v0 =	vld [tilespmem:s8+$0x2800]  }
0xcc: {  	v5 =	vld [tilespmem:s8+$0x830]  }
0xcd: {  	v7 =	vadd.f32 v8, v7;
	[tilespmem:s8+$0x4470] =	vst v2;
	v2 =	vld [tilespmem:s8+$0x2820]  }
0xce: {  	v4 =	vadd.f32 v6, v4;
	v6 =	vld [tilespmem:s8+$0x2830]  }
0xcf: {  	v8 =	vld [tilespmem:s8+$0x2860];
	v1 =	vadd.f32 v1, v7;
	v7 =	vadd.f32 v12, v13  }
0xd0: {  	v9 =	vadd.f32 v9, v11;
	v0 =	vadd.f32 v0, v4;
	v4 =	vld [tilespmem:s8+$0x2850]  }
0xd1: {  	v53 =	vld [tilespmem:s8+$0x2410];
	[tilespmem:s8+$0x3810] =	vst v1;
	v3 =	vadd.f32 v3, v7;
	v5 =	vadd.f32 v10, v5  }
0xd2: {  	v7 =	vadd.f32 v16, v17;
	v2 =	vadd.f32 v2, v9;
	[tilespmem:s8+$0x3800] =	vst v0;
	v0 =	vld [tilespmem:s8+$0x2870]  }
0xd3: {  	v1 =	vld [tilespmem:s8+$0x2C00];
	[tilespmem:s8+$0x3840] =	vst v3;
	v5 =	vadd.f32 v6, v5;
	v6 =	vadd.f32 v14, v15  }
0xd4: {  	v7 =	vadd.f32 v8, v7;
	[tilespmem:s8+$0x3820] =	vst v2;
	v2 =	vld [tilespmem:s8+$0x2C10]  }
0xd5: {  	[tilespmem:s8+$0x3830] =	vst v5;
	v5 =	vld [tilespmem:s8+$0x2C20];
	v4 =	vadd.f32 v4, v6;
	v6 =	vadd.f32 v18, v19  }
0xd6: {  	v3 =	vld [tilespmem:s8+$0x2C30];
	v8 =	vadd.f32 v20, v21;
	[tilespmem:s8+$0x3860] =	vst v7  }
0xd7: {  	v7 =	vadd.f32 v22, v23;
	[tilespmem:s8+$0x3850] =	vst v4;
	v4 =	vld [tilespmem:s8+$0x2C40];
	v0 =	vadd.f32 v0, v6  }
0xd8: {  	v1 =	vadd.f32 v1, v8;
	v8 =	vadd.f32 v24, v25;
	v6 =	vld [tilespmem:s8+$0x2C50]  }
0xd9: {  	v2 =	vadd.f32 v2, v7;
	v7 =	vadd.f32 v26, v27;
	[tilespmem:s8+$0x3870] =	vst v0;
	v0 =	vld [tilespmem:s8+$0x2C60]  }
0xda: {  	[tilespmem:s8+$0x3C00] =	vst v1;
	v1 =	vld [tilespmem:s8+$0x2C70];
	v5 =	vadd.f32 v5, v8;
	v8 =	vadd.f32 v28, v29  }
0xdb: {  	[tilespmem:s8+$0x3C10] =	vst v2;
	v2 =	vld [tilespmem:s8+$0x3000];
	v3 =	vadd.f32 v3, v7;
	v7 =	vadd.f32 v30, v31  }
0xdc: {  	v54 =	vld [tilespmem:s8+$0x1420];
	v4 =	vadd.f32 v4, v8;
	v8 =	vadd.f32 v32, v33  }
0xdd: {  	v55 =	vld [tilespmem:s8+$0x2420];
	v6 =	vadd.f32 v6, v7;
	v7 =	vadd.f32 v34, v35  }
0xde: {  	[tilespmem:s8+$0x3C30] =	vst v3;
	v3 =	vld [tilespmem:s8+$0x3020];
	v0 =	vadd.f32 v0, v8;
	v8 =	vadd.f32 v36, v37  }
0xdf: {  	[tilespmem:s8+$0x3C40] =	vst v4;
	v4 =	vld [tilespmem:s8+$0x3030];
	v1 =	vadd.f32 v1, v7  }
0xe0: {  	[tilespmem:s8+$0x3C50] =	vst v6;
	v6 =	vld [tilespmem:s8+$0x3040];
	v2 =	vadd.f32 v2, v8  }
0xe1: {  	v56 =	vld [tilespmem:s8+$0x1430];
	[tilespmem:s8+$0x3C70] =	vst v1;
	v8 =	vadd.f32 v40, v41  }
0xe2: {  	v1 =	vld [tilespmem:s8+$0x3060];
	[tilespmem:s8+$0x4000] =	vst v2;
	v2 =	vadd.f32 v42, v43  }
0xe3: {  	[tilespmem:s8+$0x3C20] =	vst v5;
	v5 =	vld [tilespmem:s8+$0x3010];
	v3 =	vadd.f32 v3, v8;
	v8 =	vadd.f32 v44, v45  }
0xe4: {  	v57 =	vld [tilespmem:s8+$0x2430];
	v2 =	vadd.f32 v4, v2  }
0xe5: {  	v58 =	vld [tilespmem:s8+$0x1440];
	v4 =	vadd.f32 v6, v8;
	v6 =	vadd.f32 v48, v49  }
0xe6: {  	v59 =	vld [tilespmem:s8+$0x2440];
	v7 =	vadd.f32 v38, v39  }
0xe7: {  	[tilespmem:s8+$0x3C60] =	vst v0;
	v0 =	vld [tilespmem:s8+$0x3050];
	v1 =	vadd.f32 v1, v6  }
0xe8: {  	v5 =	vadd.f32 v5, v7;
	v7 =	vld [tilespmem:s8+$0x3070]  }
0xe9: {  	[tilespmem:s8+$0x4060] =	vst v1;
	v1 =	vld [tilespmem:$0x1FFC0]  }
0xea: {  	v61 =	vld [tilespmem:s8+$0x2450];
	[tilespmem:s8+$0x4020] =	vst v3;
	v3 =	vadd.f32 v46, v47  }
0xeb: {  	[tilespmem:s8+$0x4010] =	vst v5;
	v5 =	vld [tilespmem:s8+$0x3400]  }
0xec: {  	v62 =	vld [tilespmem:s8+$0x1460];
	v0 =	vadd.f32 v0, v3;
	[tilespmem:s8+$0x4040] =	vst v4;
	v4 =	vadd.f32 v50, v51  }
0xed: {  	v63 =	vld [tilespmem:s8+$0x2460]  }
0xee: {  	v11 =	vld [tilespmem:s8+$0x3420];
	[tilespmem:s8+$0x4050] =	vst v0;
	v0 =	vadd.f32 v7, v4;
	v1 =	vadd.f32 v60, v1  }
0xef: {  	v9 =	vld [tilespmem:s8+$0x3410]  }
0xf0: {  	[tilespmem:s8+$0x4070] =	vst v0;
	v0 =	vadd.f32 v5, v1;
	v1 =	vld [tilespmem:$0x1FFD0]  }
0xf1: {  	v14 =	vadd.f32 v55, v54;
	[tilespmem:s8+$0x4030] =	vst v2;
	v2 =	vld [tilespmem:s8+$0x3430]  }
0xf2: {  	v13 =	vadd.f32 v53, v52;
	v3 =	vld [tilespmem:s8+$0x3440]  }
0xf3: {  	v10 =	vadd.f32 v63, v62;
	v11 =	vadd.f32 v11, v14;
	v4 =	vld [tilespmem:s8+$0x3450]  }
0xf4: {  	s10 =	simm.s32 $0xFFFFFC80;
	v9 =	vadd.f32 v9, v13;
	v6 =	vadd.f32 v57, v56;
	v7 =	vld [tilespmem:s8+$0x3460]  }
0xf5: {  	s9 =	simm.s32 $0xFFFFF400;
	v8 =	vadd.f32 v59, v58;
	v5 =	vld [tilespmem:s10+$0x1470];
	[tilespmem:s8+$0x4400] =	vst v0;
	v12 =	vadd.f32 v61, v1  }
.LBB2_3:
0xf6: {  	p1 =	sne.s32 s9, $0xFFFFFE00;
	v0 =	vld [tilespmem:s10+$0x2470];
	[tilespmem:s8+$0x4410] =	vst v9;
	v1 =	vadd.f32 v2, v6  }
0xf7: {  	v2 =	vld [tilespmem:s10+$0x800];
	[tilespmem:s8+$0x4420] =	vst v11;
	v3 =	vadd.f32 v3, v8  }
0xf8: {  	v6 =	vld [tilespmem:s10+$0x3470];
	[tilespmem:s8+$0x4430] =	vst v1;
	v1 =	vadd.f32 v4, v12  }
0xf9: {  	v4 =	vld [tilespmem:s10+$0x1800];
	[tilespmem:s8+$0x4440] =	vst v3;
	v3 =	vadd.f32 v7, v10  }
0xfa: {  	v7 =	vld [tilespmem:s10+$0x810];
	[tilespmem:s8+$0x4450] =	vst v1  }
0xfb: {  	v1 =	vld [tilespmem:s10+$0x1810];
	v0 =	vadd.f32 v0, v5;
	[tilespmem:s8+$0x4460] =	vst v3;
	s8 =	smov.u32 s10  }
0xfc: {  	v5 =	vld [tilespmem:s8+$0x820]  }
0xfd: {  	v8 =	vld [tilespmem:s8+$0x1820];
	v0 =	vadd.f32 v6, v0  }
0xfe: {  	v2 =	vadd.f32 v4, v2;
	v6 =	vld [tilespmem:s8+$0x830]  }
0xff: {  	v9 =	vld [tilespmem:s8+$0x1830];
	[tilespmem:s8+$0x4470] =	vst v0  }
0x100: {  	v3 =	vadd.f32 v1, v7;
	v0 =	vld [tilespmem:s8+$0x840]  }
0x101: {  	v1 =	vld [tilespmem:s8+$0x1840]  }
0x102: {  	v4 =	vadd.f32 v8, v5;
	v8 =	vld [tilespmem:s8+$0x850]  }
0x103: {  	v10 =	vld [tilespmem:s8+$0x1850]  }
0x104: {  	v5 =	vadd.f32 v9, v6;
	v6 =	vld [tilespmem:s8+$0x860]  }
0x105: {  	v11 =	vld [tilespmem:s8+$0x1860]  }
0x106: {  	v7 =	vadd.f32 v1, v0;
	v0 =	vld [tilespmem:s8+$0x870]  }
0x107: {  	v1 =	vld [tilespmem:s8+$0x1870]  }
0x108: {  	v9 =	vadd.f32 v10, v8;
	v8 =	vld [tilespmem:s8+$0xC00]  }
0x109: {  	v10 =	vld [tilespmem:s8+$0x1C00]  }
0x10a: {  	v11 =	vadd.f32 v11, v6;
	v6 =	vld [tilespmem:s8+$0xC10]  }
0x10b: {  	v12 =	vld [tilespmem:s8+$0x1C10]  }
0x10c: {  	v13 =	vadd.f32 v1, v0;
	v0 =	vld [tilespmem:s8+$0xC20]  }
0x10d: {  	v1 =	vld [tilespmem:s8+$0x1C20]  }
0x10e: {  	v14 =	vadd.f32 v10, v8;
	v8 =	vld [tilespmem:s8+$0xC30]  }
0x10f: {  	v10 =	vld [tilespmem:s8+$0x1C30]  }
0x110: {  	v15 =	vadd.f32 v12, v6;
	v6 =	vld [tilespmem:s8+$0xC40]  }
0x111: {  	v12 =	vld [tilespmem:s8+$0x1C40]  }
0x112: {  	v16 =	vadd.f32 v1, v0;
	v0 =	vld [tilespmem:s8+$0xC50]  }
0x113: {  	v1 =	vld [tilespmem:s8+$0x1C50]  }
0x114: {  	v17 =	vadd.f32 v10, v8;
	v8 =	vld [tilespmem:s8+$0xC60]  }
0x115: {  	v10 =	vld [tilespmem:s8+$0x1C60]  }
0x116: {  	v18 =	vadd.f32 v12, v6;
	v6 =	vld [tilespmem:s8+$0xC70]  }
0x117: {  	v12 =	vld [tilespmem:s8+$0x1C70]  }
0x118: {  	v19 =	vadd.f32 v1, v0;
	v0 =	vld [tilespmem:s8+$0x1000]  }
0x119: {  	v1 =	vld [tilespmem:s8+$0x2000]  }
0x11a: {  	v20 =	vadd.f32 v10, v8;
	v8 =	vld [tilespmem:s8+$0x1010]  }
0x11b: {  	v10 =	vld [tilespmem:s8+$0x2010]  }
0x11c: {  	v21 =	vadd.f32 v12, v6;
	v6 =	vld [tilespmem:s8+$0x1020]  }
0x11d: {  	v12 =	vld [tilespmem:s8+$0x2020]  }
0x11e: {  	v22 =	vadd.f32 v1, v0;
	v0 =	vld [tilespmem:s8+$0x1030]  }
0x11f: {  	v1 =	vld [tilespmem:s8+$0x2030]  }
0x120: {  	v23 =	vadd.f32 v10, v8;
	v8 =	vld [tilespmem:s8+$0x1040]  }
0x121: {  	v10 =	vld [tilespmem:s8+$0x2040]  }
0x122: {  	v24 =	vadd.f32 v12, v6;
	v6 =	vld [tilespmem:s8+$0x1050]  }
0x123: {  	v12 =	vld [tilespmem:s8+$0x2050]  }
0x124: {  	v25 =	vadd.f32 v1, v0;
	v0 =	vld [tilespmem:s8+$0x1060]  }
0x125: {  	v1 =	vld [tilespmem:s8+$0x2060]  }
0x126: {  	v26 =	vadd.f32 v10, v8;
	v8 =	vld [tilespmem:s8+$0x1070]  }
0x127: {  	v10 =	vld [tilespmem:s8+$0x2070]  }
0x128: {  	v27 =	vadd.f32 v12, v6;
	v6 =	vld [tilespmem:s8+$0x1400]  }
0x129: {  	v12 =	vld [tilespmem:s8+$0x2400]  }
0x12a: {  	v28 =	vadd.f32 v1, v0;
	v0 =	vld [tilespmem:s8+$0x1410]  }
0x12b: {  	v1 =	vld [tilespmem:s8+$0x2410]  }
0x12c: {  	v29 =	vadd.f32 v10, v8;
	v8 =	vld [tilespmem:s8+$0x1420]  }
0x12d: {  	v10 =	vld [tilespmem:s8+$0x2420]  }
0x12e: {  	v31 =	vadd.f32 v12, v6;
	v6 =	vld [tilespmem:s8+$0x1430]  }
0x12f: {  	v12 =	vld [tilespmem:s8+$0x2430]  }
0x130: {  	v0 =	vadd.f32 v1, v0;
	v1 =	vld [tilespmem:s8+$0x1440]  }
0x131: {  	v32 =	vld [tilespmem:s8+$0x2440]  }
0x132: {  	v30 =	vadd.f32 v10, v8;
	v10 =	vld [tilespmem:s8+$0x1450]  }
0x133: {  	v33 =	vld [tilespmem:s8+$0x2450]  }
0x134: {  	v6 =	vadd.f32 v12, v6;
	v34 =	vld [tilespmem:s8+$0x1460]  }
0x135: {  	v35 =	vld [tilespmem:s8+$0x2460]  }
0x136: {  	v36 =	vld [tilespmem:s8+$0x2800];
	v8 =	vadd.f32 v32, v1  }
0x137: {  	v1 =	vld [tilespmem:s8+$0x2810]  }
0x138: {  	v32 =	vld [tilespmem:s8+$0x2820];
	v12 =	vadd.f32 v33, v10  }
0x139: {  	v33 =	vld [tilespmem:s8+$0x2830]  }
0x13a: {  	v37 =	vld [tilespmem:s8+$0x2840];
	v10 =	vadd.f32 v35, v34  }
0x13b: {  	v2 =	vadd.f32 v36, v2;
	v34 =	vld [tilespmem:s8+$0x2850]  }
0x13c: {  	v1 =	vadd.f32 v1, v3;
	v3 =	vld [tilespmem:s8+$0x2860]  }
0x13d: {  	[tilespmem:s8+$0x3800] =	vst v2;
	v2 =	vadd.f32 v32, v4;
	v4 =	vld [tilespmem:s8+$0x2870]  }
0x13e: {  	[tilespmem:s8+$0x3810] =	vst v1;
	v1 =	vadd.f32 v33, v5;
	v5 =	vld [tilespmem:s8+$0x2C00]  }
0x13f: {  	[tilespmem:s8+$0x3820] =	vst v2;
	v2 =	vadd.f32 v37, v7;
	v7 =	vld [tilespmem:s8+$0x2C10]  }
0x140: {  	[tilespmem:s8+$0x3830] =	vst v1;
	v1 =	vadd.f32 v34, v9;
	v9 =	vld [tilespmem:s8+$0x2C20]  }
0x141: {  	[tilespmem:s8+$0x3840] =	vst v2;
	v2 =	vadd.f32 v3, v11;
	v3 =	vld [tilespmem:s8+$0x2C30]  }
0x142: {  	[tilespmem:s8+$0x3850] =	vst v1;
	v1 =	vadd.f32 v4, v13;
	v4 =	vld [tilespmem:s8+$0x2C40]  }
0x143: {  	[tilespmem:s8+$0x3860] =	vst v2;
	v2 =	vadd.f32 v5, v14;
	v5 =	vld [tilespmem:s8+$0x2C50]  }
0x144: {  	[tilespmem:s8+$0x3870] =	vst v1;
	v1 =	vadd.f32 v7, v15;
	v7 =	vld [tilespmem:s8+$0x2C60]  }
0x145: {  	[tilespmem:s8+$0x3C00] =	vst v2;
	v2 =	vadd.f32 v9, v16;
	v9 =	vld [tilespmem:s8+$0x2C70]  }
0x146: {  	[tilespmem:s8+$0x3C10] =	vst v1;
	v1 =	vadd.f32 v3, v17;
	v3 =	vld [tilespmem:s8+$0x3000]  }
0x147: {  	[tilespmem:s8+$0x3C20] =	vst v2;
	v2 =	vadd.f32 v4, v18;
	v4 =	vld [tilespmem:s8+$0x3010]  }
0x148: {  	[tilespmem:s8+$0x3C30] =	vst v1;
	v1 =	vadd.f32 v5, v19;
	v5 =	vld [tilespmem:s8+$0x3020]  }
0x149: {  	[tilespmem:s8+$0x3C40] =	vst v2;
	v2 =	vadd.f32 v7, v20;
	v7 =	vld [tilespmem:s8+$0x3030]  }
0x14a: {  	[tilespmem:s8+$0x3C50] =	vst v1;
	v1 =	vadd.f32 v9, v21;
	v9 =	vld [tilespmem:s8+$0x3040]  }
0x14b: {  	[tilespmem:s8+$0x3C60] =	vst v2;
	v2 =	vadd.f32 v3, v22;
	v3 =	vld [tilespmem:s8+$0x3050]  }
0x14c: {  	[tilespmem:s8+$0x3C70] =	vst v1;
	v1 =	vadd.f32 v4, v23;
	v4 =	vld [tilespmem:s8+$0x3060]  }
0x14d: {  	[tilespmem:s8+$0x4000] =	vst v2;
	v2 =	vadd.f32 v5, v24;
	v5 =	vld [tilespmem:s8+$0x3070]  }
0x14e: {  	[tilespmem:s8+$0x4010] =	vst v1;
	v1 =	vadd.f32 v7, v25;
	v7 =	vld [tilespmem:s8+$0x3400]  }
0x14f: {  	[tilespmem:s8+$0x4020] =	vst v2;
	v2 =	vadd.f32 v9, v26;
	v9 =	vld [tilespmem:s8+$0x3410]  }
0x150: {  	[tilespmem:s8+$0x4030] =	vst v1;
	v1 =	vadd.f32 v3, v27;
	v11 =	vld [tilespmem:s8+$0x3420]  }
.Ltmp2:
0x151: {  	[tilespmem:s8+$0x4040] =	vst v2;
	v4 =	vadd.f32 v4, v28;
	v2 =	vld [tilespmem:s8+$0x3430];
	(pc) =	sbr.rel @p1 .LBB2_3-.Ltmp2, $4  }
0x152: {  	[tilespmem:s8+$0x4050] =	vst v1;
	v1 =	vadd.f32 v5, v29;
	v3 =	vld [tilespmem:s8+$0x3440]  }
0x153: {  	[tilespmem:s8+$0x4060] =	vst v4;
	v13 =	vadd.f32 v7, v31;
	v4 =	vld [tilespmem:s8+$0x3450]  }
0x154: {  	s10 =	sshra.s32 s9, $0x2;
	[tilespmem:s8+$0x4070] =	vst v1;
	v9 =	vadd.f32 v9, v0;
	v7 =	vld [tilespmem:s8+$0x3460]  }
0x155: {  	s9 =	sadd.s32 $0x200, s9;
	v5 =	vld [tilespmem:s10+$0x1470];
	[tilespmem:s8+$0x4400] =	vst v13;
	v11 =	vadd.f32 v11, v30  }
0x156: {  	v0 =	vld [tilespmem:s10+$0x2470];
	[tilespmem:s8+$0x4410] =	vst v9;
	v2 =	vadd.f32 v2, v6  }
0x157: {  	v16 =	vld [tilespmem:s10+$0x800];
	[tilespmem:s8+$0x4420] =	vst v11;
	v3 =	vadd.f32 v3, v8  }
0x158: {  	v6 =	vld [tilespmem:s10+$0x3470];
	[tilespmem:s8+$0x4430] =	vst v2;
	v4 =	vadd.f32 v4, v12  }
0x159: {  	v2 =	vld [tilespmem:s10+$0x1800];
	[tilespmem:s8+$0x4440] =	vst v3;
	v7 =	vadd.f32 v7, v10  }
0x15a: {  	v3 =	vld [tilespmem:s10+$0x810];
	[tilespmem:s8+$0x4450] =	vst v4  }
0x15b: {  	v4 =	vld [tilespmem:s10+$0x1810];
	[tilespmem:s8+$0x4460] =	vst v7  }
0x15c: {  	v0 =	vadd.f32 v0, v5;
	v5 =	vld [tilespmem:s10+$0x820]  }
0x15d: {  	v7 =	vld [tilespmem:s10+$0x1820]  }
0x15e: {  	v8 =	vld [tilespmem:s10+$0x1830]  }
0x15f: {  	v10 =	vld [tilespmem:s10+$0x840]  }
0x160: {  	v9 =	vld [tilespmem:s10+$0x1840]  }
0x161: {  	v12 =	vld [tilespmem:s10+$0x850]  }
0x162: {  	v11 =	vld [tilespmem:s10+$0x1850]  }
0x163: {  	v14 =	vld [tilespmem:s10+$0x860]  }
0x164: {  	v13 =	vld [tilespmem:s10+$0x1860]  }
0x165: {  	v17 =	vld [tilespmem:s10+$0x870]  }
0x166: {  	v15 =	vld [tilespmem:s10+$0x1870]  }
0x167: {  	v19 =	vld [tilespmem:s10+$0xC00]  }
0x168: {  	v18 =	vld [tilespmem:s10+$0x1C00]  }
0x169: {  	v21 =	vld [tilespmem:s10+$0xC10]  }
0x16a: {  	v20 =	vld [tilespmem:s10+$0x1C10]  }
0x16b: {  	v23 =	vld [tilespmem:s10+$0xC20]  }
0x16c: {  	v22 =	vld [tilespmem:s10+$0x1C20]  }
0x16d: {  	v25 =	vld [tilespmem:s10+$0xC30]  }
0x16e: {  	v24 =	vld [tilespmem:s10+$0x1C30]  }
0x16f: {  	v27 =	vld [tilespmem:s10+$0xC40]  }
0x170: {  	v26 =	vld [tilespmem:s10+$0x1C40]  }
0x171: {  	v29 =	vld [tilespmem:s10+$0xC50]  }
0x172: {  	v28 =	vld [tilespmem:s10+$0x1C50]  }
0x173: {  	v31 =	vld [tilespmem:s10+$0xC60]  }
0x174: {  	v30 =	vld [tilespmem:s10+$0x1C60]  }
0x175: {  	v33 =	vld [tilespmem:s10+$0xC70]  }
0x176: {  	v32 =	vld [tilespmem:s10+$0x1C70]  }
0x177: {  	v35 =	vld [tilespmem:s10+$0x1000]  }
0x178: {  	v34 =	vld [tilespmem:s10+$0x2000]  }
0x179: {  	v37 =	vld [tilespmem:s10+$0x1010]  }
0x17a: {  	v36 =	vld [tilespmem:s10+$0x2010]  }
0x17b: {  	v39 =	vld [tilespmem:s10+$0x1020]  }
0x17c: {  	v38 =	vld [tilespmem:s10+$0x2020]  }
0x17d: {  	v41 =	vld [tilespmem:s10+$0x1030]  }
0x17e: {  	v40 =	vld [tilespmem:s10+$0x2030]  }
0x17f: {  	v43 =	vld [tilespmem:s10+$0x1040]  }
0x180: {  	v42 =	vld [tilespmem:s10+$0x2040]  }
0x181: {  	v45 =	vld [tilespmem:s10+$0x1050]  }
0x182: {  	v44 =	vld [tilespmem:s10+$0x2050]  }
0x183: {  	v47 =	vld [tilespmem:s10+$0x1060]  }
0x184: {  	v46 =	vld [tilespmem:s10+$0x2060]  }
0x185: {  	v49 =	vld [tilespmem:s10+$0x1070]  }
0x186: {  	v48 =	vld [tilespmem:s10+$0x2070]  }
0x187: {  	v52 =	vld [tilespmem:s10+$0x1400]  }
0x188: {  	v50 =	vld [tilespmem:s10+$0x2400]  }
0x189: {  	v54 =	vld [tilespmem:s10+$0x1410];
	v0 =	vadd.f32 v6, v0  }
0x18a: {  	v51 =	vld [tilespmem:s10+$0x2410]  }
0x18b: {  	[tilespmem:s10+$0x4470] =	vst v0;
	v0 =	vld [tilespmem:s10+$0x1450]  }
0x18c: {  	v56 =	vld [tilespmem:s10+$0x1420]  }
0x18d: {  	v53 =	vld [tilespmem:s10+$0x2420]  }
0x18e: {  	v58 =	vld [tilespmem:s10+$0x1430]  }
0x18f: {  	v55 =	vld [tilespmem:s10+$0x2430]  }
0x190: {  	[tilespmem:$0x1FF80] =	vst v0;
	v0 =	vld [tilespmem:s10+$0x1460]  }
0x191: {  	v62 =	vld [tilespmem:s10+$0x2800]  }
0x192: {  	v6 =	vld [tilespmem:s10+$0x830]  }
0x193: {  	v63 =	vld [tilespmem:s10+$0x2810]  }
0x194: {  	v2 =	vadd.f32 v2, v16;
	v16 =	vld [tilespmem:s10+$0x2830]  }
0x195: {  	[tilespmem:$0x1FF90] =	vst v0;
	v0 =	vld [tilespmem:s10+$0x2820]  }
0x196: {  	v60 =	vld [tilespmem:s10+$0x1440];
	v3 =	vadd.f32 v4, v3  }
0x197: {  	v1 =	vld [tilespmem:s10+$0x2840];
	v2 =	vadd.f32 v62, v2;
	v6 =	vadd.f32 v8, v6  }
0x198: {  	v4 =	vld [tilespmem:s10+$0x2850];
	v5 =	vadd.f32 v7, v5;
	v3 =	vadd.f32 v63, v3  }
0x199: {  	v62 =	vld [tilespmem:s10+$0x2860];
	[tilespmem:s10+$0x3800] =	vst v2;
	v6 =	vadd.f32 v16, v6  }
0x19a: {  	v2 =	vld [tilespmem:s10+$0x2870];
	[tilespmem:s10+$0x3810] =	vst v3;
	v0 =	vadd.f32 v0, v5;
	v5 =	vadd.f32 v9, v10  }
0x19b: {  	v7 =	vadd.f32 v11, v12;
	v3 =	vld [tilespmem:s10+$0x2C00];
	[tilespmem:s10+$0x3830] =	vst v6  }
0x19c: {  	v6 =	vadd.f32 v13, v14;
	[tilespmem:s10+$0x3820] =	vst v0;
	v0 =	vld [tilespmem:s10+$0x2C10];
	v1 =	vadd.f32 v1, v5  }
0x19d: {  	v4 =	vadd.f32 v4, v7;
	v7 =	vadd.f32 v15, v17;
	v5 =	vld [tilespmem:s10+$0x2C20]  }
0x19e: {  	v8 =	vadd.f32 v18, v19;
	v6 =	vadd.f32 v62, v6;
	[tilespmem:s10+$0x3840] =	vst v1;
	v1 =	vld [tilespmem:s10+$0x2C30]  }
0x19f: {  	[tilespmem:s10+$0x3850] =	vst v4;
	v4 =	vld [tilespmem:s10+$0x2C40];
	v2 =	vadd.f32 v2, v7;
	v7 =	vadd.f32 v20, v21  }
0x1a0: {  	v3 =	vadd.f32 v3, v8;
	v8 =	vadd.f32 v22, v23;
	[tilespmem:s10+$0x3860] =	vst v6;
	v6 =	vld [tilespmem:s10+$0x2C50]  }
0x1a1: {  	[tilespmem:s10+$0x3870] =	vst v2;
	v2 =	vld [tilespmem:s10+$0x2C60];
	v0 =	vadd.f32 v0, v7;
	v7 =	vadd.f32 v24, v25  }
0x1a2: {  	[tilespmem:s10+$0x3C00] =	vst v3;
	v3 =	vld [tilespmem:s10+$0x2C70];
	v5 =	vadd.f32 v5, v8;
	v8 =	vadd.f32 v26, v27  }
0x1a3: {  	[tilespmem:s10+$0x3C10] =	vst v0;
	v0 =	vld [tilespmem:s10+$0x3000];
	v1 =	vadd.f32 v1, v7;
	v7 =	vadd.f32 v28, v29  }
0x1a4: {  	[tilespmem:s10+$0x3C20] =	vst v5;
	v5 =	vld [tilespmem:s10+$0x3010];
	v4 =	vadd.f32 v4, v8;
	v8 =	vadd.f32 v30, v31  }
0x1a5: {  	[tilespmem:s10+$0x3C30] =	vst v1;
	v1 =	vld [tilespmem:s10+$0x3020];
	v6 =	vadd.f32 v6, v7;
	v7 =	vadd.f32 v32, v33  }
0x1a6: {  	v57 =	vld [tilespmem:s10+$0x2440];
	v2 =	vadd.f32 v2, v8;
	v8 =	vadd.f32 v34, v35  }
0x1a7: {  	[tilespmem:s10+$0x3C50] =	vst v6;
	v6 =	vld [tilespmem:s10+$0x3040];
	v3 =	vadd.f32 v3, v7;
	v7 =	vadd.f32 v36, v37  }
0x1a8: {  	[tilespmem:s10+$0x3C40] =	vst v4;
	v4 =	vld [tilespmem:s10+$0x3030];
	v0 =	vadd.f32 v0, v8;
	v8 =	vadd.f32 v38, v39  }
0x1a9: {  	[tilespmem:s10+$0x3C70] =	vst v3;
	v3 =	vld [tilespmem:s10+$0x3060];
	v5 =	vadd.f32 v5, v7  }
0x1aa: {  	v59 =	vld [tilespmem:s10+$0x2450];
	v1 =	vadd.f32 v1, v8;
	v8 =	vadd.f32 v42, v43  }
0x1ab: {  	[tilespmem:s10+$0x3C60] =	vst v2;
	v2 =	vld [tilespmem:s10+$0x3050];
	v7 =	vadd.f32 v40, v41  }
0x1ac: {  	[tilespmem:s10+$0x4010] =	vst v5;
	v5 =	vld [tilespmem:s10+$0x3400];
	v6 =	vadd.f32 v6, v8;
	v8 =	vadd.f32 v46, v47  }
0x1ad: {  	v4 =	vadd.f32 v4, v7;
	[tilespmem:s10+$0x4020] =	vst v1;
	v1 =	vld [tilespmem:s10+$0x3410]  }
0x1ae: {  	v61 =	vld [tilespmem:s10+$0x2460];
	[tilespmem:s10+$0x4000] =	vst v0;
	v7 =	vadd.f32 v44, v45;
	v3 =	vadd.f32 v3, v8  }
0x1af: {  	v0 =	vld [tilespmem:s10+$0x3070];
	[tilespmem:s10+$0x4030] =	vst v4;
	v8 =	vadd.f32 v50, v52  }
0x1b0: {  	v4 =	vld [tilespmem:s10+$0x3420];
	v2 =	vadd.f32 v2, v7;
	[tilespmem:s10+$0x4060] =	vst v3;
	v3 =	vadd.f32 v51, v54  }
0x1b1: {  	[tilespmem:s10+$0x4040] =	vst v6;
	v6 =	vld [tilespmem:s10+$0x3430];
	v5 =	vadd.f32 v5, v8  }
0x1b2: {  	v7 =	vadd.f32 v48, v49;
	[tilespmem:s10+$0x4050] =	vst v2;
	v2 =	vld [tilespmem:s10+$0x3440];
	v1 =	vadd.f32 v1, v3  }
0x1b3: {  	[tilespmem:s10+$0x4400] =	vst v5;
	v5 =	vld [tilespmem:$0x1FF80]  }
0x1b4: {  	v0 =	vadd.f32 v0, v7;
	[tilespmem:s10+$0x4410] =	vst v1;
	v1 =	vld [tilespmem:$0x1FF90]  }
0x1b5: {  	v9 =	vadd.f32 v53, v56;
	v7 =	vld [tilespmem:s10+$0x3450]  }
0x1b6: {  	[tilespmem:s10+$0x4070] =	vst v0;
	v0 =	vadd.f32 v55, v58;
	v3 =	vld [tilespmem:s10+$0x3460]  }
0x1b7: {  	v8 =	vadd.f32 v57, v60;
	v4 =	vadd.f32 v4, v9  }
0x1b8: {  	v0 =	vadd.f32 v6, v0;
	v5 =	vadd.f32 v59, v5  }
0x1b9: {  	[tilespmem:s10+$0x4420] =	vst v4;
	v2 =	vadd.f32 v2, v8;
	v1 =	vadd.f32 v61, v1  }
0x1ba: {  	[tilespmem:s10+$0x4430] =	vst v0;
	v0 =	vadd.f32 v7, v5  }
0x1bb: {  	[tilespmem:s10+$0x4440] =	vst v2;
	v1 =	vadd.f32 v3, v1  }
0x1bc: {  	s8 =	sshll.u32 s17, $0xB;
	[tilespmem:s10+$0x4450] =	vst v0  }
0x1bd: {  	p1 =	seq.s32 s17, $0xF;
	s9 =	sadd.s32 s8, s16;
	[tilespmem:s10+$0x4460] =	vst v1  }
0x1be: {  	[hbm4b:s9+s6] =	stream.linear.scatter [tilespmem:s30], [sflag:$0x5], $0x1000, $0x38;
	[tilespmem:$0x10400] =	vst v63  }
0x1bf: {  	s9 =	sshll.u32 @!p1 s17, $0x5  }
0x1c0: {  	s10 =	sadd.s32 @!p1 $0x20, s9  }
0x1c1: {  	s10 =	sadd.s32 @!p1 s7, s10  }
0x1c2: {  	s10 =	sshll.u32 @!p1 s10, $0x6  }
0x1c3: {  	s13 =	simm.s32 @!p1 $0x0;
	s14 =	simm.s32 @!p1 $0x400;
	s10 =	sadd.s32 @!p1 s0, s10  }
0x1c4: {  	[tilespmem:s14], [sflag:$0x1] =	stream.linear.gather @!p1 [hbm4b:s10+s13], $0x1000, $0x38;
	[tilespmem:$0x10400] =	vst v63  }
0x1c5: {  	v0 =	vld.msk @!p1 [tilespmem:s9+$0x20], $0xff;
	_ =	sdelay $0x4  }
0x1c6: {  	v1 =	vshll.u32 @!p1 v0, $0x2  }
0x1c7: {  	v2 =	vlaneseq.u32 @!p1;
	v0 =	vand.u32 @!p1 $0x7, v0;
	v1 =	vand.u32 @!p1 $0xFFFFFFE0, v1  }
0x1c8: {  	v0 =	vor.u32 @!p1 v0, v1;
	v1 =	vand.u32 @!p1 $0x7, v2;
	v2 =	vshrl.u32 @!p1 v2, $0x3  }
0x1c9: {  	v0 =	vperm.xlane @!p1 v0, v1;
	v2 =	vmul.u32 @!p1 $0x8, v2;
	_ =	sdelay $0x1  }
0x1ca: {  	v0 =	vadd.s32 @!p1 v2, v0;
	_ =	sdelay $0x3  }
0x1cb: {  	vm1 =	vmmov @!p1 $0xffff;
	s10 =	simm.s32 @!p1 $0x1400  }
0x1cc: {  	[tilespmem:s10], [sflag:$0x1] =	stream.indirect_vreg.gather @!p1 [hbm4b:s2+s13], $0x80, v0, vm1, $0xb8;
	[tilespmem:$0x10400] =	vst v63  }
0x1cd: {  	s10 =	simm.s32 @!p1 $0x1C00  }
0x1ce: {  	[tilespmem:s10], [sflag:$0x1] =	stream.indirect_vreg.gather @!p1 [hbm4b:s11+s13], $0x80, v0, vm1, $0xb8;
	[tilespmem:$0x10400] =	vst v63  }
0x1cf: {  	v0 =	vld.msk @!p1 [tilespmem:s9+$0x220], $0xff;
	_ =	sdelay $0x4  }
0x1d0: {  	v3 =	vshll.u32 @!p1 v0, $0x2  }
0x1d1: {  	v0 =	vand.u32 @!p1 $0x7, v0;
	v3 =	vand.u32 @!p1 $0xFFFFFFE0, v3  }
0x1d2: {  	v0 =	vor.u32 @!p1 v0, v3  }
0x1d3: {  	v0 =	vperm.xlane @!p1 v0, v1;
	_ =	sdelay $0x1  }
0x1d4: {  	v0 =	vadd.s32 @!p1 v2, v0;
	_ =	sdelay $0x3  }
0x1d5: {  	s9 =	simm.s32 @!p1 $0x2400  }
0x1d6: {  	[tilespmem:s9], [sflag:$0x1] =	stream.indirect_vreg.gather @!p1 [hbm4b:s4+s13], $0x80, v0, vm1, $0xb8;
	[tilespmem:$0x10400] =	vst v63  }
0x1d7: {  	s9 =	simm.s32 @!p1 $0x2C00  }
0x1d8: {  	[tilespmem:s9], [sflag:$0x1] =	stream.indirect_vreg.gather @!p1 [hbm4b:s12+s13], $0x80, v0, vm1, $0xb8;
	[tilespmem:$0x10400] =	vst v63  }
0x1d9: {  	_ =	swait.ge [sflag:s31], $0x1000  }
0x1da: {  	[sflag:s31] =	ssyncset.done $0x0  }
0x1db: {  	[sflag:s31] =	ssyncadd.s32 $0xFFFFF000  }
0x1dc: {  	_ =	swait.ge [sflag:s31], $0x1000  }
0x1dd: {  	[sflag:s31] =	ssyncset.done $0x0  }
0x1de: {  	[sflag:s31] =	ssyncadd.s32 $0xFFFFF000  }
0x1df: {  	_ =	swait.ge [sflag:s31], $0x1000  }
0x1e0: {  	[sflag:s31] =	ssyncset.done $0x0  }
0x1e1: {  	s9 =	simm.s32 @!p0 $0x6;
	[sflag:s31] =	ssyncadd.s32 $0xFFFFF000  }
0x1e2: {  	_ =	swait.ge @!p0 [sflag:s9], $0x1000  }
0x1e3: {  	[sflag:s9] =	ssyncset.done @!p0 $0x0  }
0x1e4: {  	[sflag:s9] =	ssyncadd.s32 @!p0 $0xFFFFF000;
	s9 =	simm.s32 $0xFFFFFC00  }
0x1e5: {  	v0 =	vld [tilespmem:s9+$0x5470]  }
0x1e6: {  	v1 =	vld [tilespmem:s9+$0x6470]  }
0x1e7: {  	v2 =	vld [tilespmem:s9+$0x4800]  }
0x1e8: {  	v3 =	vld [tilespmem:s9+$0x7470]  }
0x1e9: {  	v4 =	vld [tilespmem:s9+$0x5800]  }
0x1ea: {  	v5 =	vld [tilespmem:s9+$0x4810]  }
0x1eb: {  	v6 =	vld [tilespmem:s9+$0x5810]  }
0x1ec: {  	v9 =	vld [tilespmem:s9+$0x4820]  }
0x1ed: {  	v7 =	vld [tilespmem:s9+$0x5820]  }
0x1ee: {  	v8 =	vld [tilespmem:s9+$0x5830]  }
0x1ef: {  	v11 =	vld [tilespmem:s9+$0x4840]  }
0x1f0: {  	v10 =	vld [tilespmem:s9+$0x5840]  }
0x1f1: {  	v13 =	vld [tilespmem:s9+$0x4850]  }
0x1f2: {  	v12 =	vld [tilespmem:s9+$0x5850]  }
0x1f3: {  	v15 =	vld [tilespmem:s9+$0x4860]  }
0x1f4: {  	v14 =	vld [tilespmem:s9+$0x5860]  }
0x1f5: {  	v17 =	vld [tilespmem:s9+$0x4870]  }
0x1f6: {  	v16 =	vld [tilespmem:s9+$0x5870]  }
0x1f7: {  	v19 =	vld [tilespmem:s9+$0x4C00]  }
0x1f8: {  	v18 =	vld [tilespmem:s9+$0x5C00]  }
0x1f9: {  	v21 =	vld [tilespmem:s9+$0x4C10]  }
0x1fa: {  	v20 =	vld [tilespmem:s9+$0x5C10]  }
0x1fb: {  	v23 =	vld [tilespmem:s9+$0x4C20]  }
0x1fc: {  	v22 =	vld [tilespmem:s9+$0x5C20]  }
0x1fd: {  	v25 =	vld [tilespmem:s9+$0x4C30]  }
0x1fe: {  	v24 =	vld [tilespmem:s9+$0x5C30]  }
0x1ff: {  	v27 =	vld [tilespmem:s9+$0x4C40]  }
0x200: {  	v26 =	vld [tilespmem:s9+$0x5C40]  }
0x201: {  	v29 =	vld [tilespmem:s9+$0x4C50]  }
0x202: {  	v28 =	vld [tilespmem:s9+$0x5C50]  }
0x203: {  	v31 =	vld [tilespmem:s9+$0x4C60]  }
0x204: {  	v30 =	vld [tilespmem:s9+$0x5C60]  }
0x205: {  	v33 =	vld [tilespmem:s9+$0x4C70]  }
0x206: {  	v32 =	vld [tilespmem:s9+$0x5C70]  }
0x207: {  	v35 =	vld [tilespmem:s9+$0x5000]  }
0x208: {  	v34 =	vld [tilespmem:s9+$0x6000]  }
0x209: {  	v37 =	vld [tilespmem:s9+$0x5010]  }
0x20a: {  	v36 =	vld [tilespmem:s9+$0x6010]  }
0x20b: {  	v39 =	vld [tilespmem:s9+$0x5020]  }
0x20c: {  	v38 =	vld [tilespmem:s9+$0x6020]  }
0x20d: {  	v41 =	vld [tilespmem:s9+$0x5030]  }
0x20e: {  	v40 =	vld [tilespmem:s9+$0x6030]  }
0x20f: {  	v43 =	vld [tilespmem:s9+$0x5040]  }
0x210: {  	v42 =	vld [tilespmem:s9+$0x6040];
	v0 =	vadd.f32 v1, v0  }
0x211: {  	v45 =	vld [tilespmem:s9+$0x5050]  }
0x212: {  	v44 =	vld [tilespmem:s9+$0x6050];
	v0 =	vadd.f32 v3, v0  }
0x213: {  	v47 =	vld [tilespmem:s9+$0x5060]  }
0x214: {  	[tilespmem:s9+$0x8470] =	vst v0;
	v0 =	vld [tilespmem:s9+$0x5400]  }
0x215: {  	v46 =	vld [tilespmem:s9+$0x6060]  }
0x216: {  	v49 =	vld [tilespmem:s9+$0x5070]  }
0x217: {  	v48 =	vld [tilespmem:s9+$0x6070]  }
0x218: {  	v58 =	vld [tilespmem:s9+$0x6400]  }
0x219: {  	[tilespmem:$0x1FFA0] =	vst v0;
	v0 =	vld [tilespmem:s9+$0x5450]  }
0x21a: {  	v62 =	vld [tilespmem:s9+$0x6800]  }
0x21b: {  	v3 =	vld [tilespmem:s9+$0x4830]  }
0x21c: {  	v63 =	vld [tilespmem:s9+$0x6810]  }
0x21d: {  	v2 =	vadd.f32 v4, v2;
	v4 =	vld [tilespmem:s9+$0x6830]  }
0x21e: {  	[tilespmem:$0x1FFB0] =	vst v0;
	v0 =	vld [tilespmem:s9+$0x6820]  }
0x21f: {  	v5 =	vadd.f32 v6, v5;
	v6 =	vld [tilespmem:s9+$0x6850]  }
0x220: {  	v1 =	vld [tilespmem:s9+$0x6840];
	v7 =	vadd.f32 v7, v9;
	v3 =	vadd.f32 v8, v3  }
0x221: {  	v50 =	vld [tilespmem:s9+$0x5410];
	v2 =	vadd.f32 v62, v2;
	v5 =	vadd.f32 v63, v5  }
0x222: {  	v62 =	vld [tilespmem:s9+$0x6860];
	v3 =	vadd.f32 v4, v3;
	v4 =	vadd.f32 v12, v13  }
0x223: {  	v51 =	vld [tilespmem:s9+$0x6410];
	[tilespmem:s9+$0x7800] =	vst v2;
	v0 =	vadd.f32 v0, v7;
	v7 =	vadd.f32 v10, v11  }
0x224: {  	[tilespmem:s9+$0x7810] =	vst v5;
	v5 =	vld [tilespmem:s9+$0x6C00];
	v4 =	vadd.f32 v6, v4  }
0x225: {  	v2 =	vld [tilespmem:s9+$0x6870];
	[tilespmem:s9+$0x7830] =	vst v3;
	v1 =	vadd.f32 v1, v7;
	v7 =	vadd.f32 v14, v15  }
0x226: {  	[tilespmem:s9+$0x7820] =	vst v0;
	v0 =	vld [tilespmem:s9+$0x6C10]  }
0x227: {  	v8 =	vadd.f32 v18, v19;
	v3 =	vld [tilespmem:s9+$0x6C20];
	[tilespmem:s9+$0x7850] =	vst v4;
	v7 =	vadd.f32 v62, v7  }
0x228: {  	v6 =	vadd.f32 v16, v17;
	[tilespmem:s9+$0x7840] =	vst v1;
	v1 =	vld [tilespmem:s9+$0x6C30]  }
0x229: {  	v5 =	vadd.f32 v5, v8;
	v4 =	vld [tilespmem:s9+$0x6C40];
	[tilespmem:s9+$0x7860] =	vst v7;
	v7 =	vadd.f32 v20, v21  }
0x22a: {  	v8 =	vadd.f32 v22, v23;
	v2 =	vadd.f32 v2, v6;
	v6 =	vld [tilespmem:s9+$0x6C50]  }
0x22b: {  	v52 =	vld [tilespmem:s9+$0x5420];
	v0 =	vadd.f32 v0, v7;
	v7 =	vadd.f32 v24, v25  }
0x22c: {  	[tilespmem:s9+$0x7C00] =	vst v5;
	v5 =	vld [tilespmem:s9+$0x6C70];
	v3 =	vadd.f32 v3, v8;
	v8 =	vadd.f32 v26, v27  }
0x22d: {  	[tilespmem:s9+$0x7870] =	vst v2;
	v2 =	vld [tilespmem:s9+$0x6C60];
	v1 =	vadd.f32 v1, v7;
	v7 =	vadd.f32 v28, v29  }
0x22e: {  	[tilespmem:s9+$0x7C20] =	vst v3;
	v3 =	vld [tilespmem:s9+$0x7010];
	v4 =	vadd.f32 v4, v8  }
0x22f: {  	v53 =	vld [tilespmem:s9+$0x6420];
	v6 =	vadd.f32 v6, v7;
	v7 =	vadd.f32 v32, v33  }
0x230: {  	v8 =	vadd.f32 v30, v31;
	[tilespmem:s9+$0x7C40] =	vst v4;
	v4 =	vld [tilespmem:s9+$0x7030]  }
0x231: {  	v54 =	vld [tilespmem:s9+$0x5430];
	v5 =	vadd.f32 v5, v7;
	v7 =	vadd.f32 v36, v37  }
0x232: {  	v2 =	vadd.f32 v2, v8;
	[tilespmem:s9+$0x7C10] =	vst v0;
	v0 =	vld [tilespmem:s9+$0x7000]  }
0x233: {  	v55 =	vld [tilespmem:s9+$0x6430];
	v3 =	vadd.f32 v3, v7;
	v7 =	vadd.f32 v40, v41  }
0x234: {  	[tilespmem:s9+$0x7C70] =	vst v5;
	v5 =	vld [tilespmem:s9+$0x7060]  }
0x235: {  	v56 =	vld [tilespmem:s9+$0x5440];
	v8 =	vadd.f32 v34, v35;
	[tilespmem:s9+$0x7C60] =	vst v2;
	v4 =	vadd.f32 v4, v7  }
0x236: {  	v57 =	vld [tilespmem:s9+$0x6440];
	[tilespmem:s9+$0x7C30] =	vst v1  }
0x237: {  	v2 =	vld [tilespmem:s9+$0x7050];
	v0 =	vadd.f32 v0, v8;
	[tilespmem:s9+$0x8030] =	vst v4;
	v4 =	vadd.f32 v46, v47  }
0x238: {  	[tilespmem:s9+$0x7C50] =	vst v6;
	v6 =	vld [tilespmem:s9+$0x7040]  }
0x239: {  	v1 =	vld [tilespmem:s9+$0x7020];
	[tilespmem:s9+$0x8000] =	vst v0;
	v4 =	vadd.f32 v5, v4  }
0x23a: {  	v0 =	vld [tilespmem:s9+$0x7070];
	[tilespmem:s9+$0x8010] =	vst v3  }
0x23b: {  	v3 =	vadd.f32 v42, v43;
	[tilespmem:s9+$0x8060] =	vst v4;
	v4 =	vld [tilespmem:$0x1FFA0]  }
0x23c: {  	v59 =	vld [tilespmem:s9+$0x6450];
	v7 =	vadd.f32 v44, v45  }
0x23d: {  	v9 =	vld [tilespmem:s9+$0x7400];
	v8 =	vadd.f32 v38, v39;
	v3 =	vadd.f32 v6, v3  }
0x23e: {  	v60 =	vld [tilespmem:s9+$0x5460];
	v6 =	vadd.f32 v2, v7;
	v7 =	vadd.f32 v48, v49  }
0x23f: {  	v61 =	vld [tilespmem:s9+$0x6460];
	v1 =	vadd.f32 v1, v8  }
0x240: {  	v11 =	vld [tilespmem:s9+$0x7420];
	v0 =	vadd.f32 v0, v7;
	v5 =	vadd.f32 v58, v4  }
0x241: {  	[tilespmem:s9+$0x8020] =	vst v1;
	v1 =	vld [tilespmem:s9+$0x7410]  }
0x242: {  	[tilespmem:s9+$0x8070] =	vst v0;
	v0 =	vadd.f32 v9, v5;
	v5 =	vld [tilespmem:$0x1FFB0]  }
0x243: {  	v14 =	vadd.f32 v53, v52;
	v2 =	vld [tilespmem:s9+$0x7430]  }
0x244: {  	v13 =	vadd.f32 v51, v50;
	[tilespmem:s9+$0x8040] =	vst v3;
	v3 =	vld [tilespmem:s9+$0x7440]  }
0x245: {  	v10 =	vadd.f32 v61, v60;
	v11 =	vadd.f32 v11, v14;
	v4 =	vld [tilespmem:s9+$0x7450]  }
0x246: {  	s13 =	simm.s32 $0xFFFFFC80;
	[tilespmem:s9+$0x8050] =	vst v6;
	v6 =	vadd.f32 v55, v54;
	v7 =	vld [tilespmem:s9+$0x7460];
	v9 =	vadd.f32 v1, v13  }
0x247: {  	s10 =	simm.s32 $0xFFFFF400;
	v8 =	vadd.f32 v57, v56;
	v12 =	vadd.f32 v59, v5;
	v5 =	vld [tilespmem:s13+$0x5470];
	[tilespmem:s9+$0x8400] =	vst v0  }
.LBB2_5:
0x248: {  	p2 =	sne.s32 s10, $0xFFFFFE00;
	v0 =	vld [tilespmem:s13+$0x6470];
	[tilespmem:s9+$0x8410] =	vst v9;
	v1 =	vadd.f32 v2, v6  }
0x249: {  	v2 =	vld [tilespmem:s13+$0x4800];
	[tilespmem:s9+$0x8420] =	vst v11;
	v3 =	vadd.f32 v3, v8  }
0x24a: {  	v6 =	vld [tilespmem:s13+$0x7470];
	[tilespmem:s9+$0x8430] =	vst v1;
	v1 =	vadd.f32 v4, v12  }
0x24b: {  	v4 =	vld [tilespmem:s13+$0x5800];
	[tilespmem:s9+$0x8440] =	vst v3;
	v3 =	vadd.f32 v7, v10  }
0x24c: {  	v7 =	vld [tilespmem:s13+$0x4810];
	[tilespmem:s9+$0x8450] =	vst v1  }
0x24d: {  	v1 =	vld [tilespmem:s13+$0x5810];
	v0 =	vadd.f32 v0, v5;
	[tilespmem:s9+$0x8460] =	vst v3;
	s9 =	smov.u32 s13  }
0x24e: {  	v5 =	vld [tilespmem:s9+$0x4820]  }
0x24f: {  	v8 =	vld [tilespmem:s9+$0x5820];
	v0 =	vadd.f32 v6, v0  }
0x250: {  	v2 =	vadd.f32 v4, v2;
	v6 =	vld [tilespmem:s9+$0x4830]  }
0x251: {  	v9 =	vld [tilespmem:s9+$0x5830];
	[tilespmem:s9+$0x8470] =	vst v0  }
0x252: {  	v3 =	vadd.f32 v1, v7;
	v0 =	vld [tilespmem:s9+$0x4840]  }
0x253: {  	v1 =	vld [tilespmem:s9+$0x5840]  }
0x254: {  	v4 =	vadd.f32 v8, v5;
	v8 =	vld [tilespmem:s9+$0x4850]  }
0x255: {  	v10 =	vld [tilespmem:s9+$0x5850]  }
0x256: {  	v5 =	vadd.f32 v9, v6;
	v6 =	vld [tilespmem:s9+$0x4860]  }
0x257: {  	v11 =	vld [tilespmem:s9+$0x5860]  }
0x258: {  	v7 =	vadd.f32 v1, v0;
	v0 =	vld [tilespmem:s9+$0x4870]  }
0x259: {  	v1 =	vld [tilespmem:s9+$0x5870]  }
0x25a: {  	v9 =	vadd.f32 v10, v8;
	v8 =	vld [tilespmem:s9+$0x4C00]  }
0x25b: {  	v10 =	vld [tilespmem:s9+$0x5C00]  }
0x25c: {  	v11 =	vadd.f32 v11, v6;
	v6 =	vld [tilespmem:s9+$0x4C10]  }
0x25d: {  	v12 =	vld [tilespmem:s9+$0x5C10]  }
0x25e: {  	v13 =	vadd.f32 v1, v0;
	v0 =	vld [tilespmem:s9+$0x4C20]  }
0x25f: {  	v1 =	vld [tilespmem:s9+$0x5C20]  }
0x260: {  	v14 =	vadd.f32 v10, v8;
	v8 =	vld [tilespmem:s9+$0x4C30]  }
0x261: {  	v10 =	vld [tilespmem:s9+$0x5C30]  }
0x262: {  	v15 =	vadd.f32 v12, v6;
	v6 =	vld [tilespmem:s9+$0x4C40]  }
0x263: {  	v12 =	vld [tilespmem:s9+$0x5C40]  }
0x264: {  	v16 =	vadd.f32 v1, v0;
	v0 =	vld [tilespmem:s9+$0x4C50]  }
0x265: {  	v1 =	vld [tilespmem:s9+$0x5C50]  }
0x266: {  	v17 =	vadd.f32 v10, v8;
	v8 =	vld [tilespmem:s9+$0x4C60]  }
0x267: {  	v10 =	vld [tilespmem:s9+$0x5C60]  }
0x268: {  	v18 =	vadd.f32 v12, v6;
	v6 =	vld [tilespmem:s9+$0x4C70]  }
0x269: {  	v12 =	vld [tilespmem:s9+$0x5C70]  }
0x26a: {  	v19 =	vadd.f32 v1, v0;
	v0 =	vld [tilespmem:s9+$0x5000]  }
0x26b: {  	v1 =	vld [tilespmem:s9+$0x6000]  }
0x26c: {  	v20 =	vadd.f32 v10, v8;
	v8 =	vld [tilespmem:s9+$0x5010]  }
0x26d: {  	v10 =	vld [tilespmem:s9+$0x6010]  }
0x26e: {  	v21 =	vadd.f32 v12, v6;
	v6 =	vld [tilespmem:s9+$0x5020]  }
0x26f: {  	v12 =	vld [tilespmem:s9+$0x6020]  }
0x270: {  	v22 =	vadd.f32 v1, v0;
	v0 =	vld [tilespmem:s9+$0x5030]  }
0x271: {  	v1 =	vld [tilespmem:s9+$0x6030]  }
0x272: {  	v23 =	vadd.f32 v10, v8;
	v8 =	vld [tilespmem:s9+$0x5040]  }
0x273: {  	v10 =	vld [tilespmem:s9+$0x6040]  }
0x274: {  	v24 =	vadd.f32 v12, v6;
	v6 =	vld [tilespmem:s9+$0x5050]  }
0x275: {  	v12 =	vld [tilespmem:s9+$0x6050]  }
0x276: {  	v25 =	vadd.f32 v1, v0;
	v0 =	vld [tilespmem:s9+$0x5060]  }
0x277: {  	v1 =	vld [tilespmem:s9+$0x6060]  }
0x278: {  	v26 =	vadd.f32 v10, v8;
	v8 =	vld [tilespmem:s9+$0x5070]  }
0x279: {  	v10 =	vld [tilespmem:s9+$0x6070]  }
0x27a: {  	v27 =	vadd.f32 v12, v6;
	v6 =	vld [tilespmem:s9+$0x5400]  }
0x27b: {  	v12 =	vld [tilespmem:s9+$0x6400]  }
0x27c: {  	v28 =	vadd.f32 v1, v0;
	v0 =	vld [tilespmem:s9+$0x5410]  }
0x27d: {  	v1 =	vld [tilespmem:s9+$0x6410]  }
0x27e: {  	v29 =	vadd.f32 v10, v8;
	v8 =	vld [tilespmem:s9+$0x5420]  }
0x27f: {  	v10 =	vld [tilespmem:s9+$0x6420]  }
0x280: {  	v31 =	vadd.f32 v12, v6;
	v6 =	vld [tilespmem:s9+$0x5430]  }
0x281: {  	v12 =	vld [tilespmem:s9+$0x6430]  }
0x282: {  	v0 =	vadd.f32 v1, v0;
	v1 =	vld [tilespmem:s9+$0x5440]  }
0x283: {  	v32 =	vld [tilespmem:s9+$0x6440]  }
0x284: {  	v30 =	vadd.f32 v10, v8;
	v10 =	vld [tilespmem:s9+$0x5450]  }
0x285: {  	v33 =	vld [tilespmem:s9+$0x6450]  }
0x286: {  	v6 =	vadd.f32 v12, v6;
	v34 =	vld [tilespmem:s9+$0x5460]  }
0x287: {  	v35 =	vld [tilespmem:s9+$0x6460]  }
0x288: {  	v36 =	vld [tilespmem:s9+$0x6800];
	v8 =	vadd.f32 v32, v1  }
0x289: {  	v1 =	vld [tilespmem:s9+$0x6810]  }
0x28a: {  	v32 =	vld [tilespmem:s9+$0x6820];
	v12 =	vadd.f32 v33, v10  }
0x28b: {  	v33 =	vld [tilespmem:s9+$0x6830]  }
0x28c: {  	v37 =	vld [tilespmem:s9+$0x6840];
	v10 =	vadd.f32 v35, v34  }
0x28d: {  	v2 =	vadd.f32 v36, v2;
	v34 =	vld [tilespmem:s9+$0x6850]  }
0x28e: {  	v1 =	vadd.f32 v1, v3;
	v3 =	vld [tilespmem:s9+$0x6860]  }
0x28f: {  	[tilespmem:s9+$0x7800] =	vst v2;
	v2 =	vadd.f32 v32, v4;
	v4 =	vld [tilespmem:s9+$0x6870]  }
0x290: {  	[tilespmem:s9+$0x7810] =	vst v1;
	v1 =	vadd.f32 v33, v5;
	v5 =	vld [tilespmem:s9+$0x6C00]  }
0x291: {  	[tilespmem:s9+$0x7820] =	vst v2;
	v2 =	vadd.f32 v37, v7;
	v7 =	vld [tilespmem:s9+$0x6C10]  }
0x292: {  	[tilespmem:s9+$0x7830] =	vst v1;
	v1 =	vadd.f32 v34, v9;
	v9 =	vld [tilespmem:s9+$0x6C20]  }
0x293: {  	[tilespmem:s9+$0x7840] =	vst v2;
	v2 =	vadd.f32 v3, v11;
	v3 =	vld [tilespmem:s9+$0x6C30]  }
0x294: {  	[tilespmem:s9+$0x7850] =	vst v1;
	v1 =	vadd.f32 v4, v13;
	v4 =	vld [tilespmem:s9+$0x6C40]  }
0x295: {  	[tilespmem:s9+$0x7860] =	vst v2;
	v2 =	vadd.f32 v5, v14;
	v5 =	vld [tilespmem:s9+$0x6C50]  }
0x296: {  	[tilespmem:s9+$0x7870] =	vst v1;
	v1 =	vadd.f32 v7, v15;
	v7 =	vld [tilespmem:s9+$0x6C60]  }
0x297: {  	[tilespmem:s9+$0x7C00] =	vst v2;
	v2 =	vadd.f32 v9, v16;
	v9 =	vld [tilespmem:s9+$0x6C70]  }
0x298: {  	[tilespmem:s9+$0x7C10] =	vst v1;
	v1 =	vadd.f32 v3, v17;
	v3 =	vld [tilespmem:s9+$0x7000]  }
0x299: {  	[tilespmem:s9+$0x7C20] =	vst v2;
	v2 =	vadd.f32 v4, v18;
	v4 =	vld [tilespmem:s9+$0x7010]  }
0x29a: {  	[tilespmem:s9+$0x7C30] =	vst v1;
	v1 =	vadd.f32 v5, v19;
	v5 =	vld [tilespmem:s9+$0x7020]  }
0x29b: {  	[tilespmem:s9+$0x7C40] =	vst v2;
	v2 =	vadd.f32 v7, v20;
	v7 =	vld [tilespmem:s9+$0x7030]  }
0x29c: {  	[tilespmem:s9+$0x7C50] =	vst v1;
	v1 =	vadd.f32 v9, v21;
	v9 =	vld [tilespmem:s9+$0x7040]  }
0x29d: {  	[tilespmem:s9+$0x7C60] =	vst v2;
	v2 =	vadd.f32 v3, v22;
	v3 =	vld [tilespmem:s9+$0x7050]  }
0x29e: {  	[tilespmem:s9+$0x7C70] =	vst v1;
	v1 =	vadd.f32 v4, v23;
	v4 =	vld [tilespmem:s9+$0x7060]  }
0x29f: {  	[tilespmem:s9+$0x8000] =	vst v2;
	v2 =	vadd.f32 v5, v24;
	v5 =	vld [tilespmem:s9+$0x7070]  }
0x2a0: {  	[tilespmem:s9+$0x8010] =	vst v1;
	v1 =	vadd.f32 v7, v25;
	v7 =	vld [tilespmem:s9+$0x7400]  }
0x2a1: {  	[tilespmem:s9+$0x8020] =	vst v2;
	v2 =	vadd.f32 v9, v26;
	v9 =	vld [tilespmem:s9+$0x7410]  }
0x2a2: {  	[tilespmem:s9+$0x8030] =	vst v1;
	v1 =	vadd.f32 v3, v27;
	v11 =	vld [tilespmem:s9+$0x7420]  }
.Ltmp3:
0x2a3: {  	[tilespmem:s9+$0x8040] =	vst v2;
	v4 =	vadd.f32 v4, v28;
	v2 =	vld [tilespmem:s9+$0x7430];
	(pc) =	sbr.rel @p2 .LBB2_5-.Ltmp3, $4  }
0x2a4: {  	[tilespmem:s9+$0x8050] =	vst v1;
	v1 =	vadd.f32 v5, v29;
	v3 =	vld [tilespmem:s9+$0x7440]  }
0x2a5: {  	[tilespmem:s9+$0x8060] =	vst v4;
	v13 =	vadd.f32 v7, v31;
	v4 =	vld [tilespmem:s9+$0x7450]  }
0x2a6: {  	s13 =	sshra.s32 s10, $0x2;
	[tilespmem:s9+$0x8070] =	vst v1;
	v9 =	vadd.f32 v9, v0;
	v7 =	vld [tilespmem:s9+$0x7460]  }
0x2a7: {  	s10 =	sadd.s32 $0x200, s10;
	v5 =	vld [tilespmem:s13+$0x5470];
	[tilespmem:s9+$0x8400] =	vst v13;
	v11 =	vadd.f32 v11, v30  }
0x2a8: {  	v0 =	vld [tilespmem:s13+$0x6470];
	[tilespmem:s9+$0x8410] =	vst v9;
	v2 =	vadd.f32 v2, v6  }
0x2a9: {  	v16 =	vld [tilespmem:s13+$0x4800];
	[tilespmem:s9+$0x8420] =	vst v11;
	v3 =	vadd.f32 v3, v8  }
0x2aa: {  	v6 =	vld [tilespmem:s13+$0x7470];
	[tilespmem:s9+$0x8430] =	vst v2;
	v4 =	vadd.f32 v4, v12  }
0x2ab: {  	v2 =	vld [tilespmem:s13+$0x5800];
	[tilespmem:s9+$0x8440] =	vst v3;
	v7 =	vadd.f32 v7, v10  }
0x2ac: {  	v3 =	vld [tilespmem:s13+$0x4810];
	[tilespmem:s9+$0x8450] =	vst v4  }
0x2ad: {  	v4 =	vld [tilespmem:s13+$0x5810];
	[tilespmem:s9+$0x8460] =	vst v7  }
0x2ae: {  	v0 =	vadd.f32 v0, v5;
	v5 =	vld [tilespmem:s13+$0x4820]  }
0x2af: {  	v7 =	vld [tilespmem:s13+$0x5820]  }
0x2b0: {  	v8 =	vld [tilespmem:s13+$0x5830]  }
0x2b1: {  	v10 =	vld [tilespmem:s13+$0x4840]  }
0x2b2: {  	v9 =	vld [tilespmem:s13+$0x5840]  }
0x2b3: {  	v12 =	vld [tilespmem:s13+$0x4850]  }
0x2b4: {  	v11 =	vld [tilespmem:s13+$0x5850]  }
0x2b5: {  	v14 =	vld [tilespmem:s13+$0x4860]  }
0x2b6: {  	v13 =	vld [tilespmem:s13+$0x5860]  }
0x2b7: {  	v17 =	vld [tilespmem:s13+$0x4870]  }
0x2b8: {  	v15 =	vld [tilespmem:s13+$0x5870]  }
0x2b9: {  	v19 =	vld [tilespmem:s13+$0x4C00]  }
0x2ba: {  	v18 =	vld [tilespmem:s13+$0x5C00]  }
0x2bb: {  	v21 =	vld [tilespmem:s13+$0x4C10]  }
0x2bc: {  	v20 =	vld [tilespmem:s13+$0x5C10]  }
0x2bd: {  	v23 =	vld [tilespmem:s13+$0x4C20]  }
0x2be: {  	v22 =	vld [tilespmem:s13+$0x5C20]  }
0x2bf: {  	v25 =	vld [tilespmem:s13+$0x4C30]  }
0x2c0: {  	v24 =	vld [tilespmem:s13+$0x5C30]  }
0x2c1: {  	v27 =	vld [tilespmem:s13+$0x4C40]  }
0x2c2: {  	v26 =	vld [tilespmem:s13+$0x5C40]  }
0x2c3: {  	v29 =	vld [tilespmem:s13+$0x4C50]  }
0x2c4: {  	v28 =	vld [tilespmem:s13+$0x5C50]  }
0x2c5: {  	v31 =	vld [tilespmem:s13+$0x4C60]  }
0x2c6: {  	v30 =	vld [tilespmem:s13+$0x5C60]  }
0x2c7: {  	v33 =	vld [tilespmem:s13+$0x4C70]  }
0x2c8: {  	v32 =	vld [tilespmem:s13+$0x5C70]  }
0x2c9: {  	v35 =	vld [tilespmem:s13+$0x5000]  }
0x2ca: {  	v34 =	vld [tilespmem:s13+$0x6000]  }
0x2cb: {  	v37 =	vld [tilespmem:s13+$0x5010]  }
0x2cc: {  	v36 =	vld [tilespmem:s13+$0x6010]  }
0x2cd: {  	v39 =	vld [tilespmem:s13+$0x5020]  }
0x2ce: {  	v38 =	vld [tilespmem:s13+$0x6020]  }
0x2cf: {  	v41 =	vld [tilespmem:s13+$0x5030]  }
0x2d0: {  	v40 =	vld [tilespmem:s13+$0x6030]  }
0x2d1: {  	v43 =	vld [tilespmem:s13+$0x5040]  }
0x2d2: {  	v42 =	vld [tilespmem:s13+$0x6040]  }
0x2d3: {  	v45 =	vld [tilespmem:s13+$0x5050]  }
0x2d4: {  	v44 =	vld [tilespmem:s13+$0x6050]  }
0x2d5: {  	v47 =	vld [tilespmem:s13+$0x5060]  }
0x2d6: {  	v46 =	vld [tilespmem:s13+$0x6060]  }
0x2d7: {  	v49 =	vld [tilespmem:s13+$0x5070]  }
0x2d8: {  	v48 =	vld [tilespmem:s13+$0x6070]  }
0x2d9: {  	v52 =	vld [tilespmem:s13+$0x5400]  }
0x2da: {  	v50 =	vld [tilespmem:s13+$0x6400]  }
0x2db: {  	v54 =	vld [tilespmem:s13+$0x5410];
	v0 =	vadd.f32 v6, v0  }
0x2dc: {  	v51 =	vld [tilespmem:s13+$0x6410]  }
0x2dd: {  	[tilespmem:s13+$0x8470] =	vst v0;
	v0 =	vld [tilespmem:s13+$0x5450]  }
0x2de: {  	v56 =	vld [tilespmem:s13+$0x5420]  }
0x2df: {  	v53 =	vld [tilespmem:s13+$0x6420]  }
0x2e0: {  	v58 =	vld [tilespmem:s13+$0x5430]  }
0x2e1: {  	v55 =	vld [tilespmem:s13+$0x6430]  }
0x2e2: {  	[tilespmem:$0x1FF40] =	vst v0;
	v0 =	vld [tilespmem:s13+$0x5460]  }
0x2e3: {  	v62 =	vld [tilespmem:s13+$0x6800]  }
0x2e4: {  	v6 =	vld [tilespmem:s13+$0x4830]  }
0x2e5: {  	v63 =	vld [tilespmem:s13+$0x6810]  }
0x2e6: {  	v2 =	vadd.f32 v2, v16;
	v16 =	vld [tilespmem:s13+$0x6830]  }
0x2e7: {  	[tilespmem:$0x1FF50] =	vst v0;
	v0 =	vld [tilespmem:s13+$0x6820]  }
0x2e8: {  	v60 =	vld [tilespmem:s13+$0x5440];
	v3 =	vadd.f32 v4, v3  }
0x2e9: {  	v1 =	vld [tilespmem:s13+$0x6840];
	v2 =	vadd.f32 v62, v2;
	v6 =	vadd.f32 v8, v6  }
0x2ea: {  	v4 =	vld [tilespmem:s13+$0x6850];
	v5 =	vadd.f32 v7, v5;
	v3 =	vadd.f32 v63, v3  }
0x2eb: {  	v62 =	vld [tilespmem:s13+$0x6860];
	[tilespmem:s13+$0x7800] =	vst v2;
	v6 =	vadd.f32 v16, v6  }
0x2ec: {  	v2 =	vld [tilespmem:s13+$0x6870];
	[tilespmem:s13+$0x7810] =	vst v3;
	v0 =	vadd.f32 v0, v5;
	v5 =	vadd.f32 v9, v10  }
0x2ed: {  	v7 =	vadd.f32 v11, v12;
	v3 =	vld [tilespmem:s13+$0x6C00];
	[tilespmem:s13+$0x7830] =	vst v6  }
0x2ee: {  	v6 =	vadd.f32 v13, v14;
	[tilespmem:s13+$0x7820] =	vst v0;
	v0 =	vld [tilespmem:s13+$0x6C10];
	v1 =	vadd.f32 v1, v5  }
0x2ef: {  	v4 =	vadd.f32 v4, v7;
	v7 =	vadd.f32 v15, v17;
	v5 =	vld [tilespmem:s13+$0x6C20]  }
0x2f0: {  	v8 =	vadd.f32 v18, v19;
	v6 =	vadd.f32 v62, v6;
	[tilespmem:s13+$0x7840] =	vst v1;
	v1 =	vld [tilespmem:s13+$0x6C30]  }
0x2f1: {  	[tilespmem:s13+$0x7850] =	vst v4;
	v4 =	vld [tilespmem:s13+$0x6C40];
	v2 =	vadd.f32 v2, v7;
	v7 =	vadd.f32 v20, v21  }
0x2f2: {  	v3 =	vadd.f32 v3, v8;
	v8 =	vadd.f32 v22, v23;
	[tilespmem:s13+$0x7860] =	vst v6;
	v6 =	vld [tilespmem:s13+$0x6C50]  }
0x2f3: {  	[tilespmem:s13+$0x7870] =	vst v2;
	v2 =	vld [tilespmem:s13+$0x6C60];
	v0 =	vadd.f32 v0, v7;
	v7 =	vadd.f32 v24, v25  }
0x2f4: {  	[tilespmem:s13+$0x7C00] =	vst v3;
	v3 =	vld [tilespmem:s13+$0x6C70];
	v5 =	vadd.f32 v5, v8;
	v8 =	vadd.f32 v26, v27  }
0x2f5: {  	[tilespmem:s13+$0x7C10] =	vst v0;
	v0 =	vld [tilespmem:s13+$0x7000];
	v1 =	vadd.f32 v1, v7;
	v7 =	vadd.f32 v28, v29  }
0x2f6: {  	[tilespmem:s13+$0x7C20] =	vst v5;
	v5 =	vld [tilespmem:s13+$0x7010];
	v4 =	vadd.f32 v4, v8;
	v8 =	vadd.f32 v30, v31  }
0x2f7: {  	[tilespmem:s13+$0x7C30] =	vst v1;
	v1 =	vld [tilespmem:s13+$0x7020];
	v6 =	vadd.f32 v6, v7;
	v7 =	vadd.f32 v32, v33  }
0x2f8: {  	v57 =	vld [tilespmem:s13+$0x6440];
	v2 =	vadd.f32 v2, v8;
	v8 =	vadd.f32 v34, v35  }
0x2f9: {  	[tilespmem:s13+$0x7C50] =	vst v6;
	v6 =	vld [tilespmem:s13+$0x7040];
	v3 =	vadd.f32 v3, v7;
	v7 =	vadd.f32 v36, v37  }
0x2fa: {  	[tilespmem:s13+$0x7C40] =	vst v4;
	v4 =	vld [tilespmem:s13+$0x7030];
	v0 =	vadd.f32 v0, v8;
	v8 =	vadd.f32 v38, v39  }
0x2fb: {  	[tilespmem:s13+$0x7C70] =	vst v3;
	v3 =	vld [tilespmem:s13+$0x7060];
	v5 =	vadd.f32 v5, v7  }
0x2fc: {  	v59 =	vld [tilespmem:s13+$0x6450];
	v1 =	vadd.f32 v1, v8;
	v8 =	vadd.f32 v42, v43  }
0x2fd: {  	[tilespmem:s13+$0x7C60] =	vst v2;
	v2 =	vld [tilespmem:s13+$0x7050];
	v7 =	vadd.f32 v40, v41  }
0x2fe: {  	[tilespmem:s13+$0x8010] =	vst v5;
	v5 =	vld [tilespmem:s13+$0x7400];
	v6 =	vadd.f32 v6, v8;
	v8 =	vadd.f32 v46, v47  }
0x2ff: {  	v4 =	vadd.f32 v4, v7;
	[tilespmem:s13+$0x8020] =	vst v1;
	v1 =	vld [tilespmem:s13+$0x7410]  }
0x300: {  	v61 =	vld [tilespmem:s13+$0x6460];
	[tilespmem:s13+$0x8000] =	vst v0;
	v7 =	vadd.f32 v44, v45;
	v3 =	vadd.f32 v3, v8  }
0x301: {  	v0 =	vld [tilespmem:s13+$0x7070];
	[tilespmem:s13+$0x8030] =	vst v4;
	v8 =	vadd.f32 v50, v52  }
0x302: {  	v4 =	vld [tilespmem:s13+$0x7420];
	v2 =	vadd.f32 v2, v7;
	[tilespmem:s13+$0x8060] =	vst v3;
	v3 =	vadd.f32 v51, v54  }
0x303: {  	[tilespmem:s13+$0x8040] =	vst v6;
	v6 =	vld [tilespmem:s13+$0x7430];
	v5 =	vadd.f32 v5, v8  }
0x304: {  	v7 =	vadd.f32 v48, v49;
	[tilespmem:s13+$0x8050] =	vst v2;
	v2 =	vld [tilespmem:s13+$0x7440];
	v1 =	vadd.f32 v1, v3  }
0x305: {  	[tilespmem:s13+$0x8400] =	vst v5;
	v5 =	vld [tilespmem:$0x1FF40]  }
0x306: {  	v0 =	vadd.f32 v0, v7;
	[tilespmem:s13+$0x8410] =	vst v1;
	v1 =	vld [tilespmem:$0x1FF50]  }
0x307: {  	v9 =	vadd.f32 v53, v56;
	v7 =	vld [tilespmem:s13+$0x7450]  }
0x308: {  	[tilespmem:s13+$0x8070] =	vst v0;
	v0 =	vadd.f32 v55, v58;
	v3 =	vld [tilespmem:s13+$0x7460]  }
0x309: {  	v8 =	vadd.f32 v57, v60;
	v4 =	vadd.f32 v4, v9  }
0x30a: {  	v0 =	vadd.f32 v6, v0;
	v5 =	vadd.f32 v59, v5  }
0x30b: {  	s10 =	sshll.u32 s17, $0x5;
	[tilespmem:s13+$0x8420] =	vst v4;
	v2 =	vadd.f32 v2, v8;
	v1 =	vadd.f32 v61, v1  }
0x30c: {  	s14 =	sadd.s32 s10, s7;
	[tilespmem:s13+$0x8430] =	vst v0;
	v0 =	vadd.f32 v7, v5  }
0x30d: {  	s9 =	sshll.u32 s14, $0x6;
	[tilespmem:s13+$0x8440] =	vst v2;
	v1 =	vadd.f32 v3, v1  }
0x30e: {  	s9 =	sadd.s32 s5, s9;
	[tilespmem:s13+$0x8450] =	vst v0  }
0x30f: {  	s19 =	sadd.s32 $0x200, s9;
	[tilespmem:s13+$0x8460] =	vst v1;
	s13 =	sadd.s32 @!p1 $0x28, s10  }
0x310: {  	[hbm4b:s19+s6] =	stream.linear.scatter [tilespmem:s1], [sflag:$0x6], $0x1000, $0x38;
	[tilespmem:$0x10400] =	vst v63  }
0x311: {  	s13 =	sadd.s32 @!p1 s7, s13  }
0x312: {  	s13 =	sshll.u32 @!p1 s13, $0x6  }
0x313: {  	s14 =	simm.s32 @!p1 $0x0;
	s19 =	simm.s32 @!p1 $0x4400;
	s13 =	sadd.s32 @!p1 s0, s13  }
0x314: {  	[tilespmem:s19], [sflag:$0x2] =	stream.linear.gather @!p1 [hbm4b:s13+s14], $0x1000, $0x38;
	[tilespmem:$0x10400] =	vst v63  }
0x315: {  	v0 =	vld.msk @!p1 [tilespmem:s10+$0x28], $0xff;
	_ =	sdelay $0x4  }
0x316: {  	v1 =	vshll.u32 @!p1 v0, $0x2  }
0x317: {  	v2 =	vlaneseq.u32 @!p1;
	v0 =	vand.u32 @!p1 $0x7, v0;
	v1 =	vand.u32 @!p1 $0xFFFFFFE0, v1  }
0x318: {  	v0 =	vor.u32 @!p1 v0, v1;
	v1 =	vand.u32 @!p1 $0x7, v2;
	v2 =	vshrl.u32 @!p1 v2, $0x3  }
0x319: {  	v0 =	vperm.xlane @!p1 v0, v1;
	v2 =	vmul.u32 @!p1 $0x8, v2;
	_ =	sdelay $0x1  }
0x31a: {  	v0 =	vadd.s32 @!p1 v2, v0;
	_ =	sdelay $0x3  }
0x31b: {  	s13 =	simm.s32 @!p1 $0x5400  }
0x31c: {  	[tilespmem:s13], [sflag:$0x2] =	stream.indirect_vreg.gather @!p1 [hbm4b:s2+s14], $0x80, v0, vm1, $0xb8;
	[tilespmem:$0x10400] =	vst v63  }
0x31d: {  	s13 =	simm.s32 @!p1 $0x5C00  }
0x31e: {  	[tilespmem:s13], [sflag:$0x2] =	stream.indirect_vreg.gather @!p1 [hbm4b:s11+s14], $0x80, v0, vm1, $0xb8;
	[tilespmem:$0x10400] =	vst v63  }
0x31f: {  	v0 =	vld.msk @!p1 [tilespmem:s10+$0x228], $0xff;
	_ =	sdelay $0x4  }
0x320: {  	v3 =	vshll.u32 @!p1 v0, $0x2  }
0x321: {  	v0 =	vand.u32 @!p1 $0x7, v0;
	v3 =	vand.u32 @!p1 $0xFFFFFFE0, v3  }
0x322: {  	v0 =	vor.u32 @!p1 v0, v3  }
0x323: {  	v0 =	vperm.xlane @!p1 v0, v1;
	_ =	sdelay $0x1  }
0x324: {  	v0 =	vadd.s32 @!p1 v2, v0;
	_ =	sdelay $0x3  }
0x325: {  	s13 =	simm.s32 @!p1 $0x6400  }
0x326: {  	[tilespmem:s13], [sflag:$0x2] =	stream.indirect_vreg.gather @!p1 [hbm4b:s4+s14], $0x80, v0, vm1, $0xb8;
	[tilespmem:$0x10400] =	vst v63  }
0x327: {  	s13 =	simm.s32 @!p1 $0x6C00  }
0x328: {  	[tilespmem:s13], [sflag:$0x2] =	stream.indirect_vreg.gather @!p1 [hbm4b:s12+s14], $0x80, v0, vm1, $0xb8;
	[tilespmem:$0x10400] =	vst v63  }
0x329: {  	_ =	swait.ge [sflag:s3], $0x1000  }
0x32a: {  	[sflag:s3] =	ssyncset.done $0x0  }
0x32b: {  	[sflag:s3] =	ssyncadd.s32 $0xFFFFF000  }
0x32c: {  	_ =	swait.ge [sflag:s3], $0x1000  }
0x32d: {  	[sflag:s3] =	ssyncset.done $0x0  }
0x32e: {  	[sflag:s3] =	ssyncadd.s32 $0xFFFFF000  }
0x32f: {  	_ =	swait.ge [sflag:s3], $0x1000  }
0x330: {  	[sflag:s3] =	ssyncset.done $0x0  }
0x331: {  	s13 =	simm.s32 @!p0 $0x7;
	[sflag:s3] =	ssyncadd.s32 $0xFFFFF000  }
0x332: {  	_ =	swait.ge @!p0 [sflag:s13], $0x1000  }
0x333: {  	[sflag:s13] =	ssyncset.done @!p0 $0x0  }
0x334: {  	[sflag:s13] =	ssyncadd.s32 @!p0 $0xFFFFF000;
	s13 =	simm.s32 $0xFFFFFC00  }
0x335: {  	v0 =	vld [tilespmem:s13+$0x9470]  }
0x336: {  	v1 =	vld [tilespmem:s13+$0xA470]  }
0x337: {  	v2 =	vld [tilespmem:s13+$0x8800]  }
0x338: {  	v3 =	vld [tilespmem:s13+$0xB470]  }
0x339: {  	v4 =	vld [tilespmem:s13+$0x9800]  }
0x33a: {  	v5 =	vld [tilespmem:s13+$0x8810]  }
0x33b: {  	v6 =	vld [tilespmem:s13+$0x9810]  }
0x33c: {  	v9 =	vld [tilespmem:s13+$0x8820]  }
0x33d: {  	v7 =	vld [tilespmem:s13+$0x9820]  }
0x33e: {  	v8 =	vld [tilespmem:s13+$0x9830]  }
0x33f: {  	v11 =	vld [tilespmem:s13+$0x8840]  }
0x340: {  	v10 =	vld [tilespmem:s13+$0x9840]  }
0x341: {  	v13 =	vld [tilespmem:s13+$0x8850]  }
0x342: {  	v12 =	vld [tilespmem:s13+$0x9850]  }
0x343: {  	v15 =	vld [tilespmem:s13+$0x8860]  }
0x344: {  	v14 =	vld [tilespmem:s13+$0x9860]  }
0x345: {  	v17 =	vld [tilespmem:s13+$0x8870]  }
0x346: {  	v16 =	vld [tilespmem:s13+$0x9870]  }
0x347: {  	v19 =	vld [tilespmem:s13+$0x8C00]  }
0x348: {  	v18 =	vld [tilespmem:s13+$0x9C00]  }
0x349: {  	v21 =	vld [tilespmem:s13+$0x8C10]  }
0x34a: {  	v20 =	vld [tilespmem:s13+$0x9C10]  }
0x34b: {  	v23 =	vld [tilespmem:s13+$0x8C20]  }
0x34c: {  	v22 =	vld [tilespmem:s13+$0x9C20]  }
0x34d: {  	v25 =	vld [tilespmem:s13+$0x8C30]  }
0x34e: {  	v24 =	vld [tilespmem:s13+$0x9C30]  }
0x34f: {  	v27 =	vld [tilespmem:s13+$0x8C40]  }
0x350: {  	v26 =	vld [tilespmem:s13+$0x9C40]  }
0x351: {  	v29 =	vld [tilespmem:s13+$0x8C50]  }
0x352: {  	v28 =	vld [tilespmem:s13+$0x9C50]  }
0x353: {  	v31 =	vld [tilespmem:s13+$0x8C60]  }
0x354: {  	v30 =	vld [tilespmem:s13+$0x9C60]  }
0x355: {  	v33 =	vld [tilespmem:s13+$0x8C70]  }
0x356: {  	v32 =	vld [tilespmem:s13+$0x9C70]  }
0x357: {  	v35 =	vld [tilespmem:s13+$0x9000]  }
0x358: {  	v34 =	vld [tilespmem:s13+$0xA000]  }
0x359: {  	v37 =	vld [tilespmem:s13+$0x9010]  }
0x35a: {  	v36 =	vld [tilespmem:s13+$0xA010]  }
0x35b: {  	v39 =	vld [tilespmem:s13+$0x9020]  }
0x35c: {  	v38 =	vld [tilespmem:s13+$0xA020]  }
0x35d: {  	v41 =	vld [tilespmem:s13+$0x9030]  }
0x35e: {  	v40 =	vld [tilespmem:s13+$0xA030]  }
0x35f: {  	v43 =	vld [tilespmem:s13+$0x9040]  }
0x360: {  	v42 =	vld [tilespmem:s13+$0xA040];
	v0 =	vadd.f32 v1, v0  }
0x361: {  	v45 =	vld [tilespmem:s13+$0x9050]  }
0x362: {  	v44 =	vld [tilespmem:s13+$0xA050];
	v0 =	vadd.f32 v3, v0  }
0x363: {  	v47 =	vld [tilespmem:s13+$0x9060]  }
0x364: {  	[tilespmem:s13+$0xC470] =	vst v0;
	v0 =	vld [tilespmem:s13+$0x9400]  }
0x365: {  	v46 =	vld [tilespmem:s13+$0xA060]  }
0x366: {  	v49 =	vld [tilespmem:s13+$0x9070]  }
0x367: {  	v48 =	vld [tilespmem:s13+$0xA070]  }
0x368: {  	v58 =	vld [tilespmem:s13+$0xA400]  }
0x369: {  	[tilespmem:$0x1FF60] =	vst v0;
	v0 =	vld [tilespmem:s13+$0x9450]  }
0x36a: {  	v62 =	vld [tilespmem:s13+$0xA800]  }
0x36b: {  	v3 =	vld [tilespmem:s13+$0x8830]  }
0x36c: {  	v63 =	vld [tilespmem:s13+$0xA810]  }
0x36d: {  	v2 =	vadd.f32 v4, v2;
	v4 =	vld [tilespmem:s13+$0xA830]  }
0x36e: {  	[tilespmem:$0x1FF70] =	vst v0;
	v0 =	vld [tilespmem:s13+$0xA820]  }
0x36f: {  	v5 =	vadd.f32 v6, v5;
	v6 =	vld [tilespmem:s13+$0xA850]  }
0x370: {  	v1 =	vld [tilespmem:s13+$0xA840];
	v7 =	vadd.f32 v7, v9;
	v3 =	vadd.f32 v8, v3  }
0x371: {  	v50 =	vld [tilespmem:s13+$0x9410];
	v2 =	vadd.f32 v62, v2;
	v5 =	vadd.f32 v63, v5  }
0x372: {  	v62 =	vld [tilespmem:s13+$0xA860];
	v3 =	vadd.f32 v4, v3;
	v4 =	vadd.f32 v12, v13  }
0x373: {  	v51 =	vld [tilespmem:s13+$0xA410];
	[tilespmem:s13+$0xB800] =	vst v2;
	v0 =	vadd.f32 v0, v7;
	v7 =	vadd.f32 v10, v11  }
0x374: {  	[tilespmem:s13+$0xB810] =	vst v5;
	v5 =	vld [tilespmem:s13+$0xAC00];
	v4 =	vadd.f32 v6, v4  }
0x375: {  	v2 =	vld [tilespmem:s13+$0xA870];
	[tilespmem:s13+$0xB830] =	vst v3;
	v1 =	vadd.f32 v1, v7;
	v7 =	vadd.f32 v14, v15  }
0x376: {  	[tilespmem:s13+$0xB820] =	vst v0;
	v0 =	vld [tilespmem:s13+$0xAC10]  }
0x377: {  	v8 =	vadd.f32 v18, v19;
	v3 =	vld [tilespmem:s13+$0xAC20];
	[tilespmem:s13+$0xB850] =	vst v4;
	v7 =	vadd.f32 v62, v7  }
0x378: {  	v6 =	vadd.f32 v16, v17;
	[tilespmem:s13+$0xB840] =	vst v1;
	v1 =	vld [tilespmem:s13+$0xAC30]  }
0x379: {  	v5 =	vadd.f32 v5, v8;
	v4 =	vld [tilespmem:s13+$0xAC40];
	[tilespmem:s13+$0xB860] =	vst v7;
	v7 =	vadd.f32 v20, v21  }
0x37a: {  	v8 =	vadd.f32 v22, v23;
	v2 =	vadd.f32 v2, v6;
	v6 =	vld [tilespmem:s13+$0xAC50]  }
0x37b: {  	v52 =	vld [tilespmem:s13+$0x9420];
	v0 =	vadd.f32 v0, v7;
	v7 =	vadd.f32 v24, v25  }
0x37c: {  	[tilespmem:s13+$0xBC00] =	vst v5;
	v5 =	vld [tilespmem:s13+$0xAC70];
	v3 =	vadd.f32 v3, v8;
	v8 =	vadd.f32 v26, v27  }
0x37d: {  	[tilespmem:s13+$0xB870] =	vst v2;
	v2 =	vld [tilespmem:s13+$0xAC60];
	v1 =	vadd.f32 v1, v7;
	v7 =	vadd.f32 v28, v29  }
0x37e: {  	[tilespmem:s13+$0xBC20] =	vst v3;
	v3 =	vld [tilespmem:s13+$0xB010];
	v4 =	vadd.f32 v4, v8  }
0x37f: {  	v53 =	vld [tilespmem:s13+$0xA420];
	v6 =	vadd.f32 v6, v7;
	v7 =	vadd.f32 v32, v33  }
0x380: {  	v8 =	vadd.f32 v30, v31;
	[tilespmem:s13+$0xBC40] =	vst v4;
	v4 =	vld [tilespmem:s13+$0xB030]  }
0x381: {  	v54 =	vld [tilespmem:s13+$0x9430];
	v5 =	vadd.f32 v5, v7;
	v7 =	vadd.f32 v36, v37  }
0x382: {  	v2 =	vadd.f32 v2, v8;
	[tilespmem:s13+$0xBC10] =	vst v0;
	v0 =	vld [tilespmem:s13+$0xB000]  }
0x383: {  	v55 =	vld [tilespmem:s13+$0xA430];
	v3 =	vadd.f32 v3, v7;
	v7 =	vadd.f32 v40, v41  }
0x384: {  	[tilespmem:s13+$0xBC70] =	vst v5;
	v5 =	vld [tilespmem:s13+$0xB060]  }
0x385: {  	v56 =	vld [tilespmem:s13+$0x9440];
	v8 =	vadd.f32 v34, v35;
	[tilespmem:s13+$0xBC60] =	vst v2;
	v4 =	vadd.f32 v4, v7  }
0x386: {  	v57 =	vld [tilespmem:s13+$0xA440];
	[tilespmem:s13+$0xBC30] =	vst v1  }
0x387: {  	v2 =	vld [tilespmem:s13+$0xB050];
	v0 =	vadd.f32 v0, v8;
	[tilespmem:s13+$0xC030] =	vst v4;
	v4 =	vadd.f32 v46, v47  }
0x388: {  	[tilespmem:s13+$0xBC50] =	vst v6;
	v6 =	vld [tilespmem:s13+$0xB040]  }
0x389: {  	v1 =	vld [tilespmem:s13+$0xB020];
	[tilespmem:s13+$0xC000] =	vst v0;
	v4 =	vadd.f32 v5, v4  }
0x38a: {  	v0 =	vld [tilespmem:s13+$0xB070];
	[tilespmem:s13+$0xC010] =	vst v3  }
0x38b: {  	v3 =	vadd.f32 v42, v43;
	[tilespmem:s13+$0xC060] =	vst v4;
	v4 =	vld [tilespmem:$0x1FF60]  }
0x38c: {  	v59 =	vld [tilespmem:s13+$0xA450];
	v7 =	vadd.f32 v44, v45  }
0x38d: {  	v9 =	vld [tilespmem:s13+$0xB400];
	v8 =	vadd.f32 v38, v39;
	v3 =	vadd.f32 v6, v3  }
0x38e: {  	v60 =	vld [tilespmem:s13+$0x9460];
	v6 =	vadd.f32 v2, v7;
	v7 =	vadd.f32 v48, v49  }
0x38f: {  	v61 =	vld [tilespmem:s13+$0xA460];
	v1 =	vadd.f32 v1, v8  }
0x390: {  	v11 =	vld [tilespmem:s13+$0xB420];
	v0 =	vadd.f32 v0, v7;
	v5 =	vadd.f32 v58, v4  }
0x391: {  	[tilespmem:s13+$0xC020] =	vst v1;
	v1 =	vld [tilespmem:s13+$0xB410]  }
0x392: {  	[tilespmem:s13+$0xC070] =	vst v0;
	v0 =	vadd.f32 v9, v5;
	v5 =	vld [tilespmem:$0x1FF70]  }
0x393: {  	v14 =	vadd.f32 v53, v52;
	v2 =	vld [tilespmem:s13+$0xB430]  }
0x394: {  	v13 =	vadd.f32 v51, v50;
	[tilespmem:s13+$0xC040] =	vst v3;
	v3 =	vld [tilespmem:s13+$0xB440]  }
0x395: {  	v10 =	vadd.f32 v61, v60;
	v11 =	vadd.f32 v11, v14;
	v4 =	vld [tilespmem:s13+$0xB450]  }
0x396: {  	s19 =	simm.s32 $0xFFFFFC80;
	[tilespmem:s13+$0xC050] =	vst v6;
	v6 =	vadd.f32 v55, v54;
	v7 =	vld [tilespmem:s13+$0xB460];
	v9 =	vadd.f32 v1, v13  }
0x397: {  	s14 =	simm.s32 $0xFFFFF400;
	v8 =	vadd.f32 v57, v56;
	v12 =	vadd.f32 v59, v5;
	v5 =	vld [tilespmem:s19+$0x9470];
	[tilespmem:s13+$0xC400] =	vst v0  }
.LBB2_7:
0x398: {  	p2 =	sne.s32 s14, $0xFFFFFE00;
	v0 =	vld [tilespmem:s19+$0xA470];
	[tilespmem:s13+$0xC410] =	vst v9;
	v1 =	vadd.f32 v2, v6  }
0x399: {  	v2 =	vld [tilespmem:s19+$0x8800];
	[tilespmem:s13+$0xC420] =	vst v11;
	v3 =	vadd.f32 v3, v8  }
0x39a: {  	v6 =	vld [tilespmem:s19+$0xB470];
	[tilespmem:s13+$0xC430] =	vst v1;
	v1 =	vadd.f32 v4, v12  }
0x39b: {  	v4 =	vld [tilespmem:s19+$0x9800];
	[tilespmem:s13+$0xC440] =	vst v3;
	v3 =	vadd.f32 v7, v10  }
0x39c: {  	v7 =	vld [tilespmem:s19+$0x8810];
	[tilespmem:s13+$0xC450] =	vst v1  }
0x39d: {  	v1 =	vld [tilespmem:s19+$0x9810];
	v0 =	vadd.f32 v0, v5;
	[tilespmem:s13+$0xC460] =	vst v3;
	s13 =	smov.u32 s19  }
0x39e: {  	v5 =	vld [tilespmem:s13+$0x8820]  }
0x39f: {  	v8 =	vld [tilespmem:s13+$0x9820];
	v0 =	vadd.f32 v6, v0  }
0x3a0: {  	v2 =	vadd.f32 v4, v2;
	v6 =	vld [tilespmem:s13+$0x8830]  }
0x3a1: {  	v9 =	vld [tilespmem:s13+$0x9830];
	[tilespmem:s13+$0xC470] =	vst v0  }
0x3a2: {  	v3 =	vadd.f32 v1, v7;
	v0 =	vld [tilespmem:s13+$0x8840]  }
0x3a3: {  	v1 =	vld [tilespmem:s13+$0x9840]  }
0x3a4: {  	v4 =	vadd.f32 v8, v5;
	v8 =	vld [tilespmem:s13+$0x8850]  }
0x3a5: {  	v10 =	vld [tilespmem:s13+$0x9850]  }
0x3a6: {  	v5 =	vadd.f32 v9, v6;
	v6 =	vld [tilespmem:s13+$0x8860]  }
0x3a7: {  	v11 =	vld [tilespmem:s13+$0x9860]  }
0x3a8: {  	v7 =	vadd.f32 v1, v0;
	v0 =	vld [tilespmem:s13+$0x8870]  }
0x3a9: {  	v1 =	vld [tilespmem:s13+$0x9870]  }
0x3aa: {  	v9 =	vadd.f32 v10, v8;
	v8 =	vld [tilespmem:s13+$0x8C00]  }
0x3ab: {  	v10 =	vld [tilespmem:s13+$0x9C00]  }
0x3ac: {  	v11 =	vadd.f32 v11, v6;
	v6 =	vld [tilespmem:s13+$0x8C10]  }
0x3ad: {  	v12 =	vld [tilespmem:s13+$0x9C10]  }
0x3ae: {  	v13 =	vadd.f32 v1, v0;
	v0 =	vld [tilespmem:s13+$0x8C20]  }
0x3af: {  	v1 =	vld [tilespmem:s13+$0x9C20]  }
0x3b0: {  	v14 =	vadd.f32 v10, v8;
	v8 =	vld [tilespmem:s13+$0x8C30]  }
0x3b1: {  	v10 =	vld [tilespmem:s13+$0x9C30]  }
0x3b2: {  	v15 =	vadd.f32 v12, v6;
	v6 =	vld [tilespmem:s13+$0x8C40]  }
0x3b3: {  	v12 =	vld [tilespmem:s13+$0x9C40]  }
0x3b4: {  	v16 =	vadd.f32 v1, v0;
	v0 =	vld [tilespmem:s13+$0x8C50]  }
0x3b5: {  	v1 =	vld [tilespmem:s13+$0x9C50]  }
0x3b6: {  	v17 =	vadd.f32 v10, v8;
	v8 =	vld [tilespmem:s13+$0x8C60]  }
0x3b7: {  	v10 =	vld [tilespmem:s13+$0x9C60]  }
0x3b8: {  	v18 =	vadd.f32 v12, v6;
	v6 =	vld [tilespmem:s13+$0x8C70]  }
0x3b9: {  	v12 =	vld [tilespmem:s13+$0x9C70]  }
0x3ba: {  	v19 =	vadd.f32 v1, v0;
	v0 =	vld [tilespmem:s13+$0x9000]  }
0x3bb: {  	v1 =	vld [tilespmem:s13+$0xA000]  }
0x3bc: {  	v20 =	vadd.f32 v10, v8;
	v8 =	vld [tilespmem:s13+$0x9010]  }
0x3bd: {  	v10 =	vld [tilespmem:s13+$0xA010]  }
0x3be: {  	v21 =	vadd.f32 v12, v6;
	v6 =	vld [tilespmem:s13+$0x9020]  }
0x3bf: {  	v12 =	vld [tilespmem:s13+$0xA020]  }
0x3c0: {  	v22 =	vadd.f32 v1, v0;
	v0 =	vld [tilespmem:s13+$0x9030]  }
0x3c1: {  	v1 =	vld [tilespmem:s13+$0xA030]  }
0x3c2: {  	v23 =	vadd.f32 v10, v8;
	v8 =	vld [tilespmem:s13+$0x9040]  }
0x3c3: {  	v10 =	vld [tilespmem:s13+$0xA040]  }
0x3c4: {  	v24 =	vadd.f32 v12, v6;
	v6 =	vld [tilespmem:s13+$0x9050]  }
0x3c5: {  	v12 =	vld [tilespmem:s13+$0xA050]  }
0x3c6: {  	v25 =	vadd.f32 v1, v0;
	v0 =	vld [tilespmem:s13+$0x9060]  }
0x3c7: {  	v1 =	vld [tilespmem:s13+$0xA060]  }
0x3c8: {  	v26 =	vadd.f32 v10, v8;
	v8 =	vld [tilespmem:s13+$0x9070]  }
0x3c9: {  	v10 =	vld [tilespmem:s13+$0xA070]  }
0x3ca: {  	v27 =	vadd.f32 v12, v6;
	v6 =	vld [tilespmem:s13+$0x9400]  }
0x3cb: {  	v12 =	vld [tilespmem:s13+$0xA400]  }
0x3cc: {  	v28 =	vadd.f32 v1, v0;
	v0 =	vld [tilespmem:s13+$0x9410]  }
0x3cd: {  	v1 =	vld [tilespmem:s13+$0xA410]  }
0x3ce: {  	v29 =	vadd.f32 v10, v8;
	v8 =	vld [tilespmem:s13+$0x9420]  }
0x3cf: {  	v10 =	vld [tilespmem:s13+$0xA420]  }
0x3d0: {  	v31 =	vadd.f32 v12, v6;
	v6 =	vld [tilespmem:s13+$0x9430]  }
0x3d1: {  	v12 =	vld [tilespmem:s13+$0xA430]  }
0x3d2: {  	v0 =	vadd.f32 v1, v0;
	v1 =	vld [tilespmem:s13+$0x9440]  }
0x3d3: {  	v32 =	vld [tilespmem:s13+$0xA440]  }
0x3d4: {  	v30 =	vadd.f32 v10, v8;
	v10 =	vld [tilespmem:s13+$0x9450]  }
0x3d5: {  	v33 =	vld [tilespmem:s13+$0xA450]  }
0x3d6: {  	v6 =	vadd.f32 v12, v6;
	v34 =	vld [tilespmem:s13+$0x9460]  }
0x3d7: {  	v35 =	vld [tilespmem:s13+$0xA460]  }
0x3d8: {  	v36 =	vld [tilespmem:s13+$0xA800];
	v8 =	vadd.f32 v32, v1  }
0x3d9: {  	v1 =	vld [tilespmem:s13+$0xA810]  }
0x3da: {  	v32 =	vld [tilespmem:s13+$0xA820];
	v12 =	vadd.f32 v33, v10  }
0x3db: {  	v33 =	vld [tilespmem:s13+$0xA830]  }
0x3dc: {  	v37 =	vld [tilespmem:s13+$0xA840];
	v10 =	vadd.f32 v35, v34  }
0x3dd: {  	v2 =	vadd.f32 v36, v2;
	v34 =	vld [tilespmem:s13+$0xA850]  }
0x3de: {  	v1 =	vadd.f32 v1, v3;
	v3 =	vld [tilespmem:s13+$0xA860]  }
0x3df: {  	[tilespmem:s13+$0xB800] =	vst v2;
	v2 =	vadd.f32 v32, v4;
	v4 =	vld [tilespmem:s13+$0xA870]  }
0x3e0: {  	[tilespmem:s13+$0xB810] =	vst v1;
	v1 =	vadd.f32 v33, v5;
	v5 =	vld [tilespmem:s13+$0xAC00]  }
0x3e1: {  	[tilespmem:s13+$0xB820] =	vst v2;
	v2 =	vadd.f32 v37, v7;
	v7 =	vld [tilespmem:s13+$0xAC10]  }
0x3e2: {  	[tilespmem:s13+$0xB830] =	vst v1;
	v1 =	vadd.f32 v34, v9;
	v9 =	vld [tilespmem:s13+$0xAC20]  }
0x3e3: {  	[tilespmem:s13+$0xB840] =	vst v2;
	v2 =	vadd.f32 v3, v11;
	v3 =	vld [tilespmem:s13+$0xAC30]  }
0x3e4: {  	[tilespmem:s13+$0xB850] =	vst v1;
	v1 =	vadd.f32 v4, v13;
	v4 =	vld [tilespmem:s13+$0xAC40]  }
0x3e5: {  	[tilespmem:s13+$0xB860] =	vst v2;
	v2 =	vadd.f32 v5, v14;
	v5 =	vld [tilespmem:s13+$0xAC50]  }
0x3e6: {  	[tilespmem:s13+$0xB870] =	vst v1;
	v1 =	vadd.f32 v7, v15;
	v7 =	vld [tilespmem:s13+$0xAC60]  }
0x3e7: {  	[tilespmem:s13+$0xBC00] =	vst v2;
	v2 =	vadd.f32 v9, v16;
	v9 =	vld [tilespmem:s13+$0xAC70]  }
0x3e8: {  	[tilespmem:s13+$0xBC10] =	vst v1;
	v1 =	vadd.f32 v3, v17;
	v3 =	vld [tilespmem:s13+$0xB000]  }
0x3e9: {  	[tilespmem:s13+$0xBC20] =	vst v2;
	v2 =	vadd.f32 v4, v18;
	v4 =	vld [tilespmem:s13+$0xB010]  }
0x3ea: {  	[tilespmem:s13+$0xBC30] =	vst v1;
	v1 =	vadd.f32 v5, v19;
	v5 =	vld [tilespmem:s13+$0xB020]  }
0x3eb: {  	[tilespmem:s13+$0xBC40] =	vst v2;
	v2 =	vadd.f32 v7, v20;
	v7 =	vld [tilespmem:s13+$0xB030]  }
0x3ec: {  	[tilespmem:s13+$0xBC50] =	vst v1;
	v1 =	vadd.f32 v9, v21;
	v9 =	vld [tilespmem:s13+$0xB040]  }
0x3ed: {  	[tilespmem:s13+$0xBC60] =	vst v2;
	v2 =	vadd.f32 v3, v22;
	v3 =	vld [tilespmem:s13+$0xB050]  }
0x3ee: {  	[tilespmem:s13+$0xBC70] =	vst v1;
	v1 =	vadd.f32 v4, v23;
	v4 =	vld [tilespmem:s13+$0xB060]  }
0x3ef: {  	[tilespmem:s13+$0xC000] =	vst v2;
	v2 =	vadd.f32 v5, v24;
	v5 =	vld [tilespmem:s13+$0xB070]  }
0x3f0: {  	[tilespmem:s13+$0xC010] =	vst v1;
	v1 =	vadd.f32 v7, v25;
	v7 =	vld [tilespmem:s13+$0xB400]  }
0x3f1: {  	[tilespmem:s13+$0xC020] =	vst v2;
	v2 =	vadd.f32 v9, v26;
	v9 =	vld [tilespmem:s13+$0xB410]  }
0x3f2: {  	[tilespmem:s13+$0xC030] =	vst v1;
	v1 =	vadd.f32 v3, v27;
	v11 =	vld [tilespmem:s13+$0xB420]  }
.Ltmp4:
0x3f3: {  	[tilespmem:s13+$0xC040] =	vst v2;
	v4 =	vadd.f32 v4, v28;
	v2 =	vld [tilespmem:s13+$0xB430];
	(pc) =	sbr.rel @p2 .LBB2_7-.Ltmp4, $4  }
0x3f4: {  	[tilespmem:s13+$0xC050] =	vst v1;
	v1 =	vadd.f32 v5, v29;
	v3 =	vld [tilespmem:s13+$0xB440]  }
0x3f5: {  	[tilespmem:s13+$0xC060] =	vst v4;
	v13 =	vadd.f32 v7, v31;
	v4 =	vld [tilespmem:s13+$0xB450]  }
0x3f6: {  	s19 =	sshra.s32 s14, $0x2;
	[tilespmem:s13+$0xC070] =	vst v1;
	v9 =	vadd.f32 v9, v0;
	v7 =	vld [tilespmem:s13+$0xB460]  }
0x3f7: {  	s14 =	sadd.s32 $0x200, s14;
	v5 =	vld [tilespmem:s19+$0x9470];
	[tilespmem:s13+$0xC400] =	vst v13;
	v11 =	vadd.f32 v11, v30  }
0x3f8: {  	v0 =	vld [tilespmem:s19+$0xA470];
	[tilespmem:s13+$0xC410] =	vst v9;
	v2 =	vadd.f32 v2, v6  }
0x3f9: {  	v16 =	vld [tilespmem:s19+$0x8800];
	[tilespmem:s13+$0xC420] =	vst v11;
	v3 =	vadd.f32 v3, v8  }
0x3fa: {  	v6 =	vld [tilespmem:s19+$0xB470];
	[tilespmem:s13+$0xC430] =	vst v2;
	v4 =	vadd.f32 v4, v12  }
0x3fb: {  	v2 =	vld [tilespmem:s19+$0x9800];
	[tilespmem:s13+$0xC440] =	vst v3;
	v7 =	vadd.f32 v7, v10  }
0x3fc: {  	v3 =	vld [tilespmem:s19+$0x8810];
	[tilespmem:s13+$0xC450] =	vst v4  }
0x3fd: {  	v4 =	vld [tilespmem:s19+$0x9810];
	[tilespmem:s13+$0xC460] =	vst v7  }
0x3fe: {  	v0 =	vadd.f32 v0, v5;
	v5 =	vld [tilespmem:s19+$0x8820]  }
0x3ff: {  	v7 =	vld [tilespmem:s19+$0x9820]  }
0x400: {  	v8 =	vld [tilespmem:s19+$0x9830]  }
0x401: {  	v10 =	vld [tilespmem:s19+$0x8840]  }
0x402: {  	v9 =	vld [tilespmem:s19+$0x9840]  }
0x403: {  	v12 =	vld [tilespmem:s19+$0x8850]  }
0x404: {  	v11 =	vld [tilespmem:s19+$0x9850]  }
0x405: {  	v14 =	vld [tilespmem:s19+$0x8860]  }
0x406: {  	v13 =	vld [tilespmem:s19+$0x9860]  }
0x407: {  	v17 =	vld [tilespmem:s19+$0x8870]  }
0x408: {  	v15 =	vld [tilespmem:s19+$0x9870]  }
0x409: {  	v19 =	vld [tilespmem:s19+$0x8C00]  }
0x40a: {  	v18 =	vld [tilespmem:s19+$0x9C00]  }
0x40b: {  	v21 =	vld [tilespmem:s19+$0x8C10]  }
0x40c: {  	v20 =	vld [tilespmem:s19+$0x9C10]  }
0x40d: {  	v23 =	vld [tilespmem:s19+$0x8C20]  }
0x40e: {  	v22 =	vld [tilespmem:s19+$0x9C20]  }
0x40f: {  	v25 =	vld [tilespmem:s19+$0x8C30]  }
0x410: {  	v24 =	vld [tilespmem:s19+$0x9C30]  }
0x411: {  	v27 =	vld [tilespmem:s19+$0x8C40]  }
0x412: {  	v26 =	vld [tilespmem:s19+$0x9C40]  }
0x413: {  	v29 =	vld [tilespmem:s19+$0x8C50]  }
0x414: {  	v28 =	vld [tilespmem:s19+$0x9C50]  }
0x415: {  	v31 =	vld [tilespmem:s19+$0x8C60]  }
0x416: {  	v30 =	vld [tilespmem:s19+$0x9C60]  }
0x417: {  	v33 =	vld [tilespmem:s19+$0x8C70]  }
0x418: {  	v32 =	vld [tilespmem:s19+$0x9C70]  }
0x419: {  	v35 =	vld [tilespmem:s19+$0x9000]  }
0x41a: {  	v34 =	vld [tilespmem:s19+$0xA000]  }
0x41b: {  	v37 =	vld [tilespmem:s19+$0x9010]  }
0x41c: {  	v36 =	vld [tilespmem:s19+$0xA010]  }
0x41d: {  	v39 =	vld [tilespmem:s19+$0x9020]  }
0x41e: {  	v38 =	vld [tilespmem:s19+$0xA020]  }
0x41f: {  	v41 =	vld [tilespmem:s19+$0x9030]  }
0x420: {  	v40 =	vld [tilespmem:s19+$0xA030]  }
0x421: {  	v43 =	vld [tilespmem:s19+$0x9040]  }
0x422: {  	v42 =	vld [tilespmem:s19+$0xA040]  }
0x423: {  	v45 =	vld [tilespmem:s19+$0x9050]  }
0x424: {  	v44 =	vld [tilespmem:s19+$0xA050]  }
0x425: {  	v47 =	vld [tilespmem:s19+$0x9060]  }
0x426: {  	v46 =	vld [tilespmem:s19+$0xA060]  }
0x427: {  	v49 =	vld [tilespmem:s19+$0x9070]  }
0x428: {  	v48 =	vld [tilespmem:s19+$0xA070]  }
0x429: {  	v52 =	vld [tilespmem:s19+$0x9400]  }
0x42a: {  	v50 =	vld [tilespmem:s19+$0xA400]  }
0x42b: {  	v54 =	vld [tilespmem:s19+$0x9410];
	v0 =	vadd.f32 v6, v0  }
0x42c: {  	v51 =	vld [tilespmem:s19+$0xA410]  }
0x42d: {  	[tilespmem:s19+$0xC470] =	vst v0;
	v0 =	vld [tilespmem:s19+$0x9450]  }
0x42e: {  	v56 =	vld [tilespmem:s19+$0x9420]  }
0x42f: {  	v53 =	vld [tilespmem:s19+$0xA420]  }
0x430: {  	v58 =	vld [tilespmem:s19+$0x9430]  }
0x431: {  	v55 =	vld [tilespmem:s19+$0xA430]  }
0x432: {  	[tilespmem:$0x1FF00] =	vst v0;
	v0 =	vld [tilespmem:s19+$0x9460]  }
0x433: {  	v62 =	vld [tilespmem:s19+$0xA800]  }
0x434: {  	v6 =	vld [tilespmem:s19+$0x8830]  }
0x435: {  	v63 =	vld [tilespmem:s19+$0xA810]  }
0x436: {  	v2 =	vadd.f32 v2, v16;
	v16 =	vld [tilespmem:s19+$0xA830]  }
0x437: {  	[tilespmem:$0x1FF10] =	vst v0;
	v0 =	vld [tilespmem:s19+$0xA820]  }
0x438: {  	v60 =	vld [tilespmem:s19+$0x9440];
	v3 =	vadd.f32 v4, v3  }
0x439: {  	v1 =	vld [tilespmem:s19+$0xA840];
	v2 =	vadd.f32 v62, v2;
	v6 =	vadd.f32 v8, v6  }
0x43a: {  	v4 =	vld [tilespmem:s19+$0xA850];
	v5 =	vadd.f32 v7, v5;
	v3 =	vadd.f32 v63, v3  }
0x43b: {  	v62 =	vld [tilespmem:s19+$0xA860];
	[tilespmem:s19+$0xB800] =	vst v2;
	v6 =	vadd.f32 v16, v6  }
0x43c: {  	v2 =	vld [tilespmem:s19+$0xA870];
	[tilespmem:s19+$0xB810] =	vst v3;
	v0 =	vadd.f32 v0, v5;
	v5 =	vadd.f32 v9, v10  }
0x43d: {  	v7 =	vadd.f32 v11, v12;
	v3 =	vld [tilespmem:s19+$0xAC00];
	[tilespmem:s19+$0xB830] =	vst v6  }
0x43e: {  	v6 =	vadd.f32 v13, v14;
	[tilespmem:s19+$0xB820] =	vst v0;
	v0 =	vld [tilespmem:s19+$0xAC10];
	v1 =	vadd.f32 v1, v5  }
0x43f: {  	v4 =	vadd.f32 v4, v7;
	v7 =	vadd.f32 v15, v17;
	v5 =	vld [tilespmem:s19+$0xAC20]  }
0x440: {  	v8 =	vadd.f32 v18, v19;
	v6 =	vadd.f32 v62, v6;
	[tilespmem:s19+$0xB840] =	vst v1;
	v1 =	vld [tilespmem:s19+$0xAC30]  }
0x441: {  	[tilespmem:s19+$0xB850] =	vst v4;
	v4 =	vld [tilespmem:s19+$0xAC40];
	v2 =	vadd.f32 v2, v7;
	v7 =	vadd.f32 v20, v21  }
0x442: {  	v3 =	vadd.f32 v3, v8;
	v8 =	vadd.f32 v22, v23;
	[tilespmem:s19+$0xB860] =	vst v6;
	v6 =	vld [tilespmem:s19+$0xAC50]  }
0x443: {  	[tilespmem:s19+$0xB870] =	vst v2;
	v2 =	vld [tilespmem:s19+$0xAC60];
	v0 =	vadd.f32 v0, v7;
	v7 =	vadd.f32 v24, v25  }
0x444: {  	[tilespmem:s19+$0xBC00] =	vst v3;
	v3 =	vld [tilespmem:s19+$0xAC70];
	v5 =	vadd.f32 v5, v8;
	v8 =	vadd.f32 v26, v27  }
0x445: {  	[tilespmem:s19+$0xBC10] =	vst v0;
	v0 =	vld [tilespmem:s19+$0xB000];
	v1 =	vadd.f32 v1, v7;
	v7 =	vadd.f32 v28, v29  }
0x446: {  	[tilespmem:s19+$0xBC20] =	vst v5;
	v5 =	vld [tilespmem:s19+$0xB010];
	v4 =	vadd.f32 v4, v8;
	v8 =	vadd.f32 v30, v31  }
0x447: {  	[tilespmem:s19+$0xBC30] =	vst v1;
	v1 =	vld [tilespmem:s19+$0xB020];
	v6 =	vadd.f32 v6, v7;
	v7 =	vadd.f32 v32, v33  }
0x448: {  	v57 =	vld [tilespmem:s19+$0xA440];
	v2 =	vadd.f32 v2, v8;
	v8 =	vadd.f32 v34, v35  }
0x449: {  	[tilespmem:s19+$0xBC50] =	vst v6;
	v6 =	vld [tilespmem:s19+$0xB040];
	v3 =	vadd.f32 v3, v7;
	v7 =	vadd.f32 v36, v37  }
0x44a: {  	[tilespmem:s19+$0xBC40] =	vst v4;
	v4 =	vld [tilespmem:s19+$0xB030];
	v0 =	vadd.f32 v0, v8;
	v8 =	vadd.f32 v38, v39  }
0x44b: {  	[tilespmem:s19+$0xBC70] =	vst v3;
	v3 =	vld [tilespmem:s19+$0xB060];
	v5 =	vadd.f32 v5, v7  }
0x44c: {  	v59 =	vld [tilespmem:s19+$0xA450];
	v1 =	vadd.f32 v1, v8;
	v8 =	vadd.f32 v42, v43  }
0x44d: {  	[tilespmem:s19+$0xBC60] =	vst v2;
	v2 =	vld [tilespmem:s19+$0xB050];
	v7 =	vadd.f32 v40, v41  }
0x44e: {  	[tilespmem:s19+$0xC010] =	vst v5;
	v5 =	vld [tilespmem:s19+$0xB400];
	v6 =	vadd.f32 v6, v8;
	v8 =	vadd.f32 v46, v47  }
0x44f: {  	v4 =	vadd.f32 v4, v7;
	[tilespmem:s19+$0xC020] =	vst v1;
	v1 =	vld [tilespmem:s19+$0xB410]  }
0x450: {  	v61 =	vld [tilespmem:s19+$0xA460];
	[tilespmem:s19+$0xC000] =	vst v0;
	v7 =	vadd.f32 v44, v45;
	v3 =	vadd.f32 v3, v8  }
0x451: {  	v0 =	vld [tilespmem:s19+$0xB070];
	[tilespmem:s19+$0xC030] =	vst v4;
	v8 =	vadd.f32 v50, v52  }
0x452: {  	v4 =	vld [tilespmem:s19+$0xB420];
	v2 =	vadd.f32 v2, v7;
	[tilespmem:s19+$0xC060] =	vst v3;
	v3 =	vadd.f32 v51, v54  }
0x453: {  	[tilespmem:s19+$0xC040] =	vst v6;
	v6 =	vld [tilespmem:s19+$0xB430];
	v5 =	vadd.f32 v5, v8  }
0x454: {  	v7 =	vadd.f32 v48, v49;
	[tilespmem:s19+$0xC050] =	vst v2;
	v2 =	vld [tilespmem:s19+$0xB440];
	v1 =	vadd.f32 v1, v3  }
0x455: {  	[tilespmem:s19+$0xC400] =	vst v5;
	v5 =	vld [tilespmem:$0x1FF00]  }
0x456: {  	v0 =	vadd.f32 v0, v7;
	[tilespmem:s19+$0xC410] =	vst v1;
	v1 =	vld [tilespmem:$0x1FF10]  }
0x457: {  	v9 =	vadd.f32 v53, v56;
	v7 =	vld [tilespmem:s19+$0xB450]  }
0x458: {  	[tilespmem:s19+$0xC070] =	vst v0;
	v0 =	vadd.f32 v55, v58;
	v3 =	vld [tilespmem:s19+$0xB460]  }
0x459: {  	v8 =	vadd.f32 v57, v60;
	v4 =	vadd.f32 v4, v9  }
0x45a: {  	v0 =	vadd.f32 v6, v0;
	v5 =	vadd.f32 v59, v5  }
0x45b: {  	[tilespmem:s19+$0xC420] =	vst v4;
	v2 =	vadd.f32 v2, v8;
	v1 =	vadd.f32 v61, v1  }
0x45c: {  	[tilespmem:s19+$0xC430] =	vst v0;
	v0 =	vadd.f32 v7, v5  }
0x45d: {  	[tilespmem:s19+$0xC440] =	vst v2;
	v1 =	vadd.f32 v3, v1  }
0x45e: {  	[tilespmem:s19+$0xC450] =	vst v0  }
0x45f: {  	s8 =	sadd.s32 s18, s8;
	[tilespmem:s19+$0xC460] =	vst v1  }
0x460: {  	[hbm4b:s8+s6] =	stream.linear.scatter [tilespmem:s20], [sflag:$0x7], $0x1000, $0x38;
	[tilespmem:$0x10400] =	vst v63  }
0x461: {  	s8 =	sadd.s32 @!p1 $0x30, s10  }
0x462: {  	s8 =	sadd.s32 @!p1 s7, s8  }
0x463: {  	s8 =	sshll.u32 @!p1 s8, $0x6  }
0x464: {  	s14 =	simm.s32 @!p1 $0x8400;
	s13 =	simm.s32 @!p1 $0x0;
	s8 =	sadd.s32 @!p1 s0, s8  }
0x465: {  	[tilespmem:s14], [sflag:$0x3] =	stream.linear.gather @!p1 [hbm4b:s8+s13], $0x1000, $0x38;
	[tilespmem:$0x10400] =	vst v63  }
0x466: {  	v0 =	vld.msk @!p1 [tilespmem:s10+$0x30], $0xff;
	_ =	sdelay $0x4  }
0x467: {  	v1 =	vshll.u32 @!p1 v0, $0x2  }
0x468: {  	v2 =	vlaneseq.u32 @!p1;
	v0 =	vand.u32 @!p1 $0x7, v0;
	v1 =	vand.u32 @!p1 $0xFFFFFFE0, v1  }
0x469: {  	v0 =	vor.u32 @!p1 v0, v1;
	v1 =	vand.u32 @!p1 $0x7, v2;
	v2 =	vshrl.u32 @!p1 v2, $0x3  }
0x46a: {  	v0 =	vperm.xlane @!p1 v0, v1;
	v2 =	vmul.u32 @!p1 $0x8, v2;
	_ =	sdelay $0x1  }
0x46b: {  	v0 =	vadd.s32 @!p1 v2, v0;
	_ =	sdelay $0x3  }
0x46c: {  	s8 =	simm.s32 @!p1 $0x9400  }
0x46d: {  	[tilespmem:s8], [sflag:$0x3] =	stream.indirect_vreg.gather @!p1 [hbm4b:s2+s13], $0x80, v0, vm1, $0xb8;
	[tilespmem:$0x10400] =	vst v63  }
0x46e: {  	s8 =	simm.s32 @!p1 $0x9C00  }
0x46f: {  	[tilespmem:s8], [sflag:$0x3] =	stream.indirect_vreg.gather @!p1 [hbm4b:s11+s13], $0x80, v0, vm1, $0xb8;
	[tilespmem:$0x10400] =	vst v63  }
0x470: {  	v0 =	vld.msk @!p1 [tilespmem:s10+$0x230], $0xff;
	_ =	sdelay $0x4  }
0x471: {  	v3 =	vshll.u32 @!p1 v0, $0x2  }
0x472: {  	v0 =	vand.u32 @!p1 $0x7, v0;
	v3 =	vand.u32 @!p1 $0xFFFFFFE0, v3  }
0x473: {  	v0 =	vor.u32 @!p1 v0, v3  }
0x474: {  	v0 =	vperm.xlane @!p1 v0, v1;
	_ =	sdelay $0x1  }
0x475: {  	v0 =	vadd.s32 @!p1 v2, v0;
	_ =	sdelay $0x3  }
0x476: {  	s8 =	simm.s32 @!p1 $0xA400  }
0x477: {  	[tilespmem:s8], [sflag:$0x3] =	stream.indirect_vreg.gather @!p1 [hbm4b:s4+s13], $0x80, v0, vm1, $0xb8;
	[tilespmem:$0x10400] =	vst v63  }
0x478: {  	s8 =	simm.s32 @!p1 $0xAC00  }
0x479: {  	[tilespmem:s8], [sflag:$0x3] =	stream.indirect_vreg.gather @!p1 [hbm4b:s12+s13], $0x80, v0, vm1, $0xb8;
	[tilespmem:$0x10400] =	vst v63  }
0x47a: {  	_ =	swait.ge [sflag:s21], $0x1000  }
0x47b: {  	[sflag:s21] =	ssyncset.done $0x0  }
0x47c: {  	[sflag:s21] =	ssyncadd.s32 $0xFFFFF000  }
0x47d: {  	_ =	swait.ge [sflag:s21], $0x1000  }
0x47e: {  	[sflag:s21] =	ssyncset.done $0x0  }
0x47f: {  	[sflag:s21] =	ssyncadd.s32 $0xFFFFF000  }
0x480: {  	_ =	swait.ge [sflag:s21], $0x1000  }
0x481: {  	[sflag:s21] =	ssyncset.done $0x0  }
0x482: {  	s8 =	simm.s32 @!p0 $0x8;
	[sflag:s21] =	ssyncadd.s32 $0xFFFFF000  }
0x483: {  	_ =	swait.ge @!p0 [sflag:s8], $0x1000  }
0x484: {  	[sflag:s8] =	ssyncset.done @!p0 $0x0  }
0x485: {  	[sflag:s8] =	ssyncadd.s32 @!p0 $0xFFFFF000;
	s8 =	simm.s32 $0xFFFFFC00  }
0x486: {  	v0 =	vld [tilespmem:s8+$0xD470]  }
0x487: {  	v1 =	vld [tilespmem:s8+$0xE470]  }
0x488: {  	v2 =	vld [tilespmem:s8+$0xC800]  }
0x489: {  	v3 =	vld [tilespmem:s8+$0xF470]  }
0x48a: {  	v4 =	vld [tilespmem:s8+$0xD800]  }
0x48b: {  	v5 =	vld [tilespmem:s8+$0xC810]  }
0x48c: {  	v6 =	vld [tilespmem:s8+$0xD810]  }
0x48d: {  	v9 =	vld [tilespmem:s8+$0xC820]  }
0x48e: {  	v7 =	vld [tilespmem:s8+$0xD820]  }
0x48f: {  	v8 =	vld [tilespmem:s8+$0xD830]  }
0x490: {  	v11 =	vld [tilespmem:s8+$0xC840]  }
0x491: {  	v10 =	vld [tilespmem:s8+$0xD840]  }
0x492: {  	v13 =	vld [tilespmem:s8+$0xC850]  }
0x493: {  	v12 =	vld [tilespmem:s8+$0xD850]  }
0x494: {  	v15 =	vld [tilespmem:s8+$0xC860]  }
0x495: {  	v14 =	vld [tilespmem:s8+$0xD860]  }
0x496: {  	v17 =	vld [tilespmem:s8+$0xC870]  }
0x497: {  	v16 =	vld [tilespmem:s8+$0xD870]  }
0x498: {  	v19 =	vld [tilespmem:s8+$0xCC00]  }
0x499: {  	v18 =	vld [tilespmem:s8+$0xDC00]  }
0x49a: {  	v21 =	vld [tilespmem:s8+$0xCC10]  }
0x49b: {  	v20 =	vld [tilespmem:s8+$0xDC10]  }
0x49c: {  	v23 =	vld [tilespmem:s8+$0xCC20]  }
0x49d: {  	v22 =	vld [tilespmem:s8+$0xDC20]  }
0x49e: {  	v25 =	vld [tilespmem:s8+$0xCC30]  }
0x49f: {  	v24 =	vld [tilespmem:s8+$0xDC30]  }
0x4a0: {  	v27 =	vld [tilespmem:s8+$0xCC40]  }
0x4a1: {  	v26 =	vld [tilespmem:s8+$0xDC40]  }
0x4a2: {  	v29 =	vld [tilespmem:s8+$0xCC50]  }
0x4a3: {  	v28 =	vld [tilespmem:s8+$0xDC50]  }
0x4a4: {  	v31 =	vld [tilespmem:s8+$0xCC60]  }
0x4a5: {  	v30 =	vld [tilespmem:s8+$0xDC60]  }
0x4a6: {  	v33 =	vld [tilespmem:s8+$0xCC70]  }
0x4a7: {  	v32 =	vld [tilespmem:s8+$0xDC70]  }
0x4a8: {  	v35 =	vld [tilespmem:s8+$0xD000]  }
0x4a9: {  	v34 =	vld [tilespmem:s8+$0xE000]  }
0x4aa: {  	v37 =	vld [tilespmem:s8+$0xD010]  }
0x4ab: {  	v36 =	vld [tilespmem:s8+$0xE010]  }
0x4ac: {  	v39 =	vld [tilespmem:s8+$0xD020]  }
0x4ad: {  	v38 =	vld [tilespmem:s8+$0xE020]  }
0x4ae: {  	v41 =	vld [tilespmem:s8+$0xD030]  }
0x4af: {  	v40 =	vld [tilespmem:s8+$0xE030]  }
0x4b0: {  	v43 =	vld [tilespmem:s8+$0xD040]  }
0x4b1: {  	v42 =	vld [tilespmem:s8+$0xE040];
	v0 =	vadd.f32 v1, v0  }
0x4b2: {  	v45 =	vld [tilespmem:s8+$0xD050]  }
0x4b3: {  	v44 =	vld [tilespmem:s8+$0xE050];
	v0 =	vadd.f32 v3, v0  }
0x4b4: {  	v47 =	vld [tilespmem:s8+$0xD060]  }
0x4b5: {  	[tilespmem:s8+$0x10470] =	vst v0;
	v0 =	vld [tilespmem:s8+$0xD400]  }
0x4b6: {  	v46 =	vld [tilespmem:s8+$0xE060]  }
0x4b7: {  	v49 =	vld [tilespmem:s8+$0xD070]  }
0x4b8: {  	v48 =	vld [tilespmem:s8+$0xE070]  }
0x4b9: {  	v58 =	vld [tilespmem:s8+$0xE400]  }
0x4ba: {  	[tilespmem:$0x1FF20] =	vst v0;
	v0 =	vld [tilespmem:s8+$0xD450]  }
0x4bb: {  	v62 =	vld [tilespmem:s8+$0xE800]  }
0x4bc: {  	v3 =	vld [tilespmem:s8+$0xC830]  }
0x4bd: {  	v63 =	vld [tilespmem:s8+$0xE810]  }
0x4be: {  	v2 =	vadd.f32 v4, v2;
	v4 =	vld [tilespmem:s8+$0xE830]  }
0x4bf: {  	[tilespmem:$0x1FF30] =	vst v0;
	v0 =	vld [tilespmem:s8+$0xE820]  }
0x4c0: {  	v5 =	vadd.f32 v6, v5;
	v6 =	vld [tilespmem:s8+$0xE850]  }
0x4c1: {  	v1 =	vld [tilespmem:s8+$0xE840];
	v7 =	vadd.f32 v7, v9;
	v3 =	vadd.f32 v8, v3  }
0x4c2: {  	v50 =	vld [tilespmem:s8+$0xD410];
	v2 =	vadd.f32 v62, v2;
	v5 =	vadd.f32 v63, v5  }
0x4c3: {  	v62 =	vld [tilespmem:s8+$0xE860];
	v3 =	vadd.f32 v4, v3;
	v4 =	vadd.f32 v12, v13  }
0x4c4: {  	v51 =	vld [tilespmem:s8+$0xE410];
	[tilespmem:s8+$0xF800] =	vst v2;
	v0 =	vadd.f32 v0, v7;
	v7 =	vadd.f32 v10, v11  }
0x4c5: {  	[tilespmem:s8+$0xF810] =	vst v5;
	v5 =	vld [tilespmem:s8+$0xEC00];
	v4 =	vadd.f32 v6, v4  }
0x4c6: {  	v2 =	vld [tilespmem:s8+$0xE870];
	[tilespmem:s8+$0xF830] =	vst v3;
	v1 =	vadd.f32 v1, v7;
	v7 =	vadd.f32 v14, v15  }
0x4c7: {  	[tilespmem:s8+$0xF820] =	vst v0;
	v0 =	vld [tilespmem:s8+$0xEC10]  }
0x4c8: {  	v8 =	vadd.f32 v18, v19;
	v3 =	vld [tilespmem:s8+$0xEC20];
	[tilespmem:s8+$0xF850] =	vst v4;
	v7 =	vadd.f32 v62, v7  }
0x4c9: {  	v6 =	vadd.f32 v16, v17;
	[tilespmem:s8+$0xF840] =	vst v1;
	v1 =	vld [tilespmem:s8+$0xEC30]  }
0x4ca: {  	v5 =	vadd.f32 v5, v8;
	v4 =	vld [tilespmem:s8+$0xEC40];
	[tilespmem:s8+$0xF860] =	vst v7;
	v7 =	vadd.f32 v20, v21  }
0x4cb: {  	v8 =	vadd.f32 v22, v23;
	v2 =	vadd.f32 v2, v6;
	v6 =	vld [tilespmem:s8+$0xEC50]  }
0x4cc: {  	v52 =	vld [tilespmem:s8+$0xD420];
	v0 =	vadd.f32 v0, v7;
	v7 =	vadd.f32 v24, v25  }
0x4cd: {  	[tilespmem:s8+$0xFC00] =	vst v5;
	v5 =	vld [tilespmem:s8+$0xEC70];
	v3 =	vadd.f32 v3, v8;
	v8 =	vadd.f32 v26, v27  }
0x4ce: {  	[tilespmem:s8+$0xF870] =	vst v2;
	v2 =	vld [tilespmem:s8+$0xEC60];
	v1 =	vadd.f32 v1, v7;
	v7 =	vadd.f32 v28, v29  }
0x4cf: {  	[tilespmem:s8+$0xFC20] =	vst v3;
	v3 =	vld [tilespmem:s8+$0xF010];
	v4 =	vadd.f32 v4, v8  }
0x4d0: {  	v53 =	vld [tilespmem:s8+$0xE420];
	v6 =	vadd.f32 v6, v7;
	v7 =	vadd.f32 v32, v33  }
0x4d1: {  	v8 =	vadd.f32 v30, v31;
	[tilespmem:s8+$0xFC40] =	vst v4;
	v4 =	vld [tilespmem:s8+$0xF030]  }
0x4d2: {  	v54 =	vld [tilespmem:s8+$0xD430];
	v5 =	vadd.f32 v5, v7;
	v7 =	vadd.f32 v36, v37  }
0x4d3: {  	v2 =	vadd.f32 v2, v8;
	[tilespmem:s8+$0xFC10] =	vst v0;
	v0 =	vld [tilespmem:s8+$0xF000]  }
0x4d4: {  	v55 =	vld [tilespmem:s8+$0xE430];
	v3 =	vadd.f32 v3, v7;
	v7 =	vadd.f32 v40, v41  }
0x4d5: {  	[tilespmem:s8+$0xFC70] =	vst v5;
	v5 =	vld [tilespmem:s8+$0xF060]  }
0x4d6: {  	v56 =	vld [tilespmem:s8+$0xD440];
	v8 =	vadd.f32 v34, v35;
	[tilespmem:s8+$0xFC60] =	vst v2;
	v4 =	vadd.f32 v4, v7  }
0x4d7: {  	v57 =	vld [tilespmem:s8+$0xE440];
	[tilespmem:s8+$0xFC30] =	vst v1  }
0x4d8: {  	v2 =	vld [tilespmem:s8+$0xF050];
	v0 =	vadd.f32 v0, v8;
	[tilespmem:s8+$0x10030] =	vst v4;
	v4 =	vadd.f32 v46, v47  }
0x4d9: {  	[tilespmem:s8+$0xFC50] =	vst v6;
	v6 =	vld [tilespmem:s8+$0xF040]  }
0x4da: {  	v1 =	vld [tilespmem:s8+$0xF020];
	[tilespmem:s8+$0x10000] =	vst v0;
	v4 =	vadd.f32 v5, v4  }
0x4db: {  	v0 =	vld [tilespmem:s8+$0xF070];
	[tilespmem:s8+$0x10010] =	vst v3  }
0x4dc: {  	v3 =	vadd.f32 v42, v43;
	[tilespmem:s8+$0x10060] =	vst v4;
	v4 =	vld [tilespmem:$0x1FF20]  }
0x4dd: {  	v59 =	vld [tilespmem:s8+$0xE450];
	v7 =	vadd.f32 v44, v45  }
0x4de: {  	v9 =	vld [tilespmem:s8+$0xF400];
	v8 =	vadd.f32 v38, v39;
	v3 =	vadd.f32 v6, v3  }
0x4df: {  	v60 =	vld [tilespmem:s8+$0xD460];
	v6 =	vadd.f32 v2, v7;
	v7 =	vadd.f32 v48, v49  }
0x4e0: {  	v61 =	vld [tilespmem:s8+$0xE460];
	v1 =	vadd.f32 v1, v8  }
0x4e1: {  	v11 =	vld [tilespmem:s8+$0xF420];
	v0 =	vadd.f32 v0, v7;
	v5 =	vadd.f32 v58, v4  }
0x4e2: {  	[tilespmem:s8+$0x10020] =	vst v1;
	v1 =	vld [tilespmem:s8+$0xF410]  }
0x4e3: {  	[tilespmem:s8+$0x10070] =	vst v0;
	v0 =	vadd.f32 v9, v5;
	v5 =	vld [tilespmem:$0x1FF30]  }
0x4e4: {  	v14 =	vadd.f32 v53, v52;
	v2 =	vld [tilespmem:s8+$0xF430]  }
0x4e5: {  	v13 =	vadd.f32 v51, v50;
	[tilespmem:s8+$0x10040] =	vst v3;
	v3 =	vld [tilespmem:s8+$0xF440]  }
0x4e6: {  	v10 =	vadd.f32 v61, v60;
	v11 =	vadd.f32 v11, v14;
	v4 =	vld [tilespmem:s8+$0xF450]  }
0x4e7: {  	s14 =	simm.s32 $0xFFFFFC80;
	[tilespmem:s8+$0x10050] =	vst v6;
	v6 =	vadd.f32 v55, v54;
	v7 =	vld [tilespmem:s8+$0xF460];
	v9 =	vadd.f32 v1, v13  }
0x4e8: {  	s13 =	simm.s32 $0xFFFFF400;
	v8 =	vadd.f32 v57, v56;
	v12 =	vadd.f32 v59, v5;
	v5 =	vld [tilespmem:s14+$0xD470];
	[tilespmem:s8+$0x10400] =	vst v0  }
.LBB2_9:
0x4e9: {  	p0 =	sne.s32 s13, $0xFFFFFE00;
	v0 =	vld [tilespmem:s14+$0xE470];
	[tilespmem:s8+$0x10410] =	vst v9;
	v1 =	vadd.f32 v2, v6  }
0x4ea: {  	v2 =	vld [tilespmem:s14+$0xC800];
	[tilespmem:s8+$0x10420] =	vst v11;
	v3 =	vadd.f32 v3, v8  }
0x4eb: {  	v6 =	vld [tilespmem:s14+$0xF470];
	[tilespmem:s8+$0x10430] =	vst v1;
	v1 =	vadd.f32 v4, v12  }
0x4ec: {  	v4 =	vld [tilespmem:s14+$0xD800];
	[tilespmem:s8+$0x10440] =	vst v3;
	v3 =	vadd.f32 v7, v10  }
0x4ed: {  	v7 =	vld [tilespmem:s14+$0xC810];
	[tilespmem:s8+$0x10450] =	vst v1  }
0x4ee: {  	v1 =	vld [tilespmem:s14+$0xD810];
	v0 =	vadd.f32 v0, v5;
	[tilespmem:s8+$0x10460] =	vst v3;
	s8 =	smov.u32 s14  }
0x4ef: {  	v5 =	vld [tilespmem:s8+$0xC820]  }
0x4f0: {  	v8 =	vld [tilespmem:s8+$0xD820];
	v0 =	vadd.f32 v6, v0  }
0x4f1: {  	v2 =	vadd.f32 v4, v2;
	v6 =	vld [tilespmem:s8+$0xC830]  }
0x4f2: {  	v9 =	vld [tilespmem:s8+$0xD830];
	[tilespmem:s8+$0x10470] =	vst v0  }
0x4f3: {  	v3 =	vadd.f32 v1, v7;
	v0 =	vld [tilespmem:s8+$0xC840]  }
0x4f4: {  	v1 =	vld [tilespmem:s8+$0xD840]  }
0x4f5: {  	v4 =	vadd.f32 v8, v5;
	v8 =	vld [tilespmem:s8+$0xC850]  }
0x4f6: {  	v10 =	vld [tilespmem:s8+$0xD850]  }
0x4f7: {  	v5 =	vadd.f32 v9, v6;
	v6 =	vld [tilespmem:s8+$0xC860]  }
0x4f8: {  	v11 =	vld [tilespmem:s8+$0xD860]  }
0x4f9: {  	v7 =	vadd.f32 v1, v0;
	v0 =	vld [tilespmem:s8+$0xC870]  }
0x4fa: {  	v1 =	vld [tilespmem:s8+$0xD870]  }
0x4fb: {  	v9 =	vadd.f32 v10, v8;
	v8 =	vld [tilespmem:s8+$0xCC00]  }
0x4fc: {  	v10 =	vld [tilespmem:s8+$0xDC00]  }
0x4fd: {  	v11 =	vadd.f32 v11, v6;
	v6 =	vld [tilespmem:s8+$0xCC10]  }
0x4fe: {  	v12 =	vld [tilespmem:s8+$0xDC10]  }
0x4ff: {  	v13 =	vadd.f32 v1, v0;
	v0 =	vld [tilespmem:s8+$0xCC20]  }
0x500: {  	v1 =	vld [tilespmem:s8+$0xDC20]  }
0x501: {  	v14 =	vadd.f32 v10, v8;
	v8 =	vld [tilespmem:s8+$0xCC30]  }
0x502: {  	v10 =	vld [tilespmem:s8+$0xDC30]  }
0x503: {  	v15 =	vadd.f32 v12, v6;
	v6 =	vld [tilespmem:s8+$0xCC40]  }
0x504: {  	v12 =	vld [tilespmem:s8+$0xDC40]  }
0x505: {  	v16 =	vadd.f32 v1, v0;
	v0 =	vld [tilespmem:s8+$0xCC50]  }
0x506: {  	v1 =	vld [tilespmem:s8+$0xDC50]  }
0x507: {  	v17 =	vadd.f32 v10, v8;
	v8 =	vld [tilespmem:s8+$0xCC60]  }
0x508: {  	v10 =	vld [tilespmem:s8+$0xDC60]  }
0x509: {  	v18 =	vadd.f32 v12, v6;
	v6 =	vld [tilespmem:s8+$0xCC70]  }
0x50a: {  	v12 =	vld [tilespmem:s8+$0xDC70]  }
0x50b: {  	v19 =	vadd.f32 v1, v0;
	v0 =	vld [tilespmem:s8+$0xD000]  }
0x50c: {  	v1 =	vld [tilespmem:s8+$0xE000]  }
0x50d: {  	v20 =	vadd.f32 v10, v8;
	v8 =	vld [tilespmem:s8+$0xD010]  }
0x50e: {  	v10 =	vld [tilespmem:s8+$0xE010]  }
0x50f: {  	v21 =	vadd.f32 v12, v6;
	v6 =	vld [tilespmem:s8+$0xD020]  }
0x510: {  	v12 =	vld [tilespmem:s8+$0xE020]  }
0x511: {  	v22 =	vadd.f32 v1, v0;
	v0 =	vld [tilespmem:s8+$0xD030]  }
0x512: {  	v1 =	vld [tilespmem:s8+$0xE030]  }
0x513: {  	v23 =	vadd.f32 v10, v8;
	v8 =	vld [tilespmem:s8+$0xD040]  }
0x514: {  	v10 =	vld [tilespmem:s8+$0xE040]  }
0x515: {  	v24 =	vadd.f32 v12, v6;
	v6 =	vld [tilespmem:s8+$0xD050]  }
0x516: {  	v12 =	vld [tilespmem:s8+$0xE050]  }
0x517: {  	v25 =	vadd.f32 v1, v0;
	v0 =	vld [tilespmem:s8+$0xD060]  }
0x518: {  	v1 =	vld [tilespmem:s8+$0xE060]  }
0x519: {  	v26 =	vadd.f32 v10, v8;
	v8 =	vld [tilespmem:s8+$0xD070]  }
0x51a: {  	v10 =	vld [tilespmem:s8+$0xE070]  }
0x51b: {  	v27 =	vadd.f32 v12, v6;
	v6 =	vld [tilespmem:s8+$0xD400]  }
0x51c: {  	v12 =	vld [tilespmem:s8+$0xE400]  }
0x51d: {  	v28 =	vadd.f32 v1, v0;
	v0 =	vld [tilespmem:s8+$0xD410]  }
0x51e: {  	v1 =	vld [tilespmem:s8+$0xE410]  }
0x51f: {  	v29 =	vadd.f32 v10, v8;
	v8 =	vld [tilespmem:s8+$0xD420]  }
0x520: {  	v10 =	vld [tilespmem:s8+$0xE420]  }
0x521: {  	v31 =	vadd.f32 v12, v6;
	v6 =	vld [tilespmem:s8+$0xD430]  }
0x522: {  	v12 =	vld [tilespmem:s8+$0xE430]  }
0x523: {  	v0 =	vadd.f32 v1, v0;
	v1 =	vld [tilespmem:s8+$0xD440]  }
0x524: {  	v32 =	vld [tilespmem:s8+$0xE440]  }
0x525: {  	v30 =	vadd.f32 v10, v8;
	v10 =	vld [tilespmem:s8+$0xD450]  }
0x526: {  	v33 =	vld [tilespmem:s8+$0xE450]  }
0x527: {  	v6 =	vadd.f32 v12, v6;
	v34 =	vld [tilespmem:s8+$0xD460]  }
0x528: {  	v35 =	vld [tilespmem:s8+$0xE460]  }
0x529: {  	v36 =	vld [tilespmem:s8+$0xE800];
	v8 =	vadd.f32 v32, v1  }
0x52a: {  	v1 =	vld [tilespmem:s8+$0xE810]  }
0x52b: {  	v32 =	vld [tilespmem:s8+$0xE820];
	v12 =	vadd.f32 v33, v10  }
0x52c: {  	v33 =	vld [tilespmem:s8+$0xE830]  }
0x52d: {  	v37 =	vld [tilespmem:s8+$0xE840];
	v10 =	vadd.f32 v35, v34  }
0x52e: {  	v2 =	vadd.f32 v36, v2;
	v34 =	vld [tilespmem:s8+$0xE850]  }
0x52f: {  	v1 =	vadd.f32 v1, v3;
	v3 =	vld [tilespmem:s8+$0xE860]  }
0x530: {  	[tilespmem:s8+$0xF800] =	vst v2;
	v2 =	vadd.f32 v32, v4;
	v4 =	vld [tilespmem:s8+$0xE870]  }
0x531: {  	[tilespmem:s8+$0xF810] =	vst v1;
	v1 =	vadd.f32 v33, v5;
	v5 =	vld [tilespmem:s8+$0xEC00]  }
0x532: {  	[tilespmem:s8+$0xF820] =	vst v2;
	v2 =	vadd.f32 v37, v7;
	v7 =	vld [tilespmem:s8+$0xEC10]  }
0x533: {  	[tilespmem:s8+$0xF830] =	vst v1;
	v1 =	vadd.f32 v34, v9;
	v9 =	vld [tilespmem:s8+$0xEC20]  }
0x534: {  	[tilespmem:s8+$0xF840] =	vst v2;
	v2 =	vadd.f32 v3, v11;
	v3 =	vld [tilespmem:s8+$0xEC30]  }
0x535: {  	[tilespmem:s8+$0xF850] =	vst v1;
	v1 =	vadd.f32 v4, v13;
	v4 =	vld [tilespmem:s8+$0xEC40]  }
0x536: {  	[tilespmem:s8+$0xF860] =	vst v2;
	v2 =	vadd.f32 v5, v14;
	v5 =	vld [tilespmem:s8+$0xEC50]  }
0x537: {  	[tilespmem:s8+$0xF870] =	vst v1;
	v1 =	vadd.f32 v7, v15;
	v7 =	vld [tilespmem:s8+$0xEC60]  }
0x538: {  	[tilespmem:s8+$0xFC00] =	vst v2;
	v2 =	vadd.f32 v9, v16;
	v9 =	vld [tilespmem:s8+$0xEC70]  }
0x539: {  	[tilespmem:s8+$0xFC10] =	vst v1;
	v1 =	vadd.f32 v3, v17;
	v3 =	vld [tilespmem:s8+$0xF000]  }
0x53a: {  	[tilespmem:s8+$0xFC20] =	vst v2;
	v2 =	vadd.f32 v4, v18;
	v4 =	vld [tilespmem:s8+$0xF010]  }
0x53b: {  	[tilespmem:s8+$0xFC30] =	vst v1;
	v1 =	vadd.f32 v5, v19;
	v5 =	vld [tilespmem:s8+$0xF020]  }
0x53c: {  	[tilespmem:s8+$0xFC40] =	vst v2;
	v2 =	vadd.f32 v7, v20;
	v7 =	vld [tilespmem:s8+$0xF030]  }
0x53d: {  	[tilespmem:s8+$0xFC50] =	vst v1;
	v1 =	vadd.f32 v9, v21;
	v9 =	vld [tilespmem:s8+$0xF040]  }
0x53e: {  	[tilespmem:s8+$0xFC60] =	vst v2;
	v2 =	vadd.f32 v3, v22;
	v3 =	vld [tilespmem:s8+$0xF050]  }
0x53f: {  	[tilespmem:s8+$0xFC70] =	vst v1;
	v1 =	vadd.f32 v4, v23;
	v4 =	vld [tilespmem:s8+$0xF060]  }
0x540: {  	[tilespmem:s8+$0x10000] =	vst v2;
	v2 =	vadd.f32 v5, v24;
	v5 =	vld [tilespmem:s8+$0xF070]  }
0x541: {  	[tilespmem:s8+$0x10010] =	vst v1;
	v1 =	vadd.f32 v7, v25;
	v7 =	vld [tilespmem:s8+$0xF400]  }
0x542: {  	[tilespmem:s8+$0x10020] =	vst v2;
	v2 =	vadd.f32 v9, v26;
	v9 =	vld [tilespmem:s8+$0xF410]  }
0x543: {  	[tilespmem:s8+$0x10030] =	vst v1;
	v1 =	vadd.f32 v3, v27;
	v11 =	vld [tilespmem:s8+$0xF420]  }
.Ltmp5:
0x544: {  	[tilespmem:s8+$0x10040] =	vst v2;
	v4 =	vadd.f32 v4, v28;
	v2 =	vld [tilespmem:s8+$0xF430];
	(pc) =	sbr.rel @p0 .LBB2_9-.Ltmp5, $4  }
0x545: {  	[tilespmem:s8+$0x10050] =	vst v1;
	v1 =	vadd.f32 v5, v29;
	v3 =	vld [tilespmem:s8+$0xF440]  }
0x546: {  	[tilespmem:s8+$0x10060] =	vst v4;
	v13 =	vadd.f32 v7, v31;
	v4 =	vld [tilespmem:s8+$0xF450]  }
0x547: {  	s14 =	sshra.s32 s13, $0x2;
	[tilespmem:s8+$0x10070] =	vst v1;
	v9 =	vadd.f32 v9, v0;
	v7 =	vld [tilespmem:s8+$0xF460]  }
0x548: {  	s13 =	sadd.s32 $0x200, s13;
	v5 =	vld [tilespmem:s14+$0xD470];
	[tilespmem:s8+$0x10400] =	vst v13;
	v11 =	vadd.f32 v11, v30  }
0x549: {  	v0 =	vld [tilespmem:s14+$0xE470];
	[tilespmem:s8+$0x10410] =	vst v9;
	v2 =	vadd.f32 v2, v6  }
0x54a: {  	v16 =	vld [tilespmem:s14+$0xC800];
	[tilespmem:s8+$0x10420] =	vst v11;
	v3 =	vadd.f32 v3, v8  }
0x54b: {  	v61 =	vld [tilespmem:s14+$0xF470];
	[tilespmem:s8+$0x10430] =	vst v2;
	v4 =	vadd.f32 v4, v12  }
0x54c: {  	v2 =	vld [tilespmem:s14+$0xD800];
	[tilespmem:s8+$0x10440] =	vst v3;
	v7 =	vadd.f32 v7, v10  }
0x54d: {  	v3 =	vld [tilespmem:s14+$0xC810];
	[tilespmem:s8+$0x10450] =	vst v4  }
0x54e: {  	v4 =	vld [tilespmem:s14+$0xD810];
	[tilespmem:s8+$0x10460] =	vst v7  }
0x54f: {  	v0 =	vadd.f32 v0, v5;
	v5 =	vld [tilespmem:s14+$0xC820]  }
0x550: {  	v7 =	vld [tilespmem:s14+$0xD820]  }
0x551: {  	v6 =	vld [tilespmem:s14+$0xC830]  }
0x552: {  	v8 =	vld [tilespmem:s14+$0xD830]  }
0x553: {  	v10 =	vld [tilespmem:s14+$0xC840]  }
0x554: {  	v9 =	vld [tilespmem:s14+$0xD840]  }
0x555: {  	v12 =	vld [tilespmem:s14+$0xC850]  }
0x556: {  	v11 =	vld [tilespmem:s14+$0xD850]  }
0x557: {  	v14 =	vld [tilespmem:s14+$0xC860]  }
0x558: {  	v13 =	vld [tilespmem:s14+$0xD860]  }
0x559: {  	v17 =	vld [tilespmem:s14+$0xC870]  }
0x55a: {  	v15 =	vld [tilespmem:s14+$0xD870]  }
0x55b: {  	v19 =	vld [tilespmem:s14+$0xCC00]  }
0x55c: {  	v18 =	vld [tilespmem:s14+$0xDC00]  }
0x55d: {  	v21 =	vld [tilespmem:s14+$0xCC10]  }
0x55e: {  	v20 =	vld [tilespmem:s14+$0xDC10]  }
0x55f: {  	v23 =	vld [tilespmem:s14+$0xCC20]  }
0x560: {  	v22 =	vld [tilespmem:s14+$0xDC20]  }
0x561: {  	v25 =	vld [tilespmem:s14+$0xCC30]  }
0x562: {  	v24 =	vld [tilespmem:s14+$0xDC30]  }
0x563: {  	v27 =	vld [tilespmem:s14+$0xCC40]  }
0x564: {  	v26 =	vld [tilespmem:s14+$0xDC40]  }
0x565: {  	v29 =	vld [tilespmem:s14+$0xCC50]  }
0x566: {  	v28 =	vld [tilespmem:s14+$0xDC50]  }
0x567: {  	v31 =	vld [tilespmem:s14+$0xCC60]  }
0x568: {  	v30 =	vld [tilespmem:s14+$0xDC60]  }
0x569: {  	v33 =	vld [tilespmem:s14+$0xCC70]  }
0x56a: {  	v32 =	vld [tilespmem:s14+$0xDC70]  }
0x56b: {  	v35 =	vld [tilespmem:s14+$0xD000]  }
0x56c: {  	v34 =	vld [tilespmem:s14+$0xE000]  }
0x56d: {  	v37 =	vld [tilespmem:s14+$0xD010]  }
0x56e: {  	v36 =	vld [tilespmem:s14+$0xE010]  }
0x56f: {  	v39 =	vld [tilespmem:s14+$0xD020]  }
0x570: {  	v38 =	vld [tilespmem:s14+$0xE020]  }
0x571: {  	v41 =	vld [tilespmem:s14+$0xD030]  }
0x572: {  	v40 =	vld [tilespmem:s14+$0xE030]  }
0x573: {  	v43 =	vld [tilespmem:s14+$0xD040]  }
0x574: {  	v42 =	vld [tilespmem:s14+$0xE040]  }
0x575: {  	v45 =	vld [tilespmem:s14+$0xD050]  }
0x576: {  	v44 =	vld [tilespmem:s14+$0xE050]  }
0x577: {  	v47 =	vld [tilespmem:s14+$0xD060]  }
0x578: {  	v46 =	vld [tilespmem:s14+$0xE060]  }
0x579: {  	v49 =	vld [tilespmem:s14+$0xD070]  }
0x57a: {  	v48 =	vld [tilespmem:s14+$0xE070]  }
0x57b: {  	v52 =	vld [tilespmem:s14+$0xD400]  }
0x57c: {  	v50 =	vld [tilespmem:s14+$0xE400]  }
0x57d: {  	v54 =	vld [tilespmem:s14+$0xD410]  }
0x57e: {  	v51 =	vld [tilespmem:s14+$0xE410]  }
0x57f: {  	v56 =	vld [tilespmem:s14+$0xD420]  }
0x580: {  	v53 =	vld [tilespmem:s14+$0xE420]  }
0x581: {  	v58 =	vld [tilespmem:s14+$0xD430]  }
0x582: {  	v55 =	vld [tilespmem:s14+$0xE430]  }
0x583: {  	v60 =	vld [tilespmem:s14+$0xD440]  }
0x584: {  	v57 =	vld [tilespmem:s14+$0xE440]  }
0x585: {  	v62 =	vld [tilespmem:s14+$0xD450]  }
0x586: {  	v59 =	vld [tilespmem:s14+$0xE450]  }
0x587: {  	v63 =	vld [tilespmem:s14+$0xD460]  }
0x588: {  	v1 =	vld [tilespmem:s14+$0xE840]  }
0x589: {  	v0 =	vadd.f32 v61, v0;
	v61 =	vld [tilespmem:s14+$0xE460]  }
0x58a: {  	v2 =	vadd.f32 v2, v16;
	v16 =	vld [tilespmem:s14+$0xE830]  }
0x58b: {  	[tilespmem:s14+$0x10470] =	vst v0;
	v0 =	vld [tilespmem:s14+$0xE820];
	v3 =	vadd.f32 v4, v3  }
0x58c: {  	v4 =	vld [tilespmem:s14+$0xE850];
	v5 =	vadd.f32 v7, v5;
	v6 =	vadd.f32 v8, v6  }
0x58d: {  	[tilespmem:$0x1FEE0] =	vst v62;
	v62 =	vld [tilespmem:s14+$0xE800];
	v10 =	vadd.f32 v9, v10;
	v11 =	vadd.f32 v11, v12  }
0x58e: {  	[tilespmem:$0x1FEF0] =	vst v63;
	v63 =	vld [tilespmem:s14+$0xE810];
	v13 =	vadd.f32 v13, v14;
	v18 =	vadd.f32 v18, v19  }
0x58f: {  	v12 =	vld [tilespmem:s14+$0xEC20];
	v20 =	vadd.f32 v20, v21;
	v22 =	vadd.f32 v22, v23  }
0x590: {  	v14 =	vld [tilespmem:s14+$0xEC30];
	v24 =	vadd.f32 v24, v25;
	v6 =	vadd.f32 v16, v6  }
0x591: {  	v19 =	vld [tilespmem:s14+$0xEC50];
	v26 =	vadd.f32 v26, v27;
	v1 =	vadd.f32 v1, v10  }
0x592: {  	v21 =	vld [tilespmem:s14+$0xEC60];
	v28 =	vadd.f32 v28, v29;
	v0 =	vadd.f32 v0, v5;
	[tilespmem:s14+$0xF830] =	vst v6  }
0x593: {  	v16 =	vadd.f32 v15, v17;
	v17 =	vld [tilespmem:s14+$0xEC40];
	v4 =	vadd.f32 v4, v11;
	[tilespmem:s14+$0xF840] =	vst v1  }
0x594: {  	v27 =	vld [tilespmem:s14+$0xF010];
	v30 =	vadd.f32 v30, v31;
	v2 =	vadd.f32 v62, v2;
	[tilespmem:s14+$0xF820] =	vst v0  }
0x595: {  	v29 =	vld [tilespmem:s14+$0xF020];
	v36 =	vadd.f32 v36, v37;
	v3 =	vadd.f32 v63, v3;
	[tilespmem:s14+$0xF850] =	vst v4  }
0x596: {  	v31 =	vld [tilespmem:s14+$0xF030];
	v38 =	vadd.f32 v38, v39;
	v5 =	vadd.f32 v12, v22;
	[tilespmem:s14+$0xF800] =	vst v2  }
0x597: {  	v40 =	vadd.f32 v40, v41;
	v41 =	vld [tilespmem:s14+$0xF400];
	v1 =	vadd.f32 v14, v24;
	[tilespmem:s14+$0xF810] =	vst v3  }
0x598: {  	v42 =	vadd.f32 v42, v43;
	v43 =	vld [tilespmem:s14+$0xF410];
	[tilespmem:s14+$0xFC20] =	vst v5;
	v4 =	vadd.f32 v17, v26  }
0x599: {  	v44 =	vadd.f32 v44, v45;
	v62 =	vld [tilespmem:s14+$0xE860];
	[tilespmem:s14+$0xFC30] =	vst v1;
	v5 =	vadd.f32 v27, v36  }
0x59a: {  	v50 =	vadd.f32 v50, v52;
	v63 =	vld [tilespmem:s14+$0xEC10];
	v1 =	vadd.f32 v29, v38;
	[tilespmem:s14+$0xFC40] =	vst v4  }
0x59b: {  	v45 =	vld [tilespmem:s14+$0xF420];
	v51 =	vadd.f32 v51, v54;
	[tilespmem:s14+$0x10010] =	vst v5;
	v4 =	vadd.f32 v31, v40  }
0x59c: {  	v54 =	vadd.f32 v53, v56;
	v2 =	vld [tilespmem:s14+$0xE870];
	[tilespmem:s14+$0x10020] =	vst v1;
	v5 =	vadd.f32 v41, v50  }
0x59d: {  	v55 =	vadd.f32 v55, v58;
	v3 =	vld [tilespmem:s14+$0xEC00];
	v1 =	vadd.f32 v43, v51;
	[tilespmem:s14+$0x10030] =	vst v4  }
0x59e: {  	v58 =	vadd.f32 v57, v60;
	v60 =	vld [tilespmem:$0x1FEE0];
	v6 =	vadd.f32 v62, v13;
	[tilespmem:s14+$0x10400] =	vst v5  }
0x59f: {  	v25 =	vld [tilespmem:s14+$0xF000];
	v0 =	vadd.f32 v63, v20;
	[tilespmem:s14+$0x10410] =	vst v1  }
0x5a0: {  	v52 =	vld [tilespmem:s14+$0xF450];
	v4 =	vadd.f32 v45, v54;
	[tilespmem:s14+$0xF860] =	vst v6  }
0x5a1: {  	v23 =	vld [tilespmem:s14+$0xEC70];
	v32 =	vadd.f32 v32, v33;
	v2 =	vadd.f32 v2, v16;
	[tilespmem:s14+$0xFC10] =	vst v0  }
0x5a2: {  	v33 =	vld [tilespmem:s14+$0xF040];
	v34 =	vadd.f32 v34, v35;
	v3 =	vadd.f32 v3, v18;
	[tilespmem:s14+$0x10420] =	vst v4  }
0x5a3: {  	v35 =	vld [tilespmem:s14+$0xF050];
	v5 =	vadd.f32 v59, v60;
	v6 =	vadd.f32 v19, v28;
	[tilespmem:s14+$0xF870] =	vst v2  }
0x5a4: {  	v39 =	vld [tilespmem:s14+$0xF070];
	v0 =	vadd.f32 v25, v34;
	[tilespmem:s14+$0xFC00] =	vst v3  }
0x5a5: {  	v37 =	vld [tilespmem:s14+$0xF060];
	v63 =	vadd.f32 v52, v5;
	[tilespmem:s14+$0xFC50] =	vst v6  }
0x5a6: {  	v46 =	vadd.f32 v46, v47;
	v62 =	vld [tilespmem:$0x1FEF0];
	v2 =	vadd.f32 v21, v30;
	[tilespmem:s14+$0x10000] =	vst v0  }
0x5a7: {  	v47 =	vld [tilespmem:s14+$0xF430];
	v48 =	vadd.f32 v48, v49;
	v3 =	vadd.f32 v23, v32;
	[tilespmem:s14+$0x10450] =	vst v63  }
0x5a8: {  	v56 =	vld [tilespmem:s14+$0xF460];
	v6 =	vadd.f32 v33, v42;
	[tilespmem:s14+$0xFC60] =	vst v2  }
0x5a9: {  	v49 =	vld [tilespmem:s14+$0xF440];
	v0 =	vadd.f32 v39, v48;
	[tilespmem:s14+$0xFC70] =	vst v3  }
0x5aa: {  	v2 =	vadd.f32 v35, v44;
	[tilespmem:s14+$0x10040] =	vst v6  }
0x5ab: {  	v1 =	vadd.f32 v61, v62;
	v3 =	vadd.f32 v37, v46;
	[tilespmem:s14+$0x10070] =	vst v0  }
0x5ac: {  	v0 =	vadd.f32 v47, v55;
	[tilespmem:s14+$0x10050] =	vst v2  }
.Ltmp6:
0x5ad: {  	v1 =	vadd.f32 v56, v1;
	[tilespmem:s14+$0x10060] =	vst v3;
	(pc) =	sbr.rel @p1 .LBB2_12-.Ltmp6, $4  }
0x5ae: {  	v2 =	vadd.f32 v49, v58;
	[tilespmem:s14+$0x10430] =	vst v0  }
0x5af: {  	[tilespmem:s14+$0x10460] =	vst v1  }
0x5b0: {  	s19 =	sadd.s32 $0x600, s9;
	[tilespmem:s14+$0x10440] =	vst v2  }
0x5b1: {  	[hbm4b:s19+s6] =	stream.linear.scatter [tilespmem:s22], [sflag:$0x8], $0x1000, $0x38;
	[tilespmem:$0x10400] =	vst v63  }
0x5b2: {  	s8 =	sadd.s32 $0x38, s10  }
0x5b3: {  	s8 =	sadd.s32 s7, s8  }
0x5b4: {  	s8 =	sshll.u32 s8, $0x6  }
0x5b5: {  	s8 =	sadd.s32 s0, s8  }
0x5b6: {  	[tilespmem:s23], [sflag:$0x4] =	stream.linear.gather [hbm4b:s8+s6], $0x1000, $0x38;
	[tilespmem:$0x10400] =	vst v63  }
0x5b7: {  	v0 =	vld.msk [tilespmem:s10+$0x38], $0xff;
	_ =	sdelay $0x2  }
0x5b8: {  	v2 =	vld [tilespmem:$0x1FFE0];
	_ =	sdelay $0x1  }
0x5b9: {  	v3 =	vld [tilespmem:$0x1FFF0];
	v1 =	vshll.u32 v0, $0x2  }
0x5ba: {  	v0 =	vand.u32 $0x7, v0;
	v1 =	vand.u32 $0xFFFFFFE0, v1  }
0x5bb: {  	v0 =	vor.u32 v0, v1  }
0x5bc: {  	v0 =	vperm.xlane v0, v2;
	_ =	sdelay $0x1  }
0x5bd: {  	v0 =	vadd.s32 v3, v0;
	_ =	sdelay $0x4  }
0x5be: {  	[tilespmem:s24], [sflag:$0x4] =	stream.indirect_vreg.gather [hbm4b:s2+s6], $0x80, v0, vm0, $0xb8;
	[tilespmem:$0x10400] =	vst v63  }
0x5bf: {  	_ = 	snop  }
0x5c0: {  	[tilespmem:s25], [sflag:$0x4] =	stream.indirect_vreg.gather [hbm4b:s11+s6], $0x80, v0, vm0, $0xb8;
	[tilespmem:$0x10400] =	vst v63  }
0x5c1: {  	v0 =	vld.msk [tilespmem:s10+$0x238], $0xff;
	_ =	sdelay $0x4  }
0x5c2: {  	v63 =	vshll.u32 v0, $0x2  }
0x5c3: {  	v0 =	vand.u32 $0x7, v0;
	v1 =	vand.u32 $0xFFFFFFE0, v63  }
0x5c4: {  	v0 =	vor.u32 v0, v1  }
0x5c5: {  	v0 =	vperm.xlane v0, v2;
	_ =	sdelay $0x1  }
0x5c6: {  	v0 =	vadd.s32 v3, v0;
	_ =	sdelay $0x2  }
.Ltmp7:
0x5c7: {  	_ = 	snop;
	(pc) =	sbr.rel .LBB2_2-.Ltmp7, $4  }
0x5c8: {  	_ = 	snop  }
0x5c9: {  	[tilespmem:s26], [sflag:$0x4] =	stream.indirect_vreg.gather [hbm4b:s4+s6], $0x80, v0, vm0, $0xb8;
	[tilespmem:$0x10400] =	vst v63  }
0x5ca: {  	s17 =	sadd.s32 $0x1, s17  }
0x5cb: {  	[tilespmem:s28], [sflag:$0x4] =	stream.indirect_vreg.gather [hbm4b:s12+s6], $0x80, v0, vm0, $0xb8;
	[tilespmem:$0x10400] =	vst v63  }
.LBB2_13:
0x5cc: {  	_ =	sfence.sel $0x180000  }
0x5cd: {  	[bflag:$0x0] =	sbarrier.arrive $0xFFFF  }
0x5ce: {  	_ =	strace $0x90000047  }
0x5cf: {  	s0 =	stileid.u32;
	[bflag:$0x2] =	sbarrier.arrive $0xFFFF  }
0x5d0: {  	p0 =	sne.s32 s0, $0x0;
	s0 =	rddreg [dreg:$0x6]  }
0x5d1: {  	s0 =	sadd.s32 @!p0 $0x100000, s0  }
0x5d2: {  	[sflag:s0] =	ssyncadd.tile.s32 @!p0 $0x1;
	_ =	shalt  }
.Lfunc_end2:
_tile_overlayer_lowered:
.L_overlay_start_2:
0x5d3: {  	(tag) =	ssettag $0x2  }
0x5d4: {  	s0 =	rddreg [dreg:$0x0];
	s2 =	stileid.u32  }
0x5d5: {  	s1 =	rddreg [dreg:$0x1];
	p0 =	sne.s32 s2, $0x0  }
0x5d6: {  	s3 =	rddreg [dreg:$0x2];
	[bflag:$0x3] =	sbarrier.arrive $0xFFFF;
	s2 =	simm.s32 @!p0 $0x1C09  }
0x5d7: {  	[timem:s3], [sflag:s2] =	dma.local @!p0 [hbm:s0], s1  }
0x5d8: {  	s0 =	simm.s32 @!p0 $0x9  }
0x5d9: {  	_ =	swait.ge @!p0 [sflag:s0], s1  }
0x5da: {  	s1 =	ssub.s32 @!p0 $0x0, s1;
	[sflag:s0] =	ssyncset.done @!p0 $0x0  }
0x5db: {  	[sflag:s0] =	ssyncadd.s32 @!p0 s1  }
0x5dc: {  	[bflag:$0x3] =	sbarrier.arrive $0xFFFF  }
0x5dd: {  	_ =	shalt  }

</sc_bundles>
